<compile_context>
chip_gen: v7x
topology: tpu7x:2x2x1
jax: 0.10.2.dev20260603
libtpu: 0.0.44.dev20260713+nightly
codegen_flags: <defaults>
</compile_context>

<pallas_src>
import functools

import jax
import jax.numpy as jnp
from jax import lax
from jax.experimental import pallas as pl
from jax.experimental.pallas import tpu as pltpu
from jax.experimental.pallas import tpu_sc as plsc


def _tc_player_gather(EpT, H_player, ENT_PER_STEP=64):
    D_id, N = EpT.shape
    B = H_player.shape[0]
    steps = B // ENT_PER_STEP

    def body(idx_ref, *refs):
        out_ref = refs[-1]
        i = pl.program_id(0)
        lane_iota = lax.broadcasted_iota(jnp.int32, (1, 128), 1)
        for j in range(ENT_PER_STEP):
            lane = lax.rem(idx_ref[i * ENT_PER_STEP + j], 128)
            onehot = (lane_iota == lane).astype(jnp.float32)
            row = lax.dot_general(onehot, refs[j][...], (((1,), (1,)), ((), ())),
                                  preferred_element_type=jnp.float32)
            out_ref[pl.ds(j, 1), :] = row

    def tab_spec(j):
        return pl.BlockSpec(
            (D_id, 128),
            lambda i, idx_ref, j=j: (0, idx_ref[i * ENT_PER_STEP + j] // 128))

    grid_spec = pltpu.PrefetchScalarGridSpec(
        num_scalar_prefetch=1,
        grid=(steps,),
        in_specs=[tab_spec(j) for j in range(ENT_PER_STEP)],
        out_specs=pl.BlockSpec((ENT_PER_STEP, D_id),
                               lambda i, idx_ref: (i, 0)),
    )
    return pl.pallas_call(
        body,
        grid_spec=grid_spec,
        out_shape=jax.ShapeDtypeStruct((B, D_id), jnp.float32),
        compiler_params=pltpu.CompilerParams(
            dimension_semantics=("arbitrary",),
        ),
    )(H_player, *([EpT] * ENT_PER_STEP))


def _sc_gather_call(E_team, H_team, E_pos, H_pos, E_seq, H_seq):
    B = H_team.shape[0]
    D_id = E_team.shape[1]
    D_pos = E_pos.shape[1]
    D_seq = E_seq.shape[1]

    info = plsc.get_sparse_core_info()
    NC, NS, L = info.num_cores, info.num_subcores, info.num_lanes
    NW = NC * NS
    b_per_w = B // NW
    n_chunks = b_per_w // L
    assert B % (L * NW) == 0

    mesh = plsc.VectorSubcoreMesh(core_axis_name="c", subcore_axis_name="s")

    @functools.partial(
        pl.kernel,
        mesh=mesh,
        out_type=[
            jax.ShapeDtypeStruct((B, D_id), jnp.float32),
            jax.ShapeDtypeStruct((B, D_pos), jnp.float32),
            jax.ShapeDtypeStruct((B, D_seq), jnp.float32),
        ],
        scratch_types=[
            pltpu.VMEM((b_per_w,), jnp.int32),
            pltpu.VMEM((b_per_w, D_id), jnp.float32),
            pltpu.VMEM((b_per_w, D_pos), jnp.float32),
            pltpu.VMEM((b_per_w, D_seq), jnp.float32),
            pltpu.SemaphoreType.DMA,
        ],
    )
    def gather_kernel(et, ht, epos, hpos, eseq, hseq,
                      out_t, out_pos, out_seq,
                      iv, rt, rpos, rseq, sem):
        wid = lax.axis_index("s") * NC + lax.axis_index("c")
        sl = pl.ds(wid * b_per_w, b_per_w)

        def enqueue_rows(h_hbm, tab_hbm, rbuf):
            pltpu.sync_copy(h_hbm.at[sl], iv)

            def chunk_body(c, _):
                base = c * L
                chunk = iv[pl.ds(base, L)]
                for j in range(L):
                    pltpu.async_copy(tab_hbm.at[pl.ds(chunk[j], 1)],
                                     rbuf.at[pl.ds(base + j, 1)], sem)
                return ()

            lax.fori_loop(0, n_chunks, chunk_body, ())

        enqueue_rows(ht, et, rt)
        enqueue_rows(hpos, epos, rpos)
        enqueue_rows(hseq, eseq, rseq)
        pltpu.make_async_copy(et.at[pl.ds(0, b_per_w)], rt, sem).wait()
        pltpu.make_async_copy(epos.at[pl.ds(0, b_per_w)], rpos, sem).wait()
        pltpu.make_async_copy(eseq.at[pl.ds(0, b_per_w)], rseq, sem).wait()
        pltpu.sync_copy(rt, out_t.at[sl])
        pltpu.sync_copy(rpos, out_pos.at[sl])
        pltpu.sync_copy(rseq, out_seq.at[sl])

    return gather_kernel(E_team, H_team, E_pos, H_pos, E_seq, H_seq)


def _mlp_body(D_model,
              eb, praw, temb, posemb, seqemb, fm,
              w1a, w1p, w1t, w1pos, w1seq, b1, g, lb, w2, b2,
              out, pout, hrow_ref):
    f32 = jnp.float32
    t = pl.program_id(1)

    @pl.when(t == 0)
    def _():
        keep = 1.0 - fm[...]
        pm = praw[...] * keep
        pout[...] = pm
        hrow_ref[...] = (
            jnp.dot(pm, w1p[...], preferred_element_type=f32)
            + jnp.dot(temb[...], w1t[...], preferred_element_type=f32)
            + jnp.dot(posemb[...], w1pos[...], preferred_element_type=f32)
            + jnp.dot(seqemb[...], w1seq[...], preferred_element_type=f32)
            + b1[...])

    bf16 = jnp.bfloat16
    x = eb[...].astype(bf16)
    h = jnp.dot(x, w1a[...].astype(bf16), preferred_element_type=f32) + hrow_ref[...]
    h = jnp.maximum(h, 0.0)
    inv_d = 1.0 / D_model
    mu = jnp.sum(h, axis=1, keepdims=True) * inv_d
    d = h - mu
    var = jnp.sum(d * d, axis=1, keepdims=True) * inv_d
    hn = d * lax.rsqrt(var + 1e-5) * g[...] + lb[...]
    out[...] = jnp.dot(hn.astype(bf16), w2[...].astype(bf16),
                       preferred_element_type=f32) + b2[...]


def kernel(e_base, H_player, H_team, H_poshint, H_seqtype, mask_player_vec,
           E_player, E_team, E_pos, E_seq, W1, b1, ln_g, ln_b, W2, b2):
    B, T, D_base = e_base.shape
    D_id = E_player.shape[1]
    D_pos = E_pos.shape[1]
    D_seq = E_seq.shape[1]
    D_model = W2.shape[1]

    player_raw = _tc_player_gather(E_player.T, H_player)
    team_emb, pos_emb, seq_emb = _sc_gather_call(
        E_team, H_team, E_pos, jnp.maximum(H_poshint, 0), E_seq, H_seqtype)

    o0, o1, o2, o3 = D_base, D_base + D_id, D_base + 2 * D_id, D_base + 2 * D_id + D_pos
    W1a = W1[:o0]
    W1p = W1[o0:o1]
    W1t = W1[o1:o2]
    W1pos = W1[o2:o3]
    W1seq = W1[o3:]

    e_bt = jnp.transpose(e_base, (1, 0, 2))
    fmask = mask_player_vec.astype(jnp.float32).reshape(B, 1)
    b1r = b1.reshape(1, D_model)
    gr = ln_g.reshape(1, D_model)
    lbr = ln_b.reshape(1, D_model)
    b2r = b2.reshape(1, D_model)

    bB = 1024
    nB = B // bB

    row_spec = lambda d: pl.BlockSpec((bB, d), lambda b, t: (b, 0))
    full_spec = lambda r, c: pl.BlockSpec((r, c), lambda b, t: (0, 0))

    out_tb, player_emb = pl.pallas_call(
        functools.partial(_mlp_body, D_model),
        grid=(nB, T),
        in_specs=[
            pl.BlockSpec((None, bB, D_base), lambda b, t: (t, b, 0)),
            row_spec(D_id),
            row_spec(D_id),
            row_spec(D_pos),
            row_spec(D_seq),
            row_spec(1),
            full_spec(D_base, D_model),
            full_spec(D_id, D_model),
            full_spec(D_id, D_model),
            full_spec(D_pos, D_model),
            full_spec(D_seq, D_model),
            full_spec(1, D_model),
            full_spec(1, D_model),
            full_spec(1, D_model),
            full_spec(D_model, D_model),
            full_spec(1, D_model),
        ],
        out_specs=[
            pl.BlockSpec((None, bB, D_model), lambda b, t: (t, b, 0)),
            row_spec(D_id),
        ],
        out_shape=[
            jax.ShapeDtypeStruct((T, B, D_model), jnp.float32),
            jax.ShapeDtypeStruct((B, D_id), jnp.float32),
        ],
        scratch_shapes=[pltpu.VMEM((bB, D_model), jnp.float32)],
        compiler_params=pltpu.CompilerParams(
            dimension_semantics=("parallel", "arbitrary"),
        ),
    )(e_bt, player_raw, team_emb, pos_emb, seq_emb, fmask,
      W1a, W1p, W1t, W1pos, W1seq, b1r, gr, lbr, W2, b2r)

    return (jnp.transpose(out_tb, (1, 0, 2)), player_emb, team_emb)

# --- scband reference (transcript-rebuilt; emitter-appended) ---
"""Pipeline reference for scband-fusion-64398739636787 (READ-ONLY COPY).

The authoritative reference and input builder live on the scoring server;
editing this copy changes nothing except your own understanding.
"""

import jax, jax.numpy as jnp
import numpy as np

B, T = 4096, 20
D_BASE, D_MODEL, D_ID, D_POS, D_SEQ = 128, 256, 64, 16, 16
N_PLAYER, N_TEAM, N_POS, N_SEQ = 1000000, 100000, 32, 3
IN_DIM = D_BASE + D_ID + D_ID + D_POS + D_SEQ

def setup_inputs(seed: int = 0) -> dict:
    key = jax.random.key(seed)
    ks = jax.random.split(key, 16)
    inp = {}
    inp["e_base"] = jax.random.normal(ks[0], (B, T, D_BASE), dtype=jnp.float32)
    inp["H_player"] = jax.random.randint(ks[1], (B,), 0, N_PLAYER, dtype=jnp.int32)
    inp["H_team"] = jax.random.randint(ks[2], (B,), 0, N_TEAM, dtype=jnp.int32)
    inp["H_poshint"] = jax.random.randint(ks[3], (B,), 0, N_POS, dtype=jnp.int32)
    inp["H_seqtype"] = jax.random.randint(ks[4], (B,), 0, N_SEQ, dtype=jnp.int32)
    inp["mask_player_vec"] = jnp.zeros((B,), dtype=bool)
    inp["E_player"] = jax.random.normal(ks[5], (N_PLAYER, D_ID), dtype=jnp.float32) * 0.02
    inp["E_team"] = jax.random.normal(ks[6], (N_TEAM, D_ID), dtype=jnp.float32) * 0.02
    inp["E_pos"] = jax.random.normal(ks[7], (N_POS, D_POS), dtype=jnp.float32) * 0.02
    inp["E_seq"] = jax.random.normal(ks[8], (N_SEQ, D_SEQ), dtype=jnp.float32) * 0.02
    inp["W1"] = jax.random.normal(ks[9], (IN_DIM, D_MODEL), dtype=jnp.float32) * (1.0 / np.sqrt(IN_DIM))
    inp["b1"] = jnp.zeros((D_MODEL,), dtype=jnp.float32)
    inp["ln_g"] = jnp.ones((D_MODEL,), dtype=jnp.float32)
    inp["ln_b"] = jnp.zeros((D_MODEL,), dtype=jnp.float32)
    inp["W2"] = jax.random.normal(ks[10], (D_MODEL, D_MODEL), dtype=jnp.float32) * (1.0 / np.sqrt(D_MODEL))
    inp["b2"] = jnp.zeros((D_MODEL,), dtype=jnp.float32)
    return inp

def reference(e_base, H_player, H_team, H_poshint, H_seqtype, mask_player_vec,
              E_player, E_team, E_pos, E_seq, W1, b1, ln_g, ln_b, W2, b2):
    Bv, Tv, _ = e_base.shape
    player_emb = jnp.take(E_player, H_player, axis=0)
    player_emb = player_emb * (1.0 - mask_player_vec.astype(jnp.float32))[:, None]
    team_emb = jnp.take(E_team, H_team, axis=0)
    pos_emb = jnp.take(E_pos, jnp.clip(H_poshint, 0, None), axis=0)
    seq_emb = jnp.take(E_seq, H_seqtype, axis=0)
    def tok(e):
        return jnp.broadcast_to(e[:, None, :], (Bv, Tv, e.shape[-1]))
    fused = jnp.concatenate([e_base, tok(player_emb), tok(team_emb), tok(pos_emb), tok(seq_emb)], axis=-1)
    h = fused @ W1 + b1
    h = jax.nn.relu(h)
    mu = jnp.mean(h, axis=-1, keepdims=True)
    var = jnp.var(h, axis=-1, keepdims=True)
    h = (h - mu) / jnp.sqrt(var + 1e-5) * ln_g + ln_b
    out = h @ W2 + b2
    return (out, player_emb, team_emb)

if __name__ == "__main__":
    import jax
    _d = setup_inputs()
    print(jax.jit(kernel)(*tuple(_d.values())))

</pallas_src>

<mosaic_0001>
#map = affine_map<(d0, d1) -> (0, 0)>
#map1 = affine_map<(d0, d1) -> (0)>
module attributes {stable_mosaic.version = 14 : i64} {
  func.func @gather_kernel(%arg0: i32, %arg1: i32, %arg2: memref<100000x64xf32, #tpu.memory_space<hbm>>, %arg3: memref<4096xi32, #tpu.memory_space<hbm>>, %arg4: memref<32x16xf32, #tpu.memory_space<hbm>>, %arg5: memref<4096xi32, #tpu.memory_space<hbm>>, %arg6: memref<3x16xf32, #tpu.memory_space<hbm>>, %arg7: memref<4096xi32, #tpu.memory_space<hbm>>, %arg8: memref<4096x64xf32, #tpu.memory_space<hbm>>, %arg9: memref<4096x16xf32, #tpu.memory_space<hbm>>, %arg10: memref<4096x16xf32, #tpu.memory_space<hbm>>, %arg11: memref<128xi32, #tpu.memory_space<vmem>>, %arg12: memref<128x64xf32, #tpu.memory_space<vmem>>, %arg13: memref<128x16xf32, #tpu.memory_space<vmem>>, %arg14: memref<128x16xf32, #tpu.memory_space<vmem>>, %arg15: memref<!tpu.dma_semaphore, #tpu.memory_space<semaphore_mem>>) attributes {dimension_semantics = [#tpu.dimension_semantics<core_parallel>, #tpu.dimension_semantics<subcore_parallel>], iteration_bounds = array<i64: 2, 16>, scalar_prefetch = 0 : i64, scratch_operands = 5 : i64, tpu.core_type = #tpu.core_type<sc_vector_subcore>, window_params = [{transform_indices = #map}, {transform_indices = #map1}, {transform_indices = #map}, {transform_indices = #map1}, {transform_indices = #map}, {transform_indices = #map1}, {transform_indices = #map}, {transform_indices = #map}, {transform_indices = #map}]} {
    %mul3A = arith.constant 2 : i32
    %mul3A_0 = arith.muli %arg1, %mul3A : i32
    %add3A = arith.addi %mul3A_0, %arg0 : i32
    %mul3A_1 = arith.constant 128 : i32
    %mul3A_2 = arith.muli %add3A, %mul3A_1 : i32
    "tpu.region"() ({
      %run_scoped3A = tpu.sem_alloc : memref<!tpu.dma_semaphore, #tpu.memory_space<semaphore_mem>>
      %dma_start3A = tpu.memref_slice %arg3[%mul3A_2] : memref<4096xi32, #tpu.memory_space<hbm>> -> memref<128xi32, #tpu.memory_space<hbm>>
      %dma_start3A_34 = tpu.memref_slice %arg3[%mul3A_2] : memref<4096xi32, #tpu.memory_space<hbm>> -> memref<128xi32, #tpu.memory_space<hbm>>
      tpu.enqueue_dma source(%dma_start3A_34 : memref<128xi32, #tpu.memory_space<hbm>>) target(%arg11 : memref<128xi32, #tpu.memory_space<vmem>>) target_semaphore(%run_scoped3A : memref<!tpu.dma_semaphore, #tpu.memory_space<semaphore_mem>>)
      %dma_wait3A_35 = tpu.memref_slice %arg3[%mul3A_2] : memref<4096xi32, #tpu.memory_space<hbm>> -> memref<128xi32, #tpu.memory_space<hbm>>
      %dma_wait3A_36 = tpu.memref_slice %arg3[%mul3A_2] : memref<4096xi32, #tpu.memory_space<hbm>> -> memref<128xi32, #tpu.memory_space<hbm>>
      tpu.wait_dma2 semaphore(%run_scoped3A : memref<!tpu.dma_semaphore, #tpu.memory_space<semaphore_mem>>) src(%dma_wait3A_36 : memref<128xi32, #tpu.memory_space<hbm>>) dst(%arg11 : memref<128xi32, #tpu.memory_space<vmem>>)
      tpu.yield
    }) : () -> ()
    %scan3A = arith.constant 0 : i32
    %scan3A_3 = arith.constant 8 : i32
    %scan3A_4 = arith.addi %scan3A, %scan3A_3 : i32
    %scan3A_5 = arith.constant 1 : i32
    scf.for %scan3A_34 = %scan3A to %scan3A_4 step %scan3A_5  : i32 {
      %mul3A_35 = arith.constant 16 : i32
      %mul3A_36 = arith.muli %scan3A_34, %mul3A_35 : i32
      %get3A = arith.index_cast %mul3A_36 : i32 to index
      %get3A_37 = tpu.vector_load %arg11[%get3A] {strides = array<i32>} : memref<128xi32, #tpu.memory_space<vmem>>, vector<16xi32>,
      %get3A_38 = vector.shape_cast %get3A_37 : vector<16xi32> to vector<16xi32>
      %slice3A = vector.extract_strided_slice %get3A_38 {offsets = [0], sizes = [1], strides = [1]} : vector<16xi32> to vector<1xi32>
      %squeeze3A = vector.extract %slice3A[0] : i32 from vector<1xi32>
      %add3A_39 = arith.constant 0 : i32
      %add3A_40 = arith.addi %mul3A_36, %add3A_39 : i32
      %dma_start3A = arith.constant 0 : i32
      %dma_start3A_41 = tpu.memref_slice %arg12[%add3A_40, %dma_start3A] : memref<128x64xf32, #tpu.memory_space<vmem>> -> memref<1x64xf32, #tpu.memory_space<vmem>>
      %dma_start3A_42 = arith.constant 0 : i32
      %dma_start3A_43 = tpu.memref_slice %arg2[%squeeze3A, %dma_start3A_42] : memref<100000x64xf32, #tpu.memory_space<hbm>> -> memref<1x64xf32, #tpu.memory_space<hbm>>
      %dma_start3A_44 = arith.constant 0 : i32
      %dma_start3A_45 = tpu.memref_slice %arg12[%add3A_40, %dma_start3A_44] : memref<128x64xf32, #tpu.memory_space<vmem>> -> memref<1x64xf32, #tpu.memory_space<vmem>>
      %dma_start3A_46 = arith.constant 0 : i32
      %dma_start3A_47 = tpu.memref_slice %arg2[%squeeze3A, %dma_start3A_46] : memref<100000x64xf32, #tpu.memory_space<hbm>> -> memref<1x64xf32, #tpu.memory_space<hbm>>
      tpu.enqueue_dma source(%dma_start3A_47 : memref<1x64xf32, #tpu.memory_space<hbm>>) target(%dma_start3A_45 : memref<1x64xf32, #tpu.memory_space<vmem>>) target_semaphore(%arg15 : memref<!tpu.dma_semaphore, #tpu.memory_space<semaphore_mem>>)
      %slice3A_48 = vector.extract_strided_slice %get3A_38 {offsets = [1], sizes = [1], strides = [1]} : vector<16xi32> to vector<1xi32>
      %squeeze3A_49 = vector.extract %slice3A_48[0] : i32 from vector<1xi32>
      %add3A_50 = arith.constant 1 : i32
      %add3A_51 = arith.addi %mul3A_36, %add3A_50 : i32
      %dma_start3A_52 = arith.constant 0 : i32
      %dma_start3A_53 = tpu.memref_slice %arg12[%add3A_51, %dma_start3A_52] : memref<128x64xf32, #tpu.memory_space<vmem>> -> memref<1x64xf32, #tpu.memory_space<vmem>>
      %dma_start3A_54 = arith.constant 0 : i32
      %dma_start3A_55 = tpu.memref_slice %arg2[%squeeze3A_49, %dma_start3A_54] : memref<100000x64xf32, #tpu.memory_space<hbm>> -> memref<1x64xf32, #tpu.memory_space<hbm>>
      %dma_start3A_56 = arith.constant 0 : i32
      %dma_start3A_57 = tpu.memref_slice %arg12[%add3A_51, %dma_start3A_56] : memref<128x64xf32, #tpu.memory_space<vmem>> -> memref<1x64xf32, #tpu.memory_space<vmem>>
      %dma_start3A_58 = arith.constant 0 : i32
      %dma_start3A_59 = tpu.memref_slice %arg2[%squeeze3A_49, %dma_start3A_58] : memref<100000x64xf32, #tpu.memory_space<hbm>> -> memref<1x64xf32, #tpu.memory_space<hbm>>
      tpu.enqueue_dma source(%dma_start3A_59 : memref<1x64xf32, #tpu.memory_space<hbm>>) target(%dma_start3A_57 : memref<1x64xf32, #tpu.memory_space<vmem>>) target_semaphore(%arg15 : memref<!tpu.dma_semaphore, #tpu.memory_space<semaphore_mem>>)
      %slice3A_60 = vector.extract_strided_slice %get3A_38 {offsets = [2], sizes = [1], strides = [1]} : vector<16xi32> to vector<1xi32>
      %squeeze3A_61 = vector.extract %slice3A_60[0] : i32 from vector<1xi32>
      %add3A_62 = arith.constant 2 : i32
      %add3A_63 = arith.addi %mul3A_36, %add3A_62 : i32
      %dma_start3A_64 = arith.constant 0 : i32
      %dma_start3A_65 = tpu.memref_slice %arg12[%add3A_63, %dma_start3A_64] : memref<128x64xf32, #tpu.memory_space<vmem>> -> memref<1x64xf32, #tpu.memory_space<vmem>>
      %dma_start3A_66 = arith.constant 0 : i32
      %dma_start3A_67 = tpu.memref_slice %arg2[%squeeze3A_61, %dma_start3A_66] : memref<100000x64xf32, #tpu.memory_space<hbm>> -> memref<1x64xf32, #tpu.memory_space<hbm>>
      %dma_start3A_68 = arith.constant 0 : i32
      %dma_start3A_69 = tpu.memref_slice %arg12[%add3A_63, %dma_start3A_68] : memref<128x64xf32, #tpu.memory_space<vmem>> -> memref<1x64xf32, #tpu.memory_space<vmem>>
      %dma_start3A_70 = arith.constant 0 : i32
      %dma_start3A_71 = tpu.memref_slice %arg2[%squeeze3A_61, %dma_start3A_70] : memref<100000x64xf32, #tpu.memory_space<hbm>> -> memref<1x64xf32, #tpu.memory_space<hbm>>
      tpu.enqueue_dma source(%dma_start3A_71 : memref<1x64xf32, #tpu.memory_space<hbm>>) target(%dma_start3A_69 : memref<1x64xf32, #tpu.memory_space<vmem>>) target_semaphore(%arg15 : memref<!tpu.dma_semaphore, #tpu.memory_space<semaphore_mem>>)
      %slice3A_72 = vector.extract_strided_slice %get3A_38 {offsets = [3], sizes = [1], strides = [1]} : vector<16xi32> to vector<1xi32>
      %squeeze3A_73 = vector.extract %slice3A_72[0] : i32 from vector<1xi32>
      %add3A_74 = arith.constant 3 : i32
      %add3A_75 = arith.addi %mul3A_36, %add3A_74 : i32
      %dma_start3A_76 = arith.constant 0 : i32
      %dma_start3A_77 = tpu.memref_slice %arg12[%add3A_75, %dma_start3A_76] : memref<128x64xf32, #tpu.memory_space<vmem>> -> memref<1x64xf32, #tpu.memory_space<vmem>>
      %dma_start3A_78 = arith.constant 0 : i32
      %dma_start3A_79 = tpu.memref_slice %arg2[%squeeze3A_73, %dma_start3A_78] : memref<100000x64xf32, #tpu.memory_space<hbm>> -> memref<1x64xf32, #tpu.memory_space<hbm>>
      %dma_start3A_80 = arith.constant 0 : i32
      %dma_start3A_81 = tpu.memref_slice %arg12[%add3A_75, %dma_start3A_80] : memref<128x64xf32, #tpu.memory_space<vmem>> -> memref<1x64xf32, #tpu.memory_space<vmem>>
      %dma_start3A_82 = arith.constant 0 : i32
      %dma_start3A_83 = tpu.memref_slice %arg2[%squeeze3A_73, %dma_start3A_82] : memref<100000x64xf32, #tpu.memory_space<hbm>> -> memref<1x64xf32, #tpu.memory_space<hbm>>
      tpu.enqueue_dma source(%dma_start3A_83 : memref<1x64xf32, #tpu.memory_space<hbm>>) target(%dma_start3A_81 : memref<1x64xf32, #tpu.memory_space<vmem>>) target_semaphore(%arg15 : memref<!tpu.dma_semaphore, #tpu.memory_space<semaphore_mem>>)
      %slice3A_84 = vector.extract_strided_slice %get3A_38 {offsets = [4], sizes = [1], strides = [1]} : vector<16xi32> to vector<1xi32>
      %squeeze3A_85 = vector.extract %slice3A_84[0] : i32 from vector<1xi32>
      %add3A_86 = arith.constant 4 : i32
      %add3A_87 = arith.addi %mul3A_36, %add3A_86 : i32
      %dma_start3A_88 = arith.constant 0 : i32
      %dma_start3A_89 = tpu.memref_slice %arg12[%add3A_87, %dma_start3A_88] : memref<128x64xf32, #tpu.memory_space<vmem>> -> memref<1x64xf32, #tpu.memory_space<vmem>>
      %dma_start3A_90 = arith.constant 0 : i32
      %dma_start3A_91 = tpu.memref_slice %arg2[%squeeze3A_85, %dma_start3A_90] : memref<100000x64xf32, #tpu.memory_space<hbm>> -> memref<1x64xf32, #tpu.memory_space<hbm>>
      %dma_start3A_92 = arith.constant 0 : i32
      %dma_start3A_93 = tpu.memref_slice %arg12[%add3A_87, %dma_start3A_92] : memref<128x64xf32, #tpu.memory_space<vmem>> -> memref<1x64xf32, #tpu.memory_space<vmem>>
      %dma_start3A_94 = arith.constant 0 : i32
      %dma_start3A_95 = tpu.memref_slice %arg2[%squeeze3A_85, %dma_start3A_94] : memref<100000x64xf32, #tpu.memory_space<hbm>> -> memref<1x64xf32, #tpu.memory_space<hbm>>
      tpu.enqueue_dma source(%dma_start3A_95 : memref<1x64xf32, #tpu.memory_space<hbm>>) target(%dma_start3A_93 : memref<1x64xf32, #tpu.memory_space<vmem>>) target_semaphore(%arg15 : memref<!tpu.dma_semaphore, #tpu.memory_space<semaphore_mem>>)
      %slice3A_96 = vector.extract_strided_slice %get3A_38 {offsets = [5], sizes = [1], strides = [1]} : vector<16xi32> to vector<1xi32>
      %squeeze3A_97 = vector.extract %slice3A_96[0] : i32 from vector<1xi32>
      %add3A_98 = arith.constant 5 : i32
      %add3A_99 = arith.addi %mul3A_36, %add3A_98 : i32
      %dma_start3A_100 = arith.constant 0 : i32
      %dma_start3A_101 = tpu.memref_slice %arg12[%add3A_99, %dma_start3A_100] : memref<128x64xf32, #tpu.memory_space<vmem>> -> memref<1x64xf32, #tpu.memory_space<vmem>>
      %dma_start3A_102 = arith.constant 0 : i32
      %dma_start3A_103 = tpu.memref_slice %arg2[%squeeze3A_97, %dma_start3A_102] : memref<100000x64xf32, #tpu.memory_space<hbm>> -> memref<1x64xf32, #tpu.memory_space<hbm>>
      %dma_start3A_104 = arith.constant 0 : i32
      %dma_start3A_105 = tpu.memref_slice %arg12[%add3A_99, %dma_start3A_104] : memref<128x64xf32, #tpu.memory_space<vmem>> -> memref<1x64xf32, #tpu.memory_space<vmem>>
      %dma_start3A_106 = arith.constant 0 : i32
      %dma_start3A_107 = tpu.memref_slice %arg2[%squeeze3A_97, %dma_start3A_106] : memref<100000x64xf32, #tpu.memory_space<hbm>> -> memref<1x64xf32, #tpu.memory_space<hbm>>
      tpu.enqueue_dma source(%dma_start3A_107 : memref<1x64xf32, #tpu.memory_space<hbm>>) target(%dma_start3A_105 : memref<1x64xf32, #tpu.memory_space<vmem>>) target_semaphore(%arg15 : memref<!tpu.dma_semaphore, #tpu.memory_space<semaphore_mem>>)
      %slice3A_108 = vector.extract_strided_slice %get3A_38 {offsets = [6], sizes = [1], strides = [1]} : vector<16xi32> to vector<1xi32>
      %squeeze3A_109 = vector.extract %slice3A_108[0] : i32 from vector<1xi32>
      %add3A_110 = arith.constant 6 : i32
      %add3A_111 = arith.addi %mul3A_36, %add3A_110 : i32
      %dma_start3A_112 = arith.constant 0 : i32
      %dma_start3A_113 = tpu.memref_slice %arg12[%add3A_111, %dma_start3A_112] : memref<128x64xf32, #tpu.memory_space<vmem>> -> memref<1x64xf32, #tpu.memory_space<vmem>>
      %dma_start3A_114 = arith.constant 0 : i32
      %dma_start3A_115 = tpu.memref_slice %arg2[%squeeze3A_109, %dma_start3A_114] : memref<100000x64xf32, #tpu.memory_space<hbm>> -> memref<1x64xf32, #tpu.memory_space<hbm>>
      %dma_start3A_116 = arith.constant 0 : i32
      %dma_start3A_117 = tpu.memref_slice %arg12[%add3A_111, %dma_start3A_116] : memref<128x64xf32, #tpu.memory_space<vmem>> -> memref<1x64xf32, #tpu.memory_space<vmem>>
      %dma_start3A_118 = arith.constant 0 : i32
      %dma_start3A_119 = tpu.memref_slice %arg2[%squeeze3A_109, %dma_start3A_118] : memref<100000x64xf32, #tpu.memory_space<hbm>> -> memref<1x64xf32, #tpu.memory_space<hbm>>
      tpu.enqueue_dma source(%dma_start3A_119 : memref<1x64xf32, #tpu.memory_space<hbm>>) target(%dma_start3A_117 : memref<1x64xf32, #tpu.memory_space<vmem>>) target_semaphore(%arg15 : memref<!tpu.dma_semaphore, #tpu.memory_space<semaphore_mem>>)
      %slice3A_120 = vector.extract_strided_slice %get3A_38 {offsets = [7], sizes = [1], strides = [1]} : vector<16xi32> to vector<1xi32>
      %squeeze3A_121 = vector.extract %slice3A_120[0] : i32 from vector<1xi32>
      %add3A_122 = arith.constant 7 : i32
      %add3A_123 = arith.addi %mul3A_36, %add3A_122 : i32
      %dma_start3A_124 = arith.constant 0 : i32
      %dma_start3A_125 = tpu.memref_slice %arg12[%add3A_123, %dma_start3A_124] : memref<128x64xf32, #tpu.memory_space<vmem>> -> memref<1x64xf32, #tpu.memory_space<vmem>>
      %dma_start3A_126 = arith.constant 0 : i32
      %dma_start3A_127 = tpu.memref_slice %arg2[%squeeze3A_121, %dma_start3A_126] : memref<100000x64xf32, #tpu.memory_space<hbm>> -> memref<1x64xf32, #tpu.memory_space<hbm>>
      %dma_start3A_128 = arith.constant 0 : i32
      %dma_start3A_129 = tpu.memref_slice %arg12[%add3A_123, %dma_start3A_128] : memref<128x64xf32, #tpu.memory_space<vmem>> -> memref<1x64xf32, #tpu.memory_space<vmem>>
      %dma_start3A_130 = arith.constant 0 : i32
      %dma_start3A_131 = tpu.memref_slice %arg2[%squeeze3A_121, %dma_start3A_130] : memref<100000x64xf32, #tpu.memory_space<hbm>> -> memref<1x64xf32, #tpu.memory_space<hbm>>
      tpu.enqueue_dma source(%dma_start3A_131 : memref<1x64xf32, #tpu.memory_space<hbm>>) target(%dma_start3A_129 : memref<1x64xf32, #tpu.memory_space<vmem>>) target_semaphore(%arg15 : memref<!tpu.dma_semaphore, #tpu.memory_space<semaphore_mem>>)
      %slice3A_132 = vector.extract_strided_slice %get3A_38 {offsets = [8], sizes = [1], strides = [1]} : vector<16xi32> to vector<1xi32>
      %squeeze3A_133 = vector.extract %slice3A_132[0] : i32 from vector<1xi32>
      %add3A_134 = arith.constant 8 : i32
      %add3A_135 = arith.addi %mul3A_36, %add3A_134 : i32
      %dma_start3A_136 = arith.constant 0 : i32
      %dma_start3A_137 = tpu.memref_slice %arg12[%add3A_135, %dma_start3A_136] : memref<128x64xf32, #tpu.memory_space<vmem>> -> memref<1x64xf32, #tpu.memory_space<vmem>>
      %dma_start3A_138 = arith.constant 0 : i32
      %dma_start3A_139 = tpu.memref_slice %arg2[%squeeze3A_133, %dma_start3A_138] : memref<100000x64xf32, #tpu.memory_space<hbm>> -> memref<1x64xf32, #tpu.memory_space<hbm>>
      %dma_start3A_140 = arith.constant 0 : i32
      %dma_start3A_141 = tpu.memref_slice %arg12[%add3A_135, %dma_start3A_140] : memref<128x64xf32, #tpu.memory_space<vmem>> -> memref<1x64xf32, #tpu.memory_space<vmem>>
      %dma_start3A_142 = arith.constant 0 : i32
      %dma_start3A_143 = tpu.memref_slice %arg2[%squeeze3A_133, %dma_start3A_142] : memref<100000x64xf32, #tpu.memory_space<hbm>> -> memref<1x64xf32, #tpu.memory_space<hbm>>
      tpu.enqueue_dma source(%dma_start3A_143 : memref<1x64xf32, #tpu.memory_space<hbm>>) target(%dma_start3A_141 : memref<1x64xf32, #tpu.memory_space<vmem>>) target_semaphore(%arg15 : memref<!tpu.dma_semaphore, #tpu.memory_space<semaphore_mem>>)
      %slice3A_144 = vector.extract_strided_slice %get3A_38 {offsets = [9], sizes = [1], strides = [1]} : vector<16xi32> to vector<1xi32>
      %squeeze3A_145 = vector.extract %slice3A_144[0] : i32 from vector<1xi32>
      %add3A_146 = arith.constant 9 : i32
      %add3A_147 = arith.addi %mul3A_36, %add3A_146 : i32
      %dma_start3A_148 = arith.constant 0 : i32
      %dma_start3A_149 = tpu.memref_slice %arg12[%add3A_147, %dma_start3A_148] : memref<128x64xf32, #tpu.memory_space<vmem>> -> memref<1x64xf32, #tpu.memory_space<vmem>>
      %dma_start3A_150 = arith.constant 0 : i32
      %dma_start3A_151 = tpu.memref_slice %arg2[%squeeze3A_145, %dma_start3A_150] : memref<100000x64xf32, #tpu.memory_space<hbm>> -> memref<1x64xf32, #tpu.memory_space<hbm>>
      %dma_start3A_152 = arith.constant 0 : i32
      %dma_start3A_153 = tpu.memref_slice %arg12[%add3A_147, %dma_start3A_152] : memref<128x64xf32, #tpu.memory_space<vmem>> -> memref<1x64xf32, #tpu.memory_space<vmem>>
      %dma_start3A_154 = arith.constant 0 : i32
      %dma_start3A_155 = tpu.memref_slice %arg2[%squeeze3A_145, %dma_start3A_154] : memref<100000x64xf32, #tpu.memory_space<hbm>> -> memref<1x64xf32, #tpu.memory_space<hbm>>
      tpu.enqueue_dma source(%dma_start3A_155 : memref<1x64xf32, #tpu.memory_space<hbm>>) target(%dma_start3A_153 : memref<1x64xf32, #tpu.memory_space<vmem>>) target_semaphore(%arg15 : memref<!tpu.dma_semaphore, #tpu.memory_space<semaphore_mem>>)
      %slice3A_156 = vector.extract_strided_slice %get3A_38 {offsets = [10], sizes = [1], strides = [1]} : vector<16xi32> to vector<1xi32>
      %squeeze3A_157 = vector.extract %slice3A_156[0] : i32 from vector<1xi32>
      %add3A_158 = arith.constant 10 : i32
      %add3A_159 = arith.addi %mul3A_36, %add3A_158 : i32
      %dma_start3A_160 = arith.constant 0 : i32
      %dma_start3A_161 = tpu.memref_slice %arg12[%add3A_159, %dma_start3A_160] : memref<128x64xf32, #tpu.memory_space<vmem>> -> memref<1x64xf32, #tpu.memory_space<vmem>>
      %dma_start3A_162 = arith.constant 0 : i32
      %dma_start3A_163 = tpu.memref_slice %arg2[%squeeze3A_157, %dma_start3A_162] : memref<100000x64xf32, #tpu.memory_space<hbm>> -> memref<1x64xf32, #tpu.memory_space<hbm>>
      %dma_start3A_164 = arith.constant 0 : i32
      %dma_start3A_165 = tpu.memref_slice %arg12[%add3A_159, %dma_start3A_164] : memref<128x64xf32, #tpu.memory_space<vmem>> -> memref<1x64xf32, #tpu.memory_space<vmem>>
      %dma_start3A_166 = arith.constant 0 : i32
      %dma_start3A_167 = tpu.memref_slice %arg2[%squeeze3A_157, %dma_start3A_166] : memref<100000x64xf32, #tpu.memory_space<hbm>> -> memref<1x64xf32, #tpu.memory_space<hbm>>
      tpu.enqueue_dma source(%dma_start3A_167 : memref<1x64xf32, #tpu.memory_space<hbm>>) target(%dma_start3A_165 : memref<1x64xf32, #tpu.memory_space<vmem>>) target_semaphore(%arg15 : memref<!tpu.dma_semaphore, #tpu.memory_space<semaphore_mem>>)
      %slice3A_168 = vector.extract_strided_slice %get3A_38 {offsets = [11], sizes = [1], strides = [1]} : vector<16xi32> to vector<1xi32>
      %squeeze3A_169 = vector.extract %slice3A_168[0] : i32 from vector<1xi32>
      %add3A_170 = arith.constant 11 : i32
      %add3A_171 = arith.addi %mul3A_36, %add3A_170 : i32
      %dma_start3A_172 = arith.constant 0 : i32
      %dma_start3A_173 = tpu.memref_slice %arg12[%add3A_171, %dma_start3A_172] : memref<128x64xf32, #tpu.memory_space<vmem>> -> memref<1x64xf32, #tpu.memory_space<vmem>>
      %dma_start3A_174 = arith.constant 0 : i32
      %dma_start3A_175 = tpu.memref_slice %arg2[%squeeze3A_169, %dma_start3A_174] : memref<100000x64xf32, #tpu.memory_space<hbm>> -> memref<1x64xf32, #tpu.memory_space<hbm>>
      %dma_start3A_176 = arith.constant 0 : i32
      %dma_start3A_177 = tpu.memref_slice %arg12[%add3A_171, %dma_start3A_176] : memref<128x64xf32, #tpu.memory_space<vmem>> -> memref<1x64xf32, #tpu.memory_space<vmem>>
      %dma_start3A_178 = arith.constant 0 : i32
      %dma_start3A_179 = tpu.memref_slice %arg2[%squeeze3A_169, %dma_start3A_178] : memref<100000x64xf32, #tpu.memory_space<hbm>> -> memref<1x64xf32, #tpu.memory_space<hbm>>
      tpu.enqueue_dma source(%dma_start3A_179 : memref<1x64xf32, #tpu.memory_space<hbm>>) target(%dma_start3A_177 : memref<1x64xf32, #tpu.memory_space<vmem>>) target_semaphore(%arg15 : memref<!tpu.dma_semaphore, #tpu.memory_space<semaphore_mem>>)
      %slice3A_180 = vector.extract_strided_slice %get3A_38 {offsets = [12], sizes = [1], strides = [1]} : vector<16xi32> to vector<1xi32>
      %squeeze3A_181 = vector.extract %slice3A_180[0] : i32 from vector<1xi32>
      %add3A_182 = arith.constant 12 : i32
      %add3A_183 = arith.addi %mul3A_36, %add3A_182 : i32
      %dma_start3A_184 = arith.constant 0 : i32
      %dma_start3A_185 = tpu.memref_slice %arg12[%add3A_183, %dma_start3A_184] : memref<128x64xf32, #tpu.memory_space<vmem>> -> memref<1x64xf32, #tpu.memory_space<vmem>>
      %dma_start3A_186 = arith.constant 0 : i32
      %dma_start3A_187 = tpu.memref_slice %arg2[%squeeze3A_181, %dma_start3A_186] : memref<100000x64xf32, #tpu.memory_space<hbm>> -> memref<1x64xf32, #tpu.memory_space<hbm>>
      %dma_start3A_188 = arith.constant 0 : i32
      %dma_start3A_189 = tpu.memref_slice %arg12[%add3A_183, %dma_start3A_188] : memref<128x64xf32, #tpu.memory_space<vmem>> -> memref<1x64xf32, #tpu.memory_space<vmem>>
      %dma_start3A_190 = arith.constant 0 : i32
      %dma_start3A_191 = tpu.memref_slice %arg2[%squeeze3A_181, %dma_start3A_190] : memref<100000x64xf32, #tpu.memory_space<hbm>> -> memref<1x64xf32, #tpu.memory_space<hbm>>
      tpu.enqueue_dma source(%dma_start3A_191 : memref<1x64xf32, #tpu.memory_space<hbm>>) target(%dma_start3A_189 : memref<1x64xf32, #tpu.memory_space<vmem>>) target_semaphore(%arg15 : memref<!tpu.dma_semaphore, #tpu.memory_space<semaphore_mem>>)
      %slice3A_192 = vector.extract_strided_slice %get3A_38 {offsets = [13], sizes = [1], strides = [1]} : vector<16xi32> to vector<1xi32>
      %squeeze3A_193 = vector.extract %slice3A_192[0] : i32 from vector<1xi32>
      %add3A_194 = arith.constant 13 : i32
      %add3A_195 = arith.addi %mul3A_36, %add3A_194 : i32
      %dma_start3A_196 = arith.constant 0 : i32
      %dma_start3A_197 = tpu.memref_slice %arg12[%add3A_195, %dma_start3A_196] : memref<128x64xf32, #tpu.memory_space<vmem>> -> memref<1x64xf32, #tpu.memory_space<vmem>>
      %dma_start3A_198 = arith.constant 0 : i32
      %dma_start3A_199 = tpu.memref_slice %arg2[%squeeze3A_193, %dma_start3A_198] : memref<100000x64xf32, #tpu.memory_space<hbm>> -> memref<1x64xf32, #tpu.memory_space<hbm>>
      %dma_start3A_200 = arith.constant 0 : i32
      %dma_start3A_201 = tpu.memref_slice %arg12[%add3A_195, %dma_start3A_200] : memref<128x64xf32, #tpu.memory_space<vmem>> -> memref<1x64xf32, #tpu.memory_space<vmem>>
      %dma_start3A_202 = arith.constant 0 : i32
      %dma_start3A_203 = tpu.memref_slice %arg2[%squeeze3A_193, %dma_start3A_202] : memref<100000x64xf32, #tpu.memory_space<hbm>> -> memref<1x64xf32, #tpu.memory_space<hbm>>
      tpu.enqueue_dma source(%dma_start3A_203 : memref<1x64xf32, #tpu.memory_space<hbm>>) target(%dma_start3A_201 : memref<1x64xf32, #tpu.memory_space<vmem>>) target_semaphore(%arg15 : memref<!tpu.dma_semaphore, #tpu.memory_space<semaphore_mem>>)
      %slice3A_204 = vector.extract_strided_slice %get3A_38 {offsets = [14], sizes = [1], strides = [1]} : vector<16xi32> to vector<1xi32>
      %squeeze3A_205 = vector.extract %slice3A_204[0] : i32 from vector<1xi32>
      %add3A_206 = arith.constant 14 : i32
      %add3A_207 = arith.addi %mul3A_36, %add3A_206 : i32
      %dma_start3A_208 = arith.constant 0 : i32
      %dma_start3A_209 = tpu.memref_slice %arg12[%add3A_207, %dma_start3A_208] : memref<128x64xf32, #tpu.memory_space<vmem>> -> memref<1x64xf32, #tpu.memory_space<vmem>>
      %dma_start3A_210 = arith.constant 0 : i32
      %dma_start3A_211 = tpu.memref_slice %arg2[%squeeze3A_205, %dma_start3A_210] : memref<100000x64xf32, #tpu.memory_space<hbm>> -> memref<1x64xf32, #tpu.memory_space<hbm>>
      %dma_start3A_212 = arith.constant 0 : i32
      %dma_start3A_213 = tpu.memref_slice %arg12[%add3A_207, %dma_start3A_212] : memref<128x64xf32, #tpu.memory_space<vmem>> -> memref<1x64xf32, #tpu.memory_space<vmem>>
      %dma_start3A_214 = arith.constant 0 : i32
      %dma_start3A_215 = tpu.memref_slice %arg2[%squeeze3A_205, %dma_start3A_214] : memref<100000x64xf32, #tpu.memory_space<hbm>> -> memref<1x64xf32, #tpu.memory_space<hbm>>
      tpu.enqueue_dma source(%dma_start3A_215 : memref<1x64xf32, #tpu.memory_space<hbm>>) target(%dma_start3A_213 : memref<1x64xf32, #tpu.memory_space<vmem>>) target_semaphore(%arg15 : memref<!tpu.dma_semaphore, #tpu.memory_space<semaphore_mem>>)
      %slice3A_216 = vector.extract_strided_slice %get3A_38 {offsets = [15], sizes = [1], strides = [1]} : vector<16xi32> to vector<1xi32>
      %squeeze3A_217 = vector.extract %slice3A_216[0] : i32 from vector<1xi32>
      %add3A_218 = arith.constant 15 : i32
      %add3A_219 = arith.addi %mul3A_36, %add3A_218 : i32
      %dma_start3A_220 = arith.constant 0 : i32
      %dma_start3A_221 = tpu.memref_slice %arg12[%add3A_219, %dma_start3A_220] : memref<128x64xf32, #tpu.memory_space<vmem>> -> memref<1x64xf32, #tpu.memory_space<vmem>>
      %dma_start3A_222 = arith.constant 0 : i32
      %dma_start3A_223 = tpu.memref_slice %arg2[%squeeze3A_217, %dma_start3A_222] : memref<100000x64xf32, #tpu.memory_space<hbm>> -> memref<1x64xf32, #tpu.memory_space<hbm>>
      %dma_start3A_224 = arith.constant 0 : i32
      %dma_start3A_225 = tpu.memref_slice %arg12[%add3A_219, %dma_start3A_224] : memref<128x64xf32, #tpu.memory_space<vmem>> -> memref<1x64xf32, #tpu.memory_space<vmem>>
      %dma_start3A_226 = arith.constant 0 : i32
      %dma_start3A_227 = tpu.memref_slice %arg2[%squeeze3A_217, %dma_start3A_226] : memref<100000x64xf32, #tpu.memory_space<hbm>> -> memref<1x64xf32, #tpu.memory_space<hbm>>
      tpu.enqueue_dma source(%dma_start3A_227 : memref<1x64xf32, #tpu.memory_space<hbm>>) target(%dma_start3A_225 : memref<1x64xf32, #tpu.memory_space<vmem>>) target_semaphore(%arg15 : memref<!tpu.dma_semaphore, #tpu.memory_space<semaphore_mem>>)
    }
    %scan3A_6 = arith.constant 8 : i32
    "tpu.region"() ({
      %run_scoped3A = tpu.sem_alloc : memref<!tpu.dma_semaphore, #tpu.memory_space<semaphore_mem>>
      %dma_start3A = tpu.memref_slice %arg5[%mul3A_2] : memref<4096xi32, #tpu.memory_space<hbm>> -> memref<128xi32, #tpu.memory_space<hbm>>
      %dma_start3A_34 = tpu.memref_slice %arg5[%mul3A_2] : memref<4096xi32, #tpu.memory_space<hbm>> -> memref<128xi32, #tpu.memory_space<hbm>>
      tpu.enqueue_dma source(%dma_start3A_34 : memref<128xi32, #tpu.memory_space<hbm>>) target(%arg11 : memref<128xi32, #tpu.memory_space<vmem>>) target_semaphore(%run_scoped3A : memref<!tpu.dma_semaphore, #tpu.memory_space<semaphore_mem>>)
      %dma_wait3A_35 = tpu.memref_slice %arg5[%mul3A_2] : memref<4096xi32, #tpu.memory_space<hbm>> -> memref<128xi32, #tpu.memory_space<hbm>>
      %dma_wait3A_36 = tpu.memref_slice %arg5[%mul3A_2] : memref<4096xi32, #tpu.memory_space<hbm>> -> memref<128xi32, #tpu.memory_space<hbm>>
      tpu.wait_dma2 semaphore(%run_scoped3A : memref<!tpu.dma_semaphore, #tpu.memory_space<semaphore_mem>>) src(%dma_wait3A_36 : memref<128xi32, #tpu.memory_space<hbm>>) dst(%arg11 : memref<128xi32, #tpu.memory_space<vmem>>)
      tpu.yield
    }) : () -> ()
    %scan3A_7 = arith.constant 0 : i32
    %scan3A_8 = arith.constant 8 : i32
    %scan3A_9 = arith.addi %scan3A_7, %scan3A_8 : i32
    %scan3A_10 = arith.constant 1 : i32
    scf.for %scan3A_34 = %scan3A_7 to %scan3A_9 step %scan3A_10  : i32 {
      %mul3A_35 = arith.constant 16 : i32
      %mul3A_36 = arith.muli %scan3A_34, %mul3A_35 : i32
      %get3A = arith.index_cast %mul3A_36 : i32 to index
      %get3A_37 = tpu.vector_load %arg11[%get3A] {strides = array<i32>} : memref<128xi32, #tpu.memory_space<vmem>>, vector<16xi32>,
      %get3A_38 = vector.shape_cast %get3A_37 : vector<16xi32> to vector<16xi32>
      %slice3A = vector.extract_strided_slice %get3A_38 {offsets = [0], sizes = [1], strides = [1]} : vector<16xi32> to vector<1xi32>
      %squeeze3A = vector.extract %slice3A[0] : i32 from vector<1xi32>
      %add3A_39 = arith.constant 0 : i32
      %add3A_40 = arith.addi %mul3A_36, %add3A_39 : i32
      %dma_start3A = arith.constant 0 : i32
      %dma_start3A_41 = tpu.memref_slice %arg13[%add3A_40, %dma_start3A] : memref<128x16xf32, #tpu.memory_space<vmem>> -> memref<1x16xf32, #tpu.memory_space<vmem>>
      %dma_start3A_42 = arith.constant 0 : i32
      %dma_start3A_43 = tpu.memref_slice %arg4[%squeeze3A, %dma_start3A_42] : memref<32x16xf32, #tpu.memory_space<hbm>> -> memref<1x16xf32, #tpu.memory_space<hbm>>
      %dma_start3A_44 = arith.constant 0 : i32
      %dma_start3A_45 = tpu.memref_slice %arg13[%add3A_40, %dma_start3A_44] : memref<128x16xf32, #tpu.memory_space<vmem>> -> memref<1x16xf32, #tpu.memory_space<vmem>>
      %dma_start3A_46 = arith.constant 0 : i32
      %dma_start3A_47 = tpu.memref_slice %arg4[%squeeze3A, %dma_start3A_46] : memref<32x16xf32, #tpu.memory_space<hbm>> -> memref<1x16xf32, #tpu.memory_space<hbm>>
      tpu.enqueue_dma source(%dma_start3A_47 : memref<1x16xf32, #tpu.memory_space<hbm>>) target(%dma_start3A_45 : memref<1x16xf32, #tpu.memory_space<vmem>>) target_semaphore(%arg15 : memref<!tpu.dma_semaphore, #tpu.memory_space<semaphore_mem>>)
      %slice3A_48 = vector.extract_strided_slice %get3A_38 {offsets = [1], sizes = [1], strides = [1]} : vector<16xi32> to vector<1xi32>
      %squeeze3A_49 = vector.extract %slice3A_48[0] : i32 from vector<1xi32>
      %add3A_50 = arith.constant 1 : i32
      %add3A_51 = arith.addi %mul3A_36, %add3A_50 : i32
      %dma_start3A_52 = arith.constant 0 : i32
      %dma_start3A_53 = tpu.memref_slice %arg13[%add3A_51, %dma_start3A_52] : memref<128x16xf32, #tpu.memory_space<vmem>> -> memref<1x16xf32, #tpu.memory_space<vmem>>
      %dma_start3A_54 = arith.constant 0 : i32
      %dma_start3A_55 = tpu.memref_slice %arg4[%squeeze3A_49, %dma_start3A_54] : memref<32x16xf32, #tpu.memory_space<hbm>> -> memref<1x16xf32, #tpu.memory_space<hbm>>
      %dma_start3A_56 = arith.constant 0 : i32
      %dma_start3A_57 = tpu.memref_slice %arg13[%add3A_51, %dma_start3A_56] : memref<128x16xf32, #tpu.memory_space<vmem>> -> memref<1x16xf32, #tpu.memory_space<vmem>>
      %dma_start3A_58 = arith.constant 0 : i32
      %dma_start3A_59 = tpu.memref_slice %arg4[%squeeze3A_49, %dma_start3A_58] : memref<32x16xf32, #tpu.memory_space<hbm>> -> memref<1x16xf32, #tpu.memory_space<hbm>>
      tpu.enqueue_dma source(%dma_start3A_59 : memref<1x16xf32, #tpu.memory_space<hbm>>) target(%dma_start3A_57 : memref<1x16xf32, #tpu.memory_space<vmem>>) target_semaphore(%arg15 : memref<!tpu.dma_semaphore, #tpu.memory_space<semaphore_mem>>)
      %slice3A_60 = vector.extract_strided_slice %get3A_38 {offsets = [2], sizes = [1], strides = [1]} : vector<16xi32> to vector<1xi32>
      %squeeze3A_61 = vector.extract %slice3A_60[0] : i32 from vector<1xi32>
      %add3A_62 = arith.constant 2 : i32
      %add3A_63 = arith.addi %mul3A_36, %add3A_62 : i32
      %dma_start3A_64 = arith.constant 0 : i32
      %dma_start3A_65 = tpu.memref_slice %arg13[%add3A_63, %dma_start3A_64] : memref<128x16xf32, #tpu.memory_space<vmem>> -> memref<1x16xf32, #tpu.memory_space<vmem>>
      %dma_start3A_66 = arith.constant 0 : i32
      %dma_start3A_67 = tpu.memref_slice %arg4[%squeeze3A_61, %dma_start3A_66] : memref<32x16xf32, #tpu.memory_space<hbm>> -> memref<1x16xf32, #tpu.memory_space<hbm>>
      %dma_start3A_68 = arith.constant 0 : i32
      %dma_start3A_69 = tpu.memref_slice %arg13[%add3A_63, %dma_start3A_68] : memref<128x16xf32, #tpu.memory_space<vmem>> -> memref<1x16xf32, #tpu.memory_space<vmem>>
      %dma_start3A_70 = arith.constant 0 : i32
      %dma_start3A_71 = tpu.memref_slice %arg4[%squeeze3A_61, %dma_start3A_70] : memref<32x16xf32, #tpu.memory_space<hbm>> -> memref<1x16xf32, #tpu.memory_space<hbm>>
      tpu.enqueue_dma source(%dma_start3A_71 : memref<1x16xf32, #tpu.memory_space<hbm>>) target(%dma_start3A_69 : memref<1x16xf32, #tpu.memory_space<vmem>>) target_semaphore(%arg15 : memref<!tpu.dma_semaphore, #tpu.memory_space<semaphore_mem>>)
      %slice3A_72 = vector.extract_strided_slice %get3A_38 {offsets = [3], sizes = [1], strides = [1]} : vector<16xi32> to vector<1xi32>
      %squeeze3A_73 = vector.extract %slice3A_72[0] : i32 from vector<1xi32>
      %add3A_74 = arith.constant 3 : i32
      %add3A_75 = arith.addi %mul3A_36, %add3A_74 : i32
      %dma_start3A_76 = arith.constant 0 : i32
      %dma_start3A_77 = tpu.memref_slice %arg13[%add3A_75, %dma_start3A_76] : memref<128x16xf32, #tpu.memory_space<vmem>> -> memref<1x16xf32, #tpu.memory_space<vmem>>
      %dma_start3A_78 = arith.constant 0 : i32
      %dma_start3A_79 = tpu.memref_slice %arg4[%squeeze3A_73, %dma_start3A_78] : memref<32x16xf32, #tpu.memory_space<hbm>> -> memref<1x16xf32, #tpu.memory_space<hbm>>
      %dma_start3A_80 = arith.constant 0 : i32
      %dma_start3A_81 = tpu.memref_slice %arg13[%add3A_75, %dma_start3A_80] : memref<128x16xf32, #tpu.memory_space<vmem>> -> memref<1x16xf32, #tpu.memory_space<vmem>>
      %dma_start3A_82 = arith.constant 0 : i32
      %dma_start3A_83 = tpu.memref_slice %arg4[%squeeze3A_73, %dma_start3A_82] : memref<32x16xf32, #tpu.memory_space<hbm>> -> memref<1x16xf32, #tpu.memory_space<hbm>>
      tpu.enqueue_dma source(%dma_start3A_83 : memref<1x16xf32, #tpu.memory_space<hbm>>) target(%dma_start3A_81 : memref<1x16xf32, #tpu.memory_space<vmem>>) target_semaphore(%arg15 : memref<!tpu.dma_semaphore, #tpu.memory_space<semaphore_mem>>)
      %slice3A_84 = vector.extract_strided_slice %get3A_38 {offsets = [4], sizes = [1], strides = [1]} : vector<16xi32> to vector<1xi32>
      %squeeze3A_85 = vector.extract %slice3A_84[0] : i32 from vector<1xi32>
      %add3A_86 = arith.constant 4 : i32
      %add3A_87 = arith.addi %mul3A_36, %add3A_86 : i32
      %dma_start3A_88 = arith.constant 0 : i32
      %dma_start3A_89 = tpu.memref_slice %arg13[%add3A_87, %dma_start3A_88] : memref<128x16xf32, #tpu.memory_space<vmem>> -> memref<1x16xf32, #tpu.memory_space<vmem>>
      %dma_start3A_90 = arith.constant 0 : i32
      %dma_start3A_91 = tpu.memref_slice %arg4[%squeeze3A_85, %dma_start3A_90] : memref<32x16xf32, #tpu.memory_space<hbm>> -> memref<1x16xf32, #tpu.memory_space<hbm>>
      %dma_start3A_92 = arith.constant 0 : i32
      %dma_start3A_93 = tpu.memref_slice %arg13[%add3A_87, %dma_start3A_92] : memref<128x16xf32, #tpu.memory_space<vmem>> -> memref<1x16xf32, #tpu.memory_space<vmem>>
      %dma_start3A_94 = arith.constant 0 : i32
      %dma_start3A_95 = tpu.memref_slice %arg4[%squeeze3A_85, %dma_start3A_94] : memref<32x16xf32, #tpu.memory_space<hbm>> -> memref<1x16xf32, #tpu.memory_space<hbm>>
      tpu.enqueue_dma source(%dma_start3A_95 : memref<1x16xf32, #tpu.memory_space<hbm>>) target(%dma_start3A_93 : memref<1x16xf32, #tpu.memory_space<vmem>>) target_semaphore(%arg15 : memref<!tpu.dma_semaphore, #tpu.memory_space<semaphore_mem>>)
      %slice3A_96 = vector.extract_strided_slice %get3A_38 {offsets = [5], sizes = [1], strides = [1]} : vector<16xi32> to vector<1xi32>
      %squeeze3A_97 = vector.extract %slice3A_96[0] : i32 from vector<1xi32>
      %add3A_98 = arith.constant 5 : i32
      %add3A_99 = arith.addi %mul3A_36, %add3A_98 : i32
      %dma_start3A_100 = arith.constant 0 : i32
      %dma_start3A_101 = tpu.memref_slice %arg13[%add3A_99, %dma_start3A_100] : memref<128x16xf32, #tpu.memory_space<vmem>> -> memref<1x16xf32, #tpu.memory_space<vmem>>
      %dma_start3A_102 = arith.constant 0 : i32
      %dma_start3A_103 = tpu.memref_slice %arg4[%squeeze3A_97, %dma_start3A_102] : memref<32x16xf32, #tpu.memory_space<hbm>> -> memref<1x16xf32, #tpu.memory_space<hbm>>
      %dma_start3A_104 = arith.constant 0 : i32
      %dma_start3A_105 = tpu.memref_slice %arg13[%add3A_99, %dma_start3A_104] : memref<128x16xf32, #tpu.memory_space<vmem>> -> memref<1x16xf32, #tpu.memory_space<vmem>>
      %dma_start3A_106 = arith.constant 0 : i32
      %dma_start3A_107 = tpu.memref_slice %arg4[%squeeze3A_97, %dma_start3A_106] : memref<32x16xf32, #tpu.memory_space<hbm>> -> memref<1x16xf32, #tpu.memory_space<hbm>>
      tpu.enqueue_dma source(%dma_start3A_107 : memref<1x16xf32, #tpu.memory_space<hbm>>) target(%dma_start3A_105 : memref<1x16xf32, #tpu.memory_space<vmem>>) target_semaphore(%arg15 : memref<!tpu.dma_semaphore, #tpu.memory_space<semaphore_mem>>)
      %slice3A_108 = vector.extract_strided_slice %get3A_38 {offsets = [6], sizes = [1], strides = [1]} : vector<16xi32> to vector<1xi32>
      %squeeze3A_109 = vector.extract %slice3A_108[0] : i32 from vector<1xi32>
      %add3A_110 = arith.constant 6 : i32
      %add3A_111 = arith.addi %mul3A_36, %add3A_110 : i32
      %dma_start3A_112 = arith.constant 0 : i32
      %dma_start3A_113 = tpu.memref_slice %arg13[%add3A_111, %dma_start3A_112] : memref<128x16xf32, #tpu.memory_space<vmem>> -> memref<1x16xf32, #tpu.memory_space<vmem>>
      %dma_start3A_114 = arith.constant 0 : i32
      %dma_start3A_115 = tpu.memref_slice %arg4[%squeeze3A_109, %dma_start3A_114] : memref<32x16xf32, #tpu.memory_space<hbm>> -> memref<1x16xf32, #tpu.memory_space<hbm>>
      %dma_start3A_116 = arith.constant 0 : i32
      %dma_start3A_117 = tpu.memref_slice %arg13[%add3A_111, %dma_start3A_116] : memref<128x16xf32, #tpu.memory_space<vmem>> -> memref<1x16xf32, #tpu.memory_space<vmem>>
      %dma_start3A_118 = arith.constant 0 : i32
      %dma_start3A_119 = tpu.memref_slice %arg4[%squeeze3A_109, %dma_start3A_118] : memref<32x16xf32, #tpu.memory_space<hbm>> -> memref<1x16xf32, #tpu.memory_space<hbm>>
      tpu.enqueue_dma source(%dma_start3A_119 : memref<1x16xf32, #tpu.memory_space<hbm>>) target(%dma_start3A_117 : memref<1x16xf32, #tpu.memory_space<vmem>>) target_semaphore(%arg15 : memref<!tpu.dma_semaphore, #tpu.memory_space<semaphore_mem>>)
      %slice3A_120 = vector.extract_strided_slice %get3A_38 {offsets = [7], sizes = [1], strides = [1]} : vector<16xi32> to vector<1xi32>
      %squeeze3A_121 = vector.extract %slice3A_120[0] : i32 from vector<1xi32>
      %add3A_122 = arith.constant 7 : i32
      %add3A_123 = arith.addi %mul3A_36, %add3A_122 : i32
      %dma_start3A_124 = arith.constant 0 : i32
      %dma_start3A_125 = tpu.memref_slice %arg13[%add3A_123, %dma_start3A_124] : memref<128x16xf32, #tpu.memory_space<vmem>> -> memref<1x16xf32, #tpu.memory_space<vmem>>
      %dma_start3A_126 = arith.constant 0 : i32
      %dma_start3A_127 = tpu.memref_slice %arg4[%squeeze3A_121, %dma_start3A_126] : memref<32x16xf32, #tpu.memory_space<hbm>> -> memref<1x16xf32, #tpu.memory_space<hbm>>
      %dma_start3A_128 = arith.constant 0 : i32
      %dma_start3A_129 = tpu.memref_slice %arg13[%add3A_123, %dma_start3A_128] : memref<128x16xf32, #tpu.memory_space<vmem>> -> memref<1x16xf32, #tpu.memory_space<vmem>>
      %dma_start3A_130 = arith.constant 0 : i32
      %dma_start3A_131 = tpu.memref_slice %arg4[%squeeze3A_121, %dma_start3A_130] : memref<32x16xf32, #tpu.memory_space<hbm>> -> memref<1x16xf32, #tpu.memory_space<hbm>>
      tpu.enqueue_dma source(%dma_start3A_131 : memref<1x16xf32, #tpu.memory_space<hbm>>) target(%dma_start3A_129 : memref<1x16xf32, #tpu.memory_space<vmem>>) target_semaphore(%arg15 : memref<!tpu.dma_semaphore, #tpu.memory_space<semaphore_mem>>)
      %slice3A_132 = vector.extract_strided_slice %get3A_38 {offsets = [8], sizes = [1], strides = [1]} : vector<16xi32> to vector<1xi32>
      %squeeze3A_133 = vector.extract %slice3A_132[0] : i32 from vector<1xi32>
      %add3A_134 = arith.constant 8 : i32
      %add3A_135 = arith.addi %mul3A_36, %add3A_134 : i32
      %dma_start3A_136 = arith.constant 0 : i32
      %dma_start3A_137 = tpu.memref_slice %arg13[%add3A_135, %dma_start3A_136] : memref<128x16xf32, #tpu.memory_space<vmem>> -> memref<1x16xf32, #tpu.memory_space<vmem>>
      %dma_start3A_138 = arith.constant 0 : i32
      %dma_start3A_139 = tpu.memref_slice %arg4[%squeeze3A_133, %dma_start3A_138] : memref<32x16xf32, #tpu.memory_space<hbm>> -> memref<1x16xf32, #tpu.memory_space<hbm>>
      %dma_start3A_140 = arith.constant 0 : i32
      %dma_start3A_141 = tpu.memref_slice %arg13[%add3A_135, %dma_start3A_140] : memref<128x16xf32, #tpu.memory_space<vmem>> -> memref<1x16xf32, #tpu.memory_space<vmem>>
      %dma_start3A_142 = arith.constant 0 : i32
      %dma_start3A_143 = tpu.memref_slice %arg4[%squeeze3A_133, %dma_start3A_142] : memref<32x16xf32, #tpu.memory_space<hbm>> -> memref<1x16xf32, #tpu.memory_space<hbm>>
      tpu.enqueue_dma source(%dma_start3A_143 : memref<1x16xf32, #tpu.memory_space<hbm>>) target(%dma_start3A_141 : memref<1x16xf32, #tpu.memory_space<vmem>>) target_semaphore(%arg15 : memref<!tpu.dma_semaphore, #tpu.memory_space<semaphore_mem>>)
      %slice3A_144 = vector.extract_strided_slice %get3A_38 {offsets = [9], sizes = [1], strides = [1]} : vector<16xi32> to vector<1xi32>
      %squeeze3A_145 = vector.extract %slice3A_144[0] : i32 from vector<1xi32>
      %add3A_146 = arith.constant 9 : i32
      %add3A_147 = arith.addi %mul3A_36, %add3A_146 : i32
      %dma_start3A_148 = arith.constant 0 : i32
      %dma_start3A_149 = tpu.memref_slice %arg13[%add3A_147, %dma_start3A_148] : memref<128x16xf32, #tpu.memory_space<vmem>> -> memref<1x16xf32, #tpu.memory_space<vmem>>
      %dma_start3A_150 = arith.constant 0 : i32
      %dma_start3A_151 = tpu.memref_slice %arg4[%squeeze3A_145, %dma_start3A_150] : memref<32x16xf32, #tpu.memory_space<hbm>> -> memref<1x16xf32, #tpu.memory_space<hbm>>
      %dma_start3A_152 = arith.constant 0 : i32
      %dma_start3A_153 = tpu.memref_slice %arg13[%add3A_147, %dma_start3A_152] : memref<128x16xf32, #tpu.memory_space<vmem>> -> memref<1x16xf32, #tpu.memory_space<vmem>>
      %dma_start3A_154 = arith.constant 0 : i32
      %dma_start3A_155 = tpu.memref_slice %arg4[%squeeze3A_145, %dma_start3A_154] : memref<32x16xf32, #tpu.memory_space<hbm>> -> memref<1x16xf32, #tpu.memory_space<hbm>>
      tpu.enqueue_dma source(%dma_start3A_155 : memref<1x16xf32, #tpu.memory_space<hbm>>) target(%dma_start3A_153 : memref<1x16xf32, #tpu.memory_space<vmem>>) target_semaphore(%arg15 : memref<!tpu.dma_semaphore, #tpu.memory_space<semaphore_mem>>)
      %slice3A_156 = vector.extract_strided_slice %get3A_38 {offsets = [10], sizes = [1], strides = [1]} : vector<16xi32> to vector<1xi32>
      %squeeze3A_157 = vector.extract %slice3A_156[0] : i32 from vector<1xi32>
      %add3A_158 = arith.constant 10 : i32
      %add3A_159 = arith.addi %mul3A_36, %add3A_158 : i32
      %dma_start3A_160 = arith.constant 0 : i32
      %dma_start3A_161 = tpu.memref_slice %arg13[%add3A_159, %dma_start3A_160] : memref<128x16xf32, #tpu.memory_space<vmem>> -> memref<1x16xf32, #tpu.memory_space<vmem>>
      %dma_start3A_162 = arith.constant 0 : i32
      %dma_start3A_163 = tpu.memref_slice %arg4[%squeeze3A_157, %dma_start3A_162] : memref<32x16xf32, #tpu.memory_space<hbm>> -> memref<1x16xf32, #tpu.memory_space<hbm>>
      %dma_start3A_164 = arith.constant 0 : i32
      %dma_start3A_165 = tpu.memref_slice %arg13[%add3A_159, %dma_start3A_164] : memref<128x16xf32, #tpu.memory_space<vmem>> -> memref<1x16xf32, #tpu.memory_space<vmem>>
      %dma_start3A_166 = arith.constant 0 : i32
      %dma_start3A_167 = tpu.memref_slice %arg4[%squeeze3A_157, %dma_start3A_166] : memref<32x16xf32, #tpu.memory_space<hbm>> -> memref<1x16xf32, #tpu.memory_space<hbm>>
      tpu.enqueue_dma source(%dma_start3A_167 : memref<1x16xf32, #tpu.memory_space<hbm>>) target(%dma_start3A_165 : memref<1x16xf32, #tpu.memory_space<vmem>>) target_semaphore(%arg15 : memref<!tpu.dma_semaphore, #tpu.memory_space<semaphore_mem>>)
      %slice3A_168 = vector.extract_strided_slice %get3A_38 {offsets = [11], sizes = [1], strides = [1]} : vector<16xi32> to vector<1xi32>
      %squeeze3A_169 = vector.extract %slice3A_168[0] : i32 from vector<1xi32>
      %add3A_170 = arith.constant 11 : i32
      %add3A_171 = arith.addi %mul3A_36, %add3A_170 : i32
      %dma_start3A_172 = arith.constant 0 : i32
      %dma_start3A_173 = tpu.memref_slice %arg13[%add3A_171, %dma_start3A_172] : memref<128x16xf32, #tpu.memory_space<vmem>> -> memref<1x16xf32, #tpu.memory_space<vmem>>
      %dma_start3A_174 = arith.constant 0 : i32
      %dma_start3A_175 = tpu.memref_slice %arg4[%squeeze3A_169, %dma_start3A_174] : memref<32x16xf32, #tpu.memory_space<hbm>> -> memref<1x16xf32, #tpu.memory_space<hbm>>
      %dma_start3A_176 = arith.constant 0 : i32
      %dma_start3A_177 = tpu.memref_slice %arg13[%add3A_171, %dma_start3A_176] : memref<128x16xf32, #tpu.memory_space<vmem>> -> memref<1x16xf32, #tpu.memory_space<vmem>>
      %dma_start3A_178 = arith.constant 0 : i32
      %dma_start3A_179 = tpu.memref_slice %arg4[%squeeze3A_169, %dma_start3A_178] : memref<32x16xf32, #tpu.memory_space<hbm>> -> memref<1x16xf32, #tpu.memory_space<hbm>>
      tpu.enqueue_dma source(%dma_start3A_179 : memref<1x16xf32, #tpu.memory_space<hbm>>) target(%dma_start3A_177 : memref<1x16xf32, #tpu.memory_space<vmem>>) target_semaphore(%arg15 : memref<!tpu.dma_semaphore, #tpu.memory_space<semaphore_mem>>)
      %slice3A_180 = vector.extract_strided_slice %get3A_38 {offsets = [12], sizes = [1], strides = [1]} : vector<16xi32> to vector<1xi32>
      %squeeze3A_181 = vector.extract %slice3A_180[0] : i32 from vector<1xi32>
      %add3A_182 = arith.constant 12 : i32
      %add3A_183 = arith.addi %mul3A_36, %add3A_182 : i32
      %dma_start3A_184 = arith.constant 0 : i32
      %dma_start3A_185 = tpu.memref_slice %arg13[%add3A_183, %dma_start3A_184] : memref<128x16xf32, #tpu.memory_space<vmem>> -> memref<1x16xf32, #tpu.memory_space<vmem>>
      %dma_start3A_186 = arith.constant 0 : i32
      %dma_start3A_187 = tpu.memref_slice %arg4[%squeeze3A_181, %dma_start3A_186] : memref<32x16xf32, #tpu.memory_space<hbm>> -> memref<1x16xf32, #tpu.memory_space<hbm>>
      %dma_start3A_188 = arith.constant 0 : i32
      %dma_start3A_189 = tpu.memref_slice %arg13[%add3A_183, %dma_start3A_188] : memref<128x16xf32, #tpu.memory_space<vmem>> -> memref<1x16xf32, #tpu.memory_space<vmem>>
      %dma_start3A_190 = arith.constant 0 : i32
      %dma_start3A_191 = tpu.memref_slice %arg4[%squeeze3A_181, %dma_start3A_190] : memref<32x16xf32, #tpu.memory_space<hbm>> -> memref<1x16xf32, #tpu.memory_space<hbm>>
      tpu.enqueue_dma source(%dma_start3A_191 : memref<1x16xf32, #tpu.memory_space<hbm>>) target(%dma_start3A_189 : memref<1x16xf32, #tpu.memory_space<vmem>>) target_semaphore(%arg15 : memref<!tpu.dma_semaphore, #tpu.memory_space<semaphore_mem>>)
      %slice3A_192 = vector.extract_strided_slice %get3A_38 {offsets = [13], sizes = [1], strides = [1]} : vector<16xi32> to vector<1xi32>
      %squeeze3A_193 = vector.extract %slice3A_192[0] : i32 from vector<1xi32>
      %add3A_194 = arith.constant 13 : i32
      %add3A_195 = arith.addi %mul3A_36, %add3A_194 : i32
      %dma_start3A_196 = arith.constant 0 : i32
      %dma_start3A_197 = tpu.memref_slice %arg13[%add3A_195, %dma_start3A_196] : memref<128x16xf32, #tpu.memory_space<vmem>> -> memref<1x16xf32, #tpu.memory_space<vmem>>
      %dma_start3A_198 = arith.constant 0 : i32
      %dma_start3A_199 = tpu.memref_slice %arg4[%squeeze3A_193, %dma_start3A_198] : memref<32x16xf32, #tpu.memory_space<hbm>> -> memref<1x16xf32, #tpu.memory_space<hbm>>
      %dma_start3A_200 = arith.constant 0 : i32
      %dma_start3A_201 = tpu.memref_slice %arg13[%add3A_195, %dma_start3A_200] : memref<128x16xf32, #tpu.memory_space<vmem>> -> memref<1x16xf32, #tpu.memory_space<vmem>>
      %dma_start3A_202 = arith.constant 0 : i32
      %dma_start3A_203 = tpu.memref_slice %arg4[%squeeze3A_193, %dma_start3A_202] : memref<32x16xf32, #tpu.memory_space<hbm>> -> memref<1x16xf32, #tpu.memory_space<hbm>>
      tpu.enqueue_dma source(%dma_start3A_203 : memref<1x16xf32, #tpu.memory_space<hbm>>) target(%dma_start3A_201 : memref<1x16xf32, #tpu.memory_space<vmem>>) target_semaphore(%arg15 : memref<!tpu.dma_semaphore, #tpu.memory_space<semaphore_mem>>)
      %slice3A_204 = vector.extract_strided_slice %get3A_38 {offsets = [14], sizes = [1], strides = [1]} : vector<16xi32> to vector<1xi32>
      %squeeze3A_205 = vector.extract %slice3A_204[0] : i32 from vector<1xi32>
      %add3A_206 = arith.constant 14 : i32
      %add3A_207 = arith.addi %mul3A_36, %add3A_206 : i32
      %dma_start3A_208 = arith.constant 0 : i32
      %dma_start3A_209 = tpu.memref_slice %arg13[%add3A_207, %dma_start3A_208] : memref<128x16xf32, #tpu.memory_space<vmem>> -> memref<1x16xf32, #tpu.memory_space<vmem>>
      %dma_start3A_210 = arith.constant 0 : i32
      %dma_start3A_211 = tpu.memref_slice %arg4[%squeeze3A_205, %dma_start3A_210] : memref<32x16xf32, #tpu.memory_space<hbm>> -> memref<1x16xf32, #tpu.memory_space<hbm>>
      %dma_start3A_212 = arith.constant 0 : i32
      %dma_start3A_213 = tpu.memref_slice %arg13[%add3A_207, %dma_start3A_212] : memref<128x16xf32, #tpu.memory_space<vmem>> -> memref<1x16xf32, #tpu.memory_space<vmem>>
      %dma_start3A_214 = arith.constant 0 : i32
      %dma_start3A_215 = tpu.memref_slice %arg4[%squeeze3A_205, %dma_start3A_214] : memref<32x16xf32, #tpu.memory_space<hbm>> -> memref<1x16xf32, #tpu.memory_space<hbm>>
      tpu.enqueue_dma source(%dma_start3A_215 : memref<1x16xf32, #tpu.memory_space<hbm>>) target(%dma_start3A_213 : memref<1x16xf32, #tpu.memory_space<vmem>>) target_semaphore(%arg15 : memref<!tpu.dma_semaphore, #tpu.memory_space<semaphore_mem>>)
      %slice3A_216 = vector.extract_strided_slice %get3A_38 {offsets = [15], sizes = [1], strides = [1]} : vector<16xi32> to vector<1xi32>
      %squeeze3A_217 = vector.extract %slice3A_216[0] : i32 from vector<1xi32>
      %add3A_218 = arith.constant 15 : i32
      %add3A_219 = arith.addi %mul3A_36, %add3A_218 : i32
      %dma_start3A_220 = arith.constant 0 : i32
      %dma_start3A_221 = tpu.memref_slice %arg13[%add3A_219, %dma_start3A_220] : memref<128x16xf32, #tpu.memory_space<vmem>> -> memref<1x16xf32, #tpu.memory_space<vmem>>
      %dma_start3A_222 = arith.constant 0 : i32
      %dma_start3A_223 = tpu.memref_slice %arg4[%squeeze3A_217, %dma_start3A_222] : memref<32x16xf32, #tpu.memory_space<hbm>> -> memref<1x16xf32, #tpu.memory_space<hbm>>
      %dma_start3A_224 = arith.constant 0 : i32
      %dma_start3A_225 = tpu.memref_slice %arg13[%add3A_219, %dma_start3A_224] : memref<128x16xf32, #tpu.memory_space<vmem>> -> memref<1x16xf32, #tpu.memory_space<vmem>>
      %dma_start3A_226 = arith.constant 0 : i32
      %dma_start3A_227 = tpu.memref_slice %arg4[%squeeze3A_217, %dma_start3A_226] : memref<32x16xf32, #tpu.memory_space<hbm>> -> memref<1x16xf32, #tpu.memory_space<hbm>>
      tpu.enqueue_dma source(%dma_start3A_227 : memref<1x16xf32, #tpu.memory_space<hbm>>) target(%dma_start3A_225 : memref<1x16xf32, #tpu.memory_space<vmem>>) target_semaphore(%arg15 : memref<!tpu.dma_semaphore, #tpu.memory_space<semaphore_mem>>)
    }
    %scan3A_11 = arith.constant 8 : i32
    "tpu.region"() ({
      %run_scoped3A = tpu.sem_alloc : memref<!tpu.dma_semaphore, #tpu.memory_space<semaphore_mem>>
      %dma_start3A = tpu.memref_slice %arg7[%mul3A_2] : memref<4096xi32, #tpu.memory_space<hbm>> -> memref<128xi32, #tpu.memory_space<hbm>>
      %dma_start3A_34 = tpu.memref_slice %arg7[%mul3A_2] : memref<4096xi32, #tpu.memory_space<hbm>> -> memref<128xi32, #tpu.memory_space<hbm>>
      tpu.enqueue_dma source(%dma_start3A_34 : memref<128xi32, #tpu.memory_space<hbm>>) target(%arg11 : memref<128xi32, #tpu.memory_space<vmem>>) target_semaphore(%run_scoped3A : memref<!tpu.dma_semaphore, #tpu.memory_space<semaphore_mem>>)
      %dma_wait3A_35 = tpu.memref_slice %arg7[%mul3A_2] : memref<4096xi32, #tpu.memory_space<hbm>> -> memref<128xi32, #tpu.memory_space<hbm>>
      %dma_wait3A_36 = tpu.memref_slice %arg7[%mul3A_2] : memref<4096xi32, #tpu.memory_space<hbm>> -> memref<128xi32, #tpu.memory_space<hbm>>
      tpu.wait_dma2 semaphore(%run_scoped3A : memref<!tpu.dma_semaphore, #tpu.memory_space<semaphore_mem>>) src(%dma_wait3A_36 : memref<128xi32, #tpu.memory_space<hbm>>) dst(%arg11 : memref<128xi32, #tpu.memory_space<vmem>>)
      tpu.yield
    }) : () -> ()
    %scan3A_12 = arith.constant 0 : i32
    %scan3A_13 = arith.constant 8 : i32
    %scan3A_14 = arith.addi %scan3A_12, %scan3A_13 : i32
    %scan3A_15 = arith.constant 1 : i32
    scf.for %scan3A_34 = %scan3A_12 to %scan3A_14 step %scan3A_15  : i32 {
      %mul3A_35 = arith.constant 16 : i32
      %mul3A_36 = arith.muli %scan3A_34, %mul3A_35 : i32
      %get3A = arith.index_cast %mul3A_36 : i32 to index
      %get3A_37 = tpu.vector_load %arg11[%get3A] {strides = array<i32>} : memref<128xi32, #tpu.memory_space<vmem>>, vector<16xi32>,
      %get3A_38 = vector.shape_cast %get3A_37 : vector<16xi32> to vector<16xi32>
      %slice3A = vector.extract_strided_slice %get3A_38 {offsets = [0], sizes = [1], strides = [1]} : vector<16xi32> to vector<1xi32>
      %squeeze3A = vector.extract %slice3A[0] : i32 from vector<1xi32>
      %add3A_39 = arith.constant 0 : i32
      %add3A_40 = arith.addi %mul3A_36, %add3A_39 : i32
      %dma_start3A = arith.constant 0 : i32
      %dma_start3A_41 = tpu.memref_slice %arg14[%add3A_40, %dma_start3A] : memref<128x16xf32, #tpu.memory_space<vmem>> -> memref<1x16xf32, #tpu.memory_space<vmem>>
      %dma_start3A_42 = arith.constant 0 : i32
      %dma_start3A_43 = tpu.memref_slice %arg6[%squeeze3A, %dma_start3A_42] : memref<3x16xf32, #tpu.memory_space<hbm>> -> memref<1x16xf32, #tpu.memory_space<hbm>>
      %dma_start3A_44 = arith.constant 0 : i32
      %dma_start3A_45 = tpu.memref_slice %arg14[%add3A_40, %dma_start3A_44] : memref<128x16xf32, #tpu.memory_space<vmem>> -> memref<1x16xf32, #tpu.memory_space<vmem>>
      %dma_start3A_46 = arith.constant 0 : i32
      %dma_start3A_47 = tpu.memref_slice %arg6[%squeeze3A, %dma_start3A_46] : memref<3x16xf32, #tpu.memory_space<hbm>> -> memref<1x16xf32, #tpu.memory_space<hbm>>
      tpu.enqueue_dma source(%dma_start3A_47 : memref<1x16xf32, #tpu.memory_space<hbm>>) target(%dma_start3A_45 : memref<1x16xf32, #tpu.memory_space<vmem>>) target_semaphore(%arg15 : memref<!tpu.dma_semaphore, #tpu.memory_space<semaphore_mem>>)
      %slice3A_48 = vector.extract_strided_slice %get3A_38 {offsets = [1], sizes = [1], strides = [1]} : vector<16xi32> to vector<1xi32>
      %squeeze3A_49 = vector.extract %slice3A_48[0] : i32 from vector<1xi32>
      %add3A_50 = arith.constant 1 : i32
      %add3A_51 = arith.addi %mul3A_36, %add3A_50 : i32
      %dma_start3A_52 = arith.constant 0 : i32
      %dma_start3A_53 = tpu.memref_slice %arg14[%add3A_51, %dma_start3A_52] : memref<128x16xf32, #tpu.memory_space<vmem>> -> memref<1x16xf32, #tpu.memory_space<vmem>>
      %dma_start3A_54 = arith.constant 0 : i32
      %dma_start3A_55 = tpu.memref_slice %arg6[%squeeze3A_49, %dma_start3A_54] : memref<3x16xf32, #tpu.memory_space<hbm>> -> memref<1x16xf32, #tpu.memory_space<hbm>>
      %dma_start3A_56 = arith.constant 0 : i32
      %dma_start3A_57 = tpu.memref_slice %arg14[%add3A_51, %dma_start3A_56] : memref<128x16xf32, #tpu.memory_space<vmem>> -> memref<1x16xf32, #tpu.memory_space<vmem>>
      %dma_start3A_58 = arith.constant 0 : i32
      %dma_start3A_59 = tpu.memref_slice %arg6[%squeeze3A_49, %dma_start3A_58] : memref<3x16xf32, #tpu.memory_space<hbm>> -> memref<1x16xf32, #tpu.memory_space<hbm>>
      tpu.enqueue_dma source(%dma_start3A_59 : memref<1x16xf32, #tpu.memory_space<hbm>>) target(%dma_start3A_57 : memref<1x16xf32, #tpu.memory_space<vmem>>) target_semaphore(%arg15 : memref<!tpu.dma_semaphore, #tpu.memory_space<semaphore_mem>>)
      %slice3A_60 = vector.extract_strided_slice %get3A_38 {offsets = [2], sizes = [1], strides = [1]} : vector<16xi32> to vector<1xi32>
      %squeeze3A_61 = vector.extract %slice3A_60[0] : i32 from vector<1xi32>
      %add3A_62 = arith.constant 2 : i32
      %add3A_63 = arith.addi %mul3A_36, %add3A_62 : i32
      %dma_start3A_64 = arith.constant 0 : i32
      %dma_start3A_65 = tpu.memref_slice %arg14[%add3A_63, %dma_start3A_64] : memref<128x16xf32, #tpu.memory_space<vmem>> -> memref<1x16xf32, #tpu.memory_space<vmem>>
      %dma_start3A_66 = arith.constant 0 : i32
      %dma_start3A_67 = tpu.memref_slice %arg6[%squeeze3A_61, %dma_start3A_66] : memref<3x16xf32, #tpu.memory_space<hbm>> -> memref<1x16xf32, #tpu.memory_space<hbm>>
      %dma_start3A_68 = arith.constant 0 : i32
      %dma_start3A_69 = tpu.memref_slice %arg14[%add3A_63, %dma_start3A_68] : memref<128x16xf32, #tpu.memory_space<vmem>> -> memref<1x16xf32, #tpu.memory_space<vmem>>
      %dma_start3A_70 = arith.constant 0 : i32
      %dma_start3A_71 = tpu.memref_slice %arg6[%squeeze3A_61, %dma_start3A_70] : memref<3x16xf32, #tpu.memory_space<hbm>> -> memref<1x16xf32, #tpu.memory_space<hbm>>
      tpu.enqueue_dma source(%dma_start3A_71 : memref<1x16xf32, #tpu.memory_space<hbm>>) target(%dma_start3A_69 : memref<1x16xf32, #tpu.memory_space<vmem>>) target_semaphore(%arg15 : memref<!tpu.dma_semaphore, #tpu.memory_space<semaphore_mem>>)
      %slice3A_72 = vector.extract_strided_slice %get3A_38 {offsets = [3], sizes = [1], strides = [1]} : vector<16xi32> to vector<1xi32>
      %squeeze3A_73 = vector.extract %slice3A_72[0] : i32 from vector<1xi32>
      %add3A_74 = arith.constant 3 : i32
      %add3A_75 = arith.addi %mul3A_36, %add3A_74 : i32
      %dma_start3A_76 = arith.constant 0 : i32
      %dma_start3A_77 = tpu.memref_slice %arg14[%add3A_75, %dma_start3A_76] : memref<128x16xf32, #tpu.memory_space<vmem>> -> memref<1x16xf32, #tpu.memory_space<vmem>>
      %dma_start3A_78 = arith.constant 0 : i32
      %dma_start3A_79 = tpu.memref_slice %arg6[%squeeze3A_73, %dma_start3A_78] : memref<3x16xf32, #tpu.memory_space<hbm>> -> memref<1x16xf32, #tpu.memory_space<hbm>>
      %dma_start3A_80 = arith.constant 0 : i32
      %dma_start3A_81 = tpu.memref_slice %arg14[%add3A_75, %dma_start3A_80] : memref<128x16xf32, #tpu.memory_space<vmem>> -> memref<1x16xf32, #tpu.memory_space<vmem>>
      %dma_start3A_82 = arith.constant 0 : i32
      %dma_start3A_83 = tpu.memref_slice %arg6[%squeeze3A_73, %dma_start3A_82] : memref<3x16xf32, #tpu.memory_space<hbm>> -> memref<1x16xf32, #tpu.memory_space<hbm>>
      tpu.enqueue_dma source(%dma_start3A_83 : memref<1x16xf32, #tpu.memory_space<hbm>>) target(%dma_start3A_81 : memref<1x16xf32, #tpu.memory_space<vmem>>) target_semaphore(%arg15 : memref<!tpu.dma_semaphore, #tpu.memory_space<semaphore_mem>>)
      %slice3A_84 = vector.extract_strided_slice %get3A_38 {offsets = [4], sizes = [1], strides = [1]} : vector<16xi32> to vector<1xi32>
      %squeeze3A_85 = vector.extract %slice3A_84[0] : i32 from vector<1xi32>
      %add3A_86 = arith.constant 4 : i32
      %add3A_87 = arith.addi %mul3A_36, %add3A_86 : i32
      %dma_start3A_88 = arith.constant 0 : i32
      %dma_start3A_89 = tpu.memref_slice %arg14[%add3A_87, %dma_start3A_88] : memref<128x16xf32, #tpu.memory_space<vmem>> -> memref<1x16xf32, #tpu.memory_space<vmem>>
      %dma_start3A_90 = arith.constant 0 : i32
      %dma_start3A_91 = tpu.memref_slice %arg6[%squeeze3A_85, %dma_start3A_90] : memref<3x16xf32, #tpu.memory_space<hbm>> -> memref<1x16xf32, #tpu.memory_space<hbm>>
      %dma_start3A_92 = arith.constant 0 : i32
      %dma_start3A_93 = tpu.memref_slice %arg14[%add3A_87, %dma_start3A_92] : memref<128x16xf32, #tpu.memory_space<vmem>> -> memref<1x16xf32, #tpu.memory_space<vmem>>
      %dma_start3A_94 = arith.constant 0 : i32
      %dma_start3A_95 = tpu.memref_slice %arg6[%squeeze3A_85, %dma_start3A_94] : memref<3x16xf32, #tpu.memory_space<hbm>> -> memref<1x16xf32, #tpu.memory_space<hbm>>
      tpu.enqueue_dma source(%dma_start3A_95 : memref<1x16xf32, #tpu.memory_space<hbm>>) target(%dma_start3A_93 : memref<1x16xf32, #tpu.memory_space<vmem>>) target_semaphore(%arg15 : memref<!tpu.dma_semaphore, #tpu.memory_space<semaphore_mem>>)
      %slice3A_96 = vector.extract_strided_slice %get3A_38 {offsets = [5], sizes = [1], strides = [1]} : vector<16xi32> to vector<1xi32>
      %squeeze3A_97 = vector.extract %slice3A_96[0] : i32 from vector<1xi32>
      %add3A_98 = arith.constant 5 : i32
      %add3A_99 = arith.addi %mul3A_36, %add3A_98 : i32
      %dma_start3A_100 = arith.constant 0 : i32
      %dma_start3A_101 = tpu.memref_slice %arg14[%add3A_99, %dma_start3A_100] : memref<128x16xf32, #tpu.memory_space<vmem>> -> memref<1x16xf32, #tpu.memory_space<vmem>>
      %dma_start3A_102 = arith.constant 0 : i32
      %dma_start3A_103 = tpu.memref_slice %arg6[%squeeze3A_97, %dma_start3A_102] : memref<3x16xf32, #tpu.memory_space<hbm>> -> memref<1x16xf32, #tpu.memory_space<hbm>>
      %dma_start3A_104 = arith.constant 0 : i32
      %dma_start3A_105 = tpu.memref_slice %arg14[%add3A_99, %dma_start3A_104] : memref<128x16xf32, #tpu.memory_space<vmem>> -> memref<1x16xf32, #tpu.memory_space<vmem>>
      %dma_start3A_106 = arith.constant 0 : i32
      %dma_start3A_107 = tpu.memref_slice %arg6[%squeeze3A_97, %dma_start3A_106] : memref<3x16xf32, #tpu.memory_space<hbm>> -> memref<1x16xf32, #tpu.memory_space<hbm>>
      tpu.enqueue_dma source(%dma_start3A_107 : memref<1x16xf32, #tpu.memory_space<hbm>>) target(%dma_start3A_105 : memref<1x16xf32, #tpu.memory_space<vmem>>) target_semaphore(%arg15 : memref<!tpu.dma_semaphore, #tpu.memory_space<semaphore_mem>>)
      %slice3A_108 = vector.extract_strided_slice %get3A_38 {offsets = [6], sizes = [1], strides = [1]} : vector<16xi32> to vector<1xi32>
      %squeeze3A_109 = vector.extract %slice3A_108[0] : i32 from vector<1xi32>
      %add3A_110 = arith.constant 6 : i32
      %add3A_111 = arith.addi %mul3A_36, %add3A_110 : i32
      %dma_start3A_112 = arith.constant 0 : i32
      %dma_start3A_113 = tpu.memref_slice %arg14[%add3A_111, %dma_start3A_112] : memref<128x16xf32, #tpu.memory_space<vmem>> -> memref<1x16xf32, #tpu.memory_space<vmem>>
      %dma_start3A_114 = arith.constant 0 : i32
      %dma_start3A_115 = tpu.memref_slice %arg6[%squeeze3A_109, %dma_start3A_114] : memref<3x16xf32, #tpu.memory_space<hbm>> -> memref<1x16xf32, #tpu.memory_space<hbm>>
      %dma_start3A_116 = arith.constant 0 : i32
      %dma_start3A_117 = tpu.memref_slice %arg14[%add3A_111, %dma_start3A_116] : memref<128x16xf32, #tpu.memory_space<vmem>> -> memref<1x16xf32, #tpu.memory_space<vmem>>
      %dma_start3A_118 = arith.constant 0 : i32
      %dma_start3A_119 = tpu.memref_slice %arg6[%squeeze3A_109, %dma_start3A_118] : memref<3x16xf32, #tpu.memory_space<hbm>> -> memref<1x16xf32, #tpu.memory_space<hbm>>
      tpu.enqueue_dma source(%dma_start3A_119 : memref<1x16xf32, #tpu.memory_space<hbm>>) target(%dma_start3A_117 : memref<1x16xf32, #tpu.memory_space<vmem>>) target_semaphore(%arg15 : memref<!tpu.dma_semaphore, #tpu.memory_space<semaphore_mem>>)
      %slice3A_120 = vector.extract_strided_slice %get3A_38 {offsets = [7], sizes = [1], strides = [1]} : vector<16xi32> to vector<1xi32>
      %squeeze3A_121 = vector.extract %slice3A_120[0] : i32 from vector<1xi32>
      %add3A_122 = arith.constant 7 : i32
      %add3A_123 = arith.addi %mul3A_36, %add3A_122 : i32
      %dma_start3A_124 = arith.constant 0 : i32
      %dma_start3A_125 = tpu.memref_slice %arg14[%add3A_123, %dma_start3A_124] : memref<128x16xf32, #tpu.memory_space<vmem>> -> memref<1x16xf32, #tpu.memory_space<vmem>>
      %dma_start3A_126 = arith.constant 0 : i32
      %dma_start3A_127 = tpu.memref_slice %arg6[%squeeze3A_121, %dma_start3A_126] : memref<3x16xf32, #tpu.memory_space<hbm>> -> memref<1x16xf32, #tpu.memory_space<hbm>>
      %dma_start3A_128 = arith.constant 0 : i32
      %dma_start3A_129 = tpu.memref_slice %arg14[%add3A_123, %dma_start3A_128] : memref<128x16xf32, #tpu.memory_space<vmem>> -> memref<1x16xf32, #tpu.memory_space<vmem>>
      %dma_start3A_130 = arith.constant 0 : i32
      %dma_start3A_131 = tpu.memref_slice %arg6[%squeeze3A_121, %dma_start3A_130] : memref<3x16xf32, #tpu.memory_space<hbm>> -> memref<1x16xf32, #tpu.memory_space<hbm>>
      tpu.enqueue_dma source(%dma_start3A_131 : memref<1x16xf32, #tpu.memory_space<hbm>>) target(%dma_start3A_129 : memref<1x16xf32, #tpu.memory_space<vmem>>) target_semaphore(%arg15 : memref<!tpu.dma_semaphore, #tpu.memory_space<semaphore_mem>>)
      %slice3A_132 = vector.extract_strided_slice %get3A_38 {offsets = [8], sizes = [1], strides = [1]} : vector<16xi32> to vector<1xi32>
      %squeeze3A_133 = vector.extract %slice3A_132[0] : i32 from vector<1xi32>
      %add3A_134 = arith.constant 8 : i32
      %add3A_135 = arith.addi %mul3A_36, %add3A_134 : i32
      %dma_start3A_136 = arith.constant 0 : i32
      %dma_start3A_137 = tpu.memref_slice %arg14[%add3A_135, %dma_start3A_136] : memref<128x16xf32, #tpu.memory_space<vmem>> -> memref<1x16xf32, #tpu.memory_space<vmem>>
      %dma_start3A_138 = arith.constant 0 : i32
      %dma_start3A_139 = tpu.memref_slice %arg6[%squeeze3A_133, %dma_start3A_138] : memref<3x16xf32, #tpu.memory_space<hbm>> -> memref<1x16xf32, #tpu.memory_space<hbm>>
      %dma_start3A_140 = arith.constant 0 : i32
      %dma_start3A_141 = tpu.memref_slice %arg14[%add3A_135, %dma_start3A_140] : memref<128x16xf32, #tpu.memory_space<vmem>> -> memref<1x16xf32, #tpu.memory_space<vmem>>
      %dma_start3A_142 = arith.constant 0 : i32
      %dma_start3A_143 = tpu.memref_slice %arg6[%squeeze3A_133, %dma_start3A_142] : memref<3x16xf32, #tpu.memory_space<hbm>> -> memref<1x16xf32, #tpu.memory_space<hbm>>
      tpu.enqueue_dma source(%dma_start3A_143 : memref<1x16xf32, #tpu.memory_space<hbm>>) target(%dma_start3A_141 : memref<1x16xf32, #tpu.memory_space<vmem>>) target_semaphore(%arg15 : memref<!tpu.dma_semaphore, #tpu.memory_space<semaphore_mem>>)
      %slice3A_144 = vector.extract_strided_slice %get3A_38 {offsets = [9], sizes = [1], strides = [1]} : vector<16xi32> to vector<1xi32>
      %squeeze3A_145 = vector.extract %slice3A_144[0] : i32 from vector<1xi32>
      %add3A_146 = arith.constant 9 : i32
      %add3A_147 = arith.addi %mul3A_36, %add3A_146 : i32
      %dma_start3A_148 = arith.constant 0 : i32
      %dma_start3A_149 = tpu.memref_slice %arg14[%add3A_147, %dma_start3A_148] : memref<128x16xf32, #tpu.memory_space<vmem>> -> memref<1x16xf32, #tpu.memory_space<vmem>>
      %dma_start3A_150 = arith.constant 0 : i32
      %dma_start3A_151 = tpu.memref_slice %arg6[%squeeze3A_145, %dma_start3A_150] : memref<3x16xf32, #tpu.memory_space<hbm>> -> memref<1x16xf32, #tpu.memory_space<hbm>>
      %dma_start3A_152 = arith.constant 0 : i32
      %dma_start3A_153 = tpu.memref_slice %arg14[%add3A_147, %dma_start3A_152] : memref<128x16xf32, #tpu.memory_space<vmem>> -> memref<1x16xf32, #tpu.memory_space<vmem>>
      %dma_start3A_154 = arith.constant 0 : i32
      %dma_start3A_155 = tpu.memref_slice %arg6[%squeeze3A_145, %dma_start3A_154] : memref<3x16xf32, #tpu.memory_space<hbm>> -> memref<1x16xf32, #tpu.memory_space<hbm>>
      tpu.enqueue_dma source(%dma_start3A_155 : memref<1x16xf32, #tpu.memory_space<hbm>>) target(%dma_start3A_153 : memref<1x16xf32, #tpu.memory_space<vmem>>) target_semaphore(%arg15 : memref<!tpu.dma_semaphore, #tpu.memory_space<semaphore_mem>>)
      %slice3A_156 = vector.extract_strided_slice %get3A_38 {offsets = [10], sizes = [1], strides = [1]} : vector<16xi32> to vector<1xi32>
      %squeeze3A_157 = vector.extract %slice3A_156[0] : i32 from vector<1xi32>
      %add3A_158 = arith.constant 10 : i32
      %add3A_159 = arith.addi %mul3A_36, %add3A_158 : i32
      %dma_start3A_160 = arith.constant 0 : i32
      %dma_start3A_161 = tpu.memref_slice %arg14[%add3A_159, %dma_start3A_160] : memref<128x16xf32, #tpu.memory_space<vmem>> -> memref<1x16xf32, #tpu.memory_space<vmem>>
      %dma_start3A_162 = arith.constant 0 : i32
      %dma_start3A_163 = tpu.memref_slice %arg6[%squeeze3A_157, %dma_start3A_162] : memref<3x16xf32, #tpu.memory_space<hbm>> -> memref<1x16xf32, #tpu.memory_space<hbm>>
      %dma_start3A_164 = arith.constant 0 : i32
      %dma_start3A_165 = tpu.memref_slice %arg14[%add3A_159, %dma_start3A_164] : memref<128x16xf32, #tpu.memory_space<vmem>> -> memref<1x16xf32, #tpu.memory_space<vmem>>
      %dma_start3A_166 = arith.constant 0 : i32
      %dma_start3A_167 = tpu.memref_slice %arg6[%squeeze3A_157, %dma_start3A_166] : memref<3x16xf32, #tpu.memory_space<hbm>> -> memref<1x16xf32, #tpu.memory_space<hbm>>
      tpu.enqueue_dma source(%dma_start3A_167 : memref<1x16xf32, #tpu.memory_space<hbm>>) target(%dma_start3A_165 : memref<1x16xf32, #tpu.memory_space<vmem>>) target_semaphore(%arg15 : memref<!tpu.dma_semaphore, #tpu.memory_space<semaphore_mem>>)
      %slice3A_168 = vector.extract_strided_slice %get3A_38 {offsets = [11], sizes = [1], strides = [1]} : vector<16xi32> to vector<1xi32>
      %squeeze3A_169 = vector.extract %slice3A_168[0] : i32 from vector<1xi32>
      %add3A_170 = arith.constant 11 : i32
      %add3A_171 = arith.addi %mul3A_36, %add3A_170 : i32
      %dma_start3A_172 = arith.constant 0 : i32
      %dma_start3A_173 = tpu.memref_slice %arg14[%add3A_171, %dma_start3A_172] : memref<128x16xf32, #tpu.memory_space<vmem>> -> memref<1x16xf32, #tpu.memory_space<vmem>>
      %dma_start3A_174 = arith.constant 0 : i32
      %dma_start3A_175 = tpu.memref_slice %arg6[%squeeze3A_169, %dma_start3A_174] : memref<3x16xf32, #tpu.memory_space<hbm>> -> memref<1x16xf32, #tpu.memory_space<hbm>>
      %dma_start3A_176 = arith.constant 0 : i32
      %dma_start3A_177 = tpu.memref_slice %arg14[%add3A_171, %dma_start3A_176] : memref<128x16xf32, #tpu.memory_space<vmem>> -> memref<1x16xf32, #tpu.memory_space<vmem>>
      %dma_start3A_178 = arith.constant 0 : i32
      %dma_start3A_179 = tpu.memref_slice %arg6[%squeeze3A_169, %dma_start3A_178] : memref<3x16xf32, #tpu.memory_space<hbm>> -> memref<1x16xf32, #tpu.memory_space<hbm>>
      tpu.enqueue_dma source(%dma_start3A_179 : memref<1x16xf32, #tpu.memory_space<hbm>>) target(%dma_start3A_177 : memref<1x16xf32, #tpu.memory_space<vmem>>) target_semaphore(%arg15 : memref<!tpu.dma_semaphore, #tpu.memory_space<semaphore_mem>>)
      %slice3A_180 = vector.extract_strided_slice %get3A_38 {offsets = [12], sizes = [1], strides = [1]} : vector<16xi32> to vector<1xi32>
      %squeeze3A_181 = vector.extract %slice3A_180[0] : i32 from vector<1xi32>
      %add3A_182 = arith.constant 12 : i32
      %add3A_183 = arith.addi %mul3A_36, %add3A_182 : i32
      %dma_start3A_184 = arith.constant 0 : i32
      %dma_start3A_185 = tpu.memref_slice %arg14[%add3A_183, %dma_start3A_184] : memref<128x16xf32, #tpu.memory_space<vmem>> -> memref<1x16xf32, #tpu.memory_space<vmem>>
      %dma_start3A_186 = arith.constant 0 : i32
      %dma_start3A_187 = tpu.memref_slice %arg6[%squeeze3A_181, %dma_start3A_186] : memref<3x16xf32, #tpu.memory_space<hbm>> -> memref<1x16xf32, #tpu.memory_space<hbm>>
      %dma_start3A_188 = arith.constant 0 : i32
      %dma_start3A_189 = tpu.memref_slice %arg14[%add3A_183, %dma_start3A_188] : memref<128x16xf32, #tpu.memory_space<vmem>> -> memref<1x16xf32, #tpu.memory_space<vmem>>
      %dma_start3A_190 = arith.constant 0 : i32
      %dma_start3A_191 = tpu.memref_slice %arg6[%squeeze3A_181, %dma_start3A_190] : memref<3x16xf32, #tpu.memory_space<hbm>> -> memref<1x16xf32, #tpu.memory_space<hbm>>
      tpu.enqueue_dma source(%dma_start3A_191 : memref<1x16xf32, #tpu.memory_space<hbm>>) target(%dma_start3A_189 : memref<1x16xf32, #tpu.memory_space<vmem>>) target_semaphore(%arg15 : memref<!tpu.dma_semaphore, #tpu.memory_space<semaphore_mem>>)
      %slice3A_192 = vector.extract_strided_slice %get3A_38 {offsets = [13], sizes = [1], strides = [1]} : vector<16xi32> to vector<1xi32>
      %squeeze3A_193 = vector.extract %slice3A_192[0] : i32 from vector<1xi32>
      %add3A_194 = arith.constant 13 : i32
      %add3A_195 = arith.addi %mul3A_36, %add3A_194 : i32
      %dma_start3A_196 = arith.constant 0 : i32
      %dma_start3A_197 = tpu.memref_slice %arg14[%add3A_195, %dma_start3A_196] : memref<128x16xf32, #tpu.memory_space<vmem>> -> memref<1x16xf32, #tpu.memory_space<vmem>>
      %dma_start3A_198 = arith.constant 0 : i32
      %dma_start3A_199 = tpu.memref_slice %arg6[%squeeze3A_193, %dma_start3A_198] : memref<3x16xf32, #tpu.memory_space<hbm>> -> memref<1x16xf32, #tpu.memory_space<hbm>>
      %dma_start3A_200 = arith.constant 0 : i32
      %dma_start3A_201 = tpu.memref_slice %arg14[%add3A_195, %dma_start3A_200] : memref<128x16xf32, #tpu.memory_space<vmem>> -> memref<1x16xf32, #tpu.memory_space<vmem>>
      %dma_start3A_202 = arith.constant 0 : i32
      %dma_start3A_203 = tpu.memref_slice %arg6[%squeeze3A_193, %dma_start3A_202] : memref<3x16xf32, #tpu.memory_space<hbm>> -> memref<1x16xf32, #tpu.memory_space<hbm>>
      tpu.enqueue_dma source(%dma_start3A_203 : memref<1x16xf32, #tpu.memory_space<hbm>>) target(%dma_start3A_201 : memref<1x16xf32, #tpu.memory_space<vmem>>) target_semaphore(%arg15 : memref<!tpu.dma_semaphore, #tpu.memory_space<semaphore_mem>>)
      %slice3A_204 = vector.extract_strided_slice %get3A_38 {offsets = [14], sizes = [1], strides = [1]} : vector<16xi32> to vector<1xi32>
      %squeeze3A_205 = vector.extract %slice3A_204[0] : i32 from vector<1xi32>
      %add3A_206 = arith.constant 14 : i32
      %add3A_207 = arith.addi %mul3A_36, %add3A_206 : i32
      %dma_start3A_208 = arith.constant 0 : i32
      %dma_start3A_209 = tpu.memref_slice %arg14[%add3A_207, %dma_start3A_208] : memref<128x16xf32, #tpu.memory_space<vmem>> -> memref<1x16xf32, #tpu.memory_space<vmem>>
      %dma_start3A_210 = arith.constant 0 : i32
      %dma_start3A_211 = tpu.memref_slice %arg6[%squeeze3A_205, %dma_start3A_210] : memref<3x16xf32, #tpu.memory_space<hbm>> -> memref<1x16xf32, #tpu.memory_space<hbm>>
      %dma_start3A_212 = arith.constant 0 : i32
      %dma_start3A_213 = tpu.memref_slice %arg14[%add3A_207, %dma_start3A_212] : memref<128x16xf32, #tpu.memory_space<vmem>> -> memref<1x16xf32, #tpu.memory_space<vmem>>
      %dma_start3A_214 = arith.constant 0 : i32
      %dma_start3A_215 = tpu.memref_slice %arg6[%squeeze3A_205, %dma_start3A_214] : memref<3x16xf32, #tpu.memory_space<hbm>> -> memref<1x16xf32, #tpu.memory_space<hbm>>
      tpu.enqueue_dma source(%dma_start3A_215 : memref<1x16xf32, #tpu.memory_space<hbm>>) target(%dma_start3A_213 : memref<1x16xf32, #tpu.memory_space<vmem>>) target_semaphore(%arg15 : memref<!tpu.dma_semaphore, #tpu.memory_space<semaphore_mem>>)
      %slice3A_216 = vector.extract_strided_slice %get3A_38 {offsets = [15], sizes = [1], strides = [1]} : vector<16xi32> to vector<1xi32>
      %squeeze3A_217 = vector.extract %slice3A_216[0] : i32 from vector<1xi32>
      %add3A_218 = arith.constant 15 : i32
      %add3A_219 = arith.addi %mul3A_36, %add3A_218 : i32
      %dma_start3A_220 = arith.constant 0 : i32
      %dma_start3A_221 = tpu.memref_slice %arg14[%add3A_219, %dma_start3A_220] : memref<128x16xf32, #tpu.memory_space<vmem>> -> memref<1x16xf32, #tpu.memory_space<vmem>>
      %dma_start3A_222 = arith.constant 0 : i32
      %dma_start3A_223 = tpu.memref_slice %arg6[%squeeze3A_217, %dma_start3A_222] : memref<3x16xf32, #tpu.memory_space<hbm>> -> memref<1x16xf32, #tpu.memory_space<hbm>>
      %dma_start3A_224 = arith.constant 0 : i32
      %dma_start3A_225 = tpu.memref_slice %arg14[%add3A_219, %dma_start3A_224] : memref<128x16xf32, #tpu.memory_space<vmem>> -> memref<1x16xf32, #tpu.memory_space<vmem>>
      %dma_start3A_226 = arith.constant 0 : i32
      %dma_start3A_227 = tpu.memref_slice %arg6[%squeeze3A_217, %dma_start3A_226] : memref<3x16xf32, #tpu.memory_space<hbm>> -> memref<1x16xf32, #tpu.memory_space<hbm>>
      tpu.enqueue_dma source(%dma_start3A_227 : memref<1x16xf32, #tpu.memory_space<hbm>>) target(%dma_start3A_225 : memref<1x16xf32, #tpu.memory_space<vmem>>) target_semaphore(%arg15 : memref<!tpu.dma_semaphore, #tpu.memory_space<semaphore_mem>>)
    }
    %scan3A_16 = arith.constant 8 : i32
    %dma_wait3A = arith.constant 0 : i32
    %dma_wait3A_17 = arith.constant 0 : i32
    %dma_wait3A_18 = tpu.memref_slice %arg2[%dma_wait3A, %dma_wait3A_17] : memref<100000x64xf32, #tpu.memory_space<hbm>> -> memref<128x64xf32, #tpu.memory_space<hbm>>
    %dma_wait3A_19 = arith.constant 0 : i32
    %dma_wait3A_20 = arith.constant 0 : i32
    %dma_wait3A_21 = tpu.memref_slice %arg2[%dma_wait3A_19, %dma_wait3A_20] : memref<100000x64xf32, #tpu.memory_space<hbm>> -> memref<128x64xf32, #tpu.memory_space<hbm>>
    tpu.wait_dma2 semaphore(%arg15 : memref<!tpu.dma_semaphore, #tpu.memory_space<semaphore_mem>>) src(%dma_wait3A_21 : memref<128x64xf32, #tpu.memory_space<hbm>>) dst(%arg12 : memref<128x64xf32, #tpu.memory_space<vmem>>)
    %dma_wait3A_22 = arith.constant 0 : i32
    %dma_wait3A_23 = arith.constant 0 : i32
    %dma_wait3A_24 = tpu.memref_slice %arg4[%dma_wait3A_22, %dma_wait3A_23] : memref<32x16xf32, #tpu.memory_space<hbm>> -> memref<128x16xf32, #tpu.memory_space<hbm>>
    %dma_wait3A_25 = arith.constant 0 : i32
    %dma_wait3A_26 = arith.constant 0 : i32
    %dma_wait3A_27 = tpu.memref_slice %arg4[%dma_wait3A_25, %dma_wait3A_26] : memref<32x16xf32, #tpu.memory_space<hbm>> -> memref<128x16xf32, #tpu.memory_space<hbm>>
    tpu.wait_dma2 semaphore(%arg15 : memref<!tpu.dma_semaphore, #tpu.memory_space<semaphore_mem>>) src(%dma_wait3A_27 : memref<128x16xf32, #tpu.memory_space<hbm>>) dst(%arg13 : memref<128x16xf32, #tpu.memory_space<vmem>>)
    %dma_wait3A_28 = arith.constant 0 : i32
    %dma_wait3A_29 = arith.constant 0 : i32
    %dma_wait3A_30 = tpu.memref_slice %arg6[%dma_wait3A_28, %dma_wait3A_29] : memref<3x16xf32, #tpu.memory_space<hbm>> -> memref<128x16xf32, #tpu.memory_space<hbm>>
    %dma_wait3A_31 = arith.constant 0 : i32
    %dma_wait3A_32 = arith.constant 0 : i32
    %dma_wait3A_33 = tpu.memref_slice %arg6[%dma_wait3A_31, %dma_wait3A_32] : memref<3x16xf32, #tpu.memory_space<hbm>> -> memref<128x16xf32, #tpu.memory_space<hbm>>
    tpu.wait_dma2 semaphore(%arg15 : memref<!tpu.dma_semaphore, #tpu.memory_space<semaphore_mem>>) src(%dma_wait3A_33 : memref<128x16xf32, #tpu.memory_space<hbm>>) dst(%arg14 : memref<128x16xf32, #tpu.memory_space<vmem>>)
    "tpu.region"() ({
      %run_scoped3A = tpu.sem_alloc : memref<!tpu.dma_semaphore, #tpu.memory_space<semaphore_mem>>
      %dma_start3A = arith.constant 0 : i32
      %dma_start3A_34 = tpu.memref_slice %arg8[%mul3A_2, %dma_start3A] : memref<4096x64xf32, #tpu.memory_space<hbm>> -> memref<128x64xf32, #tpu.memory_space<hbm>>
      %dma_start3A_35 = arith.constant 0 : i32
      %dma_start3A_36 = tpu.memref_slice %arg8[%mul3A_2, %dma_start3A_35] : memref<4096x64xf32, #tpu.memory_space<hbm>> -> memref<128x64xf32, #tpu.memory_space<hbm>>
      tpu.enqueue_dma source(%arg12 : memref<128x64xf32, #tpu.memory_space<vmem>>) target(%dma_start3A_36 : memref<128x64xf32, #tpu.memory_space<hbm>>) target_semaphore(%run_scoped3A : memref<!tpu.dma_semaphore, #tpu.memory_space<semaphore_mem>>)
      %dma_wait3A_37 = arith.constant 0 : i32
      %dma_wait3A_38 = tpu.memref_slice %arg8[%mul3A_2, %dma_wait3A_37] : memref<4096x64xf32, #tpu.memory_space<hbm>> -> memref<128x64xf32, #tpu.memory_space<hbm>>
      %dma_wait3A_39 = arith.constant 0 : i32
      %dma_wait3A_40 = tpu.memref_slice %arg8[%mul3A_2, %dma_wait3A_39] : memref<4096x64xf32, #tpu.memory_space<hbm>> -> memref<128x64xf32, #tpu.memory_space<hbm>>
      tpu.wait_dma2 semaphore(%run_scoped3A : memref<!tpu.dma_semaphore, #tpu.memory_space<semaphore_mem>>) src(%arg12 : memref<128x64xf32, #tpu.memory_space<vmem>>) dst(%dma_wait3A_40 : memref<128x64xf32, #tpu.memory_space<hbm>>)
      tpu.yield
    }) : () -> ()
    "tpu.region"() ({
      %run_scoped3A = tpu.sem_alloc : memref<!tpu.dma_semaphore, #tpu.memory_space<semaphore_mem>>
      %dma_start3A = arith.constant 0 : i32
      %dma_start3A_34 = tpu.memref_slice %arg9[%mul3A_2, %dma_start3A] : memref<4096x16xf32, #tpu.memory_space<hbm>> -> memref<128x16xf32, #tpu.memory_space<hbm>>
      %dma_start3A_35 = arith.constant 0 : i32
      %dma_start3A_36 = tpu.memref_slice %arg9[%mul3A_2, %dma_start3A_35] : memref<4096x16xf32, #tpu.memory_space<hbm>> -> memref<128x16xf32, #tpu.memory_space<hbm>>
      tpu.enqueue_dma source(%arg13 : memref<128x16xf32, #tpu.memory_space<vmem>>) target(%dma_start3A_36 : memref<128x16xf32, #tpu.memory_space<hbm>>) target_semaphore(%run_scoped3A : memref<!tpu.dma_semaphore, #tpu.memory_space<semaphore_mem>>)
      %dma_wait3A_37 = arith.constant 0 : i32
      %dma_wait3A_38 = tpu.memref_slice %arg9[%mul3A_2, %dma_wait3A_37] : memref<4096x16xf32, #tpu.memory_space<hbm>> -> memref<128x16xf32, #tpu.memory_space<hbm>>
      %dma_wait3A_39 = arith.constant 0 : i32
      %dma_wait3A_40 = tpu.memref_slice %arg9[%mul3A_2, %dma_wait3A_39] : memref<4096x16xf32, #tpu.memory_space<hbm>> -> memref<128x16xf32, #tpu.memory_space<hbm>>
      tpu.wait_dma2 semaphore(%run_scoped3A : memref<!tpu.dma_semaphore, #tpu.memory_space<semaphore_mem>>) src(%arg13 : memref<128x16xf32, #tpu.memory_space<vmem>>) dst(%dma_wait3A_40 : memref<128x16xf32, #tpu.memory_space<hbm>>)
      tpu.yield
    }) : () -> ()
    "tpu.region"() ({
      %run_scoped3A = tpu.sem_alloc : memref<!tpu.dma_semaphore, #tpu.memory_space<semaphore_mem>>
      %dma_start3A = arith.constant 0 : i32
      %dma_start3A_34 = tpu.memref_slice %arg10[%mul3A_2, %dma_start3A] : memref<4096x16xf32, #tpu.memory_space<hbm>> -> memref<128x16xf32, #tpu.memory_space<hbm>>
      %dma_start3A_35 = arith.constant 0 : i32
      %dma_start3A_36 = tpu.memref_slice %arg10[%mul3A_2, %dma_start3A_35] : memref<4096x16xf32, #tpu.memory_space<hbm>> -> memref<128x16xf32, #tpu.memory_space<hbm>>
      tpu.enqueue_dma source(%arg14 : memref<128x16xf32, #tpu.memory_space<vmem>>) target(%dma_start3A_36 : memref<128x16xf32, #tpu.memory_space<hbm>>) target_semaphore(%run_scoped3A : memref<!tpu.dma_semaphore, #tpu.memory_space<semaphore_mem>>)
      %dma_wait3A_37 = arith.constant 0 : i32
      %dma_wait3A_38 = tpu.memref_slice %arg10[%mul3A_2, %dma_wait3A_37] : memref<4096x16xf32, #tpu.memory_space<hbm>> -> memref<128x16xf32, #tpu.memory_space<hbm>>
      %dma_wait3A_39 = arith.constant 0 : i32
      %dma_wait3A_40 = tpu.memref_slice %arg10[%mul3A_2, %dma_wait3A_39] : memref<4096x16xf32, #tpu.memory_space<hbm>> -> memref<128x16xf32, #tpu.memory_space<hbm>>
      tpu.wait_dma2 semaphore(%run_scoped3A : memref<!tpu.dma_semaphore, #tpu.memory_space<semaphore_mem>>) src(%arg14 : memref<128x16xf32, #tpu.memory_space<vmem>>) dst(%dma_wait3A_40 : memref<128x16xf32, #tpu.memory_space<hbm>>)
      tpu.yield
    }) : () -> ()
    return
  }
}

module attributes {stable_mosaic.version = 14 : i64} {
  func.func @body(%arg0: i32, %arg1: memref<4096xi32, #tpu.memory_space<smem>>, %arg2: memref<64x128xf32, #tpu.memory_space<vmem>>, %arg3: memref<64x128xf32, #tpu.memory_space<vmem>>, %arg4: memref<64x128xf32, #tpu.memory_space<vmem>>, %arg5: memref<64x128xf32, #tpu.memory_space<vmem>>, %arg6: memref<64x128xf32, #tpu.memory_space<vmem>>, %arg7: memref<64x128xf32, #tpu.memory_space<vmem>>, %arg8: memref<64x128xf32, #tpu.memory_space<vmem>>, %arg9: memref<64x128xf32, #tpu.memory_space<vmem>>, %arg10: memref<64x128xf32, #tpu.memory_space<vmem>>, %arg11: memref<64x128xf32, #tpu.memory_space<vmem>>, %arg12: memref<64x128xf32, #tpu.memory_space<vmem>>, %arg13: memref<64x128xf32, #tpu.memory_space<vmem>>, %arg14: memref<64x128xf32, #tpu.memory_space<vmem>>, %arg15: memref<64x128xf32, #tpu.memory_space<vmem>>, %arg16: memref<64x128xf32, #tpu.memory_space<vmem>>, %arg17: memref<64x128xf32, #tpu.memory_space<vmem>>, %arg18: memref<64x128xf32, #tpu.memory_space<vmem>>, %arg19: memref<64x128xf32, #tpu.memory_space<vmem>>, %arg20: memref<64x128xf32, #tpu.memory_space<vmem>>, %arg21: memref<64x128xf32, #tpu.memory_space<vmem>>, %arg22: memref<64x128xf32, #tpu.memory_space<vmem>>, %arg23: memref<64x128xf32, #tpu.memory_space<vmem>>, %arg24: memref<64x128xf32, #tpu.memory_space<vmem>>, %arg25: memref<64x128xf32, #tpu.memory_space<vmem>>, %arg26: memref<64x128xf32, #tpu.memory_space<vmem>>, %arg27: memref<64x128xf32, #tpu.memory_space<vmem>>, %arg28: memref<64x128xf32, #tpu.memory_space<vmem>>, %arg29: memref<64x128xf32, #tpu.memory_space<vmem>>, %arg30: memref<64x128xf32, #tpu.memory_space<vmem>>, %arg31: memref<64x128xf32, #tpu.memory_space<vmem>>, %arg32: memref<64x128xf32, #tpu.memory_space<vmem>>, %arg33: memref<64x128xf32, #tpu.memory_space<vmem>>, %arg34: memref<64x128xf32, #tpu.memory_space<vmem>>, %arg35: memref<64x128xf32, #tpu.memory_space<vmem>>, %arg36: memref<64x128xf32, #tpu.memory_space<vmem>>, %arg37: memref<64x128xf32, #tpu.memory_space<vmem>>, %arg38: memref<64x128xf32, #tpu.memory_space<vmem>>, %arg39: memref<64x128xf32, #tpu.memory_space<vmem>>, %arg40: memref<64x128xf32, #tpu.memory_space<vmem>>, %arg41: memref<64x128xf32, #tpu.memory_space<vmem>>, %arg42: memref<64x128xf32, #tpu.memory_space<vmem>>, %arg43: memref<64x128xf32, #tpu.memory_space<vmem>>, %arg44: memref<64x128xf32, #tpu.memory_space<vmem>>, %arg45: memref<64x128xf32, #tpu.memory_space<vmem>>, %arg46: memref<64x128xf32, #tpu.memory_space<vmem>>, %arg47: memref<64x128xf32, #tpu.memory_space<vmem>>, %arg48: memref<64x128xf32, #tpu.memory_space<vmem>>, %arg49: memref<64x128xf32, #tpu.memory_space<vmem>>, %arg50: memref<64x128xf32, #tpu.memory_space<vmem>>, %arg51: memref<64x128xf32, #tpu.memory_space<vmem>>, %arg52: memref<64x128xf32, #tpu.memory_space<vmem>>, %arg53: memref<64x128xf32, #tpu.memory_space<vmem>>, %arg54: memref<64x128xf32, #tpu.memory_space<vmem>>, %arg55: memref<64x128xf32, #tpu.memory_space<vmem>>, %arg56: memref<64x128xf32, #tpu.memory_space<vmem>>, %arg57: memref<64x128xf32, #tpu.memory_space<vmem>>, %arg58: memref<64x128xf32, #tpu.memory_space<vmem>>, %arg59: memref<64x128xf32, #tpu.memory_space<vmem>>, %arg60: memref<64x128xf32, #tpu.memory_space<vmem>>, %arg61: memref<64x128xf32, #tpu.memory_space<vmem>>, %arg62: memref<64x128xf32, #tpu.memory_space<vmem>>, %arg63: memref<64x128xf32, #tpu.memory_space<vmem>>, %arg64: memref<64x128xf32, #tpu.memory_space<vmem>>, %arg65: memref<64x128xf32, #tpu.memory_space<vmem>>, %arg66: memref<64x64xf32, #tpu.memory_space<vmem>>) attributes {dimension_semantics = [#tpu.dimension_semantics<arbitrary>], iteration_bounds = array<i64: 64>, scalar_prefetch = 1 : i64, scratch_operands = 0 : i64, tpu.core_type = #tpu.core_type<tc>, window_params = [{transform_indices = @transform_0, window_bounds = array<i64: 64, 128>}, {transform_indices = @transform_1, window_bounds = array<i64: 64, 128>}, {transform_indices = @transform_2, window_bounds = array<i64: 64, 128>}, {transform_indices = @transform_3, window_bounds = array<i64: 64, 128>}, {transform_indices = @transform_4, window_bounds = array<i64: 64, 128>}, {transform_indices = @transform_5, window_bounds = array<i64: 64, 128>}, {transform_indices = @transform_6, window_bounds = array<i64: 64, 128>}, {transform_indices = @transform_7, window_bounds = array<i64: 64, 128>}, {transform_indices = @transform_8, window_bounds = array<i64: 64, 128>}, {transform_indices = @transform_9, window_bounds = array<i64: 64, 128>}, {transform_indices = @transform_10, window_bounds = array<i64: 64, 128>}, {transform_indices = @transform_11, window_bounds = array<i64: 64, 128>}, {transform_indices = @transform_12, window_bounds = array<i64: 64, 128>}, {transform_indices = @transform_13, window_bounds = array<i64: 64, 128>}, {transform_indices = @transform_14, window_bounds = array<i64: 64, 128>}, {transform_indices = @transform_15, window_bounds = array<i64: 64, 128>}, {transform_indices = @transform_16, window_bounds = array<i64: 64, 128>}, {transform_indices = @transform_17, window_bounds = array<i64: 64, 128>}, {transform_indices = @transform_18, window_bounds = array<i64: 64, 128>}, {transform_indices = @transform_19, window_bounds = array<i64: 64, 128>}, {transform_indices = @transform_20, window_bounds = array<i64: 64, 128>}, {transform_indices = @transform_21, window_bounds = array<i64: 64, 128>}, {transform_indices = @transform_22, window_bounds = array<i64: 64, 128>}, {transform_indices = @transform_23, window_bounds = array<i64: 64, 128>}, {transform_indices = @transform_24, window_bounds = array<i64: 64, 128>}, {transform_indices = @transform_25, window_bounds = array<i64: 64, 128>}, {transform_indices = @transform_26, window_bounds = array<i64: 64, 128>}, {transform_indices = @transform_27, window_bounds = array<i64: 64, 128>}, {transform_indices = @transform_28, window_bounds = array<i64: 64, 128>}, {transform_indices = @transform_29, window_bounds = array<i64: 64, 128>}, {transform_indices = @transform_30, window_bounds = array<i64: 64, 128>}, {transform_indices = @transform_31, window_bounds = array<i64: 64, 128>}, {transform_indices = @transform_32, window_bounds = array<i64: 64, 128>}, {transform_indices = @transform_33, window_bounds = array<i64: 64, 128>}, {transform_indices = @transform_34, window_bounds = array<i64: 64, 128>}, {transform_indices = @transform_35, window_bounds = array<i64: 64, 128>}, {transform_indices = @transform_36, window_bounds = array<i64: 64, 128>}, {transform_indices = @transform_37, window_bounds = array<i64: 64, 128>}, {transform_indices = @transform_38, window_bounds = array<i64: 64, 128>}, {transform_indices = @transform_39, window_bounds = array<i64: 64, 128>}, {transform_indices = @transform_40, window_bounds = array<i64: 64, 128>}, {transform_indices = @transform_41, window_bounds = array<i64: 64, 128>}, {transform_indices = @transform_42, window_bounds = array<i64: 64, 128>}, {transform_indices = @transform_43, window_bounds = array<i64: 64, 128>}, {transform_indices = @transform_44, window_bounds = array<i64: 64, 128>}, {transform_indices = @transform_45, window_bounds = array<i64: 64, 128>}, {transform_indices = @transform_46, window_bounds = array<i64: 64, 128>}, {transform_indices = @transform_47, window_bounds = array<i64: 64, 128>}, {transform_indices = @transform_48, window_bounds = array<i64: 64, 128>}, {transform_indices = @transform_49, window_bounds = array<i64: 64, 128>}, {transform_indices = @transform_50, window_bounds = array<i64: 64, 128>}, {transform_indices = @transform_51, window_bounds = array<i64: 64, 128>}, {transform_indices = @transform_52, window_bounds = array<i64: 64, 128>}, {transform_indices = @transform_53, window_bounds = array<i64: 64, 128>}, {transform_indices = @transform_54, window_bounds = array<i64: 64, 128>}, {transform_indices = @transform_55, window_bounds = array<i64: 64, 128>}, {transform_indices = @transform_56, window_bounds = array<i64: 64, 128>}, {transform_indices = @transform_57, window_bounds = array<i64: 64, 128>}, {transform_indices = @transform_58, window_bounds = array<i64: 64, 128>}, {transform_indices = @transform_59, window_bounds = array<i64: 64, 128>}, {transform_indices = @transform_60, window_bounds = array<i64: 64, 128>}, {transform_indices = @transform_61, window_bounds = array<i64: 64, 128>}, {transform_indices = @transform_62, window_bounds = array<i64: 64, 128>}, {transform_indices = @transform_63, window_bounds = array<i64: 64, 128>}, {transform_indices = @transform_64, window_bounds = array<i64: 64, 64>}]} {
    %iota3A = tpu.iota {dimensions = array<i32: 1>} : vector<1x128xi32>
    %mul3A = arith.constant 64 : i32
    %mul3A_0 = arith.muli %arg0, %mul3A : i32
    %add3A = arith.constant 0 : i32
    %add3A_1 = arith.addi %mul3A_0, %add3A : i32
    %get3A = arith.index_cast %add3A_1 : i32 to index
    %get3A_2 = memref.load %arg1[%get3A] : memref<4096xi32, #tpu.memory_space<smem>>
    %rem3A = arith.constant 128 : i32
    %rem3A_3 = arith.remsi %get3A_2, %rem3A : i32
    %eq3A = vector.broadcast %rem3A_3 : i32 to vector<1x128xi32>
    %eq3A_4 = arith.cmpi eq, %iota3A, %eq3A : vector<1x128xi32>
    %convert_element_type3A = arith.extui %eq3A_4 : vector<1x128xi1> to vector<1x128xi32>
    %convert_element_type3A_5 = arith.sitofp %convert_element_type3A : vector<1x128xi32> to vector<1x128xf32>
    %get3A_6 = arith.constant 0 : index
    %get3A_7 = arith.constant 0 : index
    %get3A_8 = vector.load %arg2[%get3A_6, %get3A_7] : memref<64x128xf32, #tpu.memory_space<vmem>>, vector<64x128xf32>
    %dot_general3A = arith.constant dense<0.000000e+00> : vector<1x64xf32>
    %dot_general3A_9 = tpu.matmul %convert_element_type3A_5, %get3A_8, %dot_general3A {dimension_numbers = #tpu.dot_dimension_numbers<[1], [1], [0], [0], [0, 0, 1, 0], [], []>, transpose_lhs_hint = false} : vector<1x128xf32>, vector<64x128xf32>, vector<1x64xf32> -> vector<1x64xf32>
    %swap3A = arith.constant 0 : index
    %swap3A_10 = arith.constant 0 : index
    %swap3A_11 = vector.load %arg66[%swap3A, %swap3A_10] : memref<64x64xf32, #tpu.memory_space<vmem>>, vector<1x64xf32>
    tpu.vector_store %arg66[%swap3A, %swap3A_10], %dot_general3A_9 {strides = array<i32>} : memref<64x64xf32, #tpu.memory_space<vmem>>, vector<1x64xf32>,
    %mul3A_12 = arith.constant 64 : i32
    %mul3A_13 = arith.muli %arg0, %mul3A_12 : i32
    %add3A_14 = arith.constant 1 : i32
    %add3A_15 = arith.addi %mul3A_13, %add3A_14 : i32
    %get3A_16 = arith.index_cast %add3A_15 : i32 to index
    %get3A_17 = memref.load %arg1[%get3A_16] : memref<4096xi32, #tpu.memory_space<smem>>
    %rem3A_18 = arith.constant 128 : i32
    %rem3A_19 = arith.remsi %get3A_17, %rem3A_18 : i32
    %eq3A_20 = vector.broadcast %rem3A_19 : i32 to vector<1x128xi32>
    %eq3A_21 = arith.cmpi eq, %iota3A, %eq3A_20 : vector<1x128xi32>
    %convert_element_type3A_22 = arith.extui %eq3A_21 : vector<1x128xi1> to vector<1x128xi32>
    %convert_element_type3A_23 = arith.sitofp %convert_element_type3A_22 : vector<1x128xi32> to vector<1x128xf32>
    %get3A_24 = arith.constant 0 : index
    %get3A_25 = arith.constant 0 : index
    %get3A_26 = vector.load %arg3[%get3A_24, %get3A_25] : memref<64x128xf32, #tpu.memory_space<vmem>>, vector<64x128xf32>
    %dot_general3A_27 = arith.constant dense<0.000000e+00> : vector<1x64xf32>
    %dot_general3A_28 = tpu.matmul %convert_element_type3A_23, %get3A_26, %dot_general3A_27 {dimension_numbers = #tpu.dot_dimension_numbers<[1], [1], [0], [0], [0, 0, 1, 0], [], []>, transpose_lhs_hint = false} : vector<1x128xf32>, vector<64x128xf32>, vector<1x64xf32> -> vector<1x64xf32>
    %swap3A_29 = arith.constant 1 : index
    %swap3A_30 = arith.constant 0 : index
    %swap3A_31 = vector.load %arg66[%swap3A_29, %swap3A_30] : memref<64x64xf32, #tpu.memory_space<vmem>>, vector<1x64xf32>
    tpu.vector_store %arg66[%swap3A_29, %swap3A_30], %dot_general3A_28 {strides = array<i32>} : memref<64x64xf32, #tpu.memory_space<vmem>>, vector<1x64xf32>,
    %mul3A_32 = arith.constant 64 : i32
    %mul3A_33 = arith.muli %arg0, %mul3A_32 : i32
    %add3A_34 = arith.constant 2 : i32
    %add3A_35 = arith.addi %mul3A_33, %add3A_34 : i32
    %get3A_36 = arith.index_cast %add3A_35 : i32 to index
    %get3A_37 = memref.load %arg1[%get3A_36] : memref<4096xi32, #tpu.memory_space<smem>>
    %rem3A_38 = arith.constant 128 : i32
    %rem3A_39 = arith.remsi %get3A_37, %rem3A_38 : i32
    %eq3A_40 = vector.broadcast %rem3A_39 : i32 to vector<1x128xi32>
    %eq3A_41 = arith.cmpi eq, %iota3A, %eq3A_40 : vector<1x128xi32>
    %convert_element_type3A_42 = arith.extui %eq3A_41 : vector<1x128xi1> to vector<1x128xi32>
    %convert_element_type3A_43 = arith.sitofp %convert_element_type3A_42 : vector<1x128xi32> to vector<1x128xf32>
    %get3A_44 = arith.constant 0 : index
    %get3A_45 = arith.constant 0 : index
    %get3A_46 = vector.load %arg4[%get3A_44, %get3A_45] : memref<64x128xf32, #tpu.memory_space<vmem>>, vector<64x128xf32>
    %dot_general3A_47 = arith.constant dense<0.000000e+00> : vector<1x64xf32>
    %dot_general3A_48 = tpu.matmul %convert_element_type3A_43, %get3A_46, %dot_general3A_47 {dimension_numbers = #tpu.dot_dimension_numbers<[1], [1], [0], [0], [0, 0, 1, 0], [], []>, transpose_lhs_hint = false} : vector<1x128xf32>, vector<64x128xf32>, vector<1x64xf32> -> vector<1x64xf32>
    %swap3A_49 = arith.constant 2 : index
    %swap3A_50 = arith.constant 0 : index
    %swap3A_51 = vector.load %arg66[%swap3A_49, %swap3A_50] : memref<64x64xf32, #tpu.memory_space<vmem>>, vector<1x64xf32>
    tpu.vector_store %arg66[%swap3A_49, %swap3A_50], %dot_general3A_48 {strides = array<i32>} : memref<64x64xf32, #tpu.memory_space<vmem>>, vector<1x64xf32>,
    %mul3A_52 = arith.constant 64 : i32
    %mul3A_53 = arith.muli %arg0, %mul3A_52 : i32
    %add3A_54 = arith.constant 3 : i32
    %add3A_55 = arith.addi %mul3A_53, %add3A_54 : i32
    %get3A_56 = arith.index_cast %add3A_55 : i32 to index
    %get3A_57 = memref.load %arg1[%get3A_56] : memref<4096xi32, #tpu.memory_space<smem>>
    %rem3A_58 = arith.constant 128 : i32
    %rem3A_59 = arith.remsi %get3A_57, %rem3A_58 : i32
    %eq3A_60 = vector.broadcast %rem3A_59 : i32 to vector<1x128xi32>
    %eq3A_61 = arith.cmpi eq, %iota3A, %eq3A_60 : vector<1x128xi32>
    %convert_element_type3A_62 = arith.extui %eq3A_61 : vector<1x128xi1> to vector<1x128xi32>
    %convert_element_type3A_63 = arith.sitofp %convert_element_type3A_62 : vector<1x128xi32> to vector<1x128xf32>
    %get3A_64 = arith.constant 0 : index
    %get3A_65 = arith.constant 0 : index
    %get3A_66 = vector.load %arg5[%get3A_64, %get3A_65] : memref<64x128xf32, #tpu.memory_space<vmem>>, vector<64x128xf32>
    %dot_general3A_67 = arith.constant dense<0.000000e+00> : vector<1x64xf32>
    %dot_general3A_68 = tpu.matmul %convert_element_type3A_63, %get3A_66, %dot_general3A_67 {dimension_numbers = #tpu.dot_dimension_numbers<[1], [1], [0], [0], [0, 0, 1, 0], [], []>, transpose_lhs_hint = false} : vector<1x128xf32>, vector<64x128xf32>, vector<1x64xf32> -> vector<1x64xf32>
    %swap3A_69 = arith.constant 3 : index
    %swap3A_70 = arith.constant 0 : index
    %swap3A_71 = vector.load %arg66[%swap3A_69, %swap3A_70] : memref<64x64xf32, #tpu.memory_space<vmem>>, vector<1x64xf32>
    tpu.vector_store %arg66[%swap3A_69, %swap3A_70], %dot_general3A_68 {strides = array<i32>} : memref<64x64xf32, #tpu.memory_space<vmem>>, vector<1x64xf32>,
    %mul3A_72 = arith.constant 64 : i32
    %mul3A_73 = arith.muli %arg0, %mul3A_72 : i32
    %add3A_74 = arith.constant 4 : i32
    %add3A_75 = arith.addi %mul3A_73, %add3A_74 : i32
    %get3A_76 = arith.index_cast %add3A_75 : i32 to index
    %get3A_77 = memref.load %arg1[%get3A_76] : memref<4096xi32, #tpu.memory_space<smem>>
    %rem3A_78 = arith.constant 128 : i32
    %rem3A_79 = arith.remsi %get3A_77, %rem3A_78 : i32
    %eq3A_80 = vector.broadcast %rem3A_79 : i32 to vector<1x128xi32>
    %eq3A_81 = arith.cmpi eq, %iota3A, %eq3A_80 : vector<1x128xi32>
    %convert_element_type3A_82 = arith.extui %eq3A_81 : vector<1x128xi1> to vector<1x128xi32>
    %convert_element_type3A_83 = arith.sitofp %convert_element_type3A_82 : vector<1x128xi32> to vector<1x128xf32>
    %get3A_84 = arith.constant 0 : index
    %get3A_85 = arith.constant 0 : index
    %get3A_86 = vector.load %arg6[%get3A_84, %get3A_85] : memref<64x128xf32, #tpu.memory_space<vmem>>, vector<64x128xf32>
    %dot_general3A_87 = arith.constant dense<0.000000e+00> : vector<1x64xf32>
    %dot_general3A_88 = tpu.matmul %convert_element_type3A_83, %get3A_86, %dot_general3A_87 {dimension_numbers = #tpu.dot_dimension_numbers<[1], [1], [0], [0], [0, 0, 1, 0], [], []>, transpose_lhs_hint = false} : vector<1x128xf32>, vector<64x128xf32>, vector<1x64xf32> -> vector<1x64xf32>
    %swap3A_89 = arith.constant 4 : index
    %swap3A_90 = arith.constant 0 : index
    %swap3A_91 = vector.load %arg66[%swap3A_89, %swap3A_90] : memref<64x64xf32, #tpu.memory_space<vmem>>, vector<1x64xf32>
    tpu.vector_store %arg66[%swap3A_89, %swap3A_90], %dot_general3A_88 {strides = array<i32>} : memref<64x64xf32, #tpu.memory_space<vmem>>, vector<1x64xf32>,
    %mul3A_92 = arith.constant 64 : i32
    %mul3A_93 = arith.muli %arg0, %mul3A_92 : i32
    %add3A_94 = arith.constant 5 : i32
    %add3A_95 = arith.addi %mul3A_93, %add3A_94 : i32
    %get3A_96 = arith.index_cast %add3A_95 : i32 to index
    %get3A_97 = memref.load %arg1[%get3A_96] : memref<4096xi32, #tpu.memory_space<smem>>
    %rem3A_98 = arith.constant 128 : i32
    %rem3A_99 = arith.remsi %get3A_97, %rem3A_98 : i32
    %eq3A_100 = vector.broadcast %rem3A_99 : i32 to vector<1x128xi32>
    %eq3A_101 = arith.cmpi eq, %iota3A, %eq3A_100 : vector<1x128xi32>
    %convert_element_type3A_102 = arith.extui %eq3A_101 : vector<1x128xi1> to vector<1x128xi32>
    %convert_element_type3A_103 = arith.sitofp %convert_element_type3A_102 : vector<1x128xi32> to vector<1x128xf32>
    %get3A_104 = arith.constant 0 : index
    %get3A_105 = arith.constant 0 : index
    %get3A_106 = vector.load %arg7[%get3A_104, %get3A_105] : memref<64x128xf32, #tpu.memory_space<vmem>>, vector<64x128xf32>
    %dot_general3A_107 = arith.constant dense<0.000000e+00> : vector<1x64xf32>
    %dot_general3A_108 = tpu.matmul %convert_element_type3A_103, %get3A_106, %dot_general3A_107 {dimension_numbers = #tpu.dot_dimension_numbers<[1], [1], [0], [0], [0, 0, 1, 0], [], []>, transpose_lhs_hint = false} : vector<1x128xf32>, vector<64x128xf32>, vector<1x64xf32> -> vector<1x64xf32>
    %swap3A_109 = arith.constant 5 : index
    %swap3A_110 = arith.constant 0 : index
    %swap3A_111 = vector.load %arg66[%swap3A_109, %swap3A_110] : memref<64x64xf32, #tpu.memory_space<vmem>>, vector<1x64xf32>
    tpu.vector_store %arg66[%swap3A_109, %swap3A_110], %dot_general3A_108 {strides = array<i32>} : memref<64x64xf32, #tpu.memory_space<vmem>>, vector<1x64xf32>,
    %mul3A_112 = arith.constant 64 : i32
    %mul3A_113 = arith.muli %arg0, %mul3A_112 : i32
    %add3A_114 = arith.constant 6 : i32
    %add3A_115 = arith.addi %mul3A_113, %add3A_114 : i32
    %get3A_116 = arith.index_cast %add3A_115 : i32 to index
    %get3A_117 = memref.load %arg1[%get3A_116] : memref<4096xi32, #tpu.memory_space<smem>>
    %rem3A_118 = arith.constant 128 : i32
    %rem3A_119 = arith.remsi %get3A_117, %rem3A_118 : i32
    %eq3A_120 = vector.broadcast %rem3A_119 : i32 to vector<1x128xi32>
    %eq3A_121 = arith.cmpi eq, %iota3A, %eq3A_120 : vector<1x128xi32>
    %convert_element_type3A_122 = arith.extui %eq3A_121 : vector<1x128xi1> to vector<1x128xi32>
    %convert_element_type3A_123 = arith.sitofp %convert_element_type3A_122 : vector<1x128xi32> to vector<1x128xf32>
    %get3A_124 = arith.constant 0 : index
    %get3A_125 = arith.constant 0 : index
    %get3A_126 = vector.load %arg8[%get3A_124, %get3A_125] : memref<64x128xf32, #tpu.memory_space<vmem>>, vector<64x128xf32>
    %dot_general3A_127 = arith.constant dense<0.000000e+00> : vector<1x64xf32>
    %dot_general3A_128 = tpu.matmul %convert_element_type3A_123, %get3A_126, %dot_general3A_127 {dimension_numbers = #tpu.dot_dimension_numbers<[1], [1], [0], [0], [0, 0, 1, 0], [], []>, transpose_lhs_hint = false} : vector<1x128xf32>, vector<64x128xf32>, vector<1x64xf32> -> vector<1x64xf32>
    %swap3A_129 = arith.constant 6 : index
    %swap3A_130 = arith.constant 0 : index
    %swap3A_131 = vector.load %arg66[%swap3A_129, %swap3A_130] : memref<64x64xf32, #tpu.memory_space<vmem>>, vector<1x64xf32>
    tpu.vector_store %arg66[%swap3A_129, %swap3A_130], %dot_general3A_128 {strides = array<i32>} : memref<64x64xf32, #tpu.memory_space<vmem>>, vector<1x64xf32>,
    %mul3A_132 = arith.constant 64 : i32
    %mul3A_133 = arith.muli %arg0, %mul3A_132 : i32
    %add3A_134 = arith.constant 7 : i32
    %add3A_135 = arith.addi %mul3A_133, %add3A_134 : i32
    %get3A_136 = arith.index_cast %add3A_135 : i32 to index
    %get3A_137 = memref.load %arg1[%get3A_136] : memref<4096xi32, #tpu.memory_space<smem>>
    %rem3A_138 = arith.constant 128 : i32
    %rem3A_139 = arith.remsi %get3A_137, %rem3A_138 : i32
    %eq3A_140 = vector.broadcast %rem3A_139 : i32 to vector<1x128xi32>
    %eq3A_141 = arith.cmpi eq, %iota3A, %eq3A_140 : vector<1x128xi32>
    %convert_element_type3A_142 = arith.extui %eq3A_141 : vector<1x128xi1> to vector<1x128xi32>
    %convert_element_type3A_143 = arith.sitofp %convert_element_type3A_142 : vector<1x128xi32> to vector<1x128xf32>
    %get3A_144 = arith.constant 0 : index
    %get3A_145 = arith.constant 0 : index
    %get3A_146 = vector.load %arg9[%get3A_144, %get3A_145] : memref<64x128xf32, #tpu.memory_space<vmem>>, vector<64x128xf32>
    %dot_general3A_147 = arith.constant dense<0.000000e+00> : vector<1x64xf32>
    %dot_general3A_148 = tpu.matmul %convert_element_type3A_143, %get3A_146, %dot_general3A_147 {dimension_numbers = #tpu.dot_dimension_numbers<[1], [1], [0], [0], [0, 0, 1, 0], [], []>, transpose_lhs_hint = false} : vector<1x128xf32>, vector<64x128xf32>, vector<1x64xf32> -> vector<1x64xf32>
    %swap3A_149 = arith.constant 7 : index
    %swap3A_150 = arith.constant 0 : index
    %swap3A_151 = vector.load %arg66[%swap3A_149, %swap3A_150] : memref<64x64xf32, #tpu.memory_space<vmem>>, vector<1x64xf32>
    tpu.vector_store %arg66[%swap3A_149, %swap3A_150], %dot_general3A_148 {strides = array<i32>} : memref<64x64xf32, #tpu.memory_space<vmem>>, vector<1x64xf32>,
    %mul3A_152 = arith.constant 64 : i32
    %mul3A_153 = arith.muli %arg0, %mul3A_152 : i32
    %add3A_154 = arith.constant 8 : i32
    %add3A_155 = arith.addi %mul3A_153, %add3A_154 : i32
    %get3A_156 = arith.index_cast %add3A_155 : i32 to index
    %get3A_157 = memref.load %arg1[%get3A_156] : memref<4096xi32, #tpu.memory_space<smem>>
    %rem3A_158 = arith.constant 128 : i32
    %rem3A_159 = arith.remsi %get3A_157, %rem3A_158 : i32
    %eq3A_160 = vector.broadcast %rem3A_159 : i32 to vector<1x128xi32>
    %eq3A_161 = arith.cmpi eq, %iota3A, %eq3A_160 : vector<1x128xi32>
    %convert_element_type3A_162 = arith.extui %eq3A_161 : vector<1x128xi1> to vector<1x128xi32>
    %convert_element_type3A_163 = arith.sitofp %convert_element_type3A_162 : vector<1x128xi32> to vector<1x128xf32>
    %get3A_164 = arith.constant 0 : index
    %get3A_165 = arith.constant 0 : index
    %get3A_166 = vector.load %arg10[%get3A_164, %get3A_165] : memref<64x128xf32, #tpu.memory_space<vmem>>, vector<64x128xf32>
    %dot_general3A_167 = arith.constant dense<0.000000e+00> : vector<1x64xf32>
    %dot_general3A_168 = tpu.matmul %convert_element_type3A_163, %get3A_166, %dot_general3A_167 {dimension_numbers = #tpu.dot_dimension_numbers<[1], [1], [0], [0], [0, 0, 1, 0], [], []>, transpose_lhs_hint = false} : vector<1x128xf32>, vector<64x128xf32>, vector<1x64xf32> -> vector<1x64xf32>
    %swap3A_169 = arith.constant 8 : index
    %swap3A_170 = arith.constant 0 : index
    %swap3A_171 = vector.load %arg66[%swap3A_169, %swap3A_170] : memref<64x64xf32, #tpu.memory_space<vmem>>, vector<1x64xf32>
    tpu.vector_store %arg66[%swap3A_169, %swap3A_170], %dot_general3A_168 {strides = array<i32>} : memref<64x64xf32, #tpu.memory_space<vmem>>, vector<1x64xf32>,
    %mul3A_172 = arith.constant 64 : i32
    %mul3A_173 = arith.muli %arg0, %mul3A_172 : i32
    %add3A_174 = arith.constant 9 : i32
    %add3A_175 = arith.addi %mul3A_173, %add3A_174 : i32
    %get3A_176 = arith.index_cast %add3A_175 : i32 to index
    %get3A_177 = memref.load %arg1[%get3A_176] : memref<4096xi32, #tpu.memory_space<smem>>
    %rem3A_178 = arith.constant 128 : i32
    %rem3A_179 = arith.remsi %get3A_177, %rem3A_178 : i32
    %eq3A_180 = vector.broadcast %rem3A_179 : i32 to vector<1x128xi32>
    %eq3A_181 = arith.cmpi eq, %iota3A, %eq3A_180 : vector<1x128xi32>
    %convert_element_type3A_182 = arith.extui %eq3A_181 : vector<1x128xi1> to vector<1x128xi32>
    %convert_element_type3A_183 = arith.sitofp %convert_element_type3A_182 : vector<1x128xi32> to vector<1x128xf32>
    %get3A_184 = arith.constant 0 : index
    %get3A_185 = arith.constant 0 : index
    %get3A_186 = vector.load %arg11[%get3A_184, %get3A_185] : memref<64x128xf32, #tpu.memory_space<vmem>>, vector<64x128xf32>
    %dot_general3A_187 = arith.constant dense<0.000000e+00> : vector<1x64xf32>
    %dot_general3A_188 = tpu.matmul %convert_element_type3A_183, %get3A_186, %dot_general3A_187 {dimension_numbers = #tpu.dot_dimension_numbers<[1], [1], [0], [0], [0, 0, 1, 0], [], []>, transpose_lhs_hint = false} : vector<1x128xf32>, vector<64x128xf32>, vector<1x64xf32> -> vector<1x64xf32>
    %swap3A_189 = arith.constant 9 : index
    %swap3A_190 = arith.constant 0 : index
    %swap3A_191 = vector.load %arg66[%swap3A_189, %swap3A_190] : memref<64x64xf32, #tpu.memory_space<vmem>>, vector<1x64xf32>
    tpu.vector_store %arg66[%swap3A_189, %swap3A_190], %dot_general3A_188 {strides = array<i32>} : memref<64x64xf32, #tpu.memory_space<vmem>>, vector<1x64xf32>,
    %mul3A_192 = arith.constant 64 : i32
    %mul3A_193 = arith.muli %arg0, %mul3A_192 : i32
    %add3A_194 = arith.constant 10 : i32
    %add3A_195 = arith.addi %mul3A_193, %add3A_194 : i32
    %get3A_196 = arith.index_cast %add3A_195 : i32 to index
    %get3A_197 = memref.load %arg1[%get3A_196] : memref<4096xi32, #tpu.memory_space<smem>>
    %rem3A_198 = arith.constant 128 : i32
    %rem3A_199 = arith.remsi %get3A_197, %rem3A_198 : i32
    %eq3A_200 = vector.broadcast %rem3A_199 : i32 to vector<1x128xi32>
    %eq3A_201 = arith.cmpi eq, %iota3A, %eq3A_200 : vector<1x128xi32>
    %convert_element_type3A_202 = arith.extui %eq3A_201 : vector<1x128xi1> to vector<1x128xi32>
    %convert_element_type3A_203 = arith.sitofp %convert_element_type3A_202 : vector<1x128xi32> to vector<1x128xf32>
    %get3A_204 = arith.constant 0 : index
    %get3A_205 = arith.constant 0 : index
    %get3A_206 = vector.load %arg12[%get3A_204, %get3A_205] : memref<64x128xf32, #tpu.memory_space<vmem>>, vector<64x128xf32>
    %dot_general3A_207 = arith.constant dense<0.000000e+00> : vector<1x64xf32>
    %dot_general3A_208 = tpu.matmul %convert_element_type3A_203, %get3A_206, %dot_general3A_207 {dimension_numbers = #tpu.dot_dimension_numbers<[1], [1], [0], [0], [0, 0, 1, 0], [], []>, transpose_lhs_hint = false} : vector<1x128xf32>, vector<64x128xf32>, vector<1x64xf32> -> vector<1x64xf32>
    %swap3A_209 = arith.constant 10 : index
    %swap3A_210 = arith.constant 0 : index
    %swap3A_211 = vector.load %arg66[%swap3A_209, %swap3A_210] : memref<64x64xf32, #tpu.memory_space<vmem>>, vector<1x64xf32>
    tpu.vector_store %arg66[%swap3A_209, %swap3A_210], %dot_general3A_208 {strides = array<i32>} : memref<64x64xf32, #tpu.memory_space<vmem>>, vector<1x64xf32>,
    %mul3A_212 = arith.constant 64 : i32
    %mul3A_213 = arith.muli %arg0, %mul3A_212 : i32
    %add3A_214 = arith.constant 11 : i32
    %add3A_215 = arith.addi %mul3A_213, %add3A_214 : i32
    %get3A_216 = arith.index_cast %add3A_215 : i32 to index
    %get3A_217 = memref.load %arg1[%get3A_216] : memref<4096xi32, #tpu.memory_space<smem>>
    %rem3A_218 = arith.constant 128 : i32
    %rem3A_219 = arith.remsi %get3A_217, %rem3A_218 : i32
    %eq3A_220 = vector.broadcast %rem3A_219 : i32 to vector<1x128xi32>
    %eq3A_221 = arith.cmpi eq, %iota3A, %eq3A_220 : vector<1x128xi32>
    %convert_element_type3A_222 = arith.extui %eq3A_221 : vector<1x128xi1> to vector<1x128xi32>
    %convert_element_type3A_223 = arith.sitofp %convert_element_type3A_222 : vector<1x128xi32> to vector<1x128xf32>
    %get3A_224 = arith.constant 0 : index
    %get3A_225 = arith.constant 0 : index
    %get3A_226 = vector.load %arg13[%get3A_224, %get3A_225] : memref<64x128xf32, #tpu.memory_space<vmem>>, vector<64x128xf32>
    %dot_general3A_227 = arith.constant dense<0.000000e+00> : vector<1x64xf32>
    %dot_general3A_228 = tpu.matmul %convert_element_type3A_223, %get3A_226, %dot_general3A_227 {dimension_numbers = #tpu.dot_dimension_numbers<[1], [1], [0], [0], [0, 0, 1, 0], [], []>, transpose_lhs_hint = false} : vector<1x128xf32>, vector<64x128xf32>, vector<1x64xf32> -> vector<1x64xf32>
    %swap3A_229 = arith.constant 11 : index
    %swap3A_230 = arith.constant 0 : index
    %swap3A_231 = vector.load %arg66[%swap3A_229, %swap3A_230] : memref<64x64xf32, #tpu.memory_space<vmem>>, vector<1x64xf32>
    tpu.vector_store %arg66[%swap3A_229, %swap3A_230], %dot_general3A_228 {strides = array<i32>} : memref<64x64xf32, #tpu.memory_space<vmem>>, vector<1x64xf32>,
    %mul3A_232 = arith.constant 64 : i32
    %mul3A_233 = arith.muli %arg0, %mul3A_232 : i32
    %add3A_234 = arith.constant 12 : i32
    %add3A_235 = arith.addi %mul3A_233, %add3A_234 : i32
    %get3A_236 = arith.index_cast %add3A_235 : i32 to index
    %get3A_237 = memref.load %arg1[%get3A_236] : memref<4096xi32, #tpu.memory_space<smem>>
    %rem3A_238 = arith.constant 128 : i32
    %rem3A_239 = arith.remsi %get3A_237, %rem3A_238 : i32
    %eq3A_240 = vector.broadcast %rem3A_239 : i32 to vector<1x128xi32>
    %eq3A_241 = arith.cmpi eq, %iota3A, %eq3A_240 : vector<1x128xi32>
    %convert_element_type3A_242 = arith.extui %eq3A_241 : vector<1x128xi1> to vector<1x128xi32>
    %convert_element_type3A_243 = arith.sitofp %convert_element_type3A_242 : vector<1x128xi32> to vector<1x128xf32>
    %get3A_244 = arith.constant 0 : index
    %get3A_245 = arith.constant 0 : index
    %get3A_246 = vector.load %arg14[%get3A_244, %get3A_245] : memref<64x128xf32, #tpu.memory_space<vmem>>, vector<64x128xf32>
    %dot_general3A_247 = arith.constant dense<0.000000e+00> : vector<1x64xf32>
    %dot_general3A_248 = tpu.matmul %convert_element_type3A_243, %get3A_246, %dot_general3A_247 {dimension_numbers = #tpu.dot_dimension_numbers<[1], [1], [0], [0], [0, 0, 1, 0], [], []>, transpose_lhs_hint = false} : vector<1x128xf32>, vector<64x128xf32>, vector<1x64xf32> -> vector<1x64xf32>
    %swap3A_249 = arith.constant 12 : index
    %swap3A_250 = arith.constant 0 : index
    %swap3A_251 = vector.load %arg66[%swap3A_249, %swap3A_250] : memref<64x64xf32, #tpu.memory_space<vmem>>, vector<1x64xf32>
    tpu.vector_store %arg66[%swap3A_249, %swap3A_250], %dot_general3A_248 {strides = array<i32>} : memref<64x64xf32, #tpu.memory_space<vmem>>, vector<1x64xf32>,
    %mul3A_252 = arith.constant 64 : i32
    %mul3A_253 = arith.muli %arg0, %mul3A_252 : i32
    %add3A_254 = arith.constant 13 : i32
    %add3A_255 = arith.addi %mul3A_253, %add3A_254 : i32
    %get3A_256 = arith.index_cast %add3A_255 : i32 to index
    %get3A_257 = memref.load %arg1[%get3A_256] : memref<4096xi32, #tpu.memory_space<smem>>
    %rem3A_258 = arith.constant 128 : i32
    %rem3A_259 = arith.remsi %get3A_257, %rem3A_258 : i32
    %eq3A_260 = vector.broadcast %rem3A_259 : i32 to vector<1x128xi32>
    %eq3A_261 = arith.cmpi eq, %iota3A, %eq3A_260 : vector<1x128xi32>
    %convert_element_type3A_262 = arith.extui %eq3A_261 : vector<1x128xi1> to vector<1x128xi32>
    %convert_element_type3A_263 = arith.sitofp %convert_element_type3A_262 : vector<1x128xi32> to vector<1x128xf32>
    %get3A_264 = arith.constant 0 : index
    %get3A_265 = arith.constant 0 : index
    %get3A_266 = vector.load %arg15[%get3A_264, %get3A_265] : memref<64x128xf32, #tpu.memory_space<vmem>>, vector<64x128xf32>
    %dot_general3A_267 = arith.constant dense<0.000000e+00> : vector<1x64xf32>
    %dot_general3A_268 = tpu.matmul %convert_element_type3A_263, %get3A_266, %dot_general3A_267 {dimension_numbers = #tpu.dot_dimension_numbers<[1], [1], [0], [0], [0, 0, 1, 0], [], []>, transpose_lhs_hint = false} : vector<1x128xf32>, vector<64x128xf32>, vector<1x64xf32> -> vector<1x64xf32>
    %swap3A_269 = arith.constant 13 : index
    %swap3A_270 = arith.constant 0 : index
    %swap3A_271 = vector.load %arg66[%swap3A_269, %swap3A_270] : memref<64x64xf32, #tpu.memory_space<vmem>>, vector<1x64xf32>
    tpu.vector_store %arg66[%swap3A_269, %swap3A_270], %dot_general3A_268 {strides = array<i32>} : memref<64x64xf32, #tpu.memory_space<vmem>>, vector<1x64xf32>,
    %mul3A_272 = arith.constant 64 : i32
    %mul3A_273 = arith.muli %arg0, %mul3A_272 : i32
    %add3A_274 = arith.constant 14 : i32
    %add3A_275 = arith.addi %mul3A_273, %add3A_274 : i32
    %get3A_276 = arith.index_cast %add3A_275 : i32 to index
    %get3A_277 = memref.load %arg1[%get3A_276] : memref<4096xi32, #tpu.memory_space<smem>>
    %rem3A_278 = arith.constant 128 : i32
    %rem3A_279 = arith.remsi %get3A_277, %rem3A_278 : i32
    %eq3A_280 = vector.broadcast %rem3A_279 : i32 to vector<1x128xi32>
    %eq3A_281 = arith.cmpi eq, %iota3A, %eq3A_280 : vector<1x128xi32>
    %convert_element_type3A_282 = arith.extui %eq3A_281 : vector<1x128xi1> to vector<1x128xi32>
    %convert_element_type3A_283 = arith.sitofp %convert_element_type3A_282 : vector<1x128xi32> to vector<1x128xf32>
    %get3A_284 = arith.constant 0 : index
    %get3A_285 = arith.constant 0 : index
    %get3A_286 = vector.load %arg16[%get3A_284, %get3A_285] : memref<64x128xf32, #tpu.memory_space<vmem>>, vector<64x128xf32>
    %dot_general3A_287 = arith.constant dense<0.000000e+00> : vector<1x64xf32>
    %dot_general3A_288 = tpu.matmul %convert_element_type3A_283, %get3A_286, %dot_general3A_287 {dimension_numbers = #tpu.dot_dimension_numbers<[1], [1], [0], [0], [0, 0, 1, 0], [], []>, transpose_lhs_hint = false} : vector<1x128xf32>, vector<64x128xf32>, vector<1x64xf32> -> vector<1x64xf32>
    %swap3A_289 = arith.constant 14 : index
    %swap3A_290 = arith.constant 0 : index
    %swap3A_291 = vector.load %arg66[%swap3A_289, %swap3A_290] : memref<64x64xf32, #tpu.memory_space<vmem>>, vector<1x64xf32>
    tpu.vector_store %arg66[%swap3A_289, %swap3A_290], %dot_general3A_288 {strides = array<i32>} : memref<64x64xf32, #tpu.memory_space<vmem>>, vector<1x64xf32>,
    %mul3A_292 = arith.constant 64 : i32
    %mul3A_293 = arith.muli %arg0, %mul3A_292 : i32
    %add3A_294 = arith.constant 15 : i32
    %add3A_295 = arith.addi %mul3A_293, %add3A_294 : i32
    %get3A_296 = arith.index_cast %add3A_295 : i32 to index
    %get3A_297 = memref.load %arg1[%get3A_296] : memref<4096xi32, #tpu.memory_space<smem>>
    %rem3A_298 = arith.constant 128 : i32
    %rem3A_299 = arith.remsi %get3A_297, %rem3A_298 : i32
    %eq3A_300 = vector.broadcast %rem3A_299 : i32 to vector<1x128xi32>
    %eq3A_301 = arith.cmpi eq, %iota3A, %eq3A_300 : vector<1x128xi32>
    %convert_element_type3A_302 = arith.extui %eq3A_301 : vector<1x128xi1> to vector<1x128xi32>
    %convert_element_type3A_303 = arith.sitofp %convert_element_type3A_302 : vector<1x128xi32> to vector<1x128xf32>
    %get3A_304 = arith.constant 0 : index
    %get3A_305 = arith.constant 0 : index
    %get3A_306 = vector.load %arg17[%get3A_304, %get3A_305] : memref<64x128xf32, #tpu.memory_space<vmem>>, vector<64x128xf32>
    %dot_general3A_307 = arith.constant dense<0.000000e+00> : vector<1x64xf32>
    %dot_general3A_308 = tpu.matmul %convert_element_type3A_303, %get3A_306, %dot_general3A_307 {dimension_numbers = #tpu.dot_dimension_numbers<[1], [1], [0], [0], [0, 0, 1, 0], [], []>, transpose_lhs_hint = false} : vector<1x128xf32>, vector<64x128xf32>, vector<1x64xf32> -> vector<1x64xf32>
    %swap3A_309 = arith.constant 15 : index
    %swap3A_310 = arith.constant 0 : index
    %swap3A_311 = vector.load %arg66[%swap3A_309, %swap3A_310] : memref<64x64xf32, #tpu.memory_space<vmem>>, vector<1x64xf32>
    tpu.vector_store %arg66[%swap3A_309, %swap3A_310], %dot_general3A_308 {strides = array<i32>} : memref<64x64xf32, #tpu.memory_space<vmem>>, vector<1x64xf32>,
    %mul3A_312 = arith.constant 64 : i32
    %mul3A_313 = arith.muli %arg0, %mul3A_312 : i32
    %add3A_314 = arith.constant 16 : i32
    %add3A_315 = arith.addi %mul3A_313, %add3A_314 : i32
    %get3A_316 = arith.index_cast %add3A_315 : i32 to index
    %get3A_317 = memref.load %arg1[%get3A_316] : memref<4096xi32, #tpu.memory_space<smem>>
    %rem3A_318 = arith.constant 128 : i32
    %rem3A_319 = arith.remsi %get3A_317, %rem3A_318 : i32
    %eq3A_320 = vector.broadcast %rem3A_319 : i32 to vector<1x128xi32>
    %eq3A_321 = arith.cmpi eq, %iota3A, %eq3A_320 : vector<1x128xi32>
    %convert_element_type3A_322 = arith.extui %eq3A_321 : vector<1x128xi1> to vector<1x128xi32>
    %convert_element_type3A_323 = arith.sitofp %convert_element_type3A_322 : vector<1x128xi32> to vector<1x128xf32>
    %get3A_324 = arith.constant 0 : index
    %get3A_325 = arith.constant 0 : index
    %get3A_326 = vector.load %arg18[%get3A_324, %get3A_325] : memref<64x128xf32, #tpu.memory_space<vmem>>, vector<64x128xf32>
    %dot_general3A_327 = arith.constant dense<0.000000e+00> : vector<1x64xf32>
    %dot_general3A_328 = tpu.matmul %convert_element_type3A_323, %get3A_326, %dot_general3A_327 {dimension_numbers = #tpu.dot_dimension_numbers<[1], [1], [0], [0], [0, 0, 1, 0], [], []>, transpose_lhs_hint = false} : vector<1x128xf32>, vector<64x128xf32>, vector<1x64xf32> -> vector<1x64xf32>
    %swap3A_329 = arith.constant 16 : index
    %swap3A_330 = arith.constant 0 : index
    %swap3A_331 = vector.load %arg66[%swap3A_329, %swap3A_330] : memref<64x64xf32, #tpu.memory_space<vmem>>, vector<1x64xf32>
    tpu.vector_store %arg66[%swap3A_329, %swap3A_330], %dot_general3A_328 {strides = array<i32>} : memref<64x64xf32, #tpu.memory_space<vmem>>, vector<1x64xf32>,
    %mul3A_332 = arith.constant 64 : i32
    %mul3A_333 = arith.muli %arg0, %mul3A_332 : i32
    %add3A_334 = arith.constant 17 : i32
    %add3A_335 = arith.addi %mul3A_333, %add3A_334 : i32
    %get3A_336 = arith.index_cast %add3A_335 : i32 to index
    %get3A_337 = memref.load %arg1[%get3A_336] : memref<4096xi32, #tpu.memory_space<smem>>
    %rem3A_338 = arith.constant 128 : i32
    %rem3A_339 = arith.remsi %get3A_337, %rem3A_338 : i32
    %eq3A_340 = vector.broadcast %rem3A_339 : i32 to vector<1x128xi32>
    %eq3A_341 = arith.cmpi eq, %iota3A, %eq3A_340 : vector<1x128xi32>
    %convert_element_type3A_342 = arith.extui %eq3A_341 : vector<1x128xi1> to vector<1x128xi32>
    %convert_element_type3A_343 = arith.sitofp %convert_element_type3A_342 : vector<1x128xi32> to vector<1x128xf32>
    %get3A_344 = arith.constant 0 : index
    %get3A_345 = arith.constant 0 : index
    %get3A_346 = vector.load %arg19[%get3A_344, %get3A_345] : memref<64x128xf32, #tpu.memory_space<vmem>>, vector<64x128xf32>
    %dot_general3A_347 = arith.constant dense<0.000000e+00> : vector<1x64xf32>
    %dot_general3A_348 = tpu.matmul %convert_element_type3A_343, %get3A_346, %dot_general3A_347 {dimension_numbers = #tpu.dot_dimension_numbers<[1], [1], [0], [0], [0, 0, 1, 0], [], []>, transpose_lhs_hint = false} : vector<1x128xf32>, vector<64x128xf32>, vector<1x64xf32> -> vector<1x64xf32>
    %swap3A_349 = arith.constant 17 : index
    %swap3A_350 = arith.constant 0 : index
    %swap3A_351 = vector.load %arg66[%swap3A_349, %swap3A_350] : memref<64x64xf32, #tpu.memory_space<vmem>>, vector<1x64xf32>
    tpu.vector_store %arg66[%swap3A_349, %swap3A_350], %dot_general3A_348 {strides = array<i32>} : memref<64x64xf32, #tpu.memory_space<vmem>>, vector<1x64xf32>,
    %mul3A_352 = arith.constant 64 : i32
    %mul3A_353 = arith.muli %arg0, %mul3A_352 : i32
    %add3A_354 = arith.constant 18 : i32
    %add3A_355 = arith.addi %mul3A_353, %add3A_354 : i32
    %get3A_356 = arith.index_cast %add3A_355 : i32 to index
    %get3A_357 = memref.load %arg1[%get3A_356] : memref<4096xi32, #tpu.memory_space<smem>>
    %rem3A_358 = arith.constant 128 : i32
    %rem3A_359 = arith.remsi %get3A_357, %rem3A_358 : i32
    %eq3A_360 = vector.broadcast %rem3A_359 : i32 to vector<1x128xi32>
    %eq3A_361 = arith.cmpi eq, %iota3A, %eq3A_360 : vector<1x128xi32>
    %convert_element_type3A_362 = arith.extui %eq3A_361 : vector<1x128xi1> to vector<1x128xi32>
    %convert_element_type3A_363 = arith.sitofp %convert_element_type3A_362 : vector<1x128xi32> to vector<1x128xf32>
    %get3A_364 = arith.constant 0 : index
    %get3A_365 = arith.constant 0 : index
    %get3A_366 = vector.load %arg20[%get3A_364, %get3A_365] : memref<64x128xf32, #tpu.memory_space<vmem>>, vector<64x128xf32>
    %dot_general3A_367 = arith.constant dense<0.000000e+00> : vector<1x64xf32>
    %dot_general3A_368 = tpu.matmul %convert_element_type3A_363, %get3A_366, %dot_general3A_367 {dimension_numbers = #tpu.dot_dimension_numbers<[1], [1], [0], [0], [0, 0, 1, 0], [], []>, transpose_lhs_hint = false} : vector<1x128xf32>, vector<64x128xf32>, vector<1x64xf32> -> vector<1x64xf32>
    %swap3A_369 = arith.constant 18 : index
    %swap3A_370 = arith.constant 0 : index
    %swap3A_371 = vector.load %arg66[%swap3A_369, %swap3A_370] : memref<64x64xf32, #tpu.memory_space<vmem>>, vector<1x64xf32>
    tpu.vector_store %arg66[%swap3A_369, %swap3A_370], %dot_general3A_368 {strides = array<i32>} : memref<64x64xf32, #tpu.memory_space<vmem>>, vector<1x64xf32>,
    %mul3A_372 = arith.constant 64 : i32
    %mul3A_373 = arith.muli %arg0, %mul3A_372 : i32
    %add3A_374 = arith.constant 19 : i32
    %add3A_375 = arith.addi %mul3A_373, %add3A_374 : i32
    %get3A_376 = arith.index_cast %add3A_375 : i32 to index
    %get3A_377 = memref.load %arg1[%get3A_376] : memref<4096xi32, #tpu.memory_space<smem>>
    %rem3A_378 = arith.constant 128 : i32
    %rem3A_379 = arith.remsi %get3A_377, %rem3A_378 : i32
    %eq3A_380 = vector.broadcast %rem3A_379 : i32 to vector<1x128xi32>
    %eq3A_381 = arith.cmpi eq, %iota3A, %eq3A_380 : vector<1x128xi32>
    %convert_element_type3A_382 = arith.extui %eq3A_381 : vector<1x128xi1> to vector<1x128xi32>
    %convert_element_type3A_383 = arith.sitofp %convert_element_type3A_382 : vector<1x128xi32> to vector<1x128xf32>
    %get3A_384 = arith.constant 0 : index
    %get3A_385 = arith.constant 0 : index
    %get3A_386 = vector.load %arg21[%get3A_384, %get3A_385] : memref<64x128xf32, #tpu.memory_space<vmem>>, vector<64x128xf32>
    %dot_general3A_387 = arith.constant dense<0.000000e+00> : vector<1x64xf32>
    %dot_general3A_388 = tpu.matmul %convert_element_type3A_383, %get3A_386, %dot_general3A_387 {dimension_numbers = #tpu.dot_dimension_numbers<[1], [1], [0], [0], [0, 0, 1, 0], [], []>, transpose_lhs_hint = false} : vector<1x128xf32>, vector<64x128xf32>, vector<1x64xf32> -> vector<1x64xf32>
    %swap3A_389 = arith.constant 19 : index
    %swap3A_390 = arith.constant 0 : index
    %swap3A_391 = vector.load %arg66[%swap3A_389, %swap3A_390] : memref<64x64xf32, #tpu.memory_space<vmem>>, vector<1x64xf32>
    tpu.vector_store %arg66[%swap3A_389, %swap3A_390], %dot_general3A_388 {strides = array<i32>} : memref<64x64xf32, #tpu.memory_space<vmem>>, vector<1x64xf32>,
    %mul3A_392 = arith.constant 64 : i32
    %mul3A_393 = arith.muli %arg0, %mul3A_392 : i32
    %add3A_394 = arith.constant 20 : i32
    %add3A_395 = arith.addi %mul3A_393, %add3A_394 : i32
    %get3A_396 = arith.index_cast %add3A_395 : i32 to index
    %get3A_397 = memref.load %arg1[%get3A_396] : memref<4096xi32, #tpu.memory_space<smem>>
    %rem3A_398 = arith.constant 128 : i32
    %rem3A_399 = arith.remsi %get3A_397, %rem3A_398 : i32
    %eq3A_400 = vector.broadcast %rem3A_399 : i32 to vector<1x128xi32>
    %eq3A_401 = arith.cmpi eq, %iota3A, %eq3A_400 : vector<1x128xi32>
    %convert_element_type3A_402 = arith.extui %eq3A_401 : vector<1x128xi1> to vector<1x128xi32>
    %convert_element_type3A_403 = arith.sitofp %convert_element_type3A_402 : vector<1x128xi32> to vector<1x128xf32>
    %get3A_404 = arith.constant 0 : index
    %get3A_405 = arith.constant 0 : index
    %get3A_406 = vector.load %arg22[%get3A_404, %get3A_405] : memref<64x128xf32, #tpu.memory_space<vmem>>, vector<64x128xf32>
    %dot_general3A_407 = arith.constant dense<0.000000e+00> : vector<1x64xf32>
    %dot_general3A_408 = tpu.matmul %convert_element_type3A_403, %get3A_406, %dot_general3A_407 {dimension_numbers = #tpu.dot_dimension_numbers<[1], [1], [0], [0], [0, 0, 1, 0], [], []>, transpose_lhs_hint = false} : vector<1x128xf32>, vector<64x128xf32>, vector<1x64xf32> -> vector<1x64xf32>
    %swap3A_409 = arith.constant 20 : index
    %swap3A_410 = arith.constant 0 : index
    %swap3A_411 = vector.load %arg66[%swap3A_409, %swap3A_410] : memref<64x64xf32, #tpu.memory_space<vmem>>, vector<1x64xf32>
    tpu.vector_store %arg66[%swap3A_409, %swap3A_410], %dot_general3A_408 {strides = array<i32>} : memref<64x64xf32, #tpu.memory_space<vmem>>, vector<1x64xf32>,
    %mul3A_412 = arith.constant 64 : i32
    %mul3A_413 = arith.muli %arg0, %mul3A_412 : i32
    %add3A_414 = arith.constant 21 : i32
    %add3A_415 = arith.addi %mul3A_413, %add3A_414 : i32
    %get3A_416 = arith.index_cast %add3A_415 : i32 to index
    %get3A_417 = memref.load %arg1[%get3A_416] : memref<4096xi32, #tpu.memory_space<smem>>
    %rem3A_418 = arith.constant 128 : i32
    %rem3A_419 = arith.remsi %get3A_417, %rem3A_418 : i32
    %eq3A_420 = vector.broadcast %rem3A_419 : i32 to vector<1x128xi32>
    %eq3A_421 = arith.cmpi eq, %iota3A, %eq3A_420 : vector<1x128xi32>
    %convert_element_type3A_422 = arith.extui %eq3A_421 : vector<1x128xi1> to vector<1x128xi32>
    %convert_element_type3A_423 = arith.sitofp %convert_element_type3A_422 : vector<1x128xi32> to vector<1x128xf32>
    %get3A_424 = arith.constant 0 : index
    %get3A_425 = arith.constant 0 : index
    %get3A_426 = vector.load %arg23[%get3A_424, %get3A_425] : memref<64x128xf32, #tpu.memory_space<vmem>>, vector<64x128xf32>
    %dot_general3A_427 = arith.constant dense<0.000000e+00> : vector<1x64xf32>
    %dot_general3A_428 = tpu.matmul %convert_element_type3A_423, %get3A_426, %dot_general3A_427 {dimension_numbers = #tpu.dot_dimension_numbers<[1], [1], [0], [0], [0, 0, 1, 0], [], []>, transpose_lhs_hint = false} : vector<1x128xf32>, vector<64x128xf32>, vector<1x64xf32> -> vector<1x64xf32>
    %swap3A_429 = arith.constant 21 : index
    %swap3A_430 = arith.constant 0 : index
    %swap3A_431 = vector.load %arg66[%swap3A_429, %swap3A_430] : memref<64x64xf32, #tpu.memory_space<vmem>>, vector<1x64xf32>
    tpu.vector_store %arg66[%swap3A_429, %swap3A_430], %dot_general3A_428 {strides = array<i32>} : memref<64x64xf32, #tpu.memory_space<vmem>>, vector<1x64xf32>,
    %mul3A_432 = arith.constant 64 : i32
    %mul3A_433 = arith.muli %arg0, %mul3A_432 : i32
    %add3A_434 = arith.constant 22 : i32
    %add3A_435 = arith.addi %mul3A_433, %add3A_434 : i32
    %get3A_436 = arith.index_cast %add3A_435 : i32 to index
    %get3A_437 = memref.load %arg1[%get3A_436] : memref<4096xi32, #tpu.memory_space<smem>>
    %rem3A_438 = arith.constant 128 : i32
    %rem3A_439 = arith.remsi %get3A_437, %rem3A_438 : i32
    %eq3A_440 = vector.broadcast %rem3A_439 : i32 to vector<1x128xi32>
    %eq3A_441 = arith.cmpi eq, %iota3A, %eq3A_440 : vector<1x128xi32>
    %convert_element_type3A_442 = arith.extui %eq3A_441 : vector<1x128xi1> to vector<1x128xi32>
    %convert_element_type3A_443 = arith.sitofp %convert_element_type3A_442 : vector<1x128xi32> to vector<1x128xf32>
    %get3A_444 = arith.constant 0 : index
    %get3A_445 = arith.constant 0 : index
    %get3A_446 = vector.load %arg24[%get3A_444, %get3A_445] : memref<64x128xf32, #tpu.memory_space<vmem>>, vector<64x128xf32>
    %dot_general3A_447 = arith.constant dense<0.000000e+00> : vector<1x64xf32>
    %dot_general3A_448 = tpu.matmul %convert_element_type3A_443, %get3A_446, %dot_general3A_447 {dimension_numbers = #tpu.dot_dimension_numbers<[1], [1], [0], [0], [0, 0, 1, 0], [], []>, transpose_lhs_hint = false} : vector<1x128xf32>, vector<64x128xf32>, vector<1x64xf32> -> vector<1x64xf32>
    %swap3A_449 = arith.constant 22 : index
    %swap3A_450 = arith.constant 0 : index
    %swap3A_451 = vector.load %arg66[%swap3A_449, %swap3A_450] : memref<64x64xf32, #tpu.memory_space<vmem>>, vector<1x64xf32>
    tpu.vector_store %arg66[%swap3A_449, %swap3A_450], %dot_general3A_448 {strides = array<i32>} : memref<64x64xf32, #tpu.memory_space<vmem>>, vector<1x64xf32>,
    %mul3A_452 = arith.constant 64 : i32
    %mul3A_453 = arith.muli %arg0, %mul3A_452 : i32
    %add3A_454 = arith.constant 23 : i32
    %add3A_455 = arith.addi %mul3A_453, %add3A_454 : i32
    %get3A_456 = arith.index_cast %add3A_455 : i32 to index
    %get3A_457 = memref.load %arg1[%get3A_456] : memref<4096xi32, #tpu.memory_space<smem>>
    %rem3A_458 = arith.constant 128 : i32
    %rem3A_459 = arith.remsi %get3A_457, %rem3A_458 : i32
    %eq3A_460 = vector.broadcast %rem3A_459 : i32 to vector<1x128xi32>
    %eq3A_461 = arith.cmpi eq, %iota3A, %eq3A_460 : vector<1x128xi32>
    %convert_element_type3A_462 = arith.extui %eq3A_461 : vector<1x128xi1> to vector<1x128xi32>
    %convert_element_type3A_463 = arith.sitofp %convert_element_type3A_462 : vector<1x128xi32> to vector<1x128xf32>
    %get3A_464 = arith.constant 0 : index
    %get3A_465 = arith.constant 0 : index
    %get3A_466 = vector.load %arg25[%get3A_464, %get3A_465] : memref<64x128xf32, #tpu.memory_space<vmem>>, vector<64x128xf32>
    %dot_general3A_467 = arith.constant dense<0.000000e+00> : vector<1x64xf32>
    %dot_general3A_468 = tpu.matmul %convert_element_type3A_463, %get3A_466, %dot_general3A_467 {dimension_numbers = #tpu.dot_dimension_numbers<[1], [1], [0], [0], [0, 0, 1, 0], [], []>, transpose_lhs_hint = false} : vector<1x128xf32>, vector<64x128xf32>, vector<1x64xf32> -> vector<1x64xf32>
    %swap3A_469 = arith.constant 23 : index
    %swap3A_470 = arith.constant 0 : index
    %swap3A_471 = vector.load %arg66[%swap3A_469, %swap3A_470] : memref<64x64xf32, #tpu.memory_space<vmem>>, vector<1x64xf32>
    tpu.vector_store %arg66[%swap3A_469, %swap3A_470], %dot_general3A_468 {strides = array<i32>} : memref<64x64xf32, #tpu.memory_space<vmem>>, vector<1x64xf32>,
    %mul3A_472 = arith.constant 64 : i32
    %mul3A_473 = arith.muli %arg0, %mul3A_472 : i32
    %add3A_474 = arith.constant 24 : i32
    %add3A_475 = arith.addi %mul3A_473, %add3A_474 : i32
    %get3A_476 = arith.index_cast %add3A_475 : i32 to index
    %get3A_477 = memref.load %arg1[%get3A_476] : memref<4096xi32, #tpu.memory_space<smem>>
    %rem3A_478 = arith.constant 128 : i32
    %rem3A_479 = arith.remsi %get3A_477, %rem3A_478 : i32
    %eq3A_480 = vector.broadcast %rem3A_479 : i32 to vector<1x128xi32>
    %eq3A_481 = arith.cmpi eq, %iota3A, %eq3A_480 : vector<1x128xi32>
    %convert_element_type3A_482 = arith.extui %eq3A_481 : vector<1x128xi1> to vector<1x128xi32>
    %convert_element_type3A_483 = arith.sitofp %convert_element_type3A_482 : vector<1x128xi32> to vector<1x128xf32>
    %get3A_484 = arith.constant 0 : index
    %get3A_485 = arith.constant 0 : index
    %get3A_486 = vector.load %arg26[%get3A_484, %get3A_485] : memref<64x128xf32, #tpu.memory_space<vmem>>, vector<64x128xf32>
    %dot_general3A_487 = arith.constant dense<0.000000e+00> : vector<1x64xf32>
    %dot_general3A_488 = tpu.matmul %convert_element_type3A_483, %get3A_486, %dot_general3A_487 {dimension_numbers = #tpu.dot_dimension_numbers<[1], [1], [0], [0], [0, 0, 1, 0], [], []>, transpose_lhs_hint = false} : vector<1x128xf32>, vector<64x128xf32>, vector<1x64xf32> -> vector<1x64xf32>
    %swap3A_489 = arith.constant 24 : index
    %swap3A_490 = arith.constant 0 : index
    %swap3A_491 = vector.load %arg66[%swap3A_489, %swap3A_490] : memref<64x64xf32, #tpu.memory_space<vmem>>, vector<1x64xf32>
    tpu.vector_store %arg66[%swap3A_489, %swap3A_490], %dot_general3A_488 {strides = array<i32>} : memref<64x64xf32, #tpu.memory_space<vmem>>, vector<1x64xf32>,
    %mul3A_492 = arith.constant 64 : i32
    %mul3A_493 = arith.muli %arg0, %mul3A_492 : i32
    %add3A_494 = arith.constant 25 : i32
    %add3A_495 = arith.addi %mul3A_493, %add3A_494 : i32
    %get3A_496 = arith.index_cast %add3A_495 : i32 to index
    %get3A_497 = memref.load %arg1[%get3A_496] : memref<4096xi32, #tpu.memory_space<smem>>
    %rem3A_498 = arith.constant 128 : i32
    %rem3A_499 = arith.remsi %get3A_497, %rem3A_498 : i32
    %eq3A_500 = vector.broadcast %rem3A_499 : i32 to vector<1x128xi32>
    %eq3A_501 = arith.cmpi eq, %iota3A, %eq3A_500 : vector<1x128xi32>
    %convert_element_type3A_502 = arith.extui %eq3A_501 : vector<1x128xi1> to vector<1x128xi32>
    %convert_element_type3A_503 = arith.sitofp %convert_element_type3A_502 : vector<1x128xi32> to vector<1x128xf32>
    %get3A_504 = arith.constant 0 : index
    %get3A_505 = arith.constant 0 : index
    %get3A_506 = vector.load %arg27[%get3A_504, %get3A_505] : memref<64x128xf32, #tpu.memory_space<vmem>>, vector<64x128xf32>
    %dot_general3A_507 = arith.constant dense<0.000000e+00> : vector<1x64xf32>
    %dot_general3A_508 = tpu.matmul %convert_element_type3A_503, %get3A_506, %dot_general3A_507 {dimension_numbers = #tpu.dot_dimension_numbers<[1], [1], [0], [0], [0, 0, 1, 0], [], []>, transpose_lhs_hint = false} : vector<1x128xf32>, vector<64x128xf32>, vector<1x64xf32> -> vector<1x64xf32>
    %swap3A_509 = arith.constant 25 : index
    %swap3A_510 = arith.constant 0 : index
    %swap3A_511 = vector.load %arg66[%swap3A_509, %swap3A_510] : memref<64x64xf32, #tpu.memory_space<vmem>>, vector<1x64xf32>
    tpu.vector_store %arg66[%swap3A_509, %swap3A_510], %dot_general3A_508 {strides = array<i32>} : memref<64x64xf32, #tpu.memory_space<vmem>>, vector<1x64xf32>,
    %mul3A_512 = arith.constant 64 : i32
    %mul3A_513 = arith.muli %arg0, %mul3A_512 : i32
    %add3A_514 = arith.constant 26 : i32
    %add3A_515 = arith.addi %mul3A_513, %add3A_514 : i32
    %get3A_516 = arith.index_cast %add3A_515 : i32 to index
    %get3A_517 = memref.load %arg1[%get3A_516] : memref<4096xi32, #tpu.memory_space<smem>>
    %rem3A_518 = arith.constant 128 : i32
    %rem3A_519 = arith.remsi %get3A_517, %rem3A_518 : i32
    %eq3A_520 = vector.broadcast %rem3A_519 : i32 to vector<1x128xi32>
    %eq3A_521 = arith.cmpi eq, %iota3A, %eq3A_520 : vector<1x128xi32>
    %convert_element_type3A_522 = arith.extui %eq3A_521 : vector<1x128xi1> to vector<1x128xi32>
    %convert_element_type3A_523 = arith.sitofp %convert_element_type3A_522 : vector<1x128xi32> to vector<1x128xf32>
    %get3A_524 = arith.constant 0 : index
    %get3A_525 = arith.constant 0 : index
    %get3A_526 = vector.load %arg28[%get3A_524, %get3A_525] : memref<64x128xf32, #tpu.memory_space<vmem>>, vector<64x128xf32>
    %dot_general3A_527 = arith.constant dense<0.000000e+00> : vector<1x64xf32>
    %dot_general3A_528 = tpu.matmul %convert_element_type3A_523, %get3A_526, %dot_general3A_527 {dimension_numbers = #tpu.dot_dimension_numbers<[1], [1], [0], [0], [0, 0, 1, 0], [], []>, transpose_lhs_hint = false} : vector<1x128xf32>, vector<64x128xf32>, vector<1x64xf32> -> vector<1x64xf32>
    %swap3A_529 = arith.constant 26 : index
    %swap3A_530 = arith.constant 0 : index
    %swap3A_531 = vector.load %arg66[%swap3A_529, %swap3A_530] : memref<64x64xf32, #tpu.memory_space<vmem>>, vector<1x64xf32>
    tpu.vector_store %arg66[%swap3A_529, %swap3A_530], %dot_general3A_528 {strides = array<i32>} : memref<64x64xf32, #tpu.memory_space<vmem>>, vector<1x64xf32>,
    %mul3A_532 = arith.constant 64 : i32
    %mul3A_533 = arith.muli %arg0, %mul3A_532 : i32
    %add3A_534 = arith.constant 27 : i32
    %add3A_535 = arith.addi %mul3A_533, %add3A_534 : i32
    %get3A_536 = arith.index_cast %add3A_535 : i32 to index
    %get3A_537 = memref.load %arg1[%get3A_536] : memref<4096xi32, #tpu.memory_space<smem>>
    %rem3A_538 = arith.constant 128 : i32
    %rem3A_539 = arith.remsi %get3A_537, %rem3A_538 : i32
    %eq3A_540 = vector.broadcast %rem3A_539 : i32 to vector<1x128xi32>
    %eq3A_541 = arith.cmpi eq, %iota3A, %eq3A_540 : vector<1x128xi32>
    %convert_element_type3A_542 = arith.extui %eq3A_541 : vector<1x128xi1> to vector<1x128xi32>
    %convert_element_type3A_543 = arith.sitofp %convert_element_type3A_542 : vector<1x128xi32> to vector<1x128xf32>
    %get3A_544 = arith.constant 0 : index
    %get3A_545 = arith.constant 0 : index
    %get3A_546 = vector.load %arg29[%get3A_544, %get3A_545] : memref<64x128xf32, #tpu.memory_space<vmem>>, vector<64x128xf32>
    %dot_general3A_547 = arith.constant dense<0.000000e+00> : vector<1x64xf32>
    %dot_general3A_548 = tpu.matmul %convert_element_type3A_543, %get3A_546, %dot_general3A_547 {dimension_numbers = #tpu.dot_dimension_numbers<[1], [1], [0], [0], [0, 0, 1, 0], [], []>, transpose_lhs_hint = false} : vector<1x128xf32>, vector<64x128xf32>, vector<1x64xf32> -> vector<1x64xf32>
    %swap3A_549 = arith.constant 27 : index
    %swap3A_550 = arith.constant 0 : index
    %swap3A_551 = vector.load %arg66[%swap3A_549, %swap3A_550] : memref<64x64xf32, #tpu.memory_space<vmem>>, vector<1x64xf32>
    tpu.vector_store %arg66[%swap3A_549, %swap3A_550], %dot_general3A_548 {strides = array<i32>} : memref<64x64xf32, #tpu.memory_space<vmem>>, vector<1x64xf32>,
    %mul3A_552 = arith.constant 64 : i32
    %mul3A_553 = arith.muli %arg0, %mul3A_552 : i32
    %add3A_554 = arith.constant 28 : i32
    %add3A_555 = arith.addi %mul3A_553, %add3A_554 : i32
    %get3A_556 = arith.index_cast %add3A_555 : i32 to index
    %get3A_557 = memref.load %arg1[%get3A_556] : memref<4096xi32, #tpu.memory_space<smem>>
    %rem3A_558 = arith.constant 128 : i32
    %rem3A_559 = arith.remsi %get3A_557, %rem3A_558 : i32
    %eq3A_560 = vector.broadcast %rem3A_559 : i32 to vector<1x128xi32>
    %eq3A_561 = arith.cmpi eq, %iota3A, %eq3A_560 : vector<1x128xi32>
    %convert_element_type3A_562 = arith.extui %eq3A_561 : vector<1x128xi1> to vector<1x128xi32>
    %convert_element_type3A_563 = arith.sitofp %convert_element_type3A_562 : vector<1x128xi32> to vector<1x128xf32>
    %get3A_564 = arith.constant 0 : index
    %get3A_565 = arith.constant 0 : index
    %get3A_566 = vector.load %arg30[%get3A_564, %get3A_565] : memref<64x128xf32, #tpu.memory_space<vmem>>, vector<64x128xf32>
    %dot_general3A_567 = arith.constant dense<0.000000e+00> : vector<1x64xf32>
    %dot_general3A_568 = tpu.matmul %convert_element_type3A_563, %get3A_566, %dot_general3A_567 {dimension_numbers = #tpu.dot_dimension_numbers<[1], [1], [0], [0], [0, 0, 1, 0], [], []>, transpose_lhs_hint = false} : vector<1x128xf32>, vector<64x128xf32>, vector<1x64xf32> -> vector<1x64xf32>
    %swap3A_569 = arith.constant 28 : index
    %swap3A_570 = arith.constant 0 : index
    %swap3A_571 = vector.load %arg66[%swap3A_569, %swap3A_570] : memref<64x64xf32, #tpu.memory_space<vmem>>, vector<1x64xf32>
    tpu.vector_store %arg66[%swap3A_569, %swap3A_570], %dot_general3A_568 {strides = array<i32>} : memref<64x64xf32, #tpu.memory_space<vmem>>, vector<1x64xf32>,
    %mul3A_572 = arith.constant 64 : i32
    %mul3A_573 = arith.muli %arg0, %mul3A_572 : i32
    %add3A_574 = arith.constant 29 : i32
    %add3A_575 = arith.addi %mul3A_573, %add3A_574 : i32
    %get3A_576 = arith.index_cast %add3A_575 : i32 to index
    %get3A_577 = memref.load %arg1[%get3A_576] : memref<4096xi32, #tpu.memory_space<smem>>
    %rem3A_578 = arith.constant 128 : i32
    %rem3A_579 = arith.remsi %get3A_577, %rem3A_578 : i32
    %eq3A_580 = vector.broadcast %rem3A_579 : i32 to vector<1x128xi32>
    %eq3A_581 = arith.cmpi eq, %iota3A, %eq3A_580 : vector<1x128xi32>
    %convert_element_type3A_582 = arith.extui %eq3A_581 : vector<1x128xi1> to vector<1x128xi32>
    %convert_element_type3A_583 = arith.sitofp %convert_element_type3A_582 : vector<1x128xi32> to vector<1x128xf32>
    %get3A_584 = arith.constant 0 : index
    %get3A_585 = arith.constant 0 : index
    %get3A_586 = vector.load %arg31[%get3A_584, %get3A_585] : memref<64x128xf32, #tpu.memory_space<vmem>>, vector<64x128xf32>
    %dot_general3A_587 = arith.constant dense<0.000000e+00> : vector<1x64xf32>
    %dot_general3A_588 = tpu.matmul %convert_element_type3A_583, %get3A_586, %dot_general3A_587 {dimension_numbers = #tpu.dot_dimension_numbers<[1], [1], [0], [0], [0, 0, 1, 0], [], []>, transpose_lhs_hint = false} : vector<1x128xf32>, vector<64x128xf32>, vector<1x64xf32> -> vector<1x64xf32>
    %swap3A_589 = arith.constant 29 : index
    %swap3A_590 = arith.constant 0 : index
    %swap3A_591 = vector.load %arg66[%swap3A_589, %swap3A_590] : memref<64x64xf32, #tpu.memory_space<vmem>>, vector<1x64xf32>
    tpu.vector_store %arg66[%swap3A_589, %swap3A_590], %dot_general3A_588 {strides = array<i32>} : memref<64x64xf32, #tpu.memory_space<vmem>>, vector<1x64xf32>,
    %mul3A_592 = arith.constant 64 : i32
    %mul3A_593 = arith.muli %arg0, %mul3A_592 : i32
    %add3A_594 = arith.constant 30 : i32
    %add3A_595 = arith.addi %mul3A_593, %add3A_594 : i32
    %get3A_596 = arith.index_cast %add3A_595 : i32 to index
    %get3A_597 = memref.load %arg1[%get3A_596] : memref<4096xi32, #tpu.memory_space<smem>>
    %rem3A_598 = arith.constant 128 : i32
    %rem3A_599 = arith.remsi %get3A_597, %rem3A_598 : i32
    %eq3A_600 = vector.broadcast %rem3A_599 : i32 to vector<1x128xi32>
    %eq3A_601 = arith.cmpi eq, %iota3A, %eq3A_600 : vector<1x128xi32>
    %convert_element_type3A_602 = arith.extui %eq3A_601 : vector<1x128xi1> to vector<1x128xi32>
    %convert_element_type3A_603 = arith.sitofp %convert_element_type3A_602 : vector<1x128xi32> to vector<1x128xf32>
    %get3A_604 = arith.constant 0 : index
    %get3A_605 = arith.constant 0 : index
    %get3A_606 = vector.load %arg32[%get3A_604, %get3A_605] : memref<64x128xf32, #tpu.memory_space<vmem>>, vector<64x128xf32>
    %dot_general3A_607 = arith.constant dense<0.000000e+00> : vector<1x64xf32>
    %dot_general3A_608 = tpu.matmul %convert_element_type3A_603, %get3A_606, %dot_general3A_607 {dimension_numbers = #tpu.dot_dimension_numbers<[1], [1], [0], [0], [0, 0, 1, 0], [], []>, transpose_lhs_hint = false} : vector<1x128xf32>, vector<64x128xf32>, vector<1x64xf32> -> vector<1x64xf32>
    %swap3A_609 = arith.constant 30 : index
    %swap3A_610 = arith.constant 0 : index
    %swap3A_611 = vector.load %arg66[%swap3A_609, %swap3A_610] : memref<64x64xf32, #tpu.memory_space<vmem>>, vector<1x64xf32>
    tpu.vector_store %arg66[%swap3A_609, %swap3A_610], %dot_general3A_608 {strides = array<i32>} : memref<64x64xf32, #tpu.memory_space<vmem>>, vector<1x64xf32>,
    %mul3A_612 = arith.constant 64 : i32
    %mul3A_613 = arith.muli %arg0, %mul3A_612 : i32
    %add3A_614 = arith.constant 31 : i32
    %add3A_615 = arith.addi %mul3A_613, %add3A_614 : i32
    %get3A_616 = arith.index_cast %add3A_615 : i32 to index
    %get3A_617 = memref.load %arg1[%get3A_616] : memref<4096xi32, #tpu.memory_space<smem>>
    %rem3A_618 = arith.constant 128 : i32
    %rem3A_619 = arith.remsi %get3A_617, %rem3A_618 : i32
    %eq3A_620 = vector.broadcast %rem3A_619 : i32 to vector<1x128xi32>
    %eq3A_621 = arith.cmpi eq, %iota3A, %eq3A_620 : vector<1x128xi32>
    %convert_element_type3A_622 = arith.extui %eq3A_621 : vector<1x128xi1> to vector<1x128xi32>
    %convert_element_type3A_623 = arith.sitofp %convert_element_type3A_622 : vector<1x128xi32> to vector<1x128xf32>
    %get3A_624 = arith.constant 0 : index
    %get3A_625 = arith.constant 0 : index
    %get3A_626 = vector.load %arg33[%get3A_624, %get3A_625] : memref<64x128xf32, #tpu.memory_space<vmem>>, vector<64x128xf32>
    %dot_general3A_627 = arith.constant dense<0.000000e+00> : vector<1x64xf32>
    %dot_general3A_628 = tpu.matmul %convert_element_type3A_623, %get3A_626, %dot_general3A_627 {dimension_numbers = #tpu.dot_dimension_numbers<[1], [1], [0], [0], [0, 0, 1, 0], [], []>, transpose_lhs_hint = false} : vector<1x128xf32>, vector<64x128xf32>, vector<1x64xf32> -> vector<1x64xf32>
    %swap3A_629 = arith.constant 31 : index
    %swap3A_630 = arith.constant 0 : index
    %swap3A_631 = vector.load %arg66[%swap3A_629, %swap3A_630] : memref<64x64xf32, #tpu.memory_space<vmem>>, vector<1x64xf32>
    tpu.vector_store %arg66[%swap3A_629, %swap3A_630], %dot_general3A_628 {strides = array<i32>} : memref<64x64xf32, #tpu.memory_space<vmem>>, vector<1x64xf32>,
    %mul3A_632 = arith.constant 64 : i32
    %mul3A_633 = arith.muli %arg0, %mul3A_632 : i32
    %add3A_634 = arith.constant 32 : i32
    %add3A_635 = arith.addi %mul3A_633, %add3A_634 : i32
    %get3A_636 = arith.index_cast %add3A_635 : i32 to index
    %get3A_637 = memref.load %arg1[%get3A_636] : memref<4096xi32, #tpu.memory_space<smem>>
    %rem3A_638 = arith.constant 128 : i32
    %rem3A_639 = arith.remsi %get3A_637, %rem3A_638 : i32
    %eq3A_640 = vector.broadcast %rem3A_639 : i32 to vector<1x128xi32>
    %eq3A_641 = arith.cmpi eq, %iota3A, %eq3A_640 : vector<1x128xi32>
    %convert_element_type3A_642 = arith.extui %eq3A_641 : vector<1x128xi1> to vector<1x128xi32>
    %convert_element_type3A_643 = arith.sitofp %convert_element_type3A_642 : vector<1x128xi32> to vector<1x128xf32>
    %get3A_644 = arith.constant 0 : index
    %get3A_645 = arith.constant 0 : index
    %get3A_646 = vector.load %arg34[%get3A_644, %get3A_645] : memref<64x128xf32, #tpu.memory_space<vmem>>, vector<64x128xf32>
    %dot_general3A_647 = arith.constant dense<0.000000e+00> : vector<1x64xf32>
    %dot_general3A_648 = tpu.matmul %convert_element_type3A_643, %get3A_646, %dot_general3A_647 {dimension_numbers = #tpu.dot_dimension_numbers<[1], [1], [0], [0], [0, 0, 1, 0], [], []>, transpose_lhs_hint = false} : vector<1x128xf32>, vector<64x128xf32>, vector<1x64xf32> -> vector<1x64xf32>
    %swap3A_649 = arith.constant 32 : index
    %swap3A_650 = arith.constant 0 : index
    %swap3A_651 = vector.load %arg66[%swap3A_649, %swap3A_650] : memref<64x64xf32, #tpu.memory_space<vmem>>, vector<1x64xf32>
    tpu.vector_store %arg66[%swap3A_649, %swap3A_650], %dot_general3A_648 {strides = array<i32>} : memref<64x64xf32, #tpu.memory_space<vmem>>, vector<1x64xf32>,
    %mul3A_652 = arith.constant 64 : i32
    %mul3A_653 = arith.muli %arg0, %mul3A_652 : i32
    %add3A_654 = arith.constant 33 : i32
    %add3A_655 = arith.addi %mul3A_653, %add3A_654 : i32
    %get3A_656 = arith.index_cast %add3A_655 : i32 to index
    %get3A_657 = memref.load %arg1[%get3A_656] : memref<4096xi32, #tpu.memory_space<smem>>
    %rem3A_658 = arith.constant 128 : i32
    %rem3A_659 = arith.remsi %get3A_657, %rem3A_658 : i32
    %eq3A_660 = vector.broadcast %rem3A_659 : i32 to vector<1x128xi32>
    %eq3A_661 = arith.cmpi eq, %iota3A, %eq3A_660 : vector<1x128xi32>
    %convert_element_type3A_662 = arith.extui %eq3A_661 : vector<1x128xi1> to vector<1x128xi32>
    %convert_element_type3A_663 = arith.sitofp %convert_element_type3A_662 : vector<1x128xi32> to vector<1x128xf32>
    %get3A_664 = arith.constant 0 : index
    %get3A_665 = arith.constant 0 : index
    %get3A_666 = vector.load %arg35[%get3A_664, %get3A_665] : memref<64x128xf32, #tpu.memory_space<vmem>>, vector<64x128xf32>
    %dot_general3A_667 = arith.constant dense<0.000000e+00> : vector<1x64xf32>
    %dot_general3A_668 = tpu.matmul %convert_element_type3A_663, %get3A_666, %dot_general3A_667 {dimension_numbers = #tpu.dot_dimension_numbers<[1], [1], [0], [0], [0, 0, 1, 0], [], []>, transpose_lhs_hint = false} : vector<1x128xf32>, vector<64x128xf32>, vector<1x64xf32> -> vector<1x64xf32>
    %swap3A_669 = arith.constant 33 : index
    %swap3A_670 = arith.constant 0 : index
    %swap3A_671 = vector.load %arg66[%swap3A_669, %swap3A_670] : memref<64x64xf32, #tpu.memory_space<vmem>>, vector<1x64xf32>
    tpu.vector_store %arg66[%swap3A_669, %swap3A_670], %dot_general3A_668 {strides = array<i32>} : memref<64x64xf32, #tpu.memory_space<vmem>>, vector<1x64xf32>,
    %mul3A_672 = arith.constant 64 : i32
    %mul3A_673 = arith.muli %arg0, %mul3A_672 : i32
    %add3A_674 = arith.constant 34 : i32
    %add3A_675 = arith.addi %mul3A_673, %add3A_674 : i32
    %get3A_676 = arith.index_cast %add3A_675 : i32 to index
    %get3A_677 = memref.load %arg1[%get3A_676] : memref<4096xi32, #tpu.memory_space<smem>>
    %rem3A_678 = arith.constant 128 : i32
    %rem3A_679 = arith.remsi %get3A_677, %rem3A_678 : i32
    %eq3A_680 = vector.broadcast %rem3A_679 : i32 to vector<1x128xi32>
    %eq3A_681 = arith.cmpi eq, %iota3A, %eq3A_680 : vector<1x128xi32>
    %convert_element_type3A_682 = arith.extui %eq3A_681 : vector<1x128xi1> to vector<1x128xi32>
    %convert_element_type3A_683 = arith.sitofp %convert_element_type3A_682 : vector<1x128xi32> to vector<1x128xf32>
    %get3A_684 = arith.constant 0 : index
    %get3A_685 = arith.constant 0 : index
    %get3A_686 = vector.load %arg36[%get3A_684, %get3A_685] : memref<64x128xf32, #tpu.memory_space<vmem>>, vector<64x128xf32>
    %dot_general3A_687 = arith.constant dense<0.000000e+00> : vector<1x64xf32>
    %dot_general3A_688 = tpu.matmul %convert_element_type3A_683, %get3A_686, %dot_general3A_687 {dimension_numbers = #tpu.dot_dimension_numbers<[1], [1], [0], [0], [0, 0, 1, 0], [], []>, transpose_lhs_hint = false} : vector<1x128xf32>, vector<64x128xf32>, vector<1x64xf32> -> vector<1x64xf32>
    %swap3A_689 = arith.constant 34 : index
    %swap3A_690 = arith.constant 0 : index
    %swap3A_691 = vector.load %arg66[%swap3A_689, %swap3A_690] : memref<64x64xf32, #tpu.memory_space<vmem>>, vector<1x64xf32>
    tpu.vector_store %arg66[%swap3A_689, %swap3A_690], %dot_general3A_688 {strides = array<i32>} : memref<64x64xf32, #tpu.memory_space<vmem>>, vector<1x64xf32>,
    %mul3A_692 = arith.constant 64 : i32
    %mul3A_693 = arith.muli %arg0, %mul3A_692 : i32
    %add3A_694 = arith.constant 35 : i32
    %add3A_695 = arith.addi %mul3A_693, %add3A_694 : i32
    %get3A_696 = arith.index_cast %add3A_695 : i32 to index
    %get3A_697 = memref.load %arg1[%get3A_696] : memref<4096xi32, #tpu.memory_space<smem>>
    %rem3A_698 = arith.constant 128 : i32
    %rem3A_699 = arith.remsi %get3A_697, %rem3A_698 : i32
    %eq3A_700 = vector.broadcast %rem3A_699 : i32 to vector<1x128xi32>
    %eq3A_701 = arith.cmpi eq, %iota3A, %eq3A_700 : vector<1x128xi32>
    %convert_element_type3A_702 = arith.extui %eq3A_701 : vector<1x128xi1> to vector<1x128xi32>
    %convert_element_type3A_703 = arith.sitofp %convert_element_type3A_702 : vector<1x128xi32> to vector<1x128xf32>
    %get3A_704 = arith.constant 0 : index
    %get3A_705 = arith.constant 0 : index
    %get3A_706 = vector.load %arg37[%get3A_704, %get3A_705] : memref<64x128xf32, #tpu.memory_space<vmem>>, vector<64x128xf32>
    %dot_general3A_707 = arith.constant dense<0.000000e+00> : vector<1x64xf32>
    %dot_general3A_708 = tpu.matmul %convert_element_type3A_703, %get3A_706, %dot_general3A_707 {dimension_numbers = #tpu.dot_dimension_numbers<[1], [1], [0], [0], [0, 0, 1, 0], [], []>, transpose_lhs_hint = false} : vector<1x128xf32>, vector<64x128xf32>, vector<1x64xf32> -> vector<1x64xf32>
    %swap3A_709 = arith.constant 35 : index
    %swap3A_710 = arith.constant 0 : index
    %swap3A_711 = vector.load %arg66[%swap3A_709, %swap3A_710] : memref<64x64xf32, #tpu.memory_space<vmem>>, vector<1x64xf32>
    tpu.vector_store %arg66[%swap3A_709, %swap3A_710], %dot_general3A_708 {strides = array<i32>} : memref<64x64xf32, #tpu.memory_space<vmem>>, vector<1x64xf32>,
    %mul3A_712 = arith.constant 64 : i32
    %mul3A_713 = arith.muli %arg0, %mul3A_712 : i32
    %add3A_714 = arith.constant 36 : i32
    %add3A_715 = arith.addi %mul3A_713, %add3A_714 : i32
    %get3A_716 = arith.index_cast %add3A_715 : i32 to index
    %get3A_717 = memref.load %arg1[%get3A_716] : memref<4096xi32, #tpu.memory_space<smem>>
    %rem3A_718 = arith.constant 128 : i32
    %rem3A_719 = arith.remsi %get3A_717, %rem3A_718 : i32
    %eq3A_720 = vector.broadcast %rem3A_719 : i32 to vector<1x128xi32>
    %eq3A_721 = arith.cmpi eq, %iota3A, %eq3A_720 : vector<1x128xi32>
    %convert_element_type3A_722 = arith.extui %eq3A_721 : vector<1x128xi1> to vector<1x128xi32>
    %convert_element_type3A_723 = arith.sitofp %convert_element_type3A_722 : vector<1x128xi32> to vector<1x128xf32>
    %get3A_724 = arith.constant 0 : index
    %get3A_725 = arith.constant 0 : index
    %get3A_726 = vector.load %arg38[%get3A_724, %get3A_725] : memref<64x128xf32, #tpu.memory_space<vmem>>, vector<64x128xf32>
    %dot_general3A_727 = arith.constant dense<0.000000e+00> : vector<1x64xf32>
    %dot_general3A_728 = tpu.matmul %convert_element_type3A_723, %get3A_726, %dot_general3A_727 {dimension_numbers = #tpu.dot_dimension_numbers<[1], [1], [0], [0], [0, 0, 1, 0], [], []>, transpose_lhs_hint = false} : vector<1x128xf32>, vector<64x128xf32>, vector<1x64xf32> -> vector<1x64xf32>
    %swap3A_729 = arith.constant 36 : index
    %swap3A_730 = arith.constant 0 : index
    %swap3A_731 = vector.load %arg66[%swap3A_729, %swap3A_730] : memref<64x64xf32, #tpu.memory_space<vmem>>, vector<1x64xf32>
    tpu.vector_store %arg66[%swap3A_729, %swap3A_730], %dot_general3A_728 {strides = array<i32>} : memref<64x64xf32, #tpu.memory_space<vmem>>, vector<1x64xf32>,
    %mul3A_732 = arith.constant 64 : i32
    %mul3A_733 = arith.muli %arg0, %mul3A_732 : i32
    %add3A_734 = arith.constant 37 : i32
    %add3A_735 = arith.addi %mul3A_733, %add3A_734 : i32
    %get3A_736 = arith.index_cast %add3A_735 : i32 to index
    %get3A_737 = memref.load %arg1[%get3A_736] : memref<4096xi32, #tpu.memory_space<smem>>
    %rem3A_738 = arith.constant 128 : i32
    %rem3A_739 = arith.remsi %get3A_737, %rem3A_738 : i32
    %eq3A_740 = vector.broadcast %rem3A_739 : i32 to vector<1x128xi32>
    %eq3A_741 = arith.cmpi eq, %iota3A, %eq3A_740 : vector<1x128xi32>
    %convert_element_type3A_742 = arith.extui %eq3A_741 : vector<1x128xi1> to vector<1x128xi32>
    %convert_element_type3A_743 = arith.sitofp %convert_element_type3A_742 : vector<1x128xi32> to vector<1x128xf32>
    %get3A_744 = arith.constant 0 : index
    %get3A_745 = arith.constant 0 : index
    %get3A_746 = vector.load %arg39[%get3A_744, %get3A_745] : memref<64x128xf32, #tpu.memory_space<vmem>>, vector<64x128xf32>
    %dot_general3A_747 = arith.constant dense<0.000000e+00> : vector<1x64xf32>
    %dot_general3A_748 = tpu.matmul %convert_element_type3A_743, %get3A_746, %dot_general3A_747 {dimension_numbers = #tpu.dot_dimension_numbers<[1], [1], [0], [0], [0, 0, 1, 0], [], []>, transpose_lhs_hint = false} : vector<1x128xf32>, vector<64x128xf32>, vector<1x64xf32> -> vector<1x64xf32>
    %swap3A_749 = arith.constant 37 : index
    %swap3A_750 = arith.constant 0 : index
    %swap3A_751 = vector.load %arg66[%swap3A_749, %swap3A_750] : memref<64x64xf32, #tpu.memory_space<vmem>>, vector<1x64xf32>
    tpu.vector_store %arg66[%swap3A_749, %swap3A_750], %dot_general3A_748 {strides = array<i32>} : memref<64x64xf32, #tpu.memory_space<vmem>>, vector<1x64xf32>,
    %mul3A_752 = arith.constant 64 : i32
    %mul3A_753 = arith.muli %arg0, %mul3A_752 : i32
    %add3A_754 = arith.constant 38 : i32
    %add3A_755 = arith.addi %mul3A_753, %add3A_754 : i32
    %get3A_756 = arith.index_cast %add3A_755 : i32 to index
    %get3A_757 = memref.load %arg1[%get3A_756] : memref<4096xi32, #tpu.memory_space<smem>>
    %rem3A_758 = arith.constant 128 : i32
    %rem3A_759 = arith.remsi %get3A_757, %rem3A_758 : i32
    %eq3A_760 = vector.broadcast %rem3A_759 : i32 to vector<1x128xi32>
    %eq3A_761 = arith.cmpi eq, %iota3A, %eq3A_760 : vector<1x128xi32>
    %convert_element_type3A_762 = arith.extui %eq3A_761 : vector<1x128xi1> to vector<1x128xi32>
    %convert_element_type3A_763 = arith.sitofp %convert_element_type3A_762 : vector<1x128xi32> to vector<1x128xf32>
    %get3A_764 = arith.constant 0 : index
    %get3A_765 = arith.constant 0 : index
    %get3A_766 = vector.load %arg40[%get3A_764, %get3A_765] : memref<64x128xf32, #tpu.memory_space<vmem>>, vector<64x128xf32>
    %dot_general3A_767 = arith.constant dense<0.000000e+00> : vector<1x64xf32>
    %dot_general3A_768 = tpu.matmul %convert_element_type3A_763, %get3A_766, %dot_general3A_767 {dimension_numbers = #tpu.dot_dimension_numbers<[1], [1], [0], [0], [0, 0, 1, 0], [], []>, transpose_lhs_hint = false} : vector<1x128xf32>, vector<64x128xf32>, vector<1x64xf32> -> vector<1x64xf32>
    %swap3A_769 = arith.constant 38 : index
    %swap3A_770 = arith.constant 0 : index
    %swap3A_771 = vector.load %arg66[%swap3A_769, %swap3A_770] : memref<64x64xf32, #tpu.memory_space<vmem>>, vector<1x64xf32>
    tpu.vector_store %arg66[%swap3A_769, %swap3A_770], %dot_general3A_768 {strides = array<i32>} : memref<64x64xf32, #tpu.memory_space<vmem>>, vector<1x64xf32>,
    %mul3A_772 = arith.constant 64 : i32
    %mul3A_773 = arith.muli %arg0, %mul3A_772 : i32
    %add3A_774 = arith.constant 39 : i32
    %add3A_775 = arith.addi %mul3A_773, %add3A_774 : i32
    %get3A_776 = arith.index_cast %add3A_775 : i32 to index
    %get3A_777 = memref.load %arg1[%get3A_776] : memref<4096xi32, #tpu.memory_space<smem>>
    %rem3A_778 = arith.constant 128 : i32
    %rem3A_779 = arith.remsi %get3A_777, %rem3A_778 : i32
    %eq3A_780 = vector.broadcast %rem3A_779 : i32 to vector<1x128xi32>
    %eq3A_781 = arith.cmpi eq, %iota3A, %eq3A_780 : vector<1x128xi32>
    %convert_element_type3A_782 = arith.extui %eq3A_781 : vector<1x128xi1> to vector<1x128xi32>
    %convert_element_type3A_783 = arith.sitofp %convert_element_type3A_782 : vector<1x128xi32> to vector<1x128xf32>
    %get3A_784 = arith.constant 0 : index
    %get3A_785 = arith.constant 0 : index
    %get3A_786 = vector.load %arg41[%get3A_784, %get3A_785] : memref<64x128xf32, #tpu.memory_space<vmem>>, vector<64x128xf32>
    %dot_general3A_787 = arith.constant dense<0.000000e+00> : vector<1x64xf32>
    %dot_general3A_788 = tpu.matmul %convert_element_type3A_783, %get3A_786, %dot_general3A_787 {dimension_numbers = #tpu.dot_dimension_numbers<[1], [1], [0], [0], [0, 0, 1, 0], [], []>, transpose_lhs_hint = false} : vector<1x128xf32>, vector<64x128xf32>, vector<1x64xf32> -> vector<1x64xf32>
    %swap3A_789 = arith.constant 39 : index
    %swap3A_790 = arith.constant 0 : index
    %swap3A_791 = vector.load %arg66[%swap3A_789, %swap3A_790] : memref<64x64xf32, #tpu.memory_space<vmem>>, vector<1x64xf32>
    tpu.vector_store %arg66[%swap3A_789, %swap3A_790], %dot_general3A_788 {strides = array<i32>} : memref<64x64xf32, #tpu.memory_space<vmem>>, vector<1x64xf32>,
    %mul3A_792 = arith.constant 64 : i32
    %mul3A_793 = arith.muli %arg0, %mul3A_792 : i32
    %add3A_794 = arith.constant 40 : i32
    %add3A_795 = arith.addi %mul3A_793, %add3A_794 : i32
    %get3A_796 = arith.index_cast %add3A_795 : i32 to index
    %get3A_797 = memref.load %arg1[%get3A_796] : memref<4096xi32, #tpu.memory_space<smem>>
    %rem3A_798 = arith.constant 128 : i32
    %rem3A_799 = arith.remsi %get3A_797, %rem3A_798 : i32
    %eq3A_800 = vector.broadcast %rem3A_799 : i32 to vector<1x128xi32>
    %eq3A_801 = arith.cmpi eq, %iota3A, %eq3A_800 : vector<1x128xi32>
    %convert_element_type3A_802 = arith.extui %eq3A_801 : vector<1x128xi1> to vector<1x128xi32>
    %convert_element_type3A_803 = arith.sitofp %convert_element_type3A_802 : vector<1x128xi32> to vector<1x128xf32>
    %get3A_804 = arith.constant 0 : index
    %get3A_805 = arith.constant 0 : index
    %get3A_806 = vector.load %arg42[%get3A_804, %get3A_805] : memref<64x128xf32, #tpu.memory_space<vmem>>, vector<64x128xf32>
    %dot_general3A_807 = arith.constant dense<0.000000e+00> : vector<1x64xf32>
    %dot_general3A_808 = tpu.matmul %convert_element_type3A_803, %get3A_806, %dot_general3A_807 {dimension_numbers = #tpu.dot_dimension_numbers<[1], [1], [0], [0], [0, 0, 1, 0], [], []>, transpose_lhs_hint = false} : vector<1x128xf32>, vector<64x128xf32>, vector<1x64xf32> -> vector<1x64xf32>
    %swap3A_809 = arith.constant 40 : index
    %swap3A_810 = arith.constant 0 : index
    %swap3A_811 = vector.load %arg66[%swap3A_809, %swap3A_810] : memref<64x64xf32, #tpu.memory_space<vmem>>, vector<1x64xf32>
    tpu.vector_store %arg66[%swap3A_809, %swap3A_810], %dot_general3A_808 {strides = array<i32>} : memref<64x64xf32, #tpu.memory_space<vmem>>, vector<1x64xf32>,
    %mul3A_812 = arith.constant 64 : i32
    %mul3A_813 = arith.muli %arg0, %mul3A_812 : i32
    %add3A_814 = arith.constant 41 : i32
    %add3A_815 = arith.addi %mul3A_813, %add3A_814 : i32
    %get3A_816 = arith.index_cast %add3A_815 : i32 to index
    %get3A_817 = memref.load %arg1[%get3A_816] : memref<4096xi32, #tpu.memory_space<smem>>
    %rem3A_818 = arith.constant 128 : i32
    %rem3A_819 = arith.remsi %get3A_817, %rem3A_818 : i32
    %eq3A_820 = vector.broadcast %rem3A_819 : i32 to vector<1x128xi32>
    %eq3A_821 = arith.cmpi eq, %iota3A, %eq3A_820 : vector<1x128xi32>
    %convert_element_type3A_822 = arith.extui %eq3A_821 : vector<1x128xi1> to vector<1x128xi32>
    %convert_element_type3A_823 = arith.sitofp %convert_element_type3A_822 : vector<1x128xi32> to vector<1x128xf32>
    %get3A_824 = arith.constant 0 : index
    %get3A_825 = arith.constant 0 : index
    %get3A_826 = vector.load %arg43[%get3A_824, %get3A_825] : memref<64x128xf32, #tpu.memory_space<vmem>>, vector<64x128xf32>
    %dot_general3A_827 = arith.constant dense<0.000000e+00> : vector<1x64xf32>
    %dot_general3A_828 = tpu.matmul %convert_element_type3A_823, %get3A_826, %dot_general3A_827 {dimension_numbers = #tpu.dot_dimension_numbers<[1], [1], [0], [0], [0, 0, 1, 0], [], []>, transpose_lhs_hint = false} : vector<1x128xf32>, vector<64x128xf32>, vector<1x64xf32> -> vector<1x64xf32>
    %swap3A_829 = arith.constant 41 : index
    %swap3A_830 = arith.constant 0 : index
    %swap3A_831 = vector.load %arg66[%swap3A_829, %swap3A_830] : memref<64x64xf32, #tpu.memory_space<vmem>>, vector<1x64xf32>
    tpu.vector_store %arg66[%swap3A_829, %swap3A_830], %dot_general3A_828 {strides = array<i32>} : memref<64x64xf32, #tpu.memory_space<vmem>>, vector<1x64xf32>,
    %mul3A_832 = arith.constant 64 : i32
    %mul3A_833 = arith.muli %arg0, %mul3A_832 : i32
    %add3A_834 = arith.constant 42 : i32
    %add3A_835 = arith.addi %mul3A_833, %add3A_834 : i32
    %get3A_836 = arith.index_cast %add3A_835 : i32 to index
    %get3A_837 = memref.load %arg1[%get3A_836] : memref<4096xi32, #tpu.memory_space<smem>>
    %rem3A_838 = arith.constant 128 : i32
    %rem3A_839 = arith.remsi %get3A_837, %rem3A_838 : i32
    %eq3A_840 = vector.broadcast %rem3A_839 : i32 to vector<1x128xi32>
    %eq3A_841 = arith.cmpi eq, %iota3A, %eq3A_840 : vector<1x128xi32>
    %convert_element_type3A_842 = arith.extui %eq3A_841 : vector<1x128xi1> to vector<1x128xi32>
    %convert_element_type3A_843 = arith.sitofp %convert_element_type3A_842 : vector<1x128xi32> to vector<1x128xf32>
    %get3A_844 = arith.constant 0 : index
    %get3A_845 = arith.constant 0 : index
    %get3A_846 = vector.load %arg44[%get3A_844, %get3A_845] : memref<64x128xf32, #tpu.memory_space<vmem>>, vector<64x128xf32>
    %dot_general3A_847 = arith.constant dense<0.000000e+00> : vector<1x64xf32>
    %dot_general3A_848 = tpu.matmul %convert_element_type3A_843, %get3A_846, %dot_general3A_847 {dimension_numbers = #tpu.dot_dimension_numbers<[1], [1], [0], [0], [0, 0, 1, 0], [], []>, transpose_lhs_hint = false} : vector<1x128xf32>, vector<64x128xf32>, vector<1x64xf32> -> vector<1x64xf32>
    %swap3A_849 = arith.constant 42 : index
    %swap3A_850 = arith.constant 0 : index
    %swap3A_851 = vector.load %arg66[%swap3A_849, %swap3A_850] : memref<64x64xf32, #tpu.memory_space<vmem>>, vector<1x64xf32>
    tpu.vector_store %arg66[%swap3A_849, %swap3A_850], %dot_general3A_848 {strides = array<i32>} : memref<64x64xf32, #tpu.memory_space<vmem>>, vector<1x64xf32>,
    %mul3A_852 = arith.constant 64 : i32
    %mul3A_853 = arith.muli %arg0, %mul3A_852 : i32
    %add3A_854 = arith.constant 43 : i32
    %add3A_855 = arith.addi %mul3A_853, %add3A_854 : i32
    %get3A_856 = arith.index_cast %add3A_855 : i32 to index
    %get3A_857 = memref.load %arg1[%get3A_856] : memref<4096xi32, #tpu.memory_space<smem>>
    %rem3A_858 = arith.constant 128 : i32
    %rem3A_859 = arith.remsi %get3A_857, %rem3A_858 : i32
    %eq3A_860 = vector.broadcast %rem3A_859 : i32 to vector<1x128xi32>
    %eq3A_861 = arith.cmpi eq, %iota3A, %eq3A_860 : vector<1x128xi32>
    %convert_element_type3A_862 = arith.extui %eq3A_861 : vector<1x128xi1> to vector<1x128xi32>
    %convert_element_type3A_863 = arith.sitofp %convert_element_type3A_862 : vector<1x128xi32> to vector<1x128xf32>
    %get3A_864 = arith.constant 0 : index
    %get3A_865 = arith.constant 0 : index
    %get3A_866 = vector.load %arg45[%get3A_864, %get3A_865] : memref<64x128xf32, #tpu.memory_space<vmem>>, vector<64x128xf32>
    %dot_general3A_867 = arith.constant dense<0.000000e+00> : vector<1x64xf32>
    %dot_general3A_868 = tpu.matmul %convert_element_type3A_863, %get3A_866, %dot_general3A_867 {dimension_numbers = #tpu.dot_dimension_numbers<[1], [1], [0], [0], [0, 0, 1, 0], [], []>, transpose_lhs_hint = false} : vector<1x128xf32>, vector<64x128xf32>, vector<1x64xf32> -> vector<1x64xf32>
    %swap3A_869 = arith.constant 43 : index
    %swap3A_870 = arith.constant 0 : index
    %swap3A_871 = vector.load %arg66[%swap3A_869, %swap3A_870] : memref<64x64xf32, #tpu.memory_space<vmem>>, vector<1x64xf32>
    tpu.vector_store %arg66[%swap3A_869, %swap3A_870], %dot_general3A_868 {strides = array<i32>} : memref<64x64xf32, #tpu.memory_space<vmem>>, vector<1x64xf32>,
    %mul3A_872 = arith.constant 64 : i32
    %mul3A_873 = arith.muli %arg0, %mul3A_872 : i32
    %add3A_874 = arith.constant 44 : i32
    %add3A_875 = arith.addi %mul3A_873, %add3A_874 : i32
    %get3A_876 = arith.index_cast %add3A_875 : i32 to index
    %get3A_877 = memref.load %arg1[%get3A_876] : memref<4096xi32, #tpu.memory_space<smem>>
    %rem3A_878 = arith.constant 128 : i32
    %rem3A_879 = arith.remsi %get3A_877, %rem3A_878 : i32
    %eq3A_880 = vector.broadcast %rem3A_879 : i32 to vector<1x128xi32>
    %eq3A_881 = arith.cmpi eq, %iota3A, %eq3A_880 : vector<1x128xi32>
    %convert_element_type3A_882 = arith.extui %eq3A_881 : vector<1x128xi1> to vector<1x128xi32>
    %convert_element_type3A_883 = arith.sitofp %convert_element_type3A_882 : vector<1x128xi32> to vector<1x128xf32>
    %get3A_884 = arith.constant 0 : index
    %get3A_885 = arith.constant 0 : index
    %get3A_886 = vector.load %arg46[%get3A_884, %get3A_885] : memref<64x128xf32, #tpu.memory_space<vmem>>, vector<64x128xf32>
    %dot_general3A_887 = arith.constant dense<0.000000e+00> : vector<1x64xf32>
    %dot_general3A_888 = tpu.matmul %convert_element_type3A_883, %get3A_886, %dot_general3A_887 {dimension_numbers = #tpu.dot_dimension_numbers<[1], [1], [0], [0], [0, 0, 1, 0], [], []>, transpose_lhs_hint = false} : vector<1x128xf32>, vector<64x128xf32>, vector<1x64xf32> -> vector<1x64xf32>
    %swap3A_889 = arith.constant 44 : index
    %swap3A_890 = arith.constant 0 : index
    %swap3A_891 = vector.load %arg66[%swap3A_889, %swap3A_890] : memref<64x64xf32, #tpu.memory_space<vmem>>, vector<1x64xf32>
    tpu.vector_store %arg66[%swap3A_889, %swap3A_890], %dot_general3A_888 {strides = array<i32>} : memref<64x64xf32, #tpu.memory_space<vmem>>, vector<1x64xf32>,
    %mul3A_892 = arith.constant 64 : i32
    %mul3A_893 = arith.muli %arg0, %mul3A_892 : i32
    %add3A_894 = arith.constant 45 : i32
    %add3A_895 = arith.addi %mul3A_893, %add3A_894 : i32
    %get3A_896 = arith.index_cast %add3A_895 : i32 to index
    %get3A_897 = memref.load %arg1[%get3A_896] : memref<4096xi32, #tpu.memory_space<smem>>
    %rem3A_898 = arith.constant 128 : i32
    %rem3A_899 = arith.remsi %get3A_897, %rem3A_898 : i32
    %eq3A_900 = vector.broadcast %rem3A_899 : i32 to vector<1x128xi32>
    %eq3A_901 = arith.cmpi eq, %iota3A, %eq3A_900 : vector<1x128xi32>
    %convert_element_type3A_902 = arith.extui %eq3A_901 : vector<1x128xi1> to vector<1x128xi32>
    %convert_element_type3A_903 = arith.sitofp %convert_element_type3A_902 : vector<1x128xi32> to vector<1x128xf32>
    %get3A_904 = arith.constant 0 : index
    %get3A_905 = arith.constant 0 : index
    %get3A_906 = vector.load %arg47[%get3A_904, %get3A_905] : memref<64x128xf32, #tpu.memory_space<vmem>>, vector<64x128xf32>
    %dot_general3A_907 = arith.constant dense<0.000000e+00> : vector<1x64xf32>
    %dot_general3A_908 = tpu.matmul %convert_element_type3A_903, %get3A_906, %dot_general3A_907 {dimension_numbers = #tpu.dot_dimension_numbers<[1], [1], [0], [0], [0, 0, 1, 0], [], []>, transpose_lhs_hint = false} : vector<1x128xf32>, vector<64x128xf32>, vector<1x64xf32> -> vector<1x64xf32>
    %swap3A_909 = arith.constant 45 : index
    %swap3A_910 = arith.constant 0 : index
    %swap3A_911 = vector.load %arg66[%swap3A_909, %swap3A_910] : memref<64x64xf32, #tpu.memory_space<vmem>>, vector<1x64xf32>
    tpu.vector_store %arg66[%swap3A_909, %swap3A_910], %dot_general3A_908 {strides = array<i32>} : memref<64x64xf32, #tpu.memory_space<vmem>>, vector<1x64xf32>,
    %mul3A_912 = arith.constant 64 : i32
    %mul3A_913 = arith.muli %arg0, %mul3A_912 : i32
    %add3A_914 = arith.constant 46 : i32
    %add3A_915 = arith.addi %mul3A_913, %add3A_914 : i32
    %get3A_916 = arith.index_cast %add3A_915 : i32 to index
    %get3A_917 = memref.load %arg1[%get3A_916] : memref<4096xi32, #tpu.memory_space<smem>>
    %rem3A_918 = arith.constant 128 : i32
    %rem3A_919 = arith.remsi %get3A_917, %rem3A_918 : i32
    %eq3A_920 = vector.broadcast %rem3A_919 : i32 to vector<1x128xi32>
    %eq3A_921 = arith.cmpi eq, %iota3A, %eq3A_920 : vector<1x128xi32>
    %convert_element_type3A_922 = arith.extui %eq3A_921 : vector<1x128xi1> to vector<1x128xi32>
    %convert_element_type3A_923 = arith.sitofp %convert_element_type3A_922 : vector<1x128xi32> to vector<1x128xf32>
    %get3A_924 = arith.constant 0 : index
    %get3A_925 = arith.constant 0 : index
    %get3A_926 = vector.load %arg48[%get3A_924, %get3A_925] : memref<64x128xf32, #tpu.memory_space<vmem>>, vector<64x128xf32>
    %dot_general3A_927 = arith.constant dense<0.000000e+00> : vector<1x64xf32>
    %dot_general3A_928 = tpu.matmul %convert_element_type3A_923, %get3A_926, %dot_general3A_927 {dimension_numbers = #tpu.dot_dimension_numbers<[1], [1], [0], [0], [0, 0, 1, 0], [], []>, transpose_lhs_hint = false} : vector<1x128xf32>, vector<64x128xf32>, vector<1x64xf32> -> vector<1x64xf32>
    %swap3A_929 = arith.constant 46 : index
    %swap3A_930 = arith.constant 0 : index
    %swap3A_931 = vector.load %arg66[%swap3A_929, %swap3A_930] : memref<64x64xf32, #tpu.memory_space<vmem>>, vector<1x64xf32>
    tpu.vector_store %arg66[%swap3A_929, %swap3A_930], %dot_general3A_928 {strides = array<i32>} : memref<64x64xf32, #tpu.memory_space<vmem>>, vector<1x64xf32>,
    %mul3A_932 = arith.constant 64 : i32
    %mul3A_933 = arith.muli %arg0, %mul3A_932 : i32
    %add3A_934 = arith.constant 47 : i32
    %add3A_935 = arith.addi %mul3A_933, %add3A_934 : i32
    %get3A_936 = arith.index_cast %add3A_935 : i32 to index
    %get3A_937 = memref.load %arg1[%get3A_936] : memref<4096xi32, #tpu.memory_space<smem>>
    %rem3A_938 = arith.constant 128 : i32
    %rem3A_939 = arith.remsi %get3A_937, %rem3A_938 : i32
    %eq3A_940 = vector.broadcast %rem3A_939 : i32 to vector<1x128xi32>
    %eq3A_941 = arith.cmpi eq, %iota3A, %eq3A_940 : vector<1x128xi32>
    %convert_element_type3A_942 = arith.extui %eq3A_941 : vector<1x128xi1> to vector<1x128xi32>
    %convert_element_type3A_943 = arith.sitofp %convert_element_type3A_942 : vector<1x128xi32> to vector<1x128xf32>
    %get3A_944 = arith.constant 0 : index
    %get3A_945 = arith.constant 0 : index
    %get3A_946 = vector.load %arg49[%get3A_944, %get3A_945] : memref<64x128xf32, #tpu.memory_space<vmem>>, vector<64x128xf32>
    %dot_general3A_947 = arith.constant dense<0.000000e+00> : vector<1x64xf32>
    %dot_general3A_948 = tpu.matmul %convert_element_type3A_943, %get3A_946, %dot_general3A_947 {dimension_numbers = #tpu.dot_dimension_numbers<[1], [1], [0], [0], [0, 0, 1, 0], [], []>, transpose_lhs_hint = false} : vector<1x128xf32>, vector<64x128xf32>, vector<1x64xf32> -> vector<1x64xf32>
    %swap3A_949 = arith.constant 47 : index
    %swap3A_950 = arith.constant 0 : index
    %swap3A_951 = vector.load %arg66[%swap3A_949, %swap3A_950] : memref<64x64xf32, #tpu.memory_space<vmem>>, vector<1x64xf32>
    tpu.vector_store %arg66[%swap3A_949, %swap3A_950], %dot_general3A_948 {strides = array<i32>} : memref<64x64xf32, #tpu.memory_space<vmem>>, vector<1x64xf32>,
    %mul3A_952 = arith.constant 64 : i32
    %mul3A_953 = arith.muli %arg0, %mul3A_952 : i32
    %add3A_954 = arith.constant 48 : i32
    %add3A_955 = arith.addi %mul3A_953, %add3A_954 : i32
    %get3A_956 = arith.index_cast %add3A_955 : i32 to index
    %get3A_957 = memref.load %arg1[%get3A_956] : memref<4096xi32, #tpu.memory_space<smem>>
    %rem3A_958 = arith.constant 128 : i32
    %rem3A_959 = arith.remsi %get3A_957, %rem3A_958 : i32
    %eq3A_960 = vector.broadcast %rem3A_959 : i32 to vector<1x128xi32>
    %eq3A_961 = arith.cmpi eq, %iota3A, %eq3A_960 : vector<1x128xi32>
    %convert_element_type3A_962 = arith.extui %eq3A_961 : vector<1x128xi1> to vector<1x128xi32>
    %convert_element_type3A_963 = arith.sitofp %convert_element_type3A_962 : vector<1x128xi32> to vector<1x128xf32>
    %get3A_964 = arith.constant 0 : index
    %get3A_965 = arith.constant 0 : index
    %get3A_966 = vector.load %arg50[%get3A_964, %get3A_965] : memref<64x128xf32, #tpu.memory_space<vmem>>, vector<64x128xf32>
    %dot_general3A_967 = arith.constant dense<0.000000e+00> : vector<1x64xf32>
    %dot_general3A_968 = tpu.matmul %convert_element_type3A_963, %get3A_966, %dot_general3A_967 {dimension_numbers = #tpu.dot_dimension_numbers<[1], [1], [0], [0], [0, 0, 1, 0], [], []>, transpose_lhs_hint = false} : vector<1x128xf32>, vector<64x128xf32>, vector<1x64xf32> -> vector<1x64xf32>
    %swap3A_969 = arith.constant 48 : index
    %swap3A_970 = arith.constant 0 : index
    %swap3A_971 = vector.load %arg66[%swap3A_969, %swap3A_970] : memref<64x64xf32, #tpu.memory_space<vmem>>, vector<1x64xf32>
    tpu.vector_store %arg66[%swap3A_969, %swap3A_970], %dot_general3A_968 {strides = array<i32>} : memref<64x64xf32, #tpu.memory_space<vmem>>, vector<1x64xf32>,
    %mul3A_972 = arith.constant 64 : i32
    %mul3A_973 = arith.muli %arg0, %mul3A_972 : i32
    %add3A_974 = arith.constant 49 : i32
    %add3A_975 = arith.addi %mul3A_973, %add3A_974 : i32
    %get3A_976 = arith.index_cast %add3A_975 : i32 to index
    %get3A_977 = memref.load %arg1[%get3A_976] : memref<4096xi32, #tpu.memory_space<smem>>
    %rem3A_978 = arith.constant 128 : i32
    %rem3A_979 = arith.remsi %get3A_977, %rem3A_978 : i32
    %eq3A_980 = vector.broadcast %rem3A_979 : i32 to vector<1x128xi32>
    %eq3A_981 = arith.cmpi eq, %iota3A, %eq3A_980 : vector<1x128xi32>
    %convert_element_type3A_982 = arith.extui %eq3A_981 : vector<1x128xi1> to vector<1x128xi32>
    %convert_element_type3A_983 = arith.sitofp %convert_element_type3A_982 : vector<1x128xi32> to vector<1x128xf32>
    %get3A_984 = arith.constant 0 : index
    %get3A_985 = arith.constant 0 : index
    %get3A_986 = vector.load %arg51[%get3A_984, %get3A_985] : memref<64x128xf32, #tpu.memory_space<vmem>>, vector<64x128xf32>
    %dot_general3A_987 = arith.constant dense<0.000000e+00> : vector<1x64xf32>
    %dot_general3A_988 = tpu.matmul %convert_element_type3A_983, %get3A_986, %dot_general3A_987 {dimension_numbers = #tpu.dot_dimension_numbers<[1], [1], [0], [0], [0, 0, 1, 0], [], []>, transpose_lhs_hint = false} : vector<1x128xf32>, vector<64x128xf32>, vector<1x64xf32> -> vector<1x64xf32>
    %swap3A_989 = arith.constant 49 : index
    %swap3A_990 = arith.constant 0 : index
    %swap3A_991 = vector.load %arg66[%swap3A_989, %swap3A_990] : memref<64x64xf32, #tpu.memory_space<vmem>>, vector<1x64xf32>
    tpu.vector_store %arg66[%swap3A_989, %swap3A_990], %dot_general3A_988 {strides = array<i32>} : memref<64x64xf32, #tpu.memory_space<vmem>>, vector<1x64xf32>,
    %mul3A_992 = arith.constant 64 : i32
    %mul3A_993 = arith.muli %arg0, %mul3A_992 : i32
    %add3A_994 = arith.constant 50 : i32
    %add3A_995 = arith.addi %mul3A_993, %add3A_994 : i32
    %get3A_996 = arith.index_cast %add3A_995 : i32 to index
    %get3A_997 = memref.load %arg1[%get3A_996] : memref<4096xi32, #tpu.memory_space<smem>>
    %rem3A_998 = arith.constant 128 : i32
    %rem3A_999 = arith.remsi %get3A_997, %rem3A_998 : i32
    %eq3A_1000 = vector.broadcast %rem3A_999 : i32 to vector<1x128xi32>
    %eq3A_1001 = arith.cmpi eq, %iota3A, %eq3A_1000 : vector<1x128xi32>
    %convert_element_type3A_1002 = arith.extui %eq3A_1001 : vector<1x128xi1> to vector<1x128xi32>
    %convert_element_type3A_1003 = arith.sitofp %convert_element_type3A_1002 : vector<1x128xi32> to vector<1x128xf32>
    %get3A_1004 = arith.constant 0 : index
    %get3A_1005 = arith.constant 0 : index
    %get3A_1006 = vector.load %arg52[%get3A_1004, %get3A_1005] : memref<64x128xf32, #tpu.memory_space<vmem>>, vector<64x128xf32>
    %dot_general3A_1007 = arith.constant dense<0.000000e+00> : vector<1x64xf32>
    %dot_general3A_1008 = tpu.matmul %convert_element_type3A_1003, %get3A_1006, %dot_general3A_1007 {dimension_numbers = #tpu.dot_dimension_numbers<[1], [1], [0], [0], [0, 0, 1, 0], [], []>, transpose_lhs_hint = false} : vector<1x128xf32>, vector<64x128xf32>, vector<1x64xf32> -> vector<1x64xf32>
    %swap3A_1009 = arith.constant 50 : index
    %swap3A_1010 = arith.constant 0 : index
    %swap3A_1011 = vector.load %arg66[%swap3A_1009, %swap3A_1010] : memref<64x64xf32, #tpu.memory_space<vmem>>, vector<1x64xf32>
    tpu.vector_store %arg66[%swap3A_1009, %swap3A_1010], %dot_general3A_1008 {strides = array<i32>} : memref<64x64xf32, #tpu.memory_space<vmem>>, vector<1x64xf32>,
    %mul3A_1012 = arith.constant 64 : i32
    %mul3A_1013 = arith.muli %arg0, %mul3A_1012 : i32
    %add3A_1014 = arith.constant 51 : i32
    %add3A_1015 = arith.addi %mul3A_1013, %add3A_1014 : i32
    %get3A_1016 = arith.index_cast %add3A_1015 : i32 to index
    %get3A_1017 = memref.load %arg1[%get3A_1016] : memref<4096xi32, #tpu.memory_space<smem>>
    %rem3A_1018 = arith.constant 128 : i32
    %rem3A_1019 = arith.remsi %get3A_1017, %rem3A_1018 : i32
    %eq3A_1020 = vector.broadcast %rem3A_1019 : i32 to vector<1x128xi32>
    %eq3A_1021 = arith.cmpi eq, %iota3A, %eq3A_1020 : vector<1x128xi32>
    %convert_element_type3A_1022 = arith.extui %eq3A_1021 : vector<1x128xi1> to vector<1x128xi32>
    %convert_element_type3A_1023 = arith.sitofp %convert_element_type3A_1022 : vector<1x128xi32> to vector<1x128xf32>
    %get3A_1024 = arith.constant 0 : index
    %get3A_1025 = arith.constant 0 : index
    %get3A_1026 = vector.load %arg53[%get3A_1024, %get3A_1025] : memref<64x128xf32, #tpu.memory_space<vmem>>, vector<64x128xf32>
    %dot_general3A_1027 = arith.constant dense<0.000000e+00> : vector<1x64xf32>
    %dot_general3A_1028 = tpu.matmul %convert_element_type3A_1023, %get3A_1026, %dot_general3A_1027 {dimension_numbers = #tpu.dot_dimension_numbers<[1], [1], [0], [0], [0, 0, 1, 0], [], []>, transpose_lhs_hint = false} : vector<1x128xf32>, vector<64x128xf32>, vector<1x64xf32> -> vector<1x64xf32>
    %swap3A_1029 = arith.constant 51 : index
    %swap3A_1030 = arith.constant 0 : index
    %swap3A_1031 = vector.load %arg66[%swap3A_1029, %swap3A_1030] : memref<64x64xf32, #tpu.memory_space<vmem>>, vector<1x64xf32>
    tpu.vector_store %arg66[%swap3A_1029, %swap3A_1030], %dot_general3A_1028 {strides = array<i32>} : memref<64x64xf32, #tpu.memory_space<vmem>>, vector<1x64xf32>,
    %mul3A_1032 = arith.constant 64 : i32
    %mul3A_1033 = arith.muli %arg0, %mul3A_1032 : i32
    %add3A_1034 = arith.constant 52 : i32
    %add3A_1035 = arith.addi %mul3A_1033, %add3A_1034 : i32
    %get3A_1036 = arith.index_cast %add3A_1035 : i32 to index
    %get3A_1037 = memref.load %arg1[%get3A_1036] : memref<4096xi32, #tpu.memory_space<smem>>
    %rem3A_1038 = arith.constant 128 : i32
    %rem3A_1039 = arith.remsi %get3A_1037, %rem3A_1038 : i32
    %eq3A_1040 = vector.broadcast %rem3A_1039 : i32 to vector<1x128xi32>
    %eq3A_1041 = arith.cmpi eq, %iota3A, %eq3A_1040 : vector<1x128xi32>
    %convert_element_type3A_1042 = arith.extui %eq3A_1041 : vector<1x128xi1> to vector<1x128xi32>
    %convert_element_type3A_1043 = arith.sitofp %convert_element_type3A_1042 : vector<1x128xi32> to vector<1x128xf32>
    %get3A_1044 = arith.constant 0 : index
    %get3A_1045 = arith.constant 0 : index
    %get3A_1046 = vector.load %arg54[%get3A_1044, %get3A_1045] : memref<64x128xf32, #tpu.memory_space<vmem>>, vector<64x128xf32>
    %dot_general3A_1047 = arith.constant dense<0.000000e+00> : vector<1x64xf32>
    %dot_general3A_1048 = tpu.matmul %convert_element_type3A_1043, %get3A_1046, %dot_general3A_1047 {dimension_numbers = #tpu.dot_dimension_numbers<[1], [1], [0], [0], [0, 0, 1, 0], [], []>, transpose_lhs_hint = false} : vector<1x128xf32>, vector<64x128xf32>, vector<1x64xf32> -> vector<1x64xf32>
    %swap3A_1049 = arith.constant 52 : index
    %swap3A_1050 = arith.constant 0 : index
    %swap3A_1051 = vector.load %arg66[%swap3A_1049, %swap3A_1050] : memref<64x64xf32, #tpu.memory_space<vmem>>, vector<1x64xf32>
    tpu.vector_store %arg66[%swap3A_1049, %swap3A_1050], %dot_general3A_1048 {strides = array<i32>} : memref<64x64xf32, #tpu.memory_space<vmem>>, vector<1x64xf32>,
    %mul3A_1052 = arith.constant 64 : i32
    %mul3A_1053 = arith.muli %arg0, %mul3A_1052 : i32
    %add3A_1054 = arith.constant 53 : i32
    %add3A_1055 = arith.addi %mul3A_1053, %add3A_1054 : i32
    %get3A_1056 = arith.index_cast %add3A_1055 : i32 to index
    %get3A_1057 = memref.load %arg1[%get3A_1056] : memref<4096xi32, #tpu.memory_space<smem>>
    %rem3A_1058 = arith.constant 128 : i32
    %rem3A_1059 = arith.remsi %get3A_1057, %rem3A_1058 : i32
    %eq3A_1060 = vector.broadcast %rem3A_1059 : i32 to vector<1x128xi32>
    %eq3A_1061 = arith.cmpi eq, %iota3A, %eq3A_1060 : vector<1x128xi32>
    %convert_element_type3A_1062 = arith.extui %eq3A_1061 : vector<1x128xi1> to vector<1x128xi32>
    %convert_element_type3A_1063 = arith.sitofp %convert_element_type3A_1062 : vector<1x128xi32> to vector<1x128xf32>
    %get3A_1064 = arith.constant 0 : index
    %get3A_1065 = arith.constant 0 : index
    %get3A_1066 = vector.load %arg55[%get3A_1064, %get3A_1065] : memref<64x128xf32, #tpu.memory_space<vmem>>, vector<64x128xf32>
    %dot_general3A_1067 = arith.constant dense<0.000000e+00> : vector<1x64xf32>
    %dot_general3A_1068 = tpu.matmul %convert_element_type3A_1063, %get3A_1066, %dot_general3A_1067 {dimension_numbers = #tpu.dot_dimension_numbers<[1], [1], [0], [0], [0, 0, 1, 0], [], []>, transpose_lhs_hint = false} : vector<1x128xf32>, vector<64x128xf32>, vector<1x64xf32> -> vector<1x64xf32>
    %swap3A_1069 = arith.constant 53 : index
    %swap3A_1070 = arith.constant 0 : index
    %swap3A_1071 = vector.load %arg66[%swap3A_1069, %swap3A_1070] : memref<64x64xf32, #tpu.memory_space<vmem>>, vector<1x64xf32>
    tpu.vector_store %arg66[%swap3A_1069, %swap3A_1070], %dot_general3A_1068 {strides = array<i32>} : memref<64x64xf32, #tpu.memory_space<vmem>>, vector<1x64xf32>,
    %mul3A_1072 = arith.constant 64 : i32
    %mul3A_1073 = arith.muli %arg0, %mul3A_1072 : i32
    %add3A_1074 = arith.constant 54 : i32
    %add3A_1075 = arith.addi %mul3A_1073, %add3A_1074 : i32
    %get3A_1076 = arith.index_cast %add3A_1075 : i32 to index
    %get3A_1077 = memref.load %arg1[%get3A_1076] : memref<4096xi32, #tpu.memory_space<smem>>
    %rem3A_1078 = arith.constant 128 : i32
    %rem3A_1079 = arith.remsi %get3A_1077, %rem3A_1078 : i32
    %eq3A_1080 = vector.broadcast %rem3A_1079 : i32 to vector<1x128xi32>
    %eq3A_1081 = arith.cmpi eq, %iota3A, %eq3A_1080 : vector<1x128xi32>
    %convert_element_type3A_1082 = arith.extui %eq3A_1081 : vector<1x128xi1> to vector<1x128xi32>
    %convert_element_type3A_1083 = arith.sitofp %convert_element_type3A_1082 : vector<1x128xi32> to vector<1x128xf32>
    %get3A_1084 = arith.constant 0 : index
    %get3A_1085 = arith.constant 0 : index
    %get3A_1086 = vector.load %arg56[%get3A_1084, %get3A_1085] : memref<64x128xf32, #tpu.memory_space<vmem>>, vector<64x128xf32>
    %dot_general3A_1087 = arith.constant dense<0.000000e+00> : vector<1x64xf32>
    %dot_general3A_1088 = tpu.matmul %convert_element_type3A_1083, %get3A_1086, %dot_general3A_1087 {dimension_numbers = #tpu.dot_dimension_numbers<[1], [1], [0], [0], [0, 0, 1, 0], [], []>, transpose_lhs_hint = false} : vector<1x128xf32>, vector<64x128xf32>, vector<1x64xf32> -> vector<1x64xf32>
    %swap3A_1089 = arith.constant 54 : index
    %swap3A_1090 = arith.constant 0 : index
    %swap3A_1091 = vector.load %arg66[%swap3A_1089, %swap3A_1090] : memref<64x64xf32, #tpu.memory_space<vmem>>, vector<1x64xf32>
    tpu.vector_store %arg66[%swap3A_1089, %swap3A_1090], %dot_general3A_1088 {strides = array<i32>} : memref<64x64xf32, #tpu.memory_space<vmem>>, vector<1x64xf32>,
    %mul3A_1092 = arith.constant 64 : i32
    %mul3A_1093 = arith.muli %arg0, %mul3A_1092 : i32
    %add3A_1094 = arith.constant 55 : i32
    %add3A_1095 = arith.addi %mul3A_1093, %add3A_1094 : i32
    %get3A_1096 = arith.index_cast %add3A_1095 : i32 to index
    %get3A_1097 = memref.load %arg1[%get3A_1096] : memref<4096xi32, #tpu.memory_space<smem>>
    %rem3A_1098 = arith.constant 128 : i32
    %rem3A_1099 = arith.remsi %get3A_1097, %rem3A_1098 : i32
    %eq3A_1100 = vector.broadcast %rem3A_1099 : i32 to vector<1x128xi32>
    %eq3A_1101 = arith.cmpi eq, %iota3A, %eq3A_1100 : vector<1x128xi32>
    %convert_element_type3A_1102 = arith.extui %eq3A_1101 : vector<1x128xi1> to vector<1x128xi32>
    %convert_element_type3A_1103 = arith.sitofp %convert_element_type3A_1102 : vector<1x128xi32> to vector<1x128xf32>
    %get3A_1104 = arith.constant 0 : index
    %get3A_1105 = arith.constant 0 : index
    %get3A_1106 = vector.load %arg57[%get3A_1104, %get3A_1105] : memref<64x128xf32, #tpu.memory_space<vmem>>, vector<64x128xf32>
    %dot_general3A_1107 = arith.constant dense<0.000000e+00> : vector<1x64xf32>
    %dot_general3A_1108 = tpu.matmul %convert_element_type3A_1103, %get3A_1106, %dot_general3A_1107 {dimension_numbers = #tpu.dot_dimension_numbers<[1], [1], [0], [0], [0, 0, 1, 0], [], []>, transpose_lhs_hint = false} : vector<1x128xf32>, vector<64x128xf32>, vector<1x64xf32> -> vector<1x64xf32>
    %swap3A_1109 = arith.constant 55 : index
    %swap3A_1110 = arith.constant 0 : index
    %swap3A_1111 = vector.load %arg66[%swap3A_1109, %swap3A_1110] : memref<64x64xf32, #tpu.memory_space<vmem>>, vector<1x64xf32>
    tpu.vector_store %arg66[%swap3A_1109, %swap3A_1110], %dot_general3A_1108 {strides = array<i32>} : memref<64x64xf32, #tpu.memory_space<vmem>>, vector<1x64xf32>,
    %mul3A_1112 = arith.constant 64 : i32
    %mul3A_1113 = arith.muli %arg0, %mul3A_1112 : i32
    %add3A_1114 = arith.constant 56 : i32
    %add3A_1115 = arith.addi %mul3A_1113, %add3A_1114 : i32
    %get3A_1116 = arith.index_cast %add3A_1115 : i32 to index
    %get3A_1117 = memref.load %arg1[%get3A_1116] : memref<4096xi32, #tpu.memory_space<smem>>
    %rem3A_1118 = arith.constant 128 : i32
    %rem3A_1119 = arith.remsi %get3A_1117, %rem3A_1118 : i32
    %eq3A_1120 = vector.broadcast %rem3A_1119 : i32 to vector<1x128xi32>
    %eq3A_1121 = arith.cmpi eq, %iota3A, %eq3A_1120 : vector<1x128xi32>
    %convert_element_type3A_1122 = arith.extui %eq3A_1121 : vector<1x128xi1> to vector<1x128xi32>
    %convert_element_type3A_1123 = arith.sitofp %convert_element_type3A_1122 : vector<1x128xi32> to vector<1x128xf32>
    %get3A_1124 = arith.constant 0 : index
    %get3A_1125 = arith.constant 0 : index
    %get3A_1126 = vector.load %arg58[%get3A_1124, %get3A_1125] : memref<64x128xf32, #tpu.memory_space<vmem>>, vector<64x128xf32>
    %dot_general3A_1127 = arith.constant dense<0.000000e+00> : vector<1x64xf32>
    %dot_general3A_1128 = tpu.matmul %convert_element_type3A_1123, %get3A_1126, %dot_general3A_1127 {dimension_numbers = #tpu.dot_dimension_numbers<[1], [1], [0], [0], [0, 0, 1, 0], [], []>, transpose_lhs_hint = false} : vector<1x128xf32>, vector<64x128xf32>, vector<1x64xf32> -> vector<1x64xf32>
    %swap3A_1129 = arith.constant 56 : index
    %swap3A_1130 = arith.constant 0 : index
    %swap3A_1131 = vector.load %arg66[%swap3A_1129, %swap3A_1130] : memref<64x64xf32, #tpu.memory_space<vmem>>, vector<1x64xf32>
    tpu.vector_store %arg66[%swap3A_1129, %swap3A_1130], %dot_general3A_1128 {strides = array<i32>} : memref<64x64xf32, #tpu.memory_space<vmem>>, vector<1x64xf32>,
    %mul3A_1132 = arith.constant 64 : i32
    %mul3A_1133 = arith.muli %arg0, %mul3A_1132 : i32
    %add3A_1134 = arith.constant 57 : i32
    %add3A_1135 = arith.addi %mul3A_1133, %add3A_1134 : i32
    %get3A_1136 = arith.index_cast %add3A_1135 : i32 to index
    %get3A_1137 = memref.load %arg1[%get3A_1136] : memref<4096xi32, #tpu.memory_space<smem>>
    %rem3A_1138 = arith.constant 128 : i32
    %rem3A_1139 = arith.remsi %get3A_1137, %rem3A_1138 : i32
    %eq3A_1140 = vector.broadcast %rem3A_1139 : i32 to vector<1x128xi32>
    %eq3A_1141 = arith.cmpi eq, %iota3A, %eq3A_1140 : vector<1x128xi32>
    %convert_element_type3A_1142 = arith.extui %eq3A_1141 : vector<1x128xi1> to vector<1x128xi32>
    %convert_element_type3A_1143 = arith.sitofp %convert_element_type3A_1142 : vector<1x128xi32> to vector<1x128xf32>
    %get3A_1144 = arith.constant 0 : index
    %get3A_1145 = arith.constant 0 : index
    %get3A_1146 = vector.load %arg59[%get3A_1144, %get3A_1145] : memref<64x128xf32, #tpu.memory_space<vmem>>, vector<64x128xf32>
    %dot_general3A_1147 = arith.constant dense<0.000000e+00> : vector<1x64xf32>
    %dot_general3A_1148 = tpu.matmul %convert_element_type3A_1143, %get3A_1146, %dot_general3A_1147 {dimension_numbers = #tpu.dot_dimension_numbers<[1], [1], [0], [0], [0, 0, 1, 0], [], []>, transpose_lhs_hint = false} : vector<1x128xf32>, vector<64x128xf32>, vector<1x64xf32> -> vector<1x64xf32>
    %swap3A_1149 = arith.constant 57 : index
    %swap3A_1150 = arith.constant 0 : index
    %swap3A_1151 = vector.load %arg66[%swap3A_1149, %swap3A_1150] : memref<64x64xf32, #tpu.memory_space<vmem>>, vector<1x64xf32>
    tpu.vector_store %arg66[%swap3A_1149, %swap3A_1150], %dot_general3A_1148 {strides = array<i32>} : memref<64x64xf32, #tpu.memory_space<vmem>>, vector<1x64xf32>,
    %mul3A_1152 = arith.constant 64 : i32
    %mul3A_1153 = arith.muli %arg0, %mul3A_1152 : i32
    %add3A_1154 = arith.constant 58 : i32
    %add3A_1155 = arith.addi %mul3A_1153, %add3A_1154 : i32
    %get3A_1156 = arith.index_cast %add3A_1155 : i32 to index
    %get3A_1157 = memref.load %arg1[%get3A_1156] : memref<4096xi32, #tpu.memory_space<smem>>
    %rem3A_1158 = arith.constant 128 : i32
    %rem3A_1159 = arith.remsi %get3A_1157, %rem3A_1158 : i32
    %eq3A_1160 = vector.broadcast %rem3A_1159 : i32 to vector<1x128xi32>
    %eq3A_1161 = arith.cmpi eq, %iota3A, %eq3A_1160 : vector<1x128xi32>
    %convert_element_type3A_1162 = arith.extui %eq3A_1161 : vector<1x128xi1> to vector<1x128xi32>
    %convert_element_type3A_1163 = arith.sitofp %convert_element_type3A_1162 : vector<1x128xi32> to vector<1x128xf32>
    %get3A_1164 = arith.constant 0 : index
    %get3A_1165 = arith.constant 0 : index
    %get3A_1166 = vector.load %arg60[%get3A_1164, %get3A_1165] : memref<64x128xf32, #tpu.memory_space<vmem>>, vector<64x128xf32>
    %dot_general3A_1167 = arith.constant dense<0.000000e+00> : vector<1x64xf32>
    %dot_general3A_1168 = tpu.matmul %convert_element_type3A_1163, %get3A_1166, %dot_general3A_1167 {dimension_numbers = #tpu.dot_dimension_numbers<[1], [1], [0], [0], [0, 0, 1, 0], [], []>, transpose_lhs_hint = false} : vector<1x128xf32>, vector<64x128xf32>, vector<1x64xf32> -> vector<1x64xf32>
    %swap3A_1169 = arith.constant 58 : index
    %swap3A_1170 = arith.constant 0 : index
    %swap3A_1171 = vector.load %arg66[%swap3A_1169, %swap3A_1170] : memref<64x64xf32, #tpu.memory_space<vmem>>, vector<1x64xf32>
    tpu.vector_store %arg66[%swap3A_1169, %swap3A_1170], %dot_general3A_1168 {strides = array<i32>} : memref<64x64xf32, #tpu.memory_space<vmem>>, vector<1x64xf32>,
    %mul3A_1172 = arith.constant 64 : i32
    %mul3A_1173 = arith.muli %arg0, %mul3A_1172 : i32
    %add3A_1174 = arith.constant 59 : i32
    %add3A_1175 = arith.addi %mul3A_1173, %add3A_1174 : i32
    %get3A_1176 = arith.index_cast %add3A_1175 : i32 to index
    %get3A_1177 = memref.load %arg1[%get3A_1176] : memref<4096xi32, #tpu.memory_space<smem>>
    %rem3A_1178 = arith.constant 128 : i32
    %rem3A_1179 = arith.remsi %get3A_1177, %rem3A_1178 : i32
    %eq3A_1180 = vector.broadcast %rem3A_1179 : i32 to vector<1x128xi32>
    %eq3A_1181 = arith.cmpi eq, %iota3A, %eq3A_1180 : vector<1x128xi32>
    %convert_element_type3A_1182 = arith.extui %eq3A_1181 : vector<1x128xi1> to vector<1x128xi32>
    %convert_element_type3A_1183 = arith.sitofp %convert_element_type3A_1182 : vector<1x128xi32> to vector<1x128xf32>
    %get3A_1184 = arith.constant 0 : index
    %get3A_1185 = arith.constant 0 : index
    %get3A_1186 = vector.load %arg61[%get3A_1184, %get3A_1185] : memref<64x128xf32, #tpu.memory_space<vmem>>, vector<64x128xf32>
    %dot_general3A_1187 = arith.constant dense<0.000000e+00> : vector<1x64xf32>
    %dot_general3A_1188 = tpu.matmul %convert_element_type3A_1183, %get3A_1186, %dot_general3A_1187 {dimension_numbers = #tpu.dot_dimension_numbers<[1], [1], [0], [0], [0, 0, 1, 0], [], []>, transpose_lhs_hint = false} : vector<1x128xf32>, vector<64x128xf32>, vector<1x64xf32> -> vector<1x64xf32>
    %swap3A_1189 = arith.constant 59 : index
    %swap3A_1190 = arith.constant 0 : index
    %swap3A_1191 = vector.load %arg66[%swap3A_1189, %swap3A_1190] : memref<64x64xf32, #tpu.memory_space<vmem>>, vector<1x64xf32>
    tpu.vector_store %arg66[%swap3A_1189, %swap3A_1190], %dot_general3A_1188 {strides = array<i32>} : memref<64x64xf32, #tpu.memory_space<vmem>>, vector<1x64xf32>,
    %mul3A_1192 = arith.constant 64 : i32
    %mul3A_1193 = arith.muli %arg0, %mul3A_1192 : i32
    %add3A_1194 = arith.constant 60 : i32
    %add3A_1195 = arith.addi %mul3A_1193, %add3A_1194 : i32
    %get3A_1196 = arith.index_cast %add3A_1195 : i32 to index
    %get3A_1197 = memref.load %arg1[%get3A_1196] : memref<4096xi32, #tpu.memory_space<smem>>
    %rem3A_1198 = arith.constant 128 : i32
    %rem3A_1199 = arith.remsi %get3A_1197, %rem3A_1198 : i32
    %eq3A_1200 = vector.broadcast %rem3A_1199 : i32 to vector<1x128xi32>
    %eq3A_1201 = arith.cmpi eq, %iota3A, %eq3A_1200 : vector<1x128xi32>
    %convert_element_type3A_1202 = arith.extui %eq3A_1201 : vector<1x128xi1> to vector<1x128xi32>
    %convert_element_type3A_1203 = arith.sitofp %convert_element_type3A_1202 : vector<1x128xi32> to vector<1x128xf32>
    %get3A_1204 = arith.constant 0 : index
    %get3A_1205 = arith.constant 0 : index
    %get3A_1206 = vector.load %arg62[%get3A_1204, %get3A_1205] : memref<64x128xf32, #tpu.memory_space<vmem>>, vector<64x128xf32>
    %dot_general3A_1207 = arith.constant dense<0.000000e+00> : vector<1x64xf32>
    %dot_general3A_1208 = tpu.matmul %convert_element_type3A_1203, %get3A_1206, %dot_general3A_1207 {dimension_numbers = #tpu.dot_dimension_numbers<[1], [1], [0], [0], [0, 0, 1, 0], [], []>, transpose_lhs_hint = false} : vector<1x128xf32>, vector<64x128xf32>, vector<1x64xf32> -> vector<1x64xf32>
    %swap3A_1209 = arith.constant 60 : index
    %swap3A_1210 = arith.constant 0 : index
    %swap3A_1211 = vector.load %arg66[%swap3A_1209, %swap3A_1210] : memref<64x64xf32, #tpu.memory_space<vmem>>, vector<1x64xf32>
    tpu.vector_store %arg66[%swap3A_1209, %swap3A_1210], %dot_general3A_1208 {strides = array<i32>} : memref<64x64xf32, #tpu.memory_space<vmem>>, vector<1x64xf32>,
    %mul3A_1212 = arith.constant 64 : i32
    %mul3A_1213 = arith.muli %arg0, %mul3A_1212 : i32
    %add3A_1214 = arith.constant 61 : i32
    %add3A_1215 = arith.addi %mul3A_1213, %add3A_1214 : i32
    %get3A_1216 = arith.index_cast %add3A_1215 : i32 to index
    %get3A_1217 = memref.load %arg1[%get3A_1216] : memref<4096xi32, #tpu.memory_space<smem>>
    %rem3A_1218 = arith.constant 128 : i32
    %rem3A_1219 = arith.remsi %get3A_1217, %rem3A_1218 : i32
    %eq3A_1220 = vector.broadcast %rem3A_1219 : i32 to vector<1x128xi32>
    %eq3A_1221 = arith.cmpi eq, %iota3A, %eq3A_1220 : vector<1x128xi32>
    %convert_element_type3A_1222 = arith.extui %eq3A_1221 : vector<1x128xi1> to vector<1x128xi32>
    %convert_element_type3A_1223 = arith.sitofp %convert_element_type3A_1222 : vector<1x128xi32> to vector<1x128xf32>
    %get3A_1224 = arith.constant 0 : index
    %get3A_1225 = arith.constant 0 : index
    %get3A_1226 = vector.load %arg63[%get3A_1224, %get3A_1225] : memref<64x128xf32, #tpu.memory_space<vmem>>, vector<64x128xf32>
    %dot_general3A_1227 = arith.constant dense<0.000000e+00> : vector<1x64xf32>
    %dot_general3A_1228 = tpu.matmul %convert_element_type3A_1223, %get3A_1226, %dot_general3A_1227 {dimension_numbers = #tpu.dot_dimension_numbers<[1], [1], [0], [0], [0, 0, 1, 0], [], []>, transpose_lhs_hint = false} : vector<1x128xf32>, vector<64x128xf32>, vector<1x64xf32> -> vector<1x64xf32>
    %swap3A_1229 = arith.constant 61 : index
    %swap3A_1230 = arith.constant 0 : index
    %swap3A_1231 = vector.load %arg66[%swap3A_1229, %swap3A_1230] : memref<64x64xf32, #tpu.memory_space<vmem>>, vector<1x64xf32>
    tpu.vector_store %arg66[%swap3A_1229, %swap3A_1230], %dot_general3A_1228 {strides = array<i32>} : memref<64x64xf32, #tpu.memory_space<vmem>>, vector<1x64xf32>,
    %mul3A_1232 = arith.constant 64 : i32
    %mul3A_1233 = arith.muli %arg0, %mul3A_1232 : i32
    %add3A_1234 = arith.constant 62 : i32
    %add3A_1235 = arith.addi %mul3A_1233, %add3A_1234 : i32
    %get3A_1236 = arith.index_cast %add3A_1235 : i32 to index
    %get3A_1237 = memref.load %arg1[%get3A_1236] : memref<4096xi32, #tpu.memory_space<smem>>
    %rem3A_1238 = arith.constant 128 : i32
    %rem3A_1239 = arith.remsi %get3A_1237, %rem3A_1238 : i32
    %eq3A_1240 = vector.broadcast %rem3A_1239 : i32 to vector<1x128xi32>
    %eq3A_1241 = arith.cmpi eq, %iota3A, %eq3A_1240 : vector<1x128xi32>
    %convert_element_type3A_1242 = arith.extui %eq3A_1241 : vector<1x128xi1> to vector<1x128xi32>
    %convert_element_type3A_1243 = arith.sitofp %convert_element_type3A_1242 : vector<1x128xi32> to vector<1x128xf32>
    %get3A_1244 = arith.constant 0 : index
    %get3A_1245 = arith.constant 0 : index
    %get3A_1246 = vector.load %arg64[%get3A_1244, %get3A_1245] : memref<64x128xf32, #tpu.memory_space<vmem>>, vector<64x128xf32>
    %dot_general3A_1247 = arith.constant dense<0.000000e+00> : vector<1x64xf32>
    %dot_general3A_1248 = tpu.matmul %convert_element_type3A_1243, %get3A_1246, %dot_general3A_1247 {dimension_numbers = #tpu.dot_dimension_numbers<[1], [1], [0], [0], [0, 0, 1, 0], [], []>, transpose_lhs_hint = false} : vector<1x128xf32>, vector<64x128xf32>, vector<1x64xf32> -> vector<1x64xf32>
    %swap3A_1249 = arith.constant 62 : index
    %swap3A_1250 = arith.constant 0 : index
    %swap3A_1251 = vector.load %arg66[%swap3A_1249, %swap3A_1250] : memref<64x64xf32, #tpu.memory_space<vmem>>, vector<1x64xf32>
    tpu.vector_store %arg66[%swap3A_1249, %swap3A_1250], %dot_general3A_1248 {strides = array<i32>} : memref<64x64xf32, #tpu.memory_space<vmem>>, vector<1x64xf32>,
    %mul3A_1252 = arith.constant 64 : i32
    %mul3A_1253 = arith.muli %arg0, %mul3A_1252 : i32
    %add3A_1254 = arith.constant 63 : i32
    %add3A_1255 = arith.addi %mul3A_1253, %add3A_1254 : i32
    %get3A_1256 = arith.index_cast %add3A_1255 : i32 to index
    %get3A_1257 = memref.load %arg1[%get3A_1256] : memref<4096xi32, #tpu.memory_space<smem>>
    %rem3A_1258 = arith.constant 128 : i32
    %rem3A_1259 = arith.remsi %get3A_1257, %rem3A_1258 : i32
    %eq3A_1260 = vector.broadcast %rem3A_1259 : i32 to vector<1x128xi32>
    %eq3A_1261 = arith.cmpi eq, %iota3A, %eq3A_1260 : vector<1x128xi32>
    %convert_element_type3A_1262 = arith.extui %eq3A_1261 : vector<1x128xi1> to vector<1x128xi32>
    %convert_element_type3A_1263 = arith.sitofp %convert_element_type3A_1262 : vector<1x128xi32> to vector<1x128xf32>
    %get3A_1264 = arith.constant 0 : index
    %get3A_1265 = arith.constant 0 : index
    %get3A_1266 = vector.load %arg65[%get3A_1264, %get3A_1265] : memref<64x128xf32, #tpu.memory_space<vmem>>, vector<64x128xf32>
    %dot_general3A_1267 = arith.constant dense<0.000000e+00> : vector<1x64xf32>
    %dot_general3A_1268 = tpu.matmul %convert_element_type3A_1263, %get3A_1266, %dot_general3A_1267 {dimension_numbers = #tpu.dot_dimension_numbers<[1], [1], [0], [0], [0, 0, 1, 0], [], []>, transpose_lhs_hint = false} : vector<1x128xf32>, vector<64x128xf32>, vector<1x64xf32> -> vector<1x64xf32>
    %swap3A_1269 = arith.constant 63 : index
    %swap3A_1270 = arith.constant 0 : index
    %swap3A_1271 = vector.load %arg66[%swap3A_1269, %swap3A_1270] : memref<64x64xf32, #tpu.memory_space<vmem>>, vector<1x64xf32>
    tpu.vector_store %arg66[%swap3A_1269, %swap3A_1270], %dot_general3A_1268 {strides = array<i32>} : memref<64x64xf32, #tpu.memory_space<vmem>>, vector<1x64xf32>,
    return
  }
  func.func @transform_0(%arg0: i32, %arg1: memref<4096xi32, #tpu.memory_space<smem>>) -> (i32, i32) {
    %mul3A = arith.constant 64 : i32
    %mul3A_0 = arith.muli %arg0, %mul3A : i32
    %add3A = arith.constant 0 : i32
    %add3A_1 = arith.addi %mul3A_0, %add3A : i32
    %get3A = arith.index_cast %add3A_1 : i32 to index
    %get3A_2 = memref.load %arg1[%get3A] : memref<4096xi32, #tpu.memory_space<smem>>
    %jit3A = arith.constant 128 : i32
    %div3A = arith.divsi %get3A_2, %jit3A : i32
    %sign3A = arith.constant 0 : i32
    %sign3A_3 = arith.cmpi sgt, %get3A_2, %sign3A : i32
    %sign3A_4 = arith.extui %sign3A_3 : i1 to i32
    %sign3A_5 = arith.constant 0 : i32
    %sign3A_6 = arith.cmpi slt, %get3A_2, %sign3A_5 : i32
    %sign3A_7 = arith.extui %sign3A_6 : i1 to i32
    %sign3A_8 = arith.subi %sign3A_4, %sign3A_7 : i32
    %sign3A_9 = arith.constant 0 : i32
    %sign3A_10 = arith.cmpi sgt, %jit3A, %sign3A_9 : i32
    %sign3A_11 = arith.extui %sign3A_10 : i1 to i32
    %sign3A_12 = arith.constant 0 : i32
    %sign3A_13 = arith.cmpi slt, %jit3A, %sign3A_12 : i32
    %sign3A_14 = arith.extui %sign3A_13 : i1 to i32
    %sign3A_15 = arith.subi %sign3A_11, %sign3A_14 : i32
    %ne3A = arith.cmpi ne, %sign3A_8, %sign3A_15 : i32
    %rem3A = arith.remsi %get3A_2, %jit3A : i32
    %ne3A_16 = arith.constant 0 : i32
    %ne3A_17 = arith.cmpi ne, %rem3A, %ne3A_16 : i32
    %and3A = arith.andi %ne3A, %ne3A_17 : i1
    %sub3A = arith.constant 1 : i32
    %sub3A_18 = arith.subi %div3A, %sub3A : i32
    %select_n3A = arith.select %and3A, %sub3A_18, %div3A : i32
    %c0_i32 = arith.constant 0 : i32
    %c0_i32_19 = arith.constant 0 : i32
    return %c0_i32, %select_n3A : i32, i32
  }
  func.func @transform_1(%arg0: i32, %arg1: memref<4096xi32, #tpu.memory_space<smem>>) -> (i32, i32) {
    %mul3A = arith.constant 64 : i32
    %mul3A_0 = arith.muli %arg0, %mul3A : i32
    %add3A = arith.constant 1 : i32
    %add3A_1 = arith.addi %mul3A_0, %add3A : i32
    %get3A = arith.index_cast %add3A_1 : i32 to index
    %get3A_2 = memref.load %arg1[%get3A] : memref<4096xi32, #tpu.memory_space<smem>>
    %jit3A = arith.constant 128 : i32
    %div3A = arith.divsi %get3A_2, %jit3A : i32
    %sign3A = arith.constant 0 : i32
    %sign3A_3 = arith.cmpi sgt, %get3A_2, %sign3A : i32
    %sign3A_4 = arith.extui %sign3A_3 : i1 to i32
    %sign3A_5 = arith.constant 0 : i32
    %sign3A_6 = arith.cmpi slt, %get3A_2, %sign3A_5 : i32
    %sign3A_7 = arith.extui %sign3A_6 : i1 to i32
    %sign3A_8 = arith.subi %sign3A_4, %sign3A_7 : i32
    %sign3A_9 = arith.constant 0 : i32
    %sign3A_10 = arith.cmpi sgt, %jit3A, %sign3A_9 : i32
    %sign3A_11 = arith.extui %sign3A_10 : i1 to i32
    %sign3A_12 = arith.constant 0 : i32
    %sign3A_13 = arith.cmpi slt, %jit3A, %sign3A_12 : i32
    %sign3A_14 = arith.extui %sign3A_13 : i1 to i32
    %sign3A_15 = arith.subi %sign3A_11, %sign3A_14 : i32
    %ne3A = arith.cmpi ne, %sign3A_8, %sign3A_15 : i32
    %rem3A = arith.remsi %get3A_2, %jit3A : i32
    %ne3A_16 = arith.constant 0 : i32
    %ne3A_17 = arith.cmpi ne, %rem3A, %ne3A_16 : i32
    %and3A = arith.andi %ne3A, %ne3A_17 : i1
    %sub3A = arith.constant 1 : i32
    %sub3A_18 = arith.subi %div3A, %sub3A : i32
    %select_n3A = arith.select %and3A, %sub3A_18, %div3A : i32
    %c0_i32 = arith.constant 0 : i32
    %c0_i32_19 = arith.constant 0 : i32
    return %c0_i32, %select_n3A : i32, i32
  }
  func.func @transform_2(%arg0: i32, %arg1: memref<4096xi32, #tpu.memory_space<smem>>) -> (i32, i32) {
    %mul3A = arith.constant 64 : i32
    %mul3A_0 = arith.muli %arg0, %mul3A : i32
    %add3A = arith.constant 2 : i32
    %add3A_1 = arith.addi %mul3A_0, %add3A : i32
    %get3A = arith.index_cast %add3A_1 : i32 to index
    %get3A_2 = memref.load %arg1[%get3A] : memref<4096xi32, #tpu.memory_space<smem>>
    %jit3A = arith.constant 128 : i32
    %div3A = arith.divsi %get3A_2, %jit3A : i32
    %sign3A = arith.constant 0 : i32
    %sign3A_3 = arith.cmpi sgt, %get3A_2, %sign3A : i32
    %sign3A_4 = arith.extui %sign3A_3 : i1 to i32
    %sign3A_5 = arith.constant 0 : i32
    %sign3A_6 = arith.cmpi slt, %get3A_2, %sign3A_5 : i32
    %sign3A_7 = arith.extui %sign3A_6 : i1 to i32
    %sign3A_8 = arith.subi %sign3A_4, %sign3A_7 : i32
    %sign3A_9 = arith.constant 0 : i32
    %sign3A_10 = arith.cmpi sgt, %jit3A, %sign3A_9 : i32
    %sign3A_11 = arith.extui %sign3A_10 : i1 to i32
    %sign3A_12 = arith.constant 0 : i32
    %sign3A_13 = arith.cmpi slt, %jit3A, %sign3A_12 : i32
    %sign3A_14 = arith.extui %sign3A_13 : i1 to i32
    %sign3A_15 = arith.subi %sign3A_11, %sign3A_14 : i32
    %ne3A = arith.cmpi ne, %sign3A_8, %sign3A_15 : i32
    %rem3A = arith.remsi %get3A_2, %jit3A : i32
    %ne3A_16 = arith.constant 0 : i32
    %ne3A_17 = arith.cmpi ne, %rem3A, %ne3A_16 : i32
    %and3A = arith.andi %ne3A, %ne3A_17 : i1
    %sub3A = arith.constant 1 : i32
    %sub3A_18 = arith.subi %div3A, %sub3A : i32
    %select_n3A = arith.select %and3A, %sub3A_18, %div3A : i32
    %c0_i32 = arith.constant 0 : i32
    %c0_i32_19 = arith.constant 0 : i32
    return %c0_i32, %select_n3A : i32, i32
  }
  func.func @transform_3(%arg0: i32, %arg1: memref<4096xi32, #tpu.memory_space<smem>>) -> (i32, i32) {
    %mul3A = arith.constant 64 : i32
    %mul3A_0 = arith.muli %arg0, %mul3A : i32
    %add3A = arith.constant 3 : i32
    %add3A_1 = arith.addi %mul3A_0, %add3A : i32
    %get3A = arith.index_cast %add3A_1 : i32 to index
    %get3A_2 = memref.load %arg1[%get3A] : memref<4096xi32, #tpu.memory_space<smem>>
    %jit3A = arith.constant 128 : i32
    %div3A = arith.divsi %get3A_2, %jit3A : i32
    %sign3A = arith.constant 0 : i32
    %sign3A_3 = arith.cmpi sgt, %get3A_2, %sign3A : i32
    %sign3A_4 = arith.extui %sign3A_3 : i1 to i32
    %sign3A_5 = arith.constant 0 : i32
    %sign3A_6 = arith.cmpi slt, %get3A_2, %sign3A_5 : i32
    %sign3A_7 = arith.extui %sign3A_6 : i1 to i32
    %sign3A_8 = arith.subi %sign3A_4, %sign3A_7 : i32
    %sign3A_9 = arith.constant 0 : i32
    %sign3A_10 = arith.cmpi sgt, %jit3A, %sign3A_9 : i32
    %sign3A_11 = arith.extui %sign3A_10 : i1 to i32
    %sign3A_12 = arith.constant 0 : i32
    %sign3A_13 = arith.cmpi slt, %jit3A, %sign3A_12 : i32
    %sign3A_14 = arith.extui %sign3A_13 : i1 to i32
    %sign3A_15 = arith.subi %sign3A_11, %sign3A_14 : i32
    %ne3A = arith.cmpi ne, %sign3A_8, %sign3A_15 : i32
    %rem3A = arith.remsi %get3A_2, %jit3A : i32
    %ne3A_16 = arith.constant 0 : i32
    %ne3A_17 = arith.cmpi ne, %rem3A, %ne3A_16 : i32
    %and3A = arith.andi %ne3A, %ne3A_17 : i1
    %sub3A = arith.constant 1 : i32
    %sub3A_18 = arith.subi %div3A, %sub3A : i32
    %select_n3A = arith.select %and3A, %sub3A_18, %div3A : i32
    %c0_i32 = arith.constant 0 : i32
    %c0_i32_19 = arith.constant 0 : i32
    return %c0_i32, %select_n3A : i32, i32
  }
  func.func @transform_4(%arg0: i32, %arg1: memref<4096xi32, #tpu.memory_space<smem>>) -> (i32, i32) {
    %mul3A = arith.constant 64 : i32
    %mul3A_0 = arith.muli %arg0, %mul3A : i32
    %add3A = arith.constant 4 : i32
    %add3A_1 = arith.addi %mul3A_0, %add3A : i32
    %get3A = arith.index_cast %add3A_1 : i32 to index
    %get3A_2 = memref.load %arg1[%get3A] : memref<4096xi32, #tpu.memory_space<smem>>
    %jit3A = arith.constant 128 : i32
    %div3A = arith.divsi %get3A_2, %jit3A : i32
    %sign3A = arith.constant 0 : i32
    %sign3A_3 = arith.cmpi sgt, %get3A_2, %sign3A : i32
    %sign3A_4 = arith.extui %sign3A_3 : i1 to i32
    %sign3A_5 = arith.constant 0 : i32
    %sign3A_6 = arith.cmpi slt, %get3A_2, %sign3A_5 : i32
    %sign3A_7 = arith.extui %sign3A_6 : i1 to i32
    %sign3A_8 = arith.subi %sign3A_4, %sign3A_7 : i32
    %sign3A_9 = arith.constant 0 : i32
    %sign3A_10 = arith.cmpi sgt, %jit3A, %sign3A_9 : i32
    %sign3A_11 = arith.extui %sign3A_10 : i1 to i32
    %sign3A_12 = arith.constant 0 : i32
    %sign3A_13 = arith.cmpi slt, %jit3A, %sign3A_12 : i32
    %sign3A_14 = arith.extui %sign3A_13 : i1 to i32
    %sign3A_15 = arith.subi %sign3A_11, %sign3A_14 : i32
    %ne3A = arith.cmpi ne, %sign3A_8, %sign3A_15 : i32
    %rem3A = arith.remsi %get3A_2, %jit3A : i32
    %ne3A_16 = arith.constant 0 : i32
    %ne3A_17 = arith.cmpi ne, %rem3A, %ne3A_16 : i32
    %and3A = arith.andi %ne3A, %ne3A_17 : i1
    %sub3A = arith.constant 1 : i32
    %sub3A_18 = arith.subi %div3A, %sub3A : i32
    %select_n3A = arith.select %and3A, %sub3A_18, %div3A : i32
    %c0_i32 = arith.constant 0 : i32
    %c0_i32_19 = arith.constant 0 : i32
    return %c0_i32, %select_n3A : i32, i32
  }
  func.func @transform_5(%arg0: i32, %arg1: memref<4096xi32, #tpu.memory_space<smem>>) -> (i32, i32) {
    %mul3A = arith.constant 64 : i32
    %mul3A_0 = arith.muli %arg0, %mul3A : i32
    %add3A = arith.constant 5 : i32
    %add3A_1 = arith.addi %mul3A_0, %add3A : i32
    %get3A = arith.index_cast %add3A_1 : i32 to index
    %get3A_2 = memref.load %arg1[%get3A] : memref<4096xi32, #tpu.memory_space<smem>>
    %jit3A = arith.constant 128 : i32
    %div3A = arith.divsi %get3A_2, %jit3A : i32
    %sign3A = arith.constant 0 : i32
    %sign3A_3 = arith.cmpi sgt, %get3A_2, %sign3A : i32
    %sign3A_4 = arith.extui %sign3A_3 : i1 to i32
    %sign3A_5 = arith.constant 0 : i32
    %sign3A_6 = arith.cmpi slt, %get3A_2, %sign3A_5 : i32
    %sign3A_7 = arith.extui %sign3A_6 : i1 to i32
    %sign3A_8 = arith.subi %sign3A_4, %sign3A_7 : i32
    %sign3A_9 = arith.constant 0 : i32
    %sign3A_10 = arith.cmpi sgt, %jit3A, %sign3A_9 : i32
    %sign3A_11 = arith.extui %sign3A_10 : i1 to i32
    %sign3A_12 = arith.constant 0 : i32
    %sign3A_13 = arith.cmpi slt, %jit3A, %sign3A_12 : i32
    %sign3A_14 = arith.extui %sign3A_13 : i1 to i32
    %sign3A_15 = arith.subi %sign3A_11, %sign3A_14 : i32
    %ne3A = arith.cmpi ne, %sign3A_8, %sign3A_15 : i32
    %rem3A = arith.remsi %get3A_2, %jit3A : i32
    %ne3A_16 = arith.constant 0 : i32
    %ne3A_17 = arith.cmpi ne, %rem3A, %ne3A_16 : i32
    %and3A = arith.andi %ne3A, %ne3A_17 : i1
    %sub3A = arith.constant 1 : i32
    %sub3A_18 = arith.subi %div3A, %sub3A : i32
    %select_n3A = arith.select %and3A, %sub3A_18, %div3A : i32
    %c0_i32 = arith.constant 0 : i32
    %c0_i32_19 = arith.constant 0 : i32
    return %c0_i32, %select_n3A : i32, i32
  }
  func.func @transform_6(%arg0: i32, %arg1: memref<4096xi32, #tpu.memory_space<smem>>) -> (i32, i32) {
    %mul3A = arith.constant 64 : i32
    %mul3A_0 = arith.muli %arg0, %mul3A : i32
    %add3A = arith.constant 6 : i32
    %add3A_1 = arith.addi %mul3A_0, %add3A : i32
    %get3A = arith.index_cast %add3A_1 : i32 to index
    %get3A_2 = memref.load %arg1[%get3A] : memref<4096xi32, #tpu.memory_space<smem>>
    %jit3A = arith.constant 128 : i32
    %div3A = arith.divsi %get3A_2, %jit3A : i32
    %sign3A = arith.constant 0 : i32
    %sign3A_3 = arith.cmpi sgt, %get3A_2, %sign3A : i32
    %sign3A_4 = arith.extui %sign3A_3 : i1 to i32
    %sign3A_5 = arith.constant 0 : i32
    %sign3A_6 = arith.cmpi slt, %get3A_2, %sign3A_5 : i32
    %sign3A_7 = arith.extui %sign3A_6 : i1 to i32
    %sign3A_8 = arith.subi %sign3A_4, %sign3A_7 : i32
    %sign3A_9 = arith.constant 0 : i32
    %sign3A_10 = arith.cmpi sgt, %jit3A, %sign3A_9 : i32
    %sign3A_11 = arith.extui %sign3A_10 : i1 to i32
    %sign3A_12 = arith.constant 0 : i32
    %sign3A_13 = arith.cmpi slt, %jit3A, %sign3A_12 : i32
    %sign3A_14 = arith.extui %sign3A_13 : i1 to i32
    %sign3A_15 = arith.subi %sign3A_11, %sign3A_14 : i32
    %ne3A = arith.cmpi ne, %sign3A_8, %sign3A_15 : i32
    %rem3A = arith.remsi %get3A_2, %jit3A : i32
    %ne3A_16 = arith.constant 0 : i32
    %ne3A_17 = arith.cmpi ne, %rem3A, %ne3A_16 : i32
    %and3A = arith.andi %ne3A, %ne3A_17 : i1
    %sub3A = arith.constant 1 : i32
    %sub3A_18 = arith.subi %div3A, %sub3A : i32
    %select_n3A = arith.select %and3A, %sub3A_18, %div3A : i32
    %c0_i32 = arith.constant 0 : i32
    %c0_i32_19 = arith.constant 0 : i32
    return %c0_i32, %select_n3A : i32, i32
  }
  func.func @transform_7(%arg0: i32, %arg1: memref<4096xi32, #tpu.memory_space<smem>>) -> (i32, i32) {
    %mul3A = arith.constant 64 : i32
    %mul3A_0 = arith.muli %arg0, %mul3A : i32
    %add3A = arith.constant 7 : i32
    %add3A_1 = arith.addi %mul3A_0, %add3A : i32
    %get3A = arith.index_cast %add3A_1 : i32 to index
    %get3A_2 = memref.load %arg1[%get3A] : memref<4096xi32, #tpu.memory_space<smem>>
    %jit3A = arith.constant 128 : i32
    %div3A = arith.divsi %get3A_2, %jit3A : i32
    %sign3A = arith.constant 0 : i32
    %sign3A_3 = arith.cmpi sgt, %get3A_2, %sign3A : i32
    %sign3A_4 = arith.extui %sign3A_3 : i1 to i32
    %sign3A_5 = arith.constant 0 : i32
    %sign3A_6 = arith.cmpi slt, %get3A_2, %sign3A_5 : i32
    %sign3A_7 = arith.extui %sign3A_6 : i1 to i32
    %sign3A_8 = arith.subi %sign3A_4, %sign3A_7 : i32
    %sign3A_9 = arith.constant 0 : i32
    %sign3A_10 = arith.cmpi sgt, %jit3A, %sign3A_9 : i32
    %sign3A_11 = arith.extui %sign3A_10 : i1 to i32
    %sign3A_12 = arith.constant 0 : i32
    %sign3A_13 = arith.cmpi slt, %jit3A, %sign3A_12 : i32
    %sign3A_14 = arith.extui %sign3A_13 : i1 to i32
    %sign3A_15 = arith.subi %sign3A_11, %sign3A_14 : i32
    %ne3A = arith.cmpi ne, %sign3A_8, %sign3A_15 : i32
    %rem3A = arith.remsi %get3A_2, %jit3A : i32
    %ne3A_16 = arith.constant 0 : i32
    %ne3A_17 = arith.cmpi ne, %rem3A, %ne3A_16 : i32
    %and3A = arith.andi %ne3A, %ne3A_17 : i1
    %sub3A = arith.constant 1 : i32
    %sub3A_18 = arith.subi %div3A, %sub3A : i32
    %select_n3A = arith.select %and3A, %sub3A_18, %div3A : i32
    %c0_i32 = arith.constant 0 : i32
    %c0_i32_19 = arith.constant 0 : i32
    return %c0_i32, %select_n3A : i32, i32
  }
  func.func @transform_8(%arg0: i32, %arg1: memref<4096xi32, #tpu.memory_space<smem>>) -> (i32, i32) {
    %mul3A = arith.constant 64 : i32
    %mul3A_0 = arith.muli %arg0, %mul3A : i32
    %add3A = arith.constant 8 : i32
    %add3A_1 = arith.addi %mul3A_0, %add3A : i32
    %get3A = arith.index_cast %add3A_1 : i32 to index
    %get3A_2 = memref.load %arg1[%get3A] : memref<4096xi32, #tpu.memory_space<smem>>
    %jit3A = arith.constant 128 : i32
    %div3A = arith.divsi %get3A_2, %jit3A : i32
    %sign3A = arith.constant 0 : i32
    %sign3A_3 = arith.cmpi sgt, %get3A_2, %sign3A : i32
    %sign3A_4 = arith.extui %sign3A_3 : i1 to i32
    %sign3A_5 = arith.constant 0 : i32
    %sign3A_6 = arith.cmpi slt, %get3A_2, %sign3A_5 : i32
    %sign3A_7 = arith.extui %sign3A_6 : i1 to i32
    %sign3A_8 = arith.subi %sign3A_4, %sign3A_7 : i32
    %sign3A_9 = arith.constant 0 : i32
    %sign3A_10 = arith.cmpi sgt, %jit3A, %sign3A_9 : i32
    %sign3A_11 = arith.extui %sign3A_10 : i1 to i32
    %sign3A_12 = arith.constant 0 : i32
    %sign3A_13 = arith.cmpi slt, %jit3A, %sign3A_12 : i32
    %sign3A_14 = arith.extui %sign3A_13 : i1 to i32
    %sign3A_15 = arith.subi %sign3A_11, %sign3A_14 : i32
    %ne3A = arith.cmpi ne, %sign3A_8, %sign3A_15 : i32
    %rem3A = arith.remsi %get3A_2, %jit3A : i32
    %ne3A_16 = arith.constant 0 : i32
    %ne3A_17 = arith.cmpi ne, %rem3A, %ne3A_16 : i32
    %and3A = arith.andi %ne3A, %ne3A_17 : i1
    %sub3A = arith.constant 1 : i32
    %sub3A_18 = arith.subi %div3A, %sub3A : i32
    %select_n3A = arith.select %and3A, %sub3A_18, %div3A : i32
    %c0_i32 = arith.constant 0 : i32
    %c0_i32_19 = arith.constant 0 : i32
    return %c0_i32, %select_n3A : i32, i32
  }
  func.func @transform_9(%arg0: i32, %arg1: memref<4096xi32, #tpu.memory_space<smem>>) -> (i32, i32) {
    %mul3A = arith.constant 64 : i32
    %mul3A_0 = arith.muli %arg0, %mul3A : i32
    %add3A = arith.constant 9 : i32
    %add3A_1 = arith.addi %mul3A_0, %add3A : i32
    %get3A = arith.index_cast %add3A_1 : i32 to index
    %get3A_2 = memref.load %arg1[%get3A] : memref<4096xi32, #tpu.memory_space<smem>>
    %jit3A = arith.constant 128 : i32
    %div3A = arith.divsi %get3A_2, %jit3A : i32
    %sign3A = arith.constant 0 : i32
    %sign3A_3 = arith.cmpi sgt, %get3A_2, %sign3A : i32
    %sign3A_4 = arith.extui %sign3A_3 : i1 to i32
    %sign3A_5 = arith.constant 0 : i32
    %sign3A_6 = arith.cmpi slt, %get3A_2, %sign3A_5 : i32
    %sign3A_7 = arith.extui %sign3A_6 : i1 to i32
    %sign3A_8 = arith.subi %sign3A_4, %sign3A_7 : i32
    %sign3A_9 = arith.constant 0 : i32
    %sign3A_10 = arith.cmpi sgt, %jit3A, %sign3A_9 : i32
    %sign3A_11 = arith.extui %sign3A_10 : i1 to i32
    %sign3A_12 = arith.constant 0 : i32
    %sign3A_13 = arith.cmpi slt, %jit3A, %sign3A_12 : i32
    %sign3A_14 = arith.extui %sign3A_13 : i1 to i32
    %sign3A_15 = arith.subi %sign3A_11, %sign3A_14 : i32
    %ne3A = arith.cmpi ne, %sign3A_8, %sign3A_15 : i32
    %rem3A = arith.remsi %get3A_2, %jit3A : i32
    %ne3A_16 = arith.constant 0 : i32
    %ne3A_17 = arith.cmpi ne, %rem3A, %ne3A_16 : i32
    %and3A = arith.andi %ne3A, %ne3A_17 : i1
    %sub3A = arith.constant 1 : i32
    %sub3A_18 = arith.subi %div3A, %sub3A : i32
    %select_n3A = arith.select %and3A, %sub3A_18, %div3A : i32
    %c0_i32 = arith.constant 0 : i32
    %c0_i32_19 = arith.constant 0 : i32
    return %c0_i32, %select_n3A : i32, i32
  }
  func.func @transform_10(%arg0: i32, %arg1: memref<4096xi32, #tpu.memory_space<smem>>) -> (i32, i32) {
    %mul3A = arith.constant 64 : i32
    %mul3A_0 = arith.muli %arg0, %mul3A : i32
    %add3A = arith.constant 10 : i32
    %add3A_1 = arith.addi %mul3A_0, %add3A : i32
    %get3A = arith.index_cast %add3A_1 : i32 to index
    %get3A_2 = memref.load %arg1[%get3A] : memref<4096xi32, #tpu.memory_space<smem>>
    %jit3A = arith.constant 128 : i32
    %div3A = arith.divsi %get3A_2, %jit3A : i32
    %sign3A = arith.constant 0 : i32
    %sign3A_3 = arith.cmpi sgt, %get3A_2, %sign3A : i32
    %sign3A_4 = arith.extui %sign3A_3 : i1 to i32
    %sign3A_5 = arith.constant 0 : i32
    %sign3A_6 = arith.cmpi slt, %get3A_2, %sign3A_5 : i32
    %sign3A_7 = arith.extui %sign3A_6 : i1 to i32
    %sign3A_8 = arith.subi %sign3A_4, %sign3A_7 : i32
    %sign3A_9 = arith.constant 0 : i32
    %sign3A_10 = arith.cmpi sgt, %jit3A, %sign3A_9 : i32
    %sign3A_11 = arith.extui %sign3A_10 : i1 to i32
    %sign3A_12 = arith.constant 0 : i32
    %sign3A_13 = arith.cmpi slt, %jit3A, %sign3A_12 : i32
    %sign3A_14 = arith.extui %sign3A_13 : i1 to i32
    %sign3A_15 = arith.subi %sign3A_11, %sign3A_14 : i32
    %ne3A = arith.cmpi ne, %sign3A_8, %sign3A_15 : i32
    %rem3A = arith.remsi %get3A_2, %jit3A : i32
    %ne3A_16 = arith.constant 0 : i32
    %ne3A_17 = arith.cmpi ne, %rem3A, %ne3A_16 : i32
    %and3A = arith.andi %ne3A, %ne3A_17 : i1
    %sub3A = arith.constant 1 : i32
    %sub3A_18 = arith.subi %div3A, %sub3A : i32
    %select_n3A = arith.select %and3A, %sub3A_18, %div3A : i32
    %c0_i32 = arith.constant 0 : i32
    %c0_i32_19 = arith.constant 0 : i32
    return %c0_i32, %select_n3A : i32, i32
  }
  func.func @transform_11(%arg0: i32, %arg1: memref<4096xi32, #tpu.memory_space<smem>>) -> (i32, i32) {
    %mul3A = arith.constant 64 : i32
    %mul3A_0 = arith.muli %arg0, %mul3A : i32
    %add3A = arith.constant 11 : i32
    %add3A_1 = arith.addi %mul3A_0, %add3A : i32
    %get3A = arith.index_cast %add3A_1 : i32 to index
    %get3A_2 = memref.load %arg1[%get3A] : memref<4096xi32, #tpu.memory_space<smem>>
    %jit3A = arith.constant 128 : i32
    %div3A = arith.divsi %get3A_2, %jit3A : i32
    %sign3A = arith.constant 0 : i32
    %sign3A_3 = arith.cmpi sgt, %get3A_2, %sign3A : i32
    %sign3A_4 = arith.extui %sign3A_3 : i1 to i32
    %sign3A_5 = arith.constant 0 : i32
    %sign3A_6 = arith.cmpi slt, %get3A_2, %sign3A_5 : i32
    %sign3A_7 = arith.extui %sign3A_6 : i1 to i32
    %sign3A_8 = arith.subi %sign3A_4, %sign3A_7 : i32
    %sign3A_9 = arith.constant 0 : i32
    %sign3A_10 = arith.cmpi sgt, %jit3A, %sign3A_9 : i32
    %sign3A_11 = arith.extui %sign3A_10 : i1 to i32
    %sign3A_12 = arith.constant 0 : i32
    %sign3A_13 = arith.cmpi slt, %jit3A, %sign3A_12 : i32
    %sign3A_14 = arith.extui %sign3A_13 : i1 to i32
    %sign3A_15 = arith.subi %sign3A_11, %sign3A_14 : i32
    %ne3A = arith.cmpi ne, %sign3A_8, %sign3A_15 : i32
    %rem3A = arith.remsi %get3A_2, %jit3A : i32
    %ne3A_16 = arith.constant 0 : i32
    %ne3A_17 = arith.cmpi ne, %rem3A, %ne3A_16 : i32
    %and3A = arith.andi %ne3A, %ne3A_17 : i1
    %sub3A = arith.constant 1 : i32
    %sub3A_18 = arith.subi %div3A, %sub3A : i32
    %select_n3A = arith.select %and3A, %sub3A_18, %div3A : i32
    %c0_i32 = arith.constant 0 : i32
    %c0_i32_19 = arith.constant 0 : i32
    return %c0_i32, %select_n3A : i32, i32
  }
  func.func @transform_12(%arg0: i32, %arg1: memref<4096xi32, #tpu.memory_space<smem>>) -> (i32, i32) {
    %mul3A = arith.constant 64 : i32
    %mul3A_0 = arith.muli %arg0, %mul3A : i32
    %add3A = arith.constant 12 : i32
    %add3A_1 = arith.addi %mul3A_0, %add3A : i32
    %get3A = arith.index_cast %add3A_1 : i32 to index
    %get3A_2 = memref.load %arg1[%get3A] : memref<4096xi32, #tpu.memory_space<smem>>
    %jit3A = arith.constant 128 : i32
    %div3A = arith.divsi %get3A_2, %jit3A : i32
    %sign3A = arith.constant 0 : i32
    %sign3A_3 = arith.cmpi sgt, %get3A_2, %sign3A : i32
    %sign3A_4 = arith.extui %sign3A_3 : i1 to i32
    %sign3A_5 = arith.constant 0 : i32
    %sign3A_6 = arith.cmpi slt, %get3A_2, %sign3A_5 : i32
    %sign3A_7 = arith.extui %sign3A_6 : i1 to i32
    %sign3A_8 = arith.subi %sign3A_4, %sign3A_7 : i32
    %sign3A_9 = arith.constant 0 : i32
    %sign3A_10 = arith.cmpi sgt, %jit3A, %sign3A_9 : i32
    %sign3A_11 = arith.extui %sign3A_10 : i1 to i32
    %sign3A_12 = arith.constant 0 : i32
    %sign3A_13 = arith.cmpi slt, %jit3A, %sign3A_12 : i32
    %sign3A_14 = arith.extui %sign3A_13 : i1 to i32
    %sign3A_15 = arith.subi %sign3A_11, %sign3A_14 : i32
    %ne3A = arith.cmpi ne, %sign3A_8, %sign3A_15 : i32
    %rem3A = arith.remsi %get3A_2, %jit3A : i32
    %ne3A_16 = arith.constant 0 : i32
    %ne3A_17 = arith.cmpi ne, %rem3A, %ne3A_16 : i32
    %and3A = arith.andi %ne3A, %ne3A_17 : i1
    %sub3A = arith.constant 1 : i32
    %sub3A_18 = arith.subi %div3A, %sub3A : i32
    %select_n3A = arith.select %and3A, %sub3A_18, %div3A : i32
    %c0_i32 = arith.constant 0 : i32
    %c0_i32_19 = arith.constant 0 : i32
    return %c0_i32, %select_n3A : i32, i32
  }
  func.func @transform_13(%arg0: i32, %arg1: memref<4096xi32, #tpu.memory_space<smem>>) -> (i32, i32) {
    %mul3A = arith.constant 64 : i32
    %mul3A_0 = arith.muli %arg0, %mul3A : i32
    %add3A = arith.constant 13 : i32
    %add3A_1 = arith.addi %mul3A_0, %add3A : i32
    %get3A = arith.index_cast %add3A_1 : i32 to index
    %get3A_2 = memref.load %arg1[%get3A] : memref<4096xi32, #tpu.memory_space<smem>>
    %jit3A = arith.constant 128 : i32
    %div3A = arith.divsi %get3A_2, %jit3A : i32
    %sign3A = arith.constant 0 : i32
    %sign3A_3 = arith.cmpi sgt, %get3A_2, %sign3A : i32
    %sign3A_4 = arith.extui %sign3A_3 : i1 to i32
    %sign3A_5 = arith.constant 0 : i32
    %sign3A_6 = arith.cmpi slt, %get3A_2, %sign3A_5 : i32
    %sign3A_7 = arith.extui %sign3A_6 : i1 to i32
    %sign3A_8 = arith.subi %sign3A_4, %sign3A_7 : i32
    %sign3A_9 = arith.constant 0 : i32
    %sign3A_10 = arith.cmpi sgt, %jit3A, %sign3A_9 : i32
    %sign3A_11 = arith.extui %sign3A_10 : i1 to i32
    %sign3A_12 = arith.constant 0 : i32
    %sign3A_13 = arith.cmpi slt, %jit3A, %sign3A_12 : i32
    %sign3A_14 = arith.extui %sign3A_13 : i1 to i32
    %sign3A_15 = arith.subi %sign3A_11, %sign3A_14 : i32
    %ne3A = arith.cmpi ne, %sign3A_8, %sign3A_15 : i32
    %rem3A = arith.remsi %get3A_2, %jit3A : i32
    %ne3A_16 = arith.constant 0 : i32
    %ne3A_17 = arith.cmpi ne, %rem3A, %ne3A_16 : i32
    %and3A = arith.andi %ne3A, %ne3A_17 : i1
    %sub3A = arith.constant 1 : i32
    %sub3A_18 = arith.subi %div3A, %sub3A : i32
    %select_n3A = arith.select %and3A, %sub3A_18, %div3A : i32
    %c0_i32 = arith.constant 0 : i32
    %c0_i32_19 = arith.constant 0 : i32
    return %c0_i32, %select_n3A : i32, i32
  }
  func.func @transform_14(%arg0: i32, %arg1: memref<4096xi32, #tpu.memory_space<smem>>) -> (i32, i32) {
    %mul3A = arith.constant 64 : i32
    %mul3A_0 = arith.muli %arg0, %mul3A : i32
    %add3A = arith.constant 14 : i32
    %add3A_1 = arith.addi %mul3A_0, %add3A : i32
    %get3A = arith.index_cast %add3A_1 : i32 to index
    %get3A_2 = memref.load %arg1[%get3A] : memref<4096xi32, #tpu.memory_space<smem>>
    %jit3A = arith.constant 128 : i32
    %div3A = arith.divsi %get3A_2, %jit3A : i32
    %sign3A = arith.constant 0 : i32
    %sign3A_3 = arith.cmpi sgt, %get3A_2, %sign3A : i32
    %sign3A_4 = arith.extui %sign3A_3 : i1 to i32
    %sign3A_5 = arith.constant 0 : i32
    %sign3A_6 = arith.cmpi slt, %get3A_2, %sign3A_5 : i32
    %sign3A_7 = arith.extui %sign3A_6 : i1 to i32
    %sign3A_8 = arith.subi %sign3A_4, %sign3A_7 : i32
    %sign3A_9 = arith.constant 0 : i32
    %sign3A_10 = arith.cmpi sgt, %jit3A, %sign3A_9 : i32
    %sign3A_11 = arith.extui %sign3A_10 : i1 to i32
    %sign3A_12 = arith.constant 0 : i32
    %sign3A_13 = arith.cmpi slt, %jit3A, %sign3A_12 : i32
    %sign3A_14 = arith.extui %sign3A_13 : i1 to i32
    %sign3A_15 = arith.subi %sign3A_11, %sign3A_14 : i32
    %ne3A = arith.cmpi ne, %sign3A_8, %sign3A_15 : i32
    %rem3A = arith.remsi %get3A_2, %jit3A : i32
    %ne3A_16 = arith.constant 0 : i32
    %ne3A_17 = arith.cmpi ne, %rem3A, %ne3A_16 : i32
    %and3A = arith.andi %ne3A, %ne3A_17 : i1
    %sub3A = arith.constant 1 : i32
    %sub3A_18 = arith.subi %div3A, %sub3A : i32
    %select_n3A = arith.select %and3A, %sub3A_18, %div3A : i32
    %c0_i32 = arith.constant 0 : i32
    %c0_i32_19 = arith.constant 0 : i32
    return %c0_i32, %select_n3A : i32, i32
  }
  func.func @transform_15(%arg0: i32, %arg1: memref<4096xi32, #tpu.memory_space<smem>>) -> (i32, i32) {
    %mul3A = arith.constant 64 : i32
    %mul3A_0 = arith.muli %arg0, %mul3A : i32
    %add3A = arith.constant 15 : i32
    %add3A_1 = arith.addi %mul3A_0, %add3A : i32
    %get3A = arith.index_cast %add3A_1 : i32 to index
    %get3A_2 = memref.load %arg1[%get3A] : memref<4096xi32, #tpu.memory_space<smem>>
    %jit3A = arith.constant 128 : i32
    %div3A = arith.divsi %get3A_2, %jit3A : i32
    %sign3A = arith.constant 0 : i32
    %sign3A_3 = arith.cmpi sgt, %get3A_2, %sign3A : i32
    %sign3A_4 = arith.extui %sign3A_3 : i1 to i32
    %sign3A_5 = arith.constant 0 : i32
    %sign3A_6 = arith.cmpi slt, %get3A_2, %sign3A_5 : i32
    %sign3A_7 = arith.extui %sign3A_6 : i1 to i32
    %sign3A_8 = arith.subi %sign3A_4, %sign3A_7 : i32
    %sign3A_9 = arith.constant 0 : i32
    %sign3A_10 = arith.cmpi sgt, %jit3A, %sign3A_9 : i32
    %sign3A_11 = arith.extui %sign3A_10 : i1 to i32
    %sign3A_12 = arith.constant 0 : i32
    %sign3A_13 = arith.cmpi slt, %jit3A, %sign3A_12 : i32
    %sign3A_14 = arith.extui %sign3A_13 : i1 to i32
    %sign3A_15 = arith.subi %sign3A_11, %sign3A_14 : i32
    %ne3A = arith.cmpi ne, %sign3A_8, %sign3A_15 : i32
    %rem3A = arith.remsi %get3A_2, %jit3A : i32
    %ne3A_16 = arith.constant 0 : i32
    %ne3A_17 = arith.cmpi ne, %rem3A, %ne3A_16 : i32
    %and3A = arith.andi %ne3A, %ne3A_17 : i1
    %sub3A = arith.constant 1 : i32
    %sub3A_18 = arith.subi %div3A, %sub3A : i32
    %select_n3A = arith.select %and3A, %sub3A_18, %div3A : i32
    %c0_i32 = arith.constant 0 : i32
    %c0_i32_19 = arith.constant 0 : i32
    return %c0_i32, %select_n3A : i32, i32
  }
  func.func @transform_16(%arg0: i32, %arg1: memref<4096xi32, #tpu.memory_space<smem>>) -> (i32, i32) {
    %mul3A = arith.constant 64 : i32
    %mul3A_0 = arith.muli %arg0, %mul3A : i32
    %add3A = arith.constant 16 : i32
    %add3A_1 = arith.addi %mul3A_0, %add3A : i32
    %get3A = arith.index_cast %add3A_1 : i32 to index
    %get3A_2 = memref.load %arg1[%get3A] : memref<4096xi32, #tpu.memory_space<smem>>
    %jit3A = arith.constant 128 : i32
    %div3A = arith.divsi %get3A_2, %jit3A : i32
    %sign3A = arith.constant 0 : i32
    %sign3A_3 = arith.cmpi sgt, %get3A_2, %sign3A : i32
    %sign3A_4 = arith.extui %sign3A_3 : i1 to i32
    %sign3A_5 = arith.constant 0 : i32
    %sign3A_6 = arith.cmpi slt, %get3A_2, %sign3A_5 : i32
    %sign3A_7 = arith.extui %sign3A_6 : i1 to i32
    %sign3A_8 = arith.subi %sign3A_4, %sign3A_7 : i32
    %sign3A_9 = arith.constant 0 : i32
    %sign3A_10 = arith.cmpi sgt, %jit3A, %sign3A_9 : i32
    %sign3A_11 = arith.extui %sign3A_10 : i1 to i32
    %sign3A_12 = arith.constant 0 : i32
    %sign3A_13 = arith.cmpi slt, %jit3A, %sign3A_12 : i32
    %sign3A_14 = arith.extui %sign3A_13 : i1 to i32
    %sign3A_15 = arith.subi %sign3A_11, %sign3A_14 : i32
    %ne3A = arith.cmpi ne, %sign3A_8, %sign3A_15 : i32
    %rem3A = arith.remsi %get3A_2, %jit3A : i32
    %ne3A_16 = arith.constant 0 : i32
    %ne3A_17 = arith.cmpi ne, %rem3A, %ne3A_16 : i32
    %and3A = arith.andi %ne3A, %ne3A_17 : i1
    %sub3A = arith.constant 1 : i32
    %sub3A_18 = arith.subi %div3A, %sub3A : i32
    %select_n3A = arith.select %and3A, %sub3A_18, %div3A : i32
    %c0_i32 = arith.constant 0 : i32
    %c0_i32_19 = arith.constant 0 : i32
    return %c0_i32, %select_n3A : i32, i32
  }
  func.func @transform_17(%arg0: i32, %arg1: memref<4096xi32, #tpu.memory_space<smem>>) -> (i32, i32) {
    %mul3A = arith.constant 64 : i32
    %mul3A_0 = arith.muli %arg0, %mul3A : i32
    %add3A = arith.constant 17 : i32
    %add3A_1 = arith.addi %mul3A_0, %add3A : i32
    %get3A = arith.index_cast %add3A_1 : i32 to index
    %get3A_2 = memref.load %arg1[%get3A] : memref<4096xi32, #tpu.memory_space<smem>>
    %jit3A = arith.constant 128 : i32
    %div3A = arith.divsi %get3A_2, %jit3A : i32
    %sign3A = arith.constant 0 : i32
    %sign3A_3 = arith.cmpi sgt, %get3A_2, %sign3A : i32
    %sign3A_4 = arith.extui %sign3A_3 : i1 to i32
    %sign3A_5 = arith.constant 0 : i32
    %sign3A_6 = arith.cmpi slt, %get3A_2, %sign3A_5 : i32
    %sign3A_7 = arith.extui %sign3A_6 : i1 to i32
    %sign3A_8 = arith.subi %sign3A_4, %sign3A_7 : i32
    %sign3A_9 = arith.constant 0 : i32
    %sign3A_10 = arith.cmpi sgt, %jit3A, %sign3A_9 : i32
    %sign3A_11 = arith.extui %sign3A_10 : i1 to i32
    %sign3A_12 = arith.constant 0 : i32
    %sign3A_13 = arith.cmpi slt, %jit3A, %sign3A_12 : i32
    %sign3A_14 = arith.extui %sign3A_13 : i1 to i32
    %sign3A_15 = arith.subi %sign3A_11, %sign3A_14 : i32
    %ne3A = arith.cmpi ne, %sign3A_8, %sign3A_15 : i32
    %rem3A = arith.remsi %get3A_2, %jit3A : i32
    %ne3A_16 = arith.constant 0 : i32
    %ne3A_17 = arith.cmpi ne, %rem3A, %ne3A_16 : i32
    %and3A = arith.andi %ne3A, %ne3A_17 : i1
    %sub3A = arith.constant 1 : i32
    %sub3A_18 = arith.subi %div3A, %sub3A : i32
    %select_n3A = arith.select %and3A, %sub3A_18, %div3A : i32
    %c0_i32 = arith.constant 0 : i32
    %c0_i32_19 = arith.constant 0 : i32
    return %c0_i32, %select_n3A : i32, i32
  }
  func.func @transform_18(%arg0: i32, %arg1: memref<4096xi32, #tpu.memory_space<smem>>) -> (i32, i32) {
    %mul3A = arith.constant 64 : i32
    %mul3A_0 = arith.muli %arg0, %mul3A : i32
    %add3A = arith.constant 18 : i32
    %add3A_1 = arith.addi %mul3A_0, %add3A : i32
    %get3A = arith.index_cast %add3A_1 : i32 to index
    %get3A_2 = memref.load %arg1[%get3A] : memref<4096xi32, #tpu.memory_space<smem>>
    %jit3A = arith.constant 128 : i32
    %div3A = arith.divsi %get3A_2, %jit3A : i32
    %sign3A = arith.constant 0 : i32
    %sign3A_3 = arith.cmpi sgt, %get3A_2, %sign3A : i32
    %sign3A_4 = arith.extui %sign3A_3 : i1 to i32
    %sign3A_5 = arith.constant 0 : i32
    %sign3A_6 = arith.cmpi slt, %get3A_2, %sign3A_5 : i32
    %sign3A_7 = arith.extui %sign3A_6 : i1 to i32
    %sign3A_8 = arith.subi %sign3A_4, %sign3A_7 : i32
    %sign3A_9 = arith.constant 0 : i32
    %sign3A_10 = arith.cmpi sgt, %jit3A, %sign3A_9 : i32
    %sign3A_11 = arith.extui %sign3A_10 : i1 to i32
    %sign3A_12 = arith.constant 0 : i32
    %sign3A_13 = arith.cmpi slt, %jit3A, %sign3A_12 : i32
    %sign3A_14 = arith.extui %sign3A_13 : i1 to i32
    %sign3A_15 = arith.subi %sign3A_11, %sign3A_14 : i32
    %ne3A = arith.cmpi ne, %sign3A_8, %sign3A_15 : i32
    %rem3A = arith.remsi %get3A_2, %jit3A : i32
    %ne3A_16 = arith.constant 0 : i32
    %ne3A_17 = arith.cmpi ne, %rem3A, %ne3A_16 : i32
    %and3A = arith.andi %ne3A, %ne3A_17 : i1
    %sub3A = arith.constant 1 : i32
    %sub3A_18 = arith.subi %div3A, %sub3A : i32
    %select_n3A = arith.select %and3A, %sub3A_18, %div3A : i32
    %c0_i32 = arith.constant 0 : i32
    %c0_i32_19 = arith.constant 0 : i32
    return %c0_i32, %select_n3A : i32, i32
  }
  func.func @transform_19(%arg0: i32, %arg1: memref<4096xi32, #tpu.memory_space<smem>>) -> (i32, i32) {
    %mul3A = arith.constant 64 : i32
    %mul3A_0 = arith.muli %arg0, %mul3A : i32
    %add3A = arith.constant 19 : i32
    %add3A_1 = arith.addi %mul3A_0, %add3A : i32
    %get3A = arith.index_cast %add3A_1 : i32 to index
    %get3A_2 = memref.load %arg1[%get3A] : memref<4096xi32, #tpu.memory_space<smem>>
    %jit3A = arith.constant 128 : i32
    %div3A = arith.divsi %get3A_2, %jit3A : i32
    %sign3A = arith.constant 0 : i32
    %sign3A_3 = arith.cmpi sgt, %get3A_2, %sign3A : i32
    %sign3A_4 = arith.extui %sign3A_3 : i1 to i32
    %sign3A_5 = arith.constant 0 : i32
    %sign3A_6 = arith.cmpi slt, %get3A_2, %sign3A_5 : i32
    %sign3A_7 = arith.extui %sign3A_6 : i1 to i32
    %sign3A_8 = arith.subi %sign3A_4, %sign3A_7 : i32
    %sign3A_9 = arith.constant 0 : i32
    %sign3A_10 = arith.cmpi sgt, %jit3A, %sign3A_9 : i32
    %sign3A_11 = arith.extui %sign3A_10 : i1 to i32
    %sign3A_12 = arith.constant 0 : i32
    %sign3A_13 = arith.cmpi slt, %jit3A, %sign3A_12 : i32
    %sign3A_14 = arith.extui %sign3A_13 : i1 to i32
    %sign3A_15 = arith.subi %sign3A_11, %sign3A_14 : i32
    %ne3A = arith.cmpi ne, %sign3A_8, %sign3A_15 : i32
    %rem3A = arith.remsi %get3A_2, %jit3A : i32
    %ne3A_16 = arith.constant 0 : i32
    %ne3A_17 = arith.cmpi ne, %rem3A, %ne3A_16 : i32
    %and3A = arith.andi %ne3A, %ne3A_17 : i1
    %sub3A = arith.constant 1 : i32
    %sub3A_18 = arith.subi %div3A, %sub3A : i32
    %select_n3A = arith.select %and3A, %sub3A_18, %div3A : i32
    %c0_i32 = arith.constant 0 : i32
    %c0_i32_19 = arith.constant 0 : i32
    return %c0_i32, %select_n3A : i32, i32
  }
  func.func @transform_20(%arg0: i32, %arg1: memref<4096xi32, #tpu.memory_space<smem>>) -> (i32, i32) {
    %mul3A = arith.constant 64 : i32
    %mul3A_0 = arith.muli %arg0, %mul3A : i32
    %add3A = arith.constant 20 : i32
    %add3A_1 = arith.addi %mul3A_0, %add3A : i32
    %get3A = arith.index_cast %add3A_1 : i32 to index
    %get3A_2 = memref.load %arg1[%get3A] : memref<4096xi32, #tpu.memory_space<smem>>
    %jit3A = arith.constant 128 : i32
    %div3A = arith.divsi %get3A_2, %jit3A : i32
    %sign3A = arith.constant 0 : i32
    %sign3A_3 = arith.cmpi sgt, %get3A_2, %sign3A : i32
    %sign3A_4 = arith.extui %sign3A_3 : i1 to i32
    %sign3A_5 = arith.constant 0 : i32
    %sign3A_6 = arith.cmpi slt, %get3A_2, %sign3A_5 : i32
    %sign3A_7 = arith.extui %sign3A_6 : i1 to i32
    %sign3A_8 = arith.subi %sign3A_4, %sign3A_7 : i32
    %sign3A_9 = arith.constant 0 : i32
    %sign3A_10 = arith.cmpi sgt, %jit3A, %sign3A_9 : i32
    %sign3A_11 = arith.extui %sign3A_10 : i1 to i32
    %sign3A_12 = arith.constant 0 : i32
    %sign3A_13 = arith.cmpi slt, %jit3A, %sign3A_12 : i32
    %sign3A_14 = arith.extui %sign3A_13 : i1 to i32
    %sign3A_15 = arith.subi %sign3A_11, %sign3A_14 : i32
    %ne3A = arith.cmpi ne, %sign3A_8, %sign3A_15 : i32
    %rem3A = arith.remsi %get3A_2, %jit3A : i32
    %ne3A_16 = arith.constant 0 : i32
    %ne3A_17 = arith.cmpi ne, %rem3A, %ne3A_16 : i32
    %and3A = arith.andi %ne3A, %ne3A_17 : i1
    %sub3A = arith.constant 1 : i32
    %sub3A_18 = arith.subi %div3A, %sub3A : i32
    %select_n3A = arith.select %and3A, %sub3A_18, %div3A : i32
    %c0_i32 = arith.constant 0 : i32
    %c0_i32_19 = arith.constant 0 : i32
    return %c0_i32, %select_n3A : i32, i32
  }
  func.func @transform_21(%arg0: i32, %arg1: memref<4096xi32, #tpu.memory_space<smem>>) -> (i32, i32) {
    %mul3A = arith.constant 64 : i32
    %mul3A_0 = arith.muli %arg0, %mul3A : i32
    %add3A = arith.constant 21 : i32
    %add3A_1 = arith.addi %mul3A_0, %add3A : i32
    %get3A = arith.index_cast %add3A_1 : i32 to index
    %get3A_2 = memref.load %arg1[%get3A] : memref<4096xi32, #tpu.memory_space<smem>>
    %jit3A = arith.constant 128 : i32
    %div3A = arith.divsi %get3A_2, %jit3A : i32
    %sign3A = arith.constant 0 : i32
    %sign3A_3 = arith.cmpi sgt, %get3A_2, %sign3A : i32
    %sign3A_4 = arith.extui %sign3A_3 : i1 to i32
    %sign3A_5 = arith.constant 0 : i32
    %sign3A_6 = arith.cmpi slt, %get3A_2, %sign3A_5 : i32
    %sign3A_7 = arith.extui %sign3A_6 : i1 to i32
    %sign3A_8 = arith.subi %sign3A_4, %sign3A_7 : i32
    %sign3A_9 = arith.constant 0 : i32
    %sign3A_10 = arith.cmpi sgt, %jit3A, %sign3A_9 : i32
    %sign3A_11 = arith.extui %sign3A_10 : i1 to i32
    %sign3A_12 = arith.constant 0 : i32
    %sign3A_13 = arith.cmpi slt, %jit3A, %sign3A_12 : i32
    %sign3A_14 = arith.extui %sign3A_13 : i1 to i32
    %sign3A_15 = arith.subi %sign3A_11, %sign3A_14 : i32
    %ne3A = arith.cmpi ne, %sign3A_8, %sign3A_15 : i32
    %rem3A = arith.remsi %get3A_2, %jit3A : i32
    %ne3A_16 = arith.constant 0 : i32
    %ne3A_17 = arith.cmpi ne, %rem3A, %ne3A_16 : i32
    %and3A = arith.andi %ne3A, %ne3A_17 : i1
    %sub3A = arith.constant 1 : i32
    %sub3A_18 = arith.subi %div3A, %sub3A : i32
    %select_n3A = arith.select %and3A, %sub3A_18, %div3A : i32
    %c0_i32 = arith.constant 0 : i32
    %c0_i32_19 = arith.constant 0 : i32
    return %c0_i32, %select_n3A : i32, i32
  }
  func.func @transform_22(%arg0: i32, %arg1: memref<4096xi32, #tpu.memory_space<smem>>) -> (i32, i32) {
    %mul3A = arith.constant 64 : i32
    %mul3A_0 = arith.muli %arg0, %mul3A : i32
    %add3A = arith.constant 22 : i32
    %add3A_1 = arith.addi %mul3A_0, %add3A : i32
    %get3A = arith.index_cast %add3A_1 : i32 to index
    %get3A_2 = memref.load %arg1[%get3A] : memref<4096xi32, #tpu.memory_space<smem>>
    %jit3A = arith.constant 128 : i32
    %div3A = arith.divsi %get3A_2, %jit3A : i32
    %sign3A = arith.constant 0 : i32
    %sign3A_3 = arith.cmpi sgt, %get3A_2, %sign3A : i32
    %sign3A_4 = arith.extui %sign3A_3 : i1 to i32
    %sign3A_5 = arith.constant 0 : i32
    %sign3A_6 = arith.cmpi slt, %get3A_2, %sign3A_5 : i32
    %sign3A_7 = arith.extui %sign3A_6 : i1 to i32
    %sign3A_8 = arith.subi %sign3A_4, %sign3A_7 : i32
    %sign3A_9 = arith.constant 0 : i32
    %sign3A_10 = arith.cmpi sgt, %jit3A, %sign3A_9 : i32
    %sign3A_11 = arith.extui %sign3A_10 : i1 to i32
    %sign3A_12 = arith.constant 0 : i32
    %sign3A_13 = arith.cmpi slt, %jit3A, %sign3A_12 : i32
    %sign3A_14 = arith.extui %sign3A_13 : i1 to i32
    %sign3A_15 = arith.subi %sign3A_11, %sign3A_14 : i32
    %ne3A = arith.cmpi ne, %sign3A_8, %sign3A_15 : i32
    %rem3A = arith.remsi %get3A_2, %jit3A : i32
    %ne3A_16 = arith.constant 0 : i32
    %ne3A_17 = arith.cmpi ne, %rem3A, %ne3A_16 : i32
    %and3A = arith.andi %ne3A, %ne3A_17 : i1
    %sub3A = arith.constant 1 : i32
    %sub3A_18 = arith.subi %div3A, %sub3A : i32
    %select_n3A = arith.select %and3A, %sub3A_18, %div3A : i32
    %c0_i32 = arith.constant 0 : i32
    %c0_i32_19 = arith.constant 0 : i32
    return %c0_i32, %select_n3A : i32, i32
  }
  func.func @transform_23(%arg0: i32, %arg1: memref<4096xi32, #tpu.memory_space<smem>>) -> (i32, i32) {
    %mul3A = arith.constant 64 : i32
    %mul3A_0 = arith.muli %arg0, %mul3A : i32
    %add3A = arith.constant 23 : i32
    %add3A_1 = arith.addi %mul3A_0, %add3A : i32
    %get3A = arith.index_cast %add3A_1 : i32 to index
    %get3A_2 = memref.load %arg1[%get3A] : memref<4096xi32, #tpu.memory_space<smem>>
    %jit3A = arith.constant 128 : i32
    %div3A = arith.divsi %get3A_2, %jit3A : i32
    %sign3A = arith.constant 0 : i32
    %sign3A_3 = arith.cmpi sgt, %get3A_2, %sign3A : i32
    %sign3A_4 = arith.extui %sign3A_3 : i1 to i32
    %sign3A_5 = arith.constant 0 : i32
    %sign3A_6 = arith.cmpi slt, %get3A_2, %sign3A_5 : i32
    %sign3A_7 = arith.extui %sign3A_6 : i1 to i32
    %sign3A_8 = arith.subi %sign3A_4, %sign3A_7 : i32
    %sign3A_9 = arith.constant 0 : i32
    %sign3A_10 = arith.cmpi sgt, %jit3A, %sign3A_9 : i32
    %sign3A_11 = arith.extui %sign3A_10 : i1 to i32
    %sign3A_12 = arith.constant 0 : i32
    %sign3A_13 = arith.cmpi slt, %jit3A, %sign3A_12 : i32
    %sign3A_14 = arith.extui %sign3A_13 : i1 to i32
    %sign3A_15 = arith.subi %sign3A_11, %sign3A_14 : i32
    %ne3A = arith.cmpi ne, %sign3A_8, %sign3A_15 : i32
    %rem3A = arith.remsi %get3A_2, %jit3A : i32
    %ne3A_16 = arith.constant 0 : i32
    %ne3A_17 = arith.cmpi ne, %rem3A, %ne3A_16 : i32
    %and3A = arith.andi %ne3A, %ne3A_17 : i1
    %sub3A = arith.constant 1 : i32
    %sub3A_18 = arith.subi %div3A, %sub3A : i32
    %select_n3A = arith.select %and3A, %sub3A_18, %div3A : i32
    %c0_i32 = arith.constant 0 : i32
    %c0_i32_19 = arith.constant 0 : i32
    return %c0_i32, %select_n3A : i32, i32
  }
  func.func @transform_24(%arg0: i32, %arg1: memref<4096xi32, #tpu.memory_space<smem>>) -> (i32, i32) {
    %mul3A = arith.constant 64 : i32
    %mul3A_0 = arith.muli %arg0, %mul3A : i32
    %add3A = arith.constant 24 : i32
    %add3A_1 = arith.addi %mul3A_0, %add3A : i32
    %get3A = arith.index_cast %add3A_1 : i32 to index
    %get3A_2 = memref.load %arg1[%get3A] : memref<4096xi32, #tpu.memory_space<smem>>
    %jit3A = arith.constant 128 : i32
    %div3A = arith.divsi %get3A_2, %jit3A : i32
    %sign3A = arith.constant 0 : i32
    %sign3A_3 = arith.cmpi sgt, %get3A_2, %sign3A : i32
    %sign3A_4 = arith.extui %sign3A_3 : i1 to i32
    %sign3A_5 = arith.constant 0 : i32
    %sign3A_6 = arith.cmpi slt, %get3A_2, %sign3A_5 : i32
    %sign3A_7 = arith.extui %sign3A_6 : i1 to i32
    %sign3A_8 = arith.subi %sign3A_4, %sign3A_7 : i32
    %sign3A_9 = arith.constant 0 : i32
    %sign3A_10 = arith.cmpi sgt, %jit3A, %sign3A_9 : i32
    %sign3A_11 = arith.extui %sign3A_10 : i1 to i32
    %sign3A_12 = arith.constant 0 : i32
    %sign3A_13 = arith.cmpi slt, %jit3A, %sign3A_12 : i32
    %sign3A_14 = arith.extui %sign3A_13 : i1 to i32
    %sign3A_15 = arith.subi %sign3A_11, %sign3A_14 : i32
    %ne3A = arith.cmpi ne, %sign3A_8, %sign3A_15 : i32
    %rem3A = arith.remsi %get3A_2, %jit3A : i32
    %ne3A_16 = arith.constant 0 : i32
    %ne3A_17 = arith.cmpi ne, %rem3A, %ne3A_16 : i32
    %and3A = arith.andi %ne3A, %ne3A_17 : i1
    %sub3A = arith.constant 1 : i32
    %sub3A_18 = arith.subi %div3A, %sub3A : i32
    %select_n3A = arith.select %and3A, %sub3A_18, %div3A : i32
    %c0_i32 = arith.constant 0 : i32
    %c0_i32_19 = arith.constant 0 : i32
    return %c0_i32, %select_n3A : i32, i32
  }
  func.func @transform_25(%arg0: i32, %arg1: memref<4096xi32, #tpu.memory_space<smem>>) -> (i32, i32) {
    %mul3A = arith.constant 64 : i32
    %mul3A_0 = arith.muli %arg0, %mul3A : i32
    %add3A = arith.constant 25 : i32
    %add3A_1 = arith.addi %mul3A_0, %add3A : i32
    %get3A = arith.index_cast %add3A_1 : i32 to index
    %get3A_2 = memref.load %arg1[%get3A] : memref<4096xi32, #tpu.memory_space<smem>>
    %jit3A = arith.constant 128 : i32
    %div3A = arith.divsi %get3A_2, %jit3A : i32
    %sign3A = arith.constant 0 : i32
    %sign3A_3 = arith.cmpi sgt, %get3A_2, %sign3A : i32
    %sign3A_4 = arith.extui %sign3A_3 : i1 to i32
    %sign3A_5 = arith.constant 0 : i32
    %sign3A_6 = arith.cmpi slt, %get3A_2, %sign3A_5 : i32
    %sign3A_7 = arith.extui %sign3A_6 : i1 to i32
    %sign3A_8 = arith.subi %sign3A_4, %sign3A_7 : i32
    %sign3A_9 = arith.constant 0 : i32
    %sign3A_10 = arith.cmpi sgt, %jit3A, %sign3A_9 : i32
    %sign3A_11 = arith.extui %sign3A_10 : i1 to i32
    %sign3A_12 = arith.constant 0 : i32
    %sign3A_13 = arith.cmpi slt, %jit3A, %sign3A_12 : i32
    %sign3A_14 = arith.extui %sign3A_13 : i1 to i32
    %sign3A_15 = arith.subi %sign3A_11, %sign3A_14 : i32
    %ne3A = arith.cmpi ne, %sign3A_8, %sign3A_15 : i32
    %rem3A = arith.remsi %get3A_2, %jit3A : i32
    %ne3A_16 = arith.constant 0 : i32
    %ne3A_17 = arith.cmpi ne, %rem3A, %ne3A_16 : i32
    %and3A = arith.andi %ne3A, %ne3A_17 : i1
    %sub3A = arith.constant 1 : i32
    %sub3A_18 = arith.subi %div3A, %sub3A : i32
    %select_n3A = arith.select %and3A, %sub3A_18, %div3A : i32
    %c0_i32 = arith.constant 0 : i32
    %c0_i32_19 = arith.constant 0 : i32
    return %c0_i32, %select_n3A : i32, i32
  }
  func.func @transform_26(%arg0: i32, %arg1: memref<4096xi32, #tpu.memory_space<smem>>) -> (i32, i32) {
    %mul3A = arith.constant 64 : i32
    %mul3A_0 = arith.muli %arg0, %mul3A : i32
    %add3A = arith.constant 26 : i32
    %add3A_1 = arith.addi %mul3A_0, %add3A : i32
    %get3A = arith.index_cast %add3A_1 : i32 to index
    %get3A_2 = memref.load %arg1[%get3A] : memref<4096xi32, #tpu.memory_space<smem>>
    %jit3A = arith.constant 128 : i32
    %div3A = arith.divsi %get3A_2, %jit3A : i32
    %sign3A = arith.constant 0 : i32
    %sign3A_3 = arith.cmpi sgt, %get3A_2, %sign3A : i32
    %sign3A_4 = arith.extui %sign3A_3 : i1 to i32
    %sign3A_5 = arith.constant 0 : i32
    %sign3A_6 = arith.cmpi slt, %get3A_2, %sign3A_5 : i32
    %sign3A_7 = arith.extui %sign3A_6 : i1 to i32
    %sign3A_8 = arith.subi %sign3A_4, %sign3A_7 : i32
    %sign3A_9 = arith.constant 0 : i32
    %sign3A_10 = arith.cmpi sgt, %jit3A, %sign3A_9 : i32
    %sign3A_11 = arith.extui %sign3A_10 : i1 to i32
    %sign3A_12 = arith.constant 0 : i32
    %sign3A_13 = arith.cmpi slt, %jit3A, %sign3A_12 : i32
    %sign3A_14 = arith.extui %sign3A_13 : i1 to i32
    %sign3A_15 = arith.subi %sign3A_11, %sign3A_14 : i32
    %ne3A = arith.cmpi ne, %sign3A_8, %sign3A_15 : i32
    %rem3A = arith.remsi %get3A_2, %jit3A : i32
    %ne3A_16 = arith.constant 0 : i32
    %ne3A_17 = arith.cmpi ne, %rem3A, %ne3A_16 : i32
    %and3A = arith.andi %ne3A, %ne3A_17 : i1
    %sub3A = arith.constant 1 : i32
    %sub3A_18 = arith.subi %div3A, %sub3A : i32
    %select_n3A = arith.select %and3A, %sub3A_18, %div3A : i32
    %c0_i32 = arith.constant 0 : i32
    %c0_i32_19 = arith.constant 0 : i32
    return %c0_i32, %select_n3A : i32, i32
  }
  func.func @transform_27(%arg0: i32, %arg1: memref<4096xi32, #tpu.memory_space<smem>>) -> (i32, i32) {
    %mul3A = arith.constant 64 : i32
    %mul3A_0 = arith.muli %arg0, %mul3A : i32
    %add3A = arith.constant 27 : i32
    %add3A_1 = arith.addi %mul3A_0, %add3A : i32
    %get3A = arith.index_cast %add3A_1 : i32 to index
    %get3A_2 = memref.load %arg1[%get3A] : memref<4096xi32, #tpu.memory_space<smem>>
    %jit3A = arith.constant 128 : i32
    %div3A = arith.divsi %get3A_2, %jit3A : i32
    %sign3A = arith.constant 0 : i32
    %sign3A_3 = arith.cmpi sgt, %get3A_2, %sign3A : i32
    %sign3A_4 = arith.extui %sign3A_3 : i1 to i32
    %sign3A_5 = arith.constant 0 : i32
    %sign3A_6 = arith.cmpi slt, %get3A_2, %sign3A_5 : i32
    %sign3A_7 = arith.extui %sign3A_6 : i1 to i32
    %sign3A_8 = arith.subi %sign3A_4, %sign3A_7 : i32
    %sign3A_9 = arith.constant 0 : i32
    %sign3A_10 = arith.cmpi sgt, %jit3A, %sign3A_9 : i32
    %sign3A_11 = arith.extui %sign3A_10 : i1 to i32
    %sign3A_12 = arith.constant 0 : i32
    %sign3A_13 = arith.cmpi slt, %jit3A, %sign3A_12 : i32
    %sign3A_14 = arith.extui %sign3A_13 : i1 to i32
    %sign3A_15 = arith.subi %sign3A_11, %sign3A_14 : i32
    %ne3A = arith.cmpi ne, %sign3A_8, %sign3A_15 : i32
    %rem3A = arith.remsi %get3A_2, %jit3A : i32
    %ne3A_16 = arith.constant 0 : i32
    %ne3A_17 = arith.cmpi ne, %rem3A, %ne3A_16 : i32
    %and3A = arith.andi %ne3A, %ne3A_17 : i1
    %sub3A = arith.constant 1 : i32
    %sub3A_18 = arith.subi %div3A, %sub3A : i32
    %select_n3A = arith.select %and3A, %sub3A_18, %div3A : i32
    %c0_i32 = arith.constant 0 : i32
    %c0_i32_19 = arith.constant 0 : i32
    return %c0_i32, %select_n3A : i32, i32
  }
  func.func @transform_28(%arg0: i32, %arg1: memref<4096xi32, #tpu.memory_space<smem>>) -> (i32, i32) {
    %mul3A = arith.constant 64 : i32
    %mul3A_0 = arith.muli %arg0, %mul3A : i32
    %add3A = arith.constant 28 : i32
    %add3A_1 = arith.addi %mul3A_0, %add3A : i32
    %get3A = arith.index_cast %add3A_1 : i32 to index
    %get3A_2 = memref.load %arg1[%get3A] : memref<4096xi32, #tpu.memory_space<smem>>
    %jit3A = arith.constant 128 : i32
    %div3A = arith.divsi %get3A_2, %jit3A : i32
    %sign3A = arith.constant 0 : i32
    %sign3A_3 = arith.cmpi sgt, %get3A_2, %sign3A : i32
    %sign3A_4 = arith.extui %sign3A_3 : i1 to i32
    %sign3A_5 = arith.constant 0 : i32
    %sign3A_6 = arith.cmpi slt, %get3A_2, %sign3A_5 : i32
    %sign3A_7 = arith.extui %sign3A_6 : i1 to i32
    %sign3A_8 = arith.subi %sign3A_4, %sign3A_7 : i32
    %sign3A_9 = arith.constant 0 : i32
    %sign3A_10 = arith.cmpi sgt, %jit3A, %sign3A_9 : i32
    %sign3A_11 = arith.extui %sign3A_10 : i1 to i32
    %sign3A_12 = arith.constant 0 : i32
    %sign3A_13 = arith.cmpi slt, %jit3A, %sign3A_12 : i32
    %sign3A_14 = arith.extui %sign3A_13 : i1 to i32
    %sign3A_15 = arith.subi %sign3A_11, %sign3A_14 : i32
    %ne3A = arith.cmpi ne, %sign3A_8, %sign3A_15 : i32
    %rem3A = arith.remsi %get3A_2, %jit3A : i32
    %ne3A_16 = arith.constant 0 : i32
    %ne3A_17 = arith.cmpi ne, %rem3A, %ne3A_16 : i32
    %and3A = arith.andi %ne3A, %ne3A_17 : i1
    %sub3A = arith.constant 1 : i32
    %sub3A_18 = arith.subi %div3A, %sub3A : i32
    %select_n3A = arith.select %and3A, %sub3A_18, %div3A : i32
    %c0_i32 = arith.constant 0 : i32
    %c0_i32_19 = arith.constant 0 : i32
    return %c0_i32, %select_n3A : i32, i32
  }
  func.func @transform_29(%arg0: i32, %arg1: memref<4096xi32, #tpu.memory_space<smem>>) -> (i32, i32) {
    %mul3A = arith.constant 64 : i32
    %mul3A_0 = arith.muli %arg0, %mul3A : i32
    %add3A = arith.constant 29 : i32
    %add3A_1 = arith.addi %mul3A_0, %add3A : i32
    %get3A = arith.index_cast %add3A_1 : i32 to index
    %get3A_2 = memref.load %arg1[%get3A] : memref<4096xi32, #tpu.memory_space<smem>>
    %jit3A = arith.constant 128 : i32
    %div3A = arith.divsi %get3A_2, %jit3A : i32
    %sign3A = arith.constant 0 : i32
    %sign3A_3 = arith.cmpi sgt, %get3A_2, %sign3A : i32
    %sign3A_4 = arith.extui %sign3A_3 : i1 to i32
    %sign3A_5 = arith.constant 0 : i32
    %sign3A_6 = arith.cmpi slt, %get3A_2, %sign3A_5 : i32
    %sign3A_7 = arith.extui %sign3A_6 : i1 to i32
    %sign3A_8 = arith.subi %sign3A_4, %sign3A_7 : i32
    %sign3A_9 = arith.constant 0 : i32
    %sign3A_10 = arith.cmpi sgt, %jit3A, %sign3A_9 : i32
    %sign3A_11 = arith.extui %sign3A_10 : i1 to i32
    %sign3A_12 = arith.constant 0 : i32
    %sign3A_13 = arith.cmpi slt, %jit3A, %sign3A_12 : i32
    %sign3A_14 = arith.extui %sign3A_13 : i1 to i32
    %sign3A_15 = arith.subi %sign3A_11, %sign3A_14 : i32
    %ne3A = arith.cmpi ne, %sign3A_8, %sign3A_15 : i32
    %rem3A = arith.remsi %get3A_2, %jit3A : i32
    %ne3A_16 = arith.constant 0 : i32
    %ne3A_17 = arith.cmpi ne, %rem3A, %ne3A_16 : i32
    %and3A = arith.andi %ne3A, %ne3A_17 : i1
    %sub3A = arith.constant 1 : i32
    %sub3A_18 = arith.subi %div3A, %sub3A : i32
    %select_n3A = arith.select %and3A, %sub3A_18, %div3A : i32
    %c0_i32 = arith.constant 0 : i32
    %c0_i32_19 = arith.constant 0 : i32
    return %c0_i32, %select_n3A : i32, i32
  }
  func.func @transform_30(%arg0: i32, %arg1: memref<4096xi32, #tpu.memory_space<smem>>) -> (i32, i32) {
    %mul3A = arith.constant 64 : i32
    %mul3A_0 = arith.muli %arg0, %mul3A : i32
    %add3A = arith.constant 30 : i32
    %add3A_1 = arith.addi %mul3A_0, %add3A : i32
    %get3A = arith.index_cast %add3A_1 : i32 to index
    %get3A_2 = memref.load %arg1[%get3A] : memref<4096xi32, #tpu.memory_space<smem>>
    %jit3A = arith.constant 128 : i32
    %div3A = arith.divsi %get3A_2, %jit3A : i32
    %sign3A = arith.constant 0 : i32
    %sign3A_3 = arith.cmpi sgt, %get3A_2, %sign3A : i32
    %sign3A_4 = arith.extui %sign3A_3 : i1 to i32
    %sign3A_5 = arith.constant 0 : i32
    %sign3A_6 = arith.cmpi slt, %get3A_2, %sign3A_5 : i32
    %sign3A_7 = arith.extui %sign3A_6 : i1 to i32
    %sign3A_8 = arith.subi %sign3A_4, %sign3A_7 : i32
    %sign3A_9 = arith.constant 0 : i32
    %sign3A_10 = arith.cmpi sgt, %jit3A, %sign3A_9 : i32
    %sign3A_11 = arith.extui %sign3A_10 : i1 to i32
    %sign3A_12 = arith.constant 0 : i32
    %sign3A_13 = arith.cmpi slt, %jit3A, %sign3A_12 : i32
    %sign3A_14 = arith.extui %sign3A_13 : i1 to i32
    %sign3A_15 = arith.subi %sign3A_11, %sign3A_14 : i32
    %ne3A = arith.cmpi ne, %sign3A_8, %sign3A_15 : i32
    %rem3A = arith.remsi %get3A_2, %jit3A : i32
    %ne3A_16 = arith.constant 0 : i32
    %ne3A_17 = arith.cmpi ne, %rem3A, %ne3A_16 : i32
    %and3A = arith.andi %ne3A, %ne3A_17 : i1
    %sub3A = arith.constant 1 : i32
    %sub3A_18 = arith.subi %div3A, %sub3A : i32
    %select_n3A = arith.select %and3A, %sub3A_18, %div3A : i32
    %c0_i32 = arith.constant 0 : i32
    %c0_i32_19 = arith.constant 0 : i32
    return %c0_i32, %select_n3A : i32, i32
  }
  func.func @transform_31(%arg0: i32, %arg1: memref<4096xi32, #tpu.memory_space<smem>>) -> (i32, i32) {
    %mul3A = arith.constant 64 : i32
    %mul3A_0 = arith.muli %arg0, %mul3A : i32
    %add3A = arith.constant 31 : i32
    %add3A_1 = arith.addi %mul3A_0, %add3A : i32
    %get3A = arith.index_cast %add3A_1 : i32 to index
    %get3A_2 = memref.load %arg1[%get3A] : memref<4096xi32, #tpu.memory_space<smem>>
    %jit3A = arith.constant 128 : i32
    %div3A = arith.divsi %get3A_2, %jit3A : i32
    %sign3A = arith.constant 0 : i32
    %sign3A_3 = arith.cmpi sgt, %get3A_2, %sign3A : i32
    %sign3A_4 = arith.extui %sign3A_3 : i1 to i32
    %sign3A_5 = arith.constant 0 : i32
    %sign3A_6 = arith.cmpi slt, %get3A_2, %sign3A_5 : i32
    %sign3A_7 = arith.extui %sign3A_6 : i1 to i32
    %sign3A_8 = arith.subi %sign3A_4, %sign3A_7 : i32
    %sign3A_9 = arith.constant 0 : i32
    %sign3A_10 = arith.cmpi sgt, %jit3A, %sign3A_9 : i32
    %sign3A_11 = arith.extui %sign3A_10 : i1 to i32
    %sign3A_12 = arith.constant 0 : i32
    %sign3A_13 = arith.cmpi slt, %jit3A, %sign3A_12 : i32
    %sign3A_14 = arith.extui %sign3A_13 : i1 to i32
    %sign3A_15 = arith.subi %sign3A_11, %sign3A_14 : i32
    %ne3A = arith.cmpi ne, %sign3A_8, %sign3A_15 : i32
    %rem3A = arith.remsi %get3A_2, %jit3A : i32
    %ne3A_16 = arith.constant 0 : i32
    %ne3A_17 = arith.cmpi ne, %rem3A, %ne3A_16 : i32
    %and3A = arith.andi %ne3A, %ne3A_17 : i1
    %sub3A = arith.constant 1 : i32
    %sub3A_18 = arith.subi %div3A, %sub3A : i32
    %select_n3A = arith.select %and3A, %sub3A_18, %div3A : i32
    %c0_i32 = arith.constant 0 : i32
    %c0_i32_19 = arith.constant 0 : i32
    return %c0_i32, %select_n3A : i32, i32
  }
  func.func @transform_32(%arg0: i32, %arg1: memref<4096xi32, #tpu.memory_space<smem>>) -> (i32, i32) {
    %mul3A = arith.constant 64 : i32
    %mul3A_0 = arith.muli %arg0, %mul3A : i32
    %add3A = arith.constant 32 : i32
    %add3A_1 = arith.addi %mul3A_0, %add3A : i32
    %get3A = arith.index_cast %add3A_1 : i32 to index
    %get3A_2 = memref.load %arg1[%get3A] : memref<4096xi32, #tpu.memory_space<smem>>
    %jit3A = arith.constant 128 : i32
    %div3A = arith.divsi %get3A_2, %jit3A : i32
    %sign3A = arith.constant 0 : i32
    %sign3A_3 = arith.cmpi sgt, %get3A_2, %sign3A : i32
    %sign3A_4 = arith.extui %sign3A_3 : i1 to i32
    %sign3A_5 = arith.constant 0 : i32
    %sign3A_6 = arith.cmpi slt, %get3A_2, %sign3A_5 : i32
    %sign3A_7 = arith.extui %sign3A_6 : i1 to i32
    %sign3A_8 = arith.subi %sign3A_4, %sign3A_7 : i32
    %sign3A_9 = arith.constant 0 : i32
    %sign3A_10 = arith.cmpi sgt, %jit3A, %sign3A_9 : i32
    %sign3A_11 = arith.extui %sign3A_10 : i1 to i32
    %sign3A_12 = arith.constant 0 : i32
    %sign3A_13 = arith.cmpi slt, %jit3A, %sign3A_12 : i32
    %sign3A_14 = arith.extui %sign3A_13 : i1 to i32
    %sign3A_15 = arith.subi %sign3A_11, %sign3A_14 : i32
    %ne3A = arith.cmpi ne, %sign3A_8, %sign3A_15 : i32
    %rem3A = arith.remsi %get3A_2, %jit3A : i32
    %ne3A_16 = arith.constant 0 : i32
    %ne3A_17 = arith.cmpi ne, %rem3A, %ne3A_16 : i32
    %and3A = arith.andi %ne3A, %ne3A_17 : i1
    %sub3A = arith.constant 1 : i32
    %sub3A_18 = arith.subi %div3A, %sub3A : i32
    %select_n3A = arith.select %and3A, %sub3A_18, %div3A : i32
    %c0_i32 = arith.constant 0 : i32
    %c0_i32_19 = arith.constant 0 : i32
    return %c0_i32, %select_n3A : i32, i32
  }
  func.func @transform_33(%arg0: i32, %arg1: memref<4096xi32, #tpu.memory_space<smem>>) -> (i32, i32) {
    %mul3A = arith.constant 64 : i32
    %mul3A_0 = arith.muli %arg0, %mul3A : i32
    %add3A = arith.constant 33 : i32
    %add3A_1 = arith.addi %mul3A_0, %add3A : i32
    %get3A = arith.index_cast %add3A_1 : i32 to index
    %get3A_2 = memref.load %arg1[%get3A] : memref<4096xi32, #tpu.memory_space<smem>>
    %jit3A = arith.constant 128 : i32
    %div3A = arith.divsi %get3A_2, %jit3A : i32
    %sign3A = arith.constant 0 : i32
    %sign3A_3 = arith.cmpi sgt, %get3A_2, %sign3A : i32
    %sign3A_4 = arith.extui %sign3A_3 : i1 to i32
    %sign3A_5 = arith.constant 0 : i32
    %sign3A_6 = arith.cmpi slt, %get3A_2, %sign3A_5 : i32
    %sign3A_7 = arith.extui %sign3A_6 : i1 to i32
    %sign3A_8 = arith.subi %sign3A_4, %sign3A_7 : i32
    %sign3A_9 = arith.constant 0 : i32
    %sign3A_10 = arith.cmpi sgt, %jit3A, %sign3A_9 : i32
    %sign3A_11 = arith.extui %sign3A_10 : i1 to i32
    %sign3A_12 = arith.constant 0 : i32
    %sign3A_13 = arith.cmpi slt, %jit3A, %sign3A_12 : i32
    %sign3A_14 = arith.extui %sign3A_13 : i1 to i32
    %sign3A_15 = arith.subi %sign3A_11, %sign3A_14 : i32
    %ne3A = arith.cmpi ne, %sign3A_8, %sign3A_15 : i32
    %rem3A = arith.remsi %get3A_2, %jit3A : i32
    %ne3A_16 = arith.constant 0 : i32
    %ne3A_17 = arith.cmpi ne, %rem3A, %ne3A_16 : i32
    %and3A = arith.andi %ne3A, %ne3A_17 : i1
    %sub3A = arith.constant 1 : i32
    %sub3A_18 = arith.subi %div3A, %sub3A : i32
    %select_n3A = arith.select %and3A, %sub3A_18, %div3A : i32
    %c0_i32 = arith.constant 0 : i32
    %c0_i32_19 = arith.constant 0 : i32
    return %c0_i32, %select_n3A : i32, i32
  }
  func.func @transform_34(%arg0: i32, %arg1: memref<4096xi32, #tpu.memory_space<smem>>) -> (i32, i32) {
    %mul3A = arith.constant 64 : i32
    %mul3A_0 = arith.muli %arg0, %mul3A : i32
    %add3A = arith.constant 34 : i32
    %add3A_1 = arith.addi %mul3A_0, %add3A : i32
    %get3A = arith.index_cast %add3A_1 : i32 to index
    %get3A_2 = memref.load %arg1[%get3A] : memref<4096xi32, #tpu.memory_space<smem>>
    %jit3A = arith.constant 128 : i32
    %div3A = arith.divsi %get3A_2, %jit3A : i32
    %sign3A = arith.constant 0 : i32
    %sign3A_3 = arith.cmpi sgt, %get3A_2, %sign3A : i32
    %sign3A_4 = arith.extui %sign3A_3 : i1 to i32
    %sign3A_5 = arith.constant 0 : i32
    %sign3A_6 = arith.cmpi slt, %get3A_2, %sign3A_5 : i32
    %sign3A_7 = arith.extui %sign3A_6 : i1 to i32
    %sign3A_8 = arith.subi %sign3A_4, %sign3A_7 : i32
    %sign3A_9 = arith.constant 0 : i32
    %sign3A_10 = arith.cmpi sgt, %jit3A, %sign3A_9 : i32
    %sign3A_11 = arith.extui %sign3A_10 : i1 to i32
    %sign3A_12 = arith.constant 0 : i32
    %sign3A_13 = arith.cmpi slt, %jit3A, %sign3A_12 : i32
    %sign3A_14 = arith.extui %sign3A_13 : i1 to i32
    %sign3A_15 = arith.subi %sign3A_11, %sign3A_14 : i32
    %ne3A = arith.cmpi ne, %sign3A_8, %sign3A_15 : i32
    %rem3A = arith.remsi %get3A_2, %jit3A : i32
    %ne3A_16 = arith.constant 0 : i32
    %ne3A_17 = arith.cmpi ne, %rem3A, %ne3A_16 : i32
    %and3A = arith.andi %ne3A, %ne3A_17 : i1
    %sub3A = arith.constant 1 : i32
    %sub3A_18 = arith.subi %div3A, %sub3A : i32
    %select_n3A = arith.select %and3A, %sub3A_18, %div3A : i32
    %c0_i32 = arith.constant 0 : i32
    %c0_i32_19 = arith.constant 0 : i32
    return %c0_i32, %select_n3A : i32, i32
  }
  func.func @transform_35(%arg0: i32, %arg1: memref<4096xi32, #tpu.memory_space<smem>>) -> (i32, i32) {
    %mul3A = arith.constant 64 : i32
    %mul3A_0 = arith.muli %arg0, %mul3A : i32
    %add3A = arith.constant 35 : i32
    %add3A_1 = arith.addi %mul3A_0, %add3A : i32
    %get3A = arith.index_cast %add3A_1 : i32 to index
    %get3A_2 = memref.load %arg1[%get3A] : memref<4096xi32, #tpu.memory_space<smem>>
    %jit3A = arith.constant 128 : i32
    %div3A = arith.divsi %get3A_2, %jit3A : i32
    %sign3A = arith.constant 0 : i32
    %sign3A_3 = arith.cmpi sgt, %get3A_2, %sign3A : i32
    %sign3A_4 = arith.extui %sign3A_3 : i1 to i32
    %sign3A_5 = arith.constant 0 : i32
    %sign3A_6 = arith.cmpi slt, %get3A_2, %sign3A_5 : i32
    %sign3A_7 = arith.extui %sign3A_6 : i1 to i32
    %sign3A_8 = arith.subi %sign3A_4, %sign3A_7 : i32
    %sign3A_9 = arith.constant 0 : i32
    %sign3A_10 = arith.cmpi sgt, %jit3A, %sign3A_9 : i32
    %sign3A_11 = arith.extui %sign3A_10 : i1 to i32
    %sign3A_12 = arith.constant 0 : i32
    %sign3A_13 = arith.cmpi slt, %jit3A, %sign3A_12 : i32
    %sign3A_14 = arith.extui %sign3A_13 : i1 to i32
    %sign3A_15 = arith.subi %sign3A_11, %sign3A_14 : i32
    %ne3A = arith.cmpi ne, %sign3A_8, %sign3A_15 : i32
    %rem3A = arith.remsi %get3A_2, %jit3A : i32
    %ne3A_16 = arith.constant 0 : i32
    %ne3A_17 = arith.cmpi ne, %rem3A, %ne3A_16 : i32
    %and3A = arith.andi %ne3A, %ne3A_17 : i1
    %sub3A = arith.constant 1 : i32
    %sub3A_18 = arith.subi %div3A, %sub3A : i32
    %select_n3A = arith.select %and3A, %sub3A_18, %div3A : i32
    %c0_i32 = arith.constant 0 : i32
    %c0_i32_19 = arith.constant 0 : i32
    return %c0_i32, %select_n3A : i32, i32
  }
  func.func @transform_36(%arg0: i32, %arg1: memref<4096xi32, #tpu.memory_space<smem>>) -> (i32, i32) {
    %mul3A = arith.constant 64 : i32
    %mul3A_0 = arith.muli %arg0, %mul3A : i32
    %add3A = arith.constant 36 : i32
    %add3A_1 = arith.addi %mul3A_0, %add3A : i32
    %get3A = arith.index_cast %add3A_1 : i32 to index
    %get3A_2 = memref.load %arg1[%get3A] : memref<4096xi32, #tpu.memory_space<smem>>
    %jit3A = arith.constant 128 : i32
    %div3A = arith.divsi %get3A_2, %jit3A : i32
    %sign3A = arith.constant 0 : i32
    %sign3A_3 = arith.cmpi sgt, %get3A_2, %sign3A : i32
    %sign3A_4 = arith.extui %sign3A_3 : i1 to i32
    %sign3A_5 = arith.constant 0 : i32
    %sign3A_6 = arith.cmpi slt, %get3A_2, %sign3A_5 : i32
    %sign3A_7 = arith.extui %sign3A_6 : i1 to i32
    %sign3A_8 = arith.subi %sign3A_4, %sign3A_7 : i32
    %sign3A_9 = arith.constant 0 : i32
    %sign3A_10 = arith.cmpi sgt, %jit3A, %sign3A_9 : i32
    %sign3A_11 = arith.extui %sign3A_10 : i1 to i32
    %sign3A_12 = arith.constant 0 : i32
    %sign3A_13 = arith.cmpi slt, %jit3A, %sign3A_12 : i32
    %sign3A_14 = arith.extui %sign3A_13 : i1 to i32
    %sign3A_15 = arith.subi %sign3A_11, %sign3A_14 : i32
    %ne3A = arith.cmpi ne, %sign3A_8, %sign3A_15 : i32
    %rem3A = arith.remsi %get3A_2, %jit3A : i32
    %ne3A_16 = arith.constant 0 : i32
    %ne3A_17 = arith.cmpi ne, %rem3A, %ne3A_16 : i32
    %and3A = arith.andi %ne3A, %ne3A_17 : i1
    %sub3A = arith.constant 1 : i32
    %sub3A_18 = arith.subi %div3A, %sub3A : i32
    %select_n3A = arith.select %and3A, %sub3A_18, %div3A : i32
    %c0_i32 = arith.constant 0 : i32
    %c0_i32_19 = arith.constant 0 : i32
    return %c0_i32, %select_n3A : i32, i32
  }
  func.func @transform_37(%arg0: i32, %arg1: memref<4096xi32, #tpu.memory_space<smem>>) -> (i32, i32) {
    %mul3A = arith.constant 64 : i32
    %mul3A_0 = arith.muli %arg0, %mul3A : i32
    %add3A = arith.constant 37 : i32
    %add3A_1 = arith.addi %mul3A_0, %add3A : i32
    %get3A = arith.index_cast %add3A_1 : i32 to index
    %get3A_2 = memref.load %arg1[%get3A] : memref<4096xi32, #tpu.memory_space<smem>>
    %jit3A = arith.constant 128 : i32
    %div3A = arith.divsi %get3A_2, %jit3A : i32
    %sign3A = arith.constant 0 : i32
    %sign3A_3 = arith.cmpi sgt, %get3A_2, %sign3A : i32
    %sign3A_4 = arith.extui %sign3A_3 : i1 to i32
    %sign3A_5 = arith.constant 0 : i32
    %sign3A_6 = arith.cmpi slt, %get3A_2, %sign3A_5 : i32
    %sign3A_7 = arith.extui %sign3A_6 : i1 to i32
    %sign3A_8 = arith.subi %sign3A_4, %sign3A_7 : i32
    %sign3A_9 = arith.constant 0 : i32
    %sign3A_10 = arith.cmpi sgt, %jit3A, %sign3A_9 : i32
    %sign3A_11 = arith.extui %sign3A_10 : i1 to i32
    %sign3A_12 = arith.constant 0 : i32
    %sign3A_13 = arith.cmpi slt, %jit3A, %sign3A_12 : i32
    %sign3A_14 = arith.extui %sign3A_13 : i1 to i32
    %sign3A_15 = arith.subi %sign3A_11, %sign3A_14 : i32
    %ne3A = arith.cmpi ne, %sign3A_8, %sign3A_15 : i32
    %rem3A = arith.remsi %get3A_2, %jit3A : i32
    %ne3A_16 = arith.constant 0 : i32
    %ne3A_17 = arith.cmpi ne, %rem3A, %ne3A_16 : i32
    %and3A = arith.andi %ne3A, %ne3A_17 : i1
    %sub3A = arith.constant 1 : i32
    %sub3A_18 = arith.subi %div3A, %sub3A : i32
    %select_n3A = arith.select %and3A, %sub3A_18, %div3A : i32
    %c0_i32 = arith.constant 0 : i32
    %c0_i32_19 = arith.constant 0 : i32
    return %c0_i32, %select_n3A : i32, i32
  }
  func.func @transform_38(%arg0: i32, %arg1: memref<4096xi32, #tpu.memory_space<smem>>) -> (i32, i32) {
    %mul3A = arith.constant 64 : i32
    %mul3A_0 = arith.muli %arg0, %mul3A : i32
    %add3A = arith.constant 38 : i32
    %add3A_1 = arith.addi %mul3A_0, %add3A : i32
    %get3A = arith.index_cast %add3A_1 : i32 to index
    %get3A_2 = memref.load %arg1[%get3A] : memref<4096xi32, #tpu.memory_space<smem>>
    %jit3A = arith.constant 128 : i32
    %div3A = arith.divsi %get3A_2, %jit3A : i32
    %sign3A = arith.constant 0 : i32
    %sign3A_3 = arith.cmpi sgt, %get3A_2, %sign3A : i32
    %sign3A_4 = arith.extui %sign3A_3 : i1 to i32
    %sign3A_5 = arith.constant 0 : i32
    %sign3A_6 = arith.cmpi slt, %get3A_2, %sign3A_5 : i32
    %sign3A_7 = arith.extui %sign3A_6 : i1 to i32
    %sign3A_8 = arith.subi %sign3A_4, %sign3A_7 : i32
    %sign3A_9 = arith.constant 0 : i32
    %sign3A_10 = arith.cmpi sgt, %jit3A, %sign3A_9 : i32
    %sign3A_11 = arith.extui %sign3A_10 : i1 to i32
    %sign3A_12 = arith.constant 0 : i32
    %sign3A_13 = arith.cmpi slt, %jit3A, %sign3A_12 : i32
    %sign3A_14 = arith.extui %sign3A_13 : i1 to i32
    %sign3A_15 = arith.subi %sign3A_11, %sign3A_14 : i32
    %ne3A = arith.cmpi ne, %sign3A_8, %sign3A_15 : i32
    %rem3A = arith.remsi %get3A_2, %jit3A : i32
    %ne3A_16 = arith.constant 0 : i32
    %ne3A_17 = arith.cmpi ne, %rem3A, %ne3A_16 : i32
    %and3A = arith.andi %ne3A, %ne3A_17 : i1
    %sub3A = arith.constant 1 : i32
    %sub3A_18 = arith.subi %div3A, %sub3A : i32
    %select_n3A = arith.select %and3A, %sub3A_18, %div3A : i32
    %c0_i32 = arith.constant 0 : i32
    %c0_i32_19 = arith.constant 0 : i32
    return %c0_i32, %select_n3A : i32, i32
  }
  func.func @transform_39(%arg0: i32, %arg1: memref<4096xi32, #tpu.memory_space<smem>>) -> (i32, i32) {
    %mul3A = arith.constant 64 : i32
    %mul3A_0 = arith.muli %arg0, %mul3A : i32
    %add3A = arith.constant 39 : i32
    %add3A_1 = arith.addi %mul3A_0, %add3A : i32
    %get3A = arith.index_cast %add3A_1 : i32 to index
    %get3A_2 = memref.load %arg1[%get3A] : memref<4096xi32, #tpu.memory_space<smem>>
    %jit3A = arith.constant 128 : i32
    %div3A = arith.divsi %get3A_2, %jit3A : i32
    %sign3A = arith.constant 0 : i32
    %sign3A_3 = arith.cmpi sgt, %get3A_2, %sign3A : i32
    %sign3A_4 = arith.extui %sign3A_3 : i1 to i32
    %sign3A_5 = arith.constant 0 : i32
    %sign3A_6 = arith.cmpi slt, %get3A_2, %sign3A_5 : i32
    %sign3A_7 = arith.extui %sign3A_6 : i1 to i32
    %sign3A_8 = arith.subi %sign3A_4, %sign3A_7 : i32
    %sign3A_9 = arith.constant 0 : i32
    %sign3A_10 = arith.cmpi sgt, %jit3A, %sign3A_9 : i32
    %sign3A_11 = arith.extui %sign3A_10 : i1 to i32
    %sign3A_12 = arith.constant 0 : i32
    %sign3A_13 = arith.cmpi slt, %jit3A, %sign3A_12 : i32
    %sign3A_14 = arith.extui %sign3A_13 : i1 to i32
    %sign3A_15 = arith.subi %sign3A_11, %sign3A_14 : i32
    %ne3A = arith.cmpi ne, %sign3A_8, %sign3A_15 : i32
    %rem3A = arith.remsi %get3A_2, %jit3A : i32
    %ne3A_16 = arith.constant 0 : i32
    %ne3A_17 = arith.cmpi ne, %rem3A, %ne3A_16 : i32
    %and3A = arith.andi %ne3A, %ne3A_17 : i1
    %sub3A = arith.constant 1 : i32
    %sub3A_18 = arith.subi %div3A, %sub3A : i32
    %select_n3A = arith.select %and3A, %sub3A_18, %div3A : i32
    %c0_i32 = arith.constant 0 : i32
    %c0_i32_19 = arith.constant 0 : i32
    return %c0_i32, %select_n3A : i32, i32
  }
  func.func @transform_40(%arg0: i32, %arg1: memref<4096xi32, #tpu.memory_space<smem>>) -> (i32, i32) {
    %mul3A = arith.constant 64 : i32
    %mul3A_0 = arith.muli %arg0, %mul3A : i32
    %add3A = arith.constant 40 : i32
    %add3A_1 = arith.addi %mul3A_0, %add3A : i32
    %get3A = arith.index_cast %add3A_1 : i32 to index
    %get3A_2 = memref.load %arg1[%get3A] : memref<4096xi32, #tpu.memory_space<smem>>
    %jit3A = arith.constant 128 : i32
    %div3A = arith.divsi %get3A_2, %jit3A : i32
    %sign3A = arith.constant 0 : i32
    %sign3A_3 = arith.cmpi sgt, %get3A_2, %sign3A : i32
    %sign3A_4 = arith.extui %sign3A_3 : i1 to i32
    %sign3A_5 = arith.constant 0 : i32
    %sign3A_6 = arith.cmpi slt, %get3A_2, %sign3A_5 : i32
    %sign3A_7 = arith.extui %sign3A_6 : i1 to i32
    %sign3A_8 = arith.subi %sign3A_4, %sign3A_7 : i32
    %sign3A_9 = arith.constant 0 : i32
    %sign3A_10 = arith.cmpi sgt, %jit3A, %sign3A_9 : i32
    %sign3A_11 = arith.extui %sign3A_10 : i1 to i32
    %sign3A_12 = arith.constant 0 : i32
    %sign3A_13 = arith.cmpi slt, %jit3A, %sign3A_12 : i32
    %sign3A_14 = arith.extui %sign3A_13 : i1 to i32
    %sign3A_15 = arith.subi %sign3A_11, %sign3A_14 : i32
    %ne3A = arith.cmpi ne, %sign3A_8, %sign3A_15 : i32
    %rem3A = arith.remsi %get3A_2, %jit3A : i32
    %ne3A_16 = arith.constant 0 : i32
    %ne3A_17 = arith.cmpi ne, %rem3A, %ne3A_16 : i32
    %and3A = arith.andi %ne3A, %ne3A_17 : i1
    %sub3A = arith.constant 1 : i32
    %sub3A_18 = arith.subi %div3A, %sub3A : i32
    %select_n3A = arith.select %and3A, %sub3A_18, %div3A : i32
    %c0_i32 = arith.constant 0 : i32
    %c0_i32_19 = arith.constant 0 : i32
    return %c0_i32, %select_n3A : i32, i32
  }
  func.func @transform_41(%arg0: i32, %arg1: memref<4096xi32, #tpu.memory_space<smem>>) -> (i32, i32) {
    %mul3A = arith.constant 64 : i32
    %mul3A_0 = arith.muli %arg0, %mul3A : i32
    %add3A = arith.constant 41 : i32
    %add3A_1 = arith.addi %mul3A_0, %add3A : i32
    %get3A = arith.index_cast %add3A_1 : i32 to index
    %get3A_2 = memref.load %arg1[%get3A] : memref<4096xi32, #tpu.memory_space<smem>>
    %jit3A = arith.constant 128 : i32
    %div3A = arith.divsi %get3A_2, %jit3A : i32
    %sign3A = arith.constant 0 : i32
    %sign3A_3 = arith.cmpi sgt, %get3A_2, %sign3A : i32
    %sign3A_4 = arith.extui %sign3A_3 : i1 to i32
    %sign3A_5 = arith.constant 0 : i32
    %sign3A_6 = arith.cmpi slt, %get3A_2, %sign3A_5 : i32
    %sign3A_7 = arith.extui %sign3A_6 : i1 to i32
    %sign3A_8 = arith.subi %sign3A_4, %sign3A_7 : i32
    %sign3A_9 = arith.constant 0 : i32
    %sign3A_10 = arith.cmpi sgt, %jit3A, %sign3A_9 : i32
    %sign3A_11 = arith.extui %sign3A_10 : i1 to i32
    %sign3A_12 = arith.constant 0 : i32
    %sign3A_13 = arith.cmpi slt, %jit3A, %sign3A_12 : i32
    %sign3A_14 = arith.extui %sign3A_13 : i1 to i32
    %sign3A_15 = arith.subi %sign3A_11, %sign3A_14 : i32
    %ne3A = arith.cmpi ne, %sign3A_8, %sign3A_15 : i32
    %rem3A = arith.remsi %get3A_2, %jit3A : i32
    %ne3A_16 = arith.constant 0 : i32
    %ne3A_17 = arith.cmpi ne, %rem3A, %ne3A_16 : i32
    %and3A = arith.andi %ne3A, %ne3A_17 : i1
    %sub3A = arith.constant 1 : i32
    %sub3A_18 = arith.subi %div3A, %sub3A : i32
    %select_n3A = arith.select %and3A, %sub3A_18, %div3A : i32
    %c0_i32 = arith.constant 0 : i32
    %c0_i32_19 = arith.constant 0 : i32
    return %c0_i32, %select_n3A : i32, i32
  }
  func.func @transform_42(%arg0: i32, %arg1: memref<4096xi32, #tpu.memory_space<smem>>) -> (i32, i32) {
    %mul3A = arith.constant 64 : i32
    %mul3A_0 = arith.muli %arg0, %mul3A : i32
    %add3A = arith.constant 42 : i32
    %add3A_1 = arith.addi %mul3A_0, %add3A : i32
    %get3A = arith.index_cast %add3A_1 : i32 to index
    %get3A_2 = memref.load %arg1[%get3A] : memref<4096xi32, #tpu.memory_space<smem>>
    %jit3A = arith.constant 128 : i32
    %div3A = arith.divsi %get3A_2, %jit3A : i32
    %sign3A = arith.constant 0 : i32
    %sign3A_3 = arith.cmpi sgt, %get3A_2, %sign3A : i32
    %sign3A_4 = arith.extui %sign3A_3 : i1 to i32
    %sign3A_5 = arith.constant 0 : i32
    %sign3A_6 = arith.cmpi slt, %get3A_2, %sign3A_5 : i32
    %sign3A_7 = arith.extui %sign3A_6 : i1 to i32
    %sign3A_8 = arith.subi %sign3A_4, %sign3A_7 : i32
    %sign3A_9 = arith.constant 0 : i32
    %sign3A_10 = arith.cmpi sgt, %jit3A, %sign3A_9 : i32
    %sign3A_11 = arith.extui %sign3A_10 : i1 to i32
    %sign3A_12 = arith.constant 0 : i32
    %sign3A_13 = arith.cmpi slt, %jit3A, %sign3A_12 : i32
    %sign3A_14 = arith.extui %sign3A_13 : i1 to i32
    %sign3A_15 = arith.subi %sign3A_11, %sign3A_14 : i32
    %ne3A = arith.cmpi ne, %sign3A_8, %sign3A_15 : i32
    %rem3A = arith.remsi %get3A_2, %jit3A : i32
    %ne3A_16 = arith.constant 0 : i32
    %ne3A_17 = arith.cmpi ne, %rem3A, %ne3A_16 : i32
    %and3A = arith.andi %ne3A, %ne3A_17 : i1
    %sub3A = arith.constant 1 : i32
    %sub3A_18 = arith.subi %div3A, %sub3A : i32
    %select_n3A = arith.select %and3A, %sub3A_18, %div3A : i32
    %c0_i32 = arith.constant 0 : i32
    %c0_i32_19 = arith.constant 0 : i32
    return %c0_i32, %select_n3A : i32, i32
  }
  func.func @transform_43(%arg0: i32, %arg1: memref<4096xi32, #tpu.memory_space<smem>>) -> (i32, i32) {
    %mul3A = arith.constant 64 : i32
    %mul3A_0 = arith.muli %arg0, %mul3A : i32
    %add3A = arith.constant 43 : i32
    %add3A_1 = arith.addi %mul3A_0, %add3A : i32
    %get3A = arith.index_cast %add3A_1 : i32 to index
    %get3A_2 = memref.load %arg1[%get3A] : memref<4096xi32, #tpu.memory_space<smem>>
    %jit3A = arith.constant 128 : i32
    %div3A = arith.divsi %get3A_2, %jit3A : i32
    %sign3A = arith.constant 0 : i32
    %sign3A_3 = arith.cmpi sgt, %get3A_2, %sign3A : i32
    %sign3A_4 = arith.extui %sign3A_3 : i1 to i32
    %sign3A_5 = arith.constant 0 : i32
    %sign3A_6 = arith.cmpi slt, %get3A_2, %sign3A_5 : i32
    %sign3A_7 = arith.extui %sign3A_6 : i1 to i32
    %sign3A_8 = arith.subi %sign3A_4, %sign3A_7 : i32
    %sign3A_9 = arith.constant 0 : i32
    %sign3A_10 = arith.cmpi sgt, %jit3A, %sign3A_9 : i32
    %sign3A_11 = arith.extui %sign3A_10 : i1 to i32
    %sign3A_12 = arith.constant 0 : i32
    %sign3A_13 = arith.cmpi slt, %jit3A, %sign3A_12 : i32
    %sign3A_14 = arith.extui %sign3A_13 : i1 to i32
    %sign3A_15 = arith.subi %sign3A_11, %sign3A_14 : i32
    %ne3A = arith.cmpi ne, %sign3A_8, %sign3A_15 : i32
    %rem3A = arith.remsi %get3A_2, %jit3A : i32
    %ne3A_16 = arith.constant 0 : i32
    %ne3A_17 = arith.cmpi ne, %rem3A, %ne3A_16 : i32
    %and3A = arith.andi %ne3A, %ne3A_17 : i1
    %sub3A = arith.constant 1 : i32
    %sub3A_18 = arith.subi %div3A, %sub3A : i32
    %select_n3A = arith.select %and3A, %sub3A_18, %div3A : i32
    %c0_i32 = arith.constant 0 : i32
    %c0_i32_19 = arith.constant 0 : i32
    return %c0_i32, %select_n3A : i32, i32
  }
  func.func @transform_44(%arg0: i32, %arg1: memref<4096xi32, #tpu.memory_space<smem>>) -> (i32, i32) {
    %mul3A = arith.constant 64 : i32
    %mul3A_0 = arith.muli %arg0, %mul3A : i32
    %add3A = arith.constant 44 : i32
    %add3A_1 = arith.addi %mul3A_0, %add3A : i32
    %get3A = arith.index_cast %add3A_1 : i32 to index
    %get3A_2 = memref.load %arg1[%get3A] : memref<4096xi32, #tpu.memory_space<smem>>
    %jit3A = arith.constant 128 : i32
    %div3A = arith.divsi %get3A_2, %jit3A : i32
    %sign3A = arith.constant 0 : i32
    %sign3A_3 = arith.cmpi sgt, %get3A_2, %sign3A : i32
    %sign3A_4 = arith.extui %sign3A_3 : i1 to i32
    %sign3A_5 = arith.constant 0 : i32
    %sign3A_6 = arith.cmpi slt, %get3A_2, %sign3A_5 : i32
    %sign3A_7 = arith.extui %sign3A_6 : i1 to i32
    %sign3A_8 = arith.subi %sign3A_4, %sign3A_7 : i32
    %sign3A_9 = arith.constant 0 : i32
    %sign3A_10 = arith.cmpi sgt, %jit3A, %sign3A_9 : i32
    %sign3A_11 = arith.extui %sign3A_10 : i1 to i32
    %sign3A_12 = arith.constant 0 : i32
    %sign3A_13 = arith.cmpi slt, %jit3A, %sign3A_12 : i32
    %sign3A_14 = arith.extui %sign3A_13 : i1 to i32
    %sign3A_15 = arith.subi %sign3A_11, %sign3A_14 : i32
    %ne3A = arith.cmpi ne, %sign3A_8, %sign3A_15 : i32
    %rem3A = arith.remsi %get3A_2, %jit3A : i32
    %ne3A_16 = arith.constant 0 : i32
    %ne3A_17 = arith.cmpi ne, %rem3A, %ne3A_16 : i32
    %and3A = arith.andi %ne3A, %ne3A_17 : i1
    %sub3A = arith.constant 1 : i32
    %sub3A_18 = arith.subi %div3A, %sub3A : i32
    %select_n3A = arith.select %and3A, %sub3A_18, %div3A : i32
    %c0_i32 = arith.constant 0 : i32
    %c0_i32_19 = arith.constant 0 : i32
    return %c0_i32, %select_n3A : i32, i32
  }
  func.func @transform_45(%arg0: i32, %arg1: memref<4096xi32, #tpu.memory_space<smem>>) -> (i32, i32) {
    %mul3A = arith.constant 64 : i32
    %mul3A_0 = arith.muli %arg0, %mul3A : i32
    %add3A = arith.constant 45 : i32
    %add3A_1 = arith.addi %mul3A_0, %add3A : i32
    %get3A = arith.index_cast %add3A_1 : i32 to index
    %get3A_2 = memref.load %arg1[%get3A] : memref<4096xi32, #tpu.memory_space<smem>>
    %jit3A = arith.constant 128 : i32
    %div3A = arith.divsi %get3A_2, %jit3A : i32
    %sign3A = arith.constant 0 : i32
    %sign3A_3 = arith.cmpi sgt, %get3A_2, %sign3A : i32
    %sign3A_4 = arith.extui %sign3A_3 : i1 to i32
    %sign3A_5 = arith.constant 0 : i32
    %sign3A_6 = arith.cmpi slt, %get3A_2, %sign3A_5 : i32
    %sign3A_7 = arith.extui %sign3A_6 : i1 to i32
    %sign3A_8 = arith.subi %sign3A_4, %sign3A_7 : i32
    %sign3A_9 = arith.constant 0 : i32
    %sign3A_10 = arith.cmpi sgt, %jit3A, %sign3A_9 : i32
    %sign3A_11 = arith.extui %sign3A_10 : i1 to i32
    %sign3A_12 = arith.constant 0 : i32
    %sign3A_13 = arith.cmpi slt, %jit3A, %sign3A_12 : i32
    %sign3A_14 = arith.extui %sign3A_13 : i1 to i32
    %sign3A_15 = arith.subi %sign3A_11, %sign3A_14 : i32
    %ne3A = arith.cmpi ne, %sign3A_8, %sign3A_15 : i32
    %rem3A = arith.remsi %get3A_2, %jit3A : i32
    %ne3A_16 = arith.constant 0 : i32
    %ne3A_17 = arith.cmpi ne, %rem3A, %ne3A_16 : i32
    %and3A = arith.andi %ne3A, %ne3A_17 : i1
    %sub3A = arith.constant 1 : i32
    %sub3A_18 = arith.subi %div3A, %sub3A : i32
    %select_n3A = arith.select %and3A, %sub3A_18, %div3A : i32
    %c0_i32 = arith.constant 0 : i32
    %c0_i32_19 = arith.constant 0 : i32
    return %c0_i32, %select_n3A : i32, i32
  }
  func.func @transform_46(%arg0: i32, %arg1: memref<4096xi32, #tpu.memory_space<smem>>) -> (i32, i32) {
    %mul3A = arith.constant 64 : i32
    %mul3A_0 = arith.muli %arg0, %mul3A : i32
    %add3A = arith.constant 46 : i32
    %add3A_1 = arith.addi %mul3A_0, %add3A : i32
    %get3A = arith.index_cast %add3A_1 : i32 to index
    %get3A_2 = memref.load %arg1[%get3A] : memref<4096xi32, #tpu.memory_space<smem>>
    %jit3A = arith.constant 128 : i32
    %div3A = arith.divsi %get3A_2, %jit3A : i32
    %sign3A = arith.constant 0 : i32
    %sign3A_3 = arith.cmpi sgt, %get3A_2, %sign3A : i32
    %sign3A_4 = arith.extui %sign3A_3 : i1 to i32
    %sign3A_5 = arith.constant 0 : i32
    %sign3A_6 = arith.cmpi slt, %get3A_2, %sign3A_5 : i32
    %sign3A_7 = arith.extui %sign3A_6 : i1 to i32
    %sign3A_8 = arith.subi %sign3A_4, %sign3A_7 : i32
    %sign3A_9 = arith.constant 0 : i32
    %sign3A_10 = arith.cmpi sgt, %jit3A, %sign3A_9 : i32
    %sign3A_11 = arith.extui %sign3A_10 : i1 to i32
    %sign3A_12 = arith.constant 0 : i32
    %sign3A_13 = arith.cmpi slt, %jit3A, %sign3A_12 : i32
    %sign3A_14 = arith.extui %sign3A_13 : i1 to i32
    %sign3A_15 = arith.subi %sign3A_11, %sign3A_14 : i32
    %ne3A = arith.cmpi ne, %sign3A_8, %sign3A_15 : i32
    %rem3A = arith.remsi %get3A_2, %jit3A : i32
    %ne3A_16 = arith.constant 0 : i32
    %ne3A_17 = arith.cmpi ne, %rem3A, %ne3A_16 : i32
    %and3A = arith.andi %ne3A, %ne3A_17 : i1
    %sub3A = arith.constant 1 : i32
    %sub3A_18 = arith.subi %div3A, %sub3A : i32
    %select_n3A = arith.select %and3A, %sub3A_18, %div3A : i32
    %c0_i32 = arith.constant 0 : i32
    %c0_i32_19 = arith.constant 0 : i32
    return %c0_i32, %select_n3A : i32, i32
  }
  func.func @transform_47(%arg0: i32, %arg1: memref<4096xi32, #tpu.memory_space<smem>>) -> (i32, i32) {
    %mul3A = arith.constant 64 : i32
    %mul3A_0 = arith.muli %arg0, %mul3A : i32
    %add3A = arith.constant 47 : i32
    %add3A_1 = arith.addi %mul3A_0, %add3A : i32
    %get3A = arith.index_cast %add3A_1 : i32 to index
    %get3A_2 = memref.load %arg1[%get3A] : memref<4096xi32, #tpu.memory_space<smem>>
    %jit3A = arith.constant 128 : i32
    %div3A = arith.divsi %get3A_2, %jit3A : i32
    %sign3A = arith.constant 0 : i32
    %sign3A_3 = arith.cmpi sgt, %get3A_2, %sign3A : i32
    %sign3A_4 = arith.extui %sign3A_3 : i1 to i32
    %sign3A_5 = arith.constant 0 : i32
    %sign3A_6 = arith.cmpi slt, %get3A_2, %sign3A_5 : i32
    %sign3A_7 = arith.extui %sign3A_6 : i1 to i32
    %sign3A_8 = arith.subi %sign3A_4, %sign3A_7 : i32
    %sign3A_9 = arith.constant 0 : i32
    %sign3A_10 = arith.cmpi sgt, %jit3A, %sign3A_9 : i32
    %sign3A_11 = arith.extui %sign3A_10 : i1 to i32
    %sign3A_12 = arith.constant 0 : i32
    %sign3A_13 = arith.cmpi slt, %jit3A, %sign3A_12 : i32
    %sign3A_14 = arith.extui %sign3A_13 : i1 to i32
    %sign3A_15 = arith.subi %sign3A_11, %sign3A_14 : i32
    %ne3A = arith.cmpi ne, %sign3A_8, %sign3A_15 : i32
    %rem3A = arith.remsi %get3A_2, %jit3A : i32
    %ne3A_16 = arith.constant 0 : i32
    %ne3A_17 = arith.cmpi ne, %rem3A, %ne3A_16 : i32
    %and3A = arith.andi %ne3A, %ne3A_17 : i1
    %sub3A = arith.constant 1 : i32
    %sub3A_18 = arith.subi %div3A, %sub3A : i32
    %select_n3A = arith.select %and3A, %sub3A_18, %div3A : i32
    %c0_i32 = arith.constant 0 : i32
    %c0_i32_19 = arith.constant 0 : i32
    return %c0_i32, %select_n3A : i32, i32
  }
  func.func @transform_48(%arg0: i32, %arg1: memref<4096xi32, #tpu.memory_space<smem>>) -> (i32, i32) {
    %mul3A = arith.constant 64 : i32
    %mul3A_0 = arith.muli %arg0, %mul3A : i32
    %add3A = arith.constant 48 : i32
    %add3A_1 = arith.addi %mul3A_0, %add3A : i32
    %get3A = arith.index_cast %add3A_1 : i32 to index
    %get3A_2 = memref.load %arg1[%get3A] : memref<4096xi32, #tpu.memory_space<smem>>
    %jit3A = arith.constant 128 : i32
    %div3A = arith.divsi %get3A_2, %jit3A : i32
    %sign3A = arith.constant 0 : i32
    %sign3A_3 = arith.cmpi sgt, %get3A_2, %sign3A : i32
    %sign3A_4 = arith.extui %sign3A_3 : i1 to i32
    %sign3A_5 = arith.constant 0 : i32
    %sign3A_6 = arith.cmpi slt, %get3A_2, %sign3A_5 : i32
    %sign3A_7 = arith.extui %sign3A_6 : i1 to i32
    %sign3A_8 = arith.subi %sign3A_4, %sign3A_7 : i32
    %sign3A_9 = arith.constant 0 : i32
    %sign3A_10 = arith.cmpi sgt, %jit3A, %sign3A_9 : i32
    %sign3A_11 = arith.extui %sign3A_10 : i1 to i32
    %sign3A_12 = arith.constant 0 : i32
    %sign3A_13 = arith.cmpi slt, %jit3A, %sign3A_12 : i32
    %sign3A_14 = arith.extui %sign3A_13 : i1 to i32
    %sign3A_15 = arith.subi %sign3A_11, %sign3A_14 : i32
    %ne3A = arith.cmpi ne, %sign3A_8, %sign3A_15 : i32
    %rem3A = arith.remsi %get3A_2, %jit3A : i32
    %ne3A_16 = arith.constant 0 : i32
    %ne3A_17 = arith.cmpi ne, %rem3A, %ne3A_16 : i32
    %and3A = arith.andi %ne3A, %ne3A_17 : i1
    %sub3A = arith.constant 1 : i32
    %sub3A_18 = arith.subi %div3A, %sub3A : i32
    %select_n3A = arith.select %and3A, %sub3A_18, %div3A : i32
    %c0_i32 = arith.constant 0 : i32
    %c0_i32_19 = arith.constant 0 : i32
    return %c0_i32, %select_n3A : i32, i32
  }
  func.func @transform_49(%arg0: i32, %arg1: memref<4096xi32, #tpu.memory_space<smem>>) -> (i32, i32) {
    %mul3A = arith.constant 64 : i32
    %mul3A_0 = arith.muli %arg0, %mul3A : i32
    %add3A = arith.constant 49 : i32
    %add3A_1 = arith.addi %mul3A_0, %add3A : i32
    %get3A = arith.index_cast %add3A_1 : i32 to index
    %get3A_2 = memref.load %arg1[%get3A] : memref<4096xi32, #tpu.memory_space<smem>>
    %jit3A = arith.constant 128 : i32
    %div3A = arith.divsi %get3A_2, %jit3A : i32
    %sign3A = arith.constant 0 : i32
    %sign3A_3 = arith.cmpi sgt, %get3A_2, %sign3A : i32
    %sign3A_4 = arith.extui %sign3A_3 : i1 to i32
    %sign3A_5 = arith.constant 0 : i32
    %sign3A_6 = arith.cmpi slt, %get3A_2, %sign3A_5 : i32
    %sign3A_7 = arith.extui %sign3A_6 : i1 to i32
    %sign3A_8 = arith.subi %sign3A_4, %sign3A_7 : i32
    %sign3A_9 = arith.constant 0 : i32
    %sign3A_10 = arith.cmpi sgt, %jit3A, %sign3A_9 : i32
    %sign3A_11 = arith.extui %sign3A_10 : i1 to i32
    %sign3A_12 = arith.constant 0 : i32
    %sign3A_13 = arith.cmpi slt, %jit3A, %sign3A_12 : i32
    %sign3A_14 = arith.extui %sign3A_13 : i1 to i32
    %sign3A_15 = arith.subi %sign3A_11, %sign3A_14 : i32
    %ne3A = arith.cmpi ne, %sign3A_8, %sign3A_15 : i32
    %rem3A = arith.remsi %get3A_2, %jit3A : i32
    %ne3A_16 = arith.constant 0 : i32
    %ne3A_17 = arith.cmpi ne, %rem3A, %ne3A_16 : i32
    %and3A = arith.andi %ne3A, %ne3A_17 : i1
    %sub3A = arith.constant 1 : i32
    %sub3A_18 = arith.subi %div3A, %sub3A : i32
    %select_n3A = arith.select %and3A, %sub3A_18, %div3A : i32
    %c0_i32 = arith.constant 0 : i32
    %c0_i32_19 = arith.constant 0 : i32
    return %c0_i32, %select_n3A : i32, i32
  }
  func.func @transform_50(%arg0: i32, %arg1: memref<4096xi32, #tpu.memory_space<smem>>) -> (i32, i32) {
    %mul3A = arith.constant 64 : i32
    %mul3A_0 = arith.muli %arg0, %mul3A : i32
    %add3A = arith.constant 50 : i32
    %add3A_1 = arith.addi %mul3A_0, %add3A : i32
    %get3A = arith.index_cast %add3A_1 : i32 to index
    %get3A_2 = memref.load %arg1[%get3A] : memref<4096xi32, #tpu.memory_space<smem>>
    %jit3A = arith.constant 128 : i32
    %div3A = arith.divsi %get3A_2, %jit3A : i32
    %sign3A = arith.constant 0 : i32
    %sign3A_3 = arith.cmpi sgt, %get3A_2, %sign3A : i32
    %sign3A_4 = arith.extui %sign3A_3 : i1 to i32
    %sign3A_5 = arith.constant 0 : i32
    %sign3A_6 = arith.cmpi slt, %get3A_2, %sign3A_5 : i32
    %sign3A_7 = arith.extui %sign3A_6 : i1 to i32
    %sign3A_8 = arith.subi %sign3A_4, %sign3A_7 : i32
    %sign3A_9 = arith.constant 0 : i32
    %sign3A_10 = arith.cmpi sgt, %jit3A, %sign3A_9 : i32
    %sign3A_11 = arith.extui %sign3A_10 : i1 to i32
    %sign3A_12 = arith.constant 0 : i32
    %sign3A_13 = arith.cmpi slt, %jit3A, %sign3A_12 : i32
    %sign3A_14 = arith.extui %sign3A_13 : i1 to i32
    %sign3A_15 = arith.subi %sign3A_11, %sign3A_14 : i32
    %ne3A = arith.cmpi ne, %sign3A_8, %sign3A_15 : i32
    %rem3A = arith.remsi %get3A_2, %jit3A : i32
    %ne3A_16 = arith.constant 0 : i32
    %ne3A_17 = arith.cmpi ne, %rem3A, %ne3A_16 : i32
    %and3A = arith.andi %ne3A, %ne3A_17 : i1
    %sub3A = arith.constant 1 : i32
    %sub3A_18 = arith.subi %div3A, %sub3A : i32
    %select_n3A = arith.select %and3A, %sub3A_18, %div3A : i32
    %c0_i32 = arith.constant 0 : i32
    %c0_i32_19 = arith.constant 0 : i32
    return %c0_i32, %select_n3A : i32, i32
  }
  func.func @transform_51(%arg0: i32, %arg1: memref<4096xi32, #tpu.memory_space<smem>>) -> (i32, i32) {
    %mul3A = arith.constant 64 : i32
    %mul3A_0 = arith.muli %arg0, %mul3A : i32
    %add3A = arith.constant 51 : i32
    %add3A_1 = arith.addi %mul3A_0, %add3A : i32
    %get3A = arith.index_cast %add3A_1 : i32 to index
    %get3A_2 = memref.load %arg1[%get3A] : memref<4096xi32, #tpu.memory_space<smem>>
    %jit3A = arith.constant 128 : i32
    %div3A = arith.divsi %get3A_2, %jit3A : i32
    %sign3A = arith.constant 0 : i32
    %sign3A_3 = arith.cmpi sgt, %get3A_2, %sign3A : i32
    %sign3A_4 = arith.extui %sign3A_3 : i1 to i32
    %sign3A_5 = arith.constant 0 : i32
    %sign3A_6 = arith.cmpi slt, %get3A_2, %sign3A_5 : i32
    %sign3A_7 = arith.extui %sign3A_6 : i1 to i32
    %sign3A_8 = arith.subi %sign3A_4, %sign3A_7 : i32
    %sign3A_9 = arith.constant 0 : i32
    %sign3A_10 = arith.cmpi sgt, %jit3A, %sign3A_9 : i32
    %sign3A_11 = arith.extui %sign3A_10 : i1 to i32
    %sign3A_12 = arith.constant 0 : i32
    %sign3A_13 = arith.cmpi slt, %jit3A, %sign3A_12 : i32
    %sign3A_14 = arith.extui %sign3A_13 : i1 to i32
    %sign3A_15 = arith.subi %sign3A_11, %sign3A_14 : i32
    %ne3A = arith.cmpi ne, %sign3A_8, %sign3A_15 : i32
    %rem3A = arith.remsi %get3A_2, %jit3A : i32
    %ne3A_16 = arith.constant 0 : i32
    %ne3A_17 = arith.cmpi ne, %rem3A, %ne3A_16 : i32
    %and3A = arith.andi %ne3A, %ne3A_17 : i1
    %sub3A = arith.constant 1 : i32
    %sub3A_18 = arith.subi %div3A, %sub3A : i32
    %select_n3A = arith.select %and3A, %sub3A_18, %div3A : i32
    %c0_i32 = arith.constant 0 : i32
    %c0_i32_19 = arith.constant 0 : i32
    return %c0_i32, %select_n3A : i32, i32
  }
  func.func @transform_52(%arg0: i32, %arg1: memref<4096xi32, #tpu.memory_space<smem>>) -> (i32, i32) {
    %mul3A = arith.constant 64 : i32
    %mul3A_0 = arith.muli %arg0, %mul3A : i32
    %add3A = arith.constant 52 : i32
    %add3A_1 = arith.addi %mul3A_0, %add3A : i32
    %get3A = arith.index_cast %add3A_1 : i32 to index
    %get3A_2 = memref.load %arg1[%get3A] : memref<4096xi32, #tpu.memory_space<smem>>
    %jit3A = arith.constant 128 : i32
    %div3A = arith.divsi %get3A_2, %jit3A : i32
    %sign3A = arith.constant 0 : i32
    %sign3A_3 = arith.cmpi sgt, %get3A_2, %sign3A : i32
    %sign3A_4 = arith.extui %sign3A_3 : i1 to i32
    %sign3A_5 = arith.constant 0 : i32
    %sign3A_6 = arith.cmpi slt, %get3A_2, %sign3A_5 : i32
    %sign3A_7 = arith.extui %sign3A_6 : i1 to i32
    %sign3A_8 = arith.subi %sign3A_4, %sign3A_7 : i32
    %sign3A_9 = arith.constant 0 : i32
    %sign3A_10 = arith.cmpi sgt, %jit3A, %sign3A_9 : i32
    %sign3A_11 = arith.extui %sign3A_10 : i1 to i32
    %sign3A_12 = arith.constant 0 : i32
    %sign3A_13 = arith.cmpi slt, %jit3A, %sign3A_12 : i32
    %sign3A_14 = arith.extui %sign3A_13 : i1 to i32
    %sign3A_15 = arith.subi %sign3A_11, %sign3A_14 : i32
    %ne3A = arith.cmpi ne, %sign3A_8, %sign3A_15 : i32
    %rem3A = arith.remsi %get3A_2, %jit3A : i32
    %ne3A_16 = arith.constant 0 : i32
    %ne3A_17 = arith.cmpi ne, %rem3A, %ne3A_16 : i32
    %and3A = arith.andi %ne3A, %ne3A_17 : i1
    %sub3A = arith.constant 1 : i32
    %sub3A_18 = arith.subi %div3A, %sub3A : i32
    %select_n3A = arith.select %and3A, %sub3A_18, %div3A : i32
    %c0_i32 = arith.constant 0 : i32
    %c0_i32_19 = arith.constant 0 : i32
    return %c0_i32, %select_n3A : i32, i32
  }
  func.func @transform_53(%arg0: i32, %arg1: memref<4096xi32, #tpu.memory_space<smem>>) -> (i32, i32) {
    %mul3A = arith.constant 64 : i32
    %mul3A_0 = arith.muli %arg0, %mul3A : i32
    %add3A = arith.constant 53 : i32
    %add3A_1 = arith.addi %mul3A_0, %add3A : i32
    %get3A = arith.index_cast %add3A_1 : i32 to index
    %get3A_2 = memref.load %arg1[%get3A] : memref<4096xi32, #tpu.memory_space<smem>>
    %jit3A = arith.constant 128 : i32
    %div3A = arith.divsi %get3A_2, %jit3A : i32
    %sign3A = arith.constant 0 : i32
    %sign3A_3 = arith.cmpi sgt, %get3A_2, %sign3A : i32
    %sign3A_4 = arith.extui %sign3A_3 : i1 to i32
    %sign3A_5 = arith.constant 0 : i32
    %sign3A_6 = arith.cmpi slt, %get3A_2, %sign3A_5 : i32
    %sign3A_7 = arith.extui %sign3A_6 : i1 to i32
    %sign3A_8 = arith.subi %sign3A_4, %sign3A_7 : i32
    %sign3A_9 = arith.constant 0 : i32
    %sign3A_10 = arith.cmpi sgt, %jit3A, %sign3A_9 : i32
    %sign3A_11 = arith.extui %sign3A_10 : i1 to i32
    %sign3A_12 = arith.constant 0 : i32
    %sign3A_13 = arith.cmpi slt, %jit3A, %sign3A_12 : i32
    %sign3A_14 = arith.extui %sign3A_13 : i1 to i32
    %sign3A_15 = arith.subi %sign3A_11, %sign3A_14 : i32
    %ne3A = arith.cmpi ne, %sign3A_8, %sign3A_15 : i32
    %rem3A = arith.remsi %get3A_2, %jit3A : i32
    %ne3A_16 = arith.constant 0 : i32
    %ne3A_17 = arith.cmpi ne, %rem3A, %ne3A_16 : i32
    %and3A = arith.andi %ne3A, %ne3A_17 : i1
    %sub3A = arith.constant 1 : i32
    %sub3A_18 = arith.subi %div3A, %sub3A : i32
    %select_n3A = arith.select %and3A, %sub3A_18, %div3A : i32
    %c0_i32 = arith.constant 0 : i32
    %c0_i32_19 = arith.constant 0 : i32
    return %c0_i32, %select_n3A : i32, i32
  }
  func.func @transform_54(%arg0: i32, %arg1: memref<4096xi32, #tpu.memory_space<smem>>) -> (i32, i32) {
    %mul3A = arith.constant 64 : i32
    %mul3A_0 = arith.muli %arg0, %mul3A : i32
    %add3A = arith.constant 54 : i32
    %add3A_1 = arith.addi %mul3A_0, %add3A : i32
    %get3A = arith.index_cast %add3A_1 : i32 to index
    %get3A_2 = memref.load %arg1[%get3A] : memref<4096xi32, #tpu.memory_space<smem>>
    %jit3A = arith.constant 128 : i32
    %div3A = arith.divsi %get3A_2, %jit3A : i32
    %sign3A = arith.constant 0 : i32
    %sign3A_3 = arith.cmpi sgt, %get3A_2, %sign3A : i32
    %sign3A_4 = arith.extui %sign3A_3 : i1 to i32
    %sign3A_5 = arith.constant 0 : i32
    %sign3A_6 = arith.cmpi slt, %get3A_2, %sign3A_5 : i32
    %sign3A_7 = arith.extui %sign3A_6 : i1 to i32
    %sign3A_8 = arith.subi %sign3A_4, %sign3A_7 : i32
    %sign3A_9 = arith.constant 0 : i32
    %sign3A_10 = arith.cmpi sgt, %jit3A, %sign3A_9 : i32
    %sign3A_11 = arith.extui %sign3A_10 : i1 to i32
    %sign3A_12 = arith.constant 0 : i32
    %sign3A_13 = arith.cmpi slt, %jit3A, %sign3A_12 : i32
    %sign3A_14 = arith.extui %sign3A_13 : i1 to i32
    %sign3A_15 = arith.subi %sign3A_11, %sign3A_14 : i32
    %ne3A = arith.cmpi ne, %sign3A_8, %sign3A_15 : i32
    %rem3A = arith.remsi %get3A_2, %jit3A : i32
    %ne3A_16 = arith.constant 0 : i32
    %ne3A_17 = arith.cmpi ne, %rem3A, %ne3A_16 : i32
    %and3A = arith.andi %ne3A, %ne3A_17 : i1
    %sub3A = arith.constant 1 : i32
    %sub3A_18 = arith.subi %div3A, %sub3A : i32
    %select_n3A = arith.select %and3A, %sub3A_18, %div3A : i32
    %c0_i32 = arith.constant 0 : i32
    %c0_i32_19 = arith.constant 0 : i32
    return %c0_i32, %select_n3A : i32, i32
  }
  func.func @transform_55(%arg0: i32, %arg1: memref<4096xi32, #tpu.memory_space<smem>>) -> (i32, i32) {
    %mul3A = arith.constant 64 : i32
    %mul3A_0 = arith.muli %arg0, %mul3A : i32
    %add3A = arith.constant 55 : i32
    %add3A_1 = arith.addi %mul3A_0, %add3A : i32
    %get3A = arith.index_cast %add3A_1 : i32 to index
    %get3A_2 = memref.load %arg1[%get3A] : memref<4096xi32, #tpu.memory_space<smem>>
    %jit3A = arith.constant 128 : i32
    %div3A = arith.divsi %get3A_2, %jit3A : i32
    %sign3A = arith.constant 0 : i32
    %sign3A_3 = arith.cmpi sgt, %get3A_2, %sign3A : i32
    %sign3A_4 = arith.extui %sign3A_3 : i1 to i32
    %sign3A_5 = arith.constant 0 : i32
    %sign3A_6 = arith.cmpi slt, %get3A_2, %sign3A_5 : i32
    %sign3A_7 = arith.extui %sign3A_6 : i1 to i32
    %sign3A_8 = arith.subi %sign3A_4, %sign3A_7 : i32
    %sign3A_9 = arith.constant 0 : i32
    %sign3A_10 = arith.cmpi sgt, %jit3A, %sign3A_9 : i32
    %sign3A_11 = arith.extui %sign3A_10 : i1 to i32
    %sign3A_12 = arith.constant 0 : i32
    %sign3A_13 = arith.cmpi slt, %jit3A, %sign3A_12 : i32
    %sign3A_14 = arith.extui %sign3A_13 : i1 to i32
    %sign3A_15 = arith.subi %sign3A_11, %sign3A_14 : i32
    %ne3A = arith.cmpi ne, %sign3A_8, %sign3A_15 : i32
    %rem3A = arith.remsi %get3A_2, %jit3A : i32
    %ne3A_16 = arith.constant 0 : i32
    %ne3A_17 = arith.cmpi ne, %rem3A, %ne3A_16 : i32
    %and3A = arith.andi %ne3A, %ne3A_17 : i1
    %sub3A = arith.constant 1 : i32
    %sub3A_18 = arith.subi %div3A, %sub3A : i32
    %select_n3A = arith.select %and3A, %sub3A_18, %div3A : i32
    %c0_i32 = arith.constant 0 : i32
    %c0_i32_19 = arith.constant 0 : i32
    return %c0_i32, %select_n3A : i32, i32
  }
  func.func @transform_56(%arg0: i32, %arg1: memref<4096xi32, #tpu.memory_space<smem>>) -> (i32, i32) {
    %mul3A = arith.constant 64 : i32
    %mul3A_0 = arith.muli %arg0, %mul3A : i32
    %add3A = arith.constant 56 : i32
    %add3A_1 = arith.addi %mul3A_0, %add3A : i32
    %get3A = arith.index_cast %add3A_1 : i32 to index
    %get3A_2 = memref.load %arg1[%get3A] : memref<4096xi32, #tpu.memory_space<smem>>
    %jit3A = arith.constant 128 : i32
    %div3A = arith.divsi %get3A_2, %jit3A : i32
    %sign3A = arith.constant 0 : i32
    %sign3A_3 = arith.cmpi sgt, %get3A_2, %sign3A : i32
    %sign3A_4 = arith.extui %sign3A_3 : i1 to i32
    %sign3A_5 = arith.constant 0 : i32
    %sign3A_6 = arith.cmpi slt, %get3A_2, %sign3A_5 : i32
    %sign3A_7 = arith.extui %sign3A_6 : i1 to i32
    %sign3A_8 = arith.subi %sign3A_4, %sign3A_7 : i32
    %sign3A_9 = arith.constant 0 : i32
    %sign3A_10 = arith.cmpi sgt, %jit3A, %sign3A_9 : i32
    %sign3A_11 = arith.extui %sign3A_10 : i1 to i32
    %sign3A_12 = arith.constant 0 : i32
    %sign3A_13 = arith.cmpi slt, %jit3A, %sign3A_12 : i32
    %sign3A_14 = arith.extui %sign3A_13 : i1 to i32
    %sign3A_15 = arith.subi %sign3A_11, %sign3A_14 : i32
    %ne3A = arith.cmpi ne, %sign3A_8, %sign3A_15 : i32
    %rem3A = arith.remsi %get3A_2, %jit3A : i32
    %ne3A_16 = arith.constant 0 : i32
    %ne3A_17 = arith.cmpi ne, %rem3A, %ne3A_16 : i32
    %and3A = arith.andi %ne3A, %ne3A_17 : i1
    %sub3A = arith.constant 1 : i32
    %sub3A_18 = arith.subi %div3A, %sub3A : i32
    %select_n3A = arith.select %and3A, %sub3A_18, %div3A : i32
    %c0_i32 = arith.constant 0 : i32
    %c0_i32_19 = arith.constant 0 : i32
    return %c0_i32, %select_n3A : i32, i32
  }
  func.func @transform_57(%arg0: i32, %arg1: memref<4096xi32, #tpu.memory_space<smem>>) -> (i32, i32) {
    %mul3A = arith.constant 64 : i32
    %mul3A_0 = arith.muli %arg0, %mul3A : i32
    %add3A = arith.constant 57 : i32
    %add3A_1 = arith.addi %mul3A_0, %add3A : i32
    %get3A = arith.index_cast %add3A_1 : i32 to index
    %get3A_2 = memref.load %arg1[%get3A] : memref<4096xi32, #tpu.memory_space<smem>>
    %jit3A = arith.constant 128 : i32
    %div3A = arith.divsi %get3A_2, %jit3A : i32
    %sign3A = arith.constant 0 : i32
    %sign3A_3 = arith.cmpi sgt, %get3A_2, %sign3A : i32
    %sign3A_4 = arith.extui %sign3A_3 : i1 to i32
    %sign3A_5 = arith.constant 0 : i32
    %sign3A_6 = arith.cmpi slt, %get3A_2, %sign3A_5 : i32
    %sign3A_7 = arith.extui %sign3A_6 : i1 to i32
    %sign3A_8 = arith.subi %sign3A_4, %sign3A_7 : i32
    %sign3A_9 = arith.constant 0 : i32
    %sign3A_10 = arith.cmpi sgt, %jit3A, %sign3A_9 : i32
    %sign3A_11 = arith.extui %sign3A_10 : i1 to i32
    %sign3A_12 = arith.constant 0 : i32
    %sign3A_13 = arith.cmpi slt, %jit3A, %sign3A_12 : i32
    %sign3A_14 = arith.extui %sign3A_13 : i1 to i32
    %sign3A_15 = arith.subi %sign3A_11, %sign3A_14 : i32
    %ne3A = arith.cmpi ne, %sign3A_8, %sign3A_15 : i32
    %rem3A = arith.remsi %get3A_2, %jit3A : i32
    %ne3A_16 = arith.constant 0 : i32
    %ne3A_17 = arith.cmpi ne, %rem3A, %ne3A_16 : i32
    %and3A = arith.andi %ne3A, %ne3A_17 : i1
    %sub3A = arith.constant 1 : i32
    %sub3A_18 = arith.subi %div3A, %sub3A : i32
    %select_n3A = arith.select %and3A, %sub3A_18, %div3A : i32
    %c0_i32 = arith.constant 0 : i32
    %c0_i32_19 = arith.constant 0 : i32
    return %c0_i32, %select_n3A : i32, i32
  }
  func.func @transform_58(%arg0: i32, %arg1: memref<4096xi32, #tpu.memory_space<smem>>) -> (i32, i32) {
    %mul3A = arith.constant 64 : i32
    %mul3A_0 = arith.muli %arg0, %mul3A : i32
    %add3A = arith.constant 58 : i32
    %add3A_1 = arith.addi %mul3A_0, %add3A : i32
    %get3A = arith.index_cast %add3A_1 : i32 to index
    %get3A_2 = memref.load %arg1[%get3A] : memref<4096xi32, #tpu.memory_space<smem>>
    %jit3A = arith.constant 128 : i32
    %div3A = arith.divsi %get3A_2, %jit3A : i32
    %sign3A = arith.constant 0 : i32
    %sign3A_3 = arith.cmpi sgt, %get3A_2, %sign3A : i32
    %sign3A_4 = arith.extui %sign3A_3 : i1 to i32
    %sign3A_5 = arith.constant 0 : i32
    %sign3A_6 = arith.cmpi slt, %get3A_2, %sign3A_5 : i32
    %sign3A_7 = arith.extui %sign3A_6 : i1 to i32
    %sign3A_8 = arith.subi %sign3A_4, %sign3A_7 : i32
    %sign3A_9 = arith.constant 0 : i32
    %sign3A_10 = arith.cmpi sgt, %jit3A, %sign3A_9 : i32
    %sign3A_11 = arith.extui %sign3A_10 : i1 to i32
    %sign3A_12 = arith.constant 0 : i32
    %sign3A_13 = arith.cmpi slt, %jit3A, %sign3A_12 : i32
    %sign3A_14 = arith.extui %sign3A_13 : i1 to i32
    %sign3A_15 = arith.subi %sign3A_11, %sign3A_14 : i32
    %ne3A = arith.cmpi ne, %sign3A_8, %sign3A_15 : i32
    %rem3A = arith.remsi %get3A_2, %jit3A : i32
    %ne3A_16 = arith.constant 0 : i32
    %ne3A_17 = arith.cmpi ne, %rem3A, %ne3A_16 : i32
    %and3A = arith.andi %ne3A, %ne3A_17 : i1
    %sub3A = arith.constant 1 : i32
    %sub3A_18 = arith.subi %div3A, %sub3A : i32
    %select_n3A = arith.select %and3A, %sub3A_18, %div3A : i32
    %c0_i32 = arith.constant 0 : i32
    %c0_i32_19 = arith.constant 0 : i32
    return %c0_i32, %select_n3A : i32, i32
  }
  func.func @transform_59(%arg0: i32, %arg1: memref<4096xi32, #tpu.memory_space<smem>>) -> (i32, i32) {
    %mul3A = arith.constant 64 : i32
    %mul3A_0 = arith.muli %arg0, %mul3A : i32
    %add3A = arith.constant 59 : i32
    %add3A_1 = arith.addi %mul3A_0, %add3A : i32
    %get3A = arith.index_cast %add3A_1 : i32 to index
    %get3A_2 = memref.load %arg1[%get3A] : memref<4096xi32, #tpu.memory_space<smem>>
    %jit3A = arith.constant 128 : i32
    %div3A = arith.divsi %get3A_2, %jit3A : i32
    %sign3A = arith.constant 0 : i32
    %sign3A_3 = arith.cmpi sgt, %get3A_2, %sign3A : i32
    %sign3A_4 = arith.extui %sign3A_3 : i1 to i32
    %sign3A_5 = arith.constant 0 : i32
    %sign3A_6 = arith.cmpi slt, %get3A_2, %sign3A_5 : i32
    %sign3A_7 = arith.extui %sign3A_6 : i1 to i32
    %sign3A_8 = arith.subi %sign3A_4, %sign3A_7 : i32
    %sign3A_9 = arith.constant 0 : i32
    %sign3A_10 = arith.cmpi sgt, %jit3A, %sign3A_9 : i32
    %sign3A_11 = arith.extui %sign3A_10 : i1 to i32
    %sign3A_12 = arith.constant 0 : i32
    %sign3A_13 = arith.cmpi slt, %jit3A, %sign3A_12 : i32
    %sign3A_14 = arith.extui %sign3A_13 : i1 to i32
    %sign3A_15 = arith.subi %sign3A_11, %sign3A_14 : i32
    %ne3A = arith.cmpi ne, %sign3A_8, %sign3A_15 : i32
    %rem3A = arith.remsi %get3A_2, %jit3A : i32
    %ne3A_16 = arith.constant 0 : i32
    %ne3A_17 = arith.cmpi ne, %rem3A, %ne3A_16 : i32
    %and3A = arith.andi %ne3A, %ne3A_17 : i1
    %sub3A = arith.constant 1 : i32
    %sub3A_18 = arith.subi %div3A, %sub3A : i32
    %select_n3A = arith.select %and3A, %sub3A_18, %div3A : i32
    %c0_i32 = arith.constant 0 : i32
    %c0_i32_19 = arith.constant 0 : i32
    return %c0_i32, %select_n3A : i32, i32
  }
  func.func @transform_60(%arg0: i32, %arg1: memref<4096xi32, #tpu.memory_space<smem>>) -> (i32, i32) {
    %mul3A = arith.constant 64 : i32
    %mul3A_0 = arith.muli %arg0, %mul3A : i32
    %add3A = arith.constant 60 : i32
    %add3A_1 = arith.addi %mul3A_0, %add3A : i32
    %get3A = arith.index_cast %add3A_1 : i32 to index
    %get3A_2 = memref.load %arg1[%get3A] : memref<4096xi32, #tpu.memory_space<smem>>
    %jit3A = arith.constant 128 : i32
    %div3A = arith.divsi %get3A_2, %jit3A : i32
    %sign3A = arith.constant 0 : i32
    %sign3A_3 = arith.cmpi sgt, %get3A_2, %sign3A : i32
    %sign3A_4 = arith.extui %sign3A_3 : i1 to i32
    %sign3A_5 = arith.constant 0 : i32
    %sign3A_6 = arith.cmpi slt, %get3A_2, %sign3A_5 : i32
    %sign3A_7 = arith.extui %sign3A_6 : i1 to i32
    %sign3A_8 = arith.subi %sign3A_4, %sign3A_7 : i32
    %sign3A_9 = arith.constant 0 : i32
    %sign3A_10 = arith.cmpi sgt, %jit3A, %sign3A_9 : i32
    %sign3A_11 = arith.extui %sign3A_10 : i1 to i32
    %sign3A_12 = arith.constant 0 : i32
    %sign3A_13 = arith.cmpi slt, %jit3A, %sign3A_12 : i32
    %sign3A_14 = arith.extui %sign3A_13 : i1 to i32
    %sign3A_15 = arith.subi %sign3A_11, %sign3A_14 : i32
    %ne3A = arith.cmpi ne, %sign3A_8, %sign3A_15 : i32
    %rem3A = arith.remsi %get3A_2, %jit3A : i32
    %ne3A_16 = arith.constant 0 : i32
    %ne3A_17 = arith.cmpi ne, %rem3A, %ne3A_16 : i32
    %and3A = arith.andi %ne3A, %ne3A_17 : i1
    %sub3A = arith.constant 1 : i32
    %sub3A_18 = arith.subi %div3A, %sub3A : i32
    %select_n3A = arith.select %and3A, %sub3A_18, %div3A : i32
    %c0_i32 = arith.constant 0 : i32
    %c0_i32_19 = arith.constant 0 : i32
    return %c0_i32, %select_n3A : i32, i32
  }
  func.func @transform_61(%arg0: i32, %arg1: memref<4096xi32, #tpu.memory_space<smem>>) -> (i32, i32) {
    %mul3A = arith.constant 64 : i32
    %mul3A_0 = arith.muli %arg0, %mul3A : i32
    %add3A = arith.constant 61 : i32
    %add3A_1 = arith.addi %mul3A_0, %add3A : i32
    %get3A = arith.index_cast %add3A_1 : i32 to index
    %get3A_2 = memref.load %arg1[%get3A] : memref<4096xi32, #tpu.memory_space<smem>>
    %jit3A = arith.constant 128 : i32
    %div3A = arith.divsi %get3A_2, %jit3A : i32
    %sign3A = arith.constant 0 : i32
    %sign3A_3 = arith.cmpi sgt, %get3A_2, %sign3A : i32
    %sign3A_4 = arith.extui %sign3A_3 : i1 to i32
    %sign3A_5 = arith.constant 0 : i32
    %sign3A_6 = arith.cmpi slt, %get3A_2, %sign3A_5 : i32
    %sign3A_7 = arith.extui %sign3A_6 : i1 to i32
    %sign3A_8 = arith.subi %sign3A_4, %sign3A_7 : i32
    %sign3A_9 = arith.constant 0 : i32
    %sign3A_10 = arith.cmpi sgt, %jit3A, %sign3A_9 : i32
    %sign3A_11 = arith.extui %sign3A_10 : i1 to i32
    %sign3A_12 = arith.constant 0 : i32
    %sign3A_13 = arith.cmpi slt, %jit3A, %sign3A_12 : i32
    %sign3A_14 = arith.extui %sign3A_13 : i1 to i32
    %sign3A_15 = arith.subi %sign3A_11, %sign3A_14 : i32
    %ne3A = arith.cmpi ne, %sign3A_8, %sign3A_15 : i32
    %rem3A = arith.remsi %get3A_2, %jit3A : i32
    %ne3A_16 = arith.constant 0 : i32
    %ne3A_17 = arith.cmpi ne, %rem3A, %ne3A_16 : i32
    %and3A = arith.andi %ne3A, %ne3A_17 : i1
    %sub3A = arith.constant 1 : i32
    %sub3A_18 = arith.subi %div3A, %sub3A : i32
    %select_n3A = arith.select %and3A, %sub3A_18, %div3A : i32
    %c0_i32 = arith.constant 0 : i32
    %c0_i32_19 = arith.constant 0 : i32
    return %c0_i32, %select_n3A : i32, i32
  }
  func.func @transform_62(%arg0: i32, %arg1: memref<4096xi32, #tpu.memory_space<smem>>) -> (i32, i32) {
    %mul3A = arith.constant 64 : i32
    %mul3A_0 = arith.muli %arg0, %mul3A : i32
    %add3A = arith.constant 62 : i32
    %add3A_1 = arith.addi %mul3A_0, %add3A : i32
    %get3A = arith.index_cast %add3A_1 : i32 to index
    %get3A_2 = memref.load %arg1[%get3A] : memref<4096xi32, #tpu.memory_space<smem>>
    %jit3A = arith.constant 128 : i32
    %div3A = arith.divsi %get3A_2, %jit3A : i32
    %sign3A = arith.constant 0 : i32
    %sign3A_3 = arith.cmpi sgt, %get3A_2, %sign3A : i32
    %sign3A_4 = arith.extui %sign3A_3 : i1 to i32
    %sign3A_5 = arith.constant 0 : i32
    %sign3A_6 = arith.cmpi slt, %get3A_2, %sign3A_5 : i32
    %sign3A_7 = arith.extui %sign3A_6 : i1 to i32
    %sign3A_8 = arith.subi %sign3A_4, %sign3A_7 : i32
    %sign3A_9 = arith.constant 0 : i32
    %sign3A_10 = arith.cmpi sgt, %jit3A, %sign3A_9 : i32
    %sign3A_11 = arith.extui %sign3A_10 : i1 to i32
    %sign3A_12 = arith.constant 0 : i32
    %sign3A_13 = arith.cmpi slt, %jit3A, %sign3A_12 : i32
    %sign3A_14 = arith.extui %sign3A_13 : i1 to i32
    %sign3A_15 = arith.subi %sign3A_11, %sign3A_14 : i32
    %ne3A = arith.cmpi ne, %sign3A_8, %sign3A_15 : i32
    %rem3A = arith.remsi %get3A_2, %jit3A : i32
    %ne3A_16 = arith.constant 0 : i32
    %ne3A_17 = arith.cmpi ne, %rem3A, %ne3A_16 : i32
    %and3A = arith.andi %ne3A, %ne3A_17 : i1
    %sub3A = arith.constant 1 : i32
    %sub3A_18 = arith.subi %div3A, %sub3A : i32
    %select_n3A = arith.select %and3A, %sub3A_18, %div3A : i32
    %c0_i32 = arith.constant 0 : i32
    %c0_i32_19 = arith.constant 0 : i32
    return %c0_i32, %select_n3A : i32, i32
  }
  func.func @transform_63(%arg0: i32, %arg1: memref<4096xi32, #tpu.memory_space<smem>>) -> (i32, i32) {
    %mul3A = arith.constant 64 : i32
    %mul3A_0 = arith.muli %arg0, %mul3A : i32
    %add3A = arith.constant 63 : i32
    %add3A_1 = arith.addi %mul3A_0, %add3A : i32
    %get3A = arith.index_cast %add3A_1 : i32 to index
    %get3A_2 = memref.load %arg1[%get3A] : memref<4096xi32, #tpu.memory_space<smem>>
    %jit3A = arith.constant 128 : i32
    %div3A = arith.divsi %get3A_2, %jit3A : i32
    %sign3A = arith.constant 0 : i32
    %sign3A_3 = arith.cmpi sgt, %get3A_2, %sign3A : i32
    %sign3A_4 = arith.extui %sign3A_3 : i1 to i32
    %sign3A_5 = arith.constant 0 : i32
    %sign3A_6 = arith.cmpi slt, %get3A_2, %sign3A_5 : i32
    %sign3A_7 = arith.extui %sign3A_6 : i1 to i32
    %sign3A_8 = arith.subi %sign3A_4, %sign3A_7 : i32
    %sign3A_9 = arith.constant 0 : i32
    %sign3A_10 = arith.cmpi sgt, %jit3A, %sign3A_9 : i32
    %sign3A_11 = arith.extui %sign3A_10 : i1 to i32
    %sign3A_12 = arith.constant 0 : i32
    %sign3A_13 = arith.cmpi slt, %jit3A, %sign3A_12 : i32
    %sign3A_14 = arith.extui %sign3A_13 : i1 to i32
    %sign3A_15 = arith.subi %sign3A_11, %sign3A_14 : i32
    %ne3A = arith.cmpi ne, %sign3A_8, %sign3A_15 : i32
    %rem3A = arith.remsi %get3A_2, %jit3A : i32
    %ne3A_16 = arith.constant 0 : i32
    %ne3A_17 = arith.cmpi ne, %rem3A, %ne3A_16 : i32
    %and3A = arith.andi %ne3A, %ne3A_17 : i1
    %sub3A = arith.constant 1 : i32
    %sub3A_18 = arith.subi %div3A, %sub3A : i32
    %select_n3A = arith.select %and3A, %sub3A_18, %div3A : i32
    %c0_i32 = arith.constant 0 : i32
    %c0_i32_19 = arith.constant 0 : i32
    return %c0_i32, %select_n3A : i32, i32
  }
  func.func @transform_64(%arg0: i32, %arg1: memref<4096xi32, #tpu.memory_space<smem>>) -> (i32, i32) {
    %c0_i32 = arith.constant 0 : i32
    %c0_i32_0 = arith.constant 0 : i32
    return %arg0, %c0_i32 : i32, i32
  }
}

module attributes {stable_mosaic.version = 14 : i64} {
  func.func @_mlp_body(%arg0: i32, %arg1: i32, %arg2: memref<1x1024x128xf32, #tpu.memory_space<vmem>>, %arg3: memref<1024x64xf32, #tpu.memory_space<vmem>>, %arg4: memref<1024x64xf32, #tpu.memory_space<vmem>>, %arg5: memref<1024x16xf32, #tpu.memory_space<vmem>>, %arg6: memref<1024x16xf32, #tpu.memory_space<vmem>>, %arg7: memref<1024x1xf32, #tpu.memory_space<vmem>>, %arg8: memref<128x256xf32, #tpu.memory_space<vmem>>, %arg9: memref<64x256xf32, #tpu.memory_space<vmem>>, %arg10: memref<64x256xf32, #tpu.memory_space<vmem>>, %arg11: memref<16x256xf32, #tpu.memory_space<vmem>>, %arg12: memref<16x256xf32, #tpu.memory_space<vmem>>, %arg13: memref<1x256xf32, #tpu.memory_space<vmem>>, %arg14: memref<1x256xf32, #tpu.memory_space<vmem>>, %arg15: memref<1x256xf32, #tpu.memory_space<vmem>>, %arg16: memref<256x256xf32, #tpu.memory_space<vmem>>, %arg17: memref<1x256xf32, #tpu.memory_space<vmem>>, %arg18: memref<1x1024x256xf32, #tpu.memory_space<vmem>>, %arg19: memref<1024x64xf32, #tpu.memory_space<vmem>>, %arg20: memref<1024x256xf32, #tpu.memory_space<vmem>>) attributes {dimension_semantics = [#tpu.dimension_semantics<parallel>, #tpu.dimension_semantics<arbitrary>], iteration_bounds = array<i64: 4, 20>, scalar_prefetch = 0 : i64, scratch_operands = 1 : i64, tpu.core_type = #tpu.core_type<tc>, window_params = [{transform_indices = @transform_0, window_bounds = array<i64: 1, 1024, 128>}, {transform_indices = @transform_1, window_bounds = array<i64: 1024, 64>}, {transform_indices = @transform_2, window_bounds = array<i64: 1024, 64>}, {transform_indices = @transform_3, window_bounds = array<i64: 1024, 16>}, {transform_indices = @transform_4, window_bounds = array<i64: 1024, 16>}, {transform_indices = @transform_5, window_bounds = array<i64: 1024, 1>}, {pipeline_mode = #tpu.pipeline_mode<synchronous>, transform_indices = @transform_6, window_bounds = array<i64: 128, 256>}, {pipeline_mode = #tpu.pipeline_mode<synchronous>, transform_indices = @transform_7, window_bounds = array<i64: 64, 256>}, {pipeline_mode = #tpu.pipeline_mode<synchronous>, transform_indices = @transform_8, window_bounds = array<i64: 64, 256>}, {pipeline_mode = #tpu.pipeline_mode<synchronous>, transform_indices = @transform_9, window_bounds = array<i64: 16, 256>}, {pipeline_mode = #tpu.pipeline_mode<synchronous>, transform_indices = @transform_10, window_bounds = array<i64: 16, 256>}, {pipeline_mode = #tpu.pipeline_mode<synchronous>, transform_indices = @transform_11, window_bounds = array<i64: 1, 256>}, {pipeline_mode = #tpu.pipeline_mode<synchronous>, transform_indices = @transform_12, window_bounds = array<i64: 1, 256>}, {pipeline_mode = #tpu.pipeline_mode<synchronous>, transform_indices = @transform_13, window_bounds = array<i64: 1, 256>}, {pipeline_mode = #tpu.pipeline_mode<synchronous>, transform_indices = @transform_14, window_bounds = array<i64: 256, 256>}, {pipeline_mode = #tpu.pipeline_mode<synchronous>, transform_indices = @transform_15, window_bounds = array<i64: 1, 256>}, {transform_indices = @transform_16, window_bounds = array<i64: 1, 1024, 256>}, {transform_indices = @transform_17, window_bounds = array<i64: 1024, 64>}]} {
    %eq3A = arith.constant 0 : i32
    %eq3A_0 = arith.cmpi eq, %arg1, %eq3A : i32
    %convert_element_type3A = arith.extui %eq3A_0 : i1 to i32
    %cond3A = arith.constant 0 : i32
    %cond3A_1 = arith.cmpi ne, %convert_element_type3A, %cond3A : i32
    scf.if %cond3A_1 {
      %get3A_60 = arith.constant 0 : index
      %get3A_61 = arith.constant 0 : index
      %get3A_62 = vector.load %arg7[%get3A_60, %get3A_61] : memref<1024x1xf32, #tpu.memory_space<vmem>>, vector<1024x1xf32>
      %sub3A_63 = arith.constant 1.000000e+00 : f32
      %sub3A_64 = vector.broadcast %sub3A_63 : f32 to vector<1024x1xf32>
      %sub3A_65 = arith.subf %sub3A_64, %get3A_62 : vector<1024x1xf32>
      %get3A_66 = arith.constant 0 : index
      %get3A_67 = arith.constant 0 : index
      %get3A_68 = vector.load %arg3[%get3A_66, %get3A_67] : memref<1024x64xf32, #tpu.memory_space<vmem>>, vector<1024x64xf32>
      %mul3A_69 = vector.broadcast %sub3A_65 : vector<1024x1xf32> to vector<1024x64xf32>
      %mul3A_70 = arith.mulf %get3A_68, %mul3A_69 : vector<1024x64xf32>
      %swap3A_71 = arith.constant 0 : index
      %swap3A_72 = arith.constant 0 : index
      %swap3A_73 = vector.load %arg19[%swap3A_71, %swap3A_72] : memref<1024x64xf32, #tpu.memory_space<vmem>>, vector<1024x64xf32>
      tpu.vector_store %arg19[%swap3A_71, %swap3A_72], %mul3A_70 {strides = array<i32>} : memref<1024x64xf32, #tpu.memory_space<vmem>>, vector<1024x64xf32>,
      %get3A_74 = arith.constant 0 : index
      %get3A_75 = arith.constant 0 : index
      %get3A_76 = vector.load %arg9[%get3A_74, %get3A_75] : memref<64x256xf32, #tpu.memory_space<vmem>>, vector<64x256xf32>
      %dot_general3A_77 = arith.constant dense<0.000000e+00> : vector<1024x256xf32>
      %dot_general3A_78 = tpu.matmul %mul3A_70, %get3A_76, %dot_general3A_77 {dimension_numbers = #tpu.dot_dimension_numbers<[1], [0], [0], [1], [0, 0, 1, 1], [], []>, transpose_lhs_hint = false} : vector<1024x64xf32>, vector<64x256xf32>, vector<1024x256xf32> -> vector<1024x256xf32>
      %get3A_79 = arith.constant 0 : index
      %get3A_80 = arith.constant 0 : index
      %get3A_81 = vector.load %arg4[%get3A_79, %get3A_80] : memref<1024x64xf32, #tpu.memory_space<vmem>>, vector<1024x64xf32>
      %get3A_82 = arith.constant 0 : index
      %get3A_83 = arith.constant 0 : index
      %get3A_84 = vector.load %arg10[%get3A_82, %get3A_83] : memref<64x256xf32, #tpu.memory_space<vmem>>, vector<64x256xf32>
      %dot_general3A_85 = arith.constant dense<0.000000e+00> : vector<1024x256xf32>
      %dot_general3A_86 = tpu.matmul %get3A_81, %get3A_84, %dot_general3A_85 {dimension_numbers = #tpu.dot_dimension_numbers<[1], [0], [0], [1], [0, 0, 1, 1], [], []>, transpose_lhs_hint = false} : vector<1024x64xf32>, vector<64x256xf32>, vector<1024x256xf32> -> vector<1024x256xf32>
      %add3A_87 = arith.addf %dot_general3A_78, %dot_general3A_86 : vector<1024x256xf32>
      %get3A_88 = arith.constant 0 : index
      %get3A_89 = arith.constant 0 : index
      %get3A_90 = vector.load %arg5[%get3A_88, %get3A_89] : memref<1024x16xf32, #tpu.memory_space<vmem>>, vector<1024x16xf32>
      %get3A_91 = arith.constant 0 : index
      %get3A_92 = arith.constant 0 : index
      %get3A_93 = vector.load %arg11[%get3A_91, %get3A_92] : memref<16x256xf32, #tpu.memory_space<vmem>>, vector<16x256xf32>
      %dot_general3A_94 = arith.constant dense<0.000000e+00> : vector<1024x256xf32>
      %dot_general3A_95 = tpu.matmul %get3A_90, %get3A_93, %dot_general3A_94 {dimension_numbers = #tpu.dot_dimension_numbers<[1], [0], [0], [1], [0, 0, 1, 1], [], []>, transpose_lhs_hint = false} : vector<1024x16xf32>, vector<16x256xf32>, vector<1024x256xf32> -> vector<1024x256xf32>
      %add3A_96 = arith.addf %add3A_87, %dot_general3A_95 : vector<1024x256xf32>
      %get3A_97 = arith.constant 0 : index
      %get3A_98 = arith.constant 0 : index
      %get3A_99 = vector.load %arg6[%get3A_97, %get3A_98] : memref<1024x16xf32, #tpu.memory_space<vmem>>, vector<1024x16xf32>
      %get3A_100 = arith.constant 0 : index
      %get3A_101 = arith.constant 0 : index
      %get3A_102 = vector.load %arg12[%get3A_100, %get3A_101] : memref<16x256xf32, #tpu.memory_space<vmem>>, vector<16x256xf32>
      %dot_general3A_103 = arith.constant dense<0.000000e+00> : vector<1024x256xf32>
      %dot_general3A_104 = tpu.matmul %get3A_99, %get3A_102, %dot_general3A_103 {dimension_numbers = #tpu.dot_dimension_numbers<[1], [0], [0], [1], [0, 0, 1, 1], [], []>, transpose_lhs_hint = false} : vector<1024x16xf32>, vector<16x256xf32>, vector<1024x256xf32> -> vector<1024x256xf32>
      %add3A_105 = arith.addf %add3A_96, %dot_general3A_104 : vector<1024x256xf32>
      %get3A_106 = arith.constant 0 : index
      %get3A_107 = arith.constant 0 : index
      %get3A_108 = vector.load %arg13[%get3A_106, %get3A_107] : memref<1x256xf32, #tpu.memory_space<vmem>>, vector<1x256xf32>
      %add3A_109 = vector.broadcast %get3A_108 : vector<1x256xf32> to vector<1024x256xf32>
      %add3A_110 = arith.addf %add3A_105, %add3A_109 : vector<1024x256xf32>
      %swap3A_111 = arith.constant 0 : index
      %swap3A_112 = arith.constant 0 : index
      %swap3A_113 = vector.load %arg20[%swap3A_111, %swap3A_112] : memref<1024x256xf32, #tpu.memory_space<vmem>>, vector<1024x256xf32>
      tpu.vector_store %arg20[%swap3A_111, %swap3A_112], %add3A_110 {strides = array<i32>} : memref<1024x256xf32, #tpu.memory_space<vmem>>, vector<1024x256xf32>,
    } else {
    }
    %get3A = arith.constant 0 : index
    %get3A_2 = arith.constant 0 : index
    %get3A_3 = arith.constant 0 : index
    %get3A_4 = vector.load %arg2[%get3A, %get3A_2, %get3A_3] : memref<1x1024x128xf32, #tpu.memory_space<vmem>>, vector<1x1024x128xf32>
    %get3A_5 = vector.shape_cast %get3A_4 : vector<1x1024x128xf32> to vector<1024x128xf32>
    %convert_element_type3A_6 = arith.truncf %get3A_5 : vector<1024x128xf32> to vector<1024x128xbf16>
    %get3A_7 = arith.constant 0 : index
    %get3A_8 = arith.constant 0 : index
    %get3A_9 = vector.load %arg8[%get3A_7, %get3A_8] : memref<128x256xf32, #tpu.memory_space<vmem>>, vector<128x256xf32>
    %convert_element_type3A_10 = arith.truncf %get3A_9 : vector<128x256xf32> to vector<128x256xbf16>
    %dot_general3A = arith.constant dense<0.000000e+00> : vector<1024x256xf32>
    %dot_general3A_11 = tpu.matmul %convert_element_type3A_6, %convert_element_type3A_10, %dot_general3A {dimension_numbers = #tpu.dot_dimension_numbers<[1], [0], [0], [1], [0, 0, 1, 1], [], []>, transpose_lhs_hint = false} : vector<1024x128xbf16>, vector<128x256xbf16>, vector<1024x256xf32> -> vector<1024x256xf32>
    %get3A_12 = arith.constant 0 : index
    %get3A_13 = arith.constant 0 : index
    %get3A_14 = vector.load %arg20[%get3A_12, %get3A_13] : memref<1024x256xf32, #tpu.memory_space<vmem>>, vector<1024x256xf32>
    %add3A = arith.addf %dot_general3A_11, %get3A_14 : vector<1024x256xf32>
    %max3A = arith.constant 0.000000e+00 : f32
    %max3A_15 = vector.broadcast %max3A : f32 to vector<1024x256xf32>
    %max3A_16 = arith.maximumf %add3A, %max3A_15 : vector<1024x256xf32>
    %reduce_sum3A = arith.constant dense<0.000000e+00> : vector<1024xf32>
    %reduce_sum3A_17 = vector.multi_reduction <add>, %max3A_16, %reduce_sum3A [1] : vector<1024x256xf32> to vector<1024xf32>
    %broadcast_in_dim3A = vector.shape_cast %reduce_sum3A_17 : vector<1024xf32> to vector<1024x1xf32>
    %mul3A = arith.constant 3.906250e-03 : f32
    %mul3A_18 = vector.broadcast %mul3A : f32 to vector<1024x1xf32>
    %mul3A_19 = arith.mulf %broadcast_in_dim3A, %mul3A_18 : vector<1024x1xf32>
    %sub3A = vector.broadcast %mul3A_19 : vector<1024x1xf32> to vector<1024x256xf32>
    %sub3A_20 = arith.subf %max3A_16, %sub3A : vector<1024x256xf32>
    %mul3A_21 = arith.mulf %sub3A_20, %sub3A_20 : vector<1024x256xf32>
    %reduce_sum3A_22 = arith.constant dense<0.000000e+00> : vector<1024xf32>
    %reduce_sum3A_23 = vector.multi_reduction <add>, %mul3A_21, %reduce_sum3A_22 [1] : vector<1024x256xf32> to vector<1024xf32>
    %broadcast_in_dim3A_24 = vector.shape_cast %reduce_sum3A_23 : vector<1024xf32> to vector<1024x1xf32>
    %mul3A_25 = arith.constant 3.906250e-03 : f32
    %mul3A_26 = vector.broadcast %mul3A_25 : f32 to vector<1024x1xf32>
    %mul3A_27 = arith.mulf %broadcast_in_dim3A_24, %mul3A_26 : vector<1024x1xf32>
    %add3A_28 = arith.constant 9.99999974E-6 : f32
    %add3A_29 = vector.broadcast %add3A_28 : f32 to vector<1024x1xf32>
    %add3A_30 = arith.addf %mul3A_27, %add3A_29 : vector<1024x1xf32>
    %rsqrt3A = math.rsqrt %add3A_30 : vector<1024x1xf32>
    %mul3A_31 = vector.broadcast %rsqrt3A : vector<1024x1xf32> to vector<1024x256xf32>
    %mul3A_32 = arith.mulf %sub3A_20, %mul3A_31 : vector<1024x256xf32>
    %get3A_33 = arith.constant 0 : index
    %get3A_34 = arith.constant 0 : index
    %get3A_35 = vector.load %arg14[%get3A_33, %get3A_34] : memref<1x256xf32, #tpu.memory_space<vmem>>, vector<1x256xf32>
    %mul3A_36 = vector.broadcast %get3A_35 : vector<1x256xf32> to vector<1024x256xf32>
    %mul3A_37 = arith.mulf %mul3A_32, %mul3A_36 : vector<1024x256xf32>
    %get3A_38 = arith.constant 0 : index
    %get3A_39 = arith.constant 0 : index
    %get3A_40 = vector.load %arg15[%get3A_38, %get3A_39] : memref<1x256xf32, #tpu.memory_space<vmem>>, vector<1x256xf32>
    %add3A_41 = vector.broadcast %get3A_40 : vector<1x256xf32> to vector<1024x256xf32>
    %add3A_42 = arith.addf %mul3A_37, %add3A_41 : vector<1024x256xf32>
    %convert_element_type3A_43 = arith.truncf %add3A_42 : vector<1024x256xf32> to vector<1024x256xbf16>
    %get3A_44 = arith.constant 0 : index
    %get3A_45 = arith.constant 0 : index
    %get3A_46 = vector.load %arg16[%get3A_44, %get3A_45] : memref<256x256xf32, #tpu.memory_space<vmem>>, vector<256x256xf32>
    %convert_element_type3A_47 = arith.truncf %get3A_46 : vector<256x256xf32> to vector<256x256xbf16>
    %dot_general3A_48 = arith.constant dense<0.000000e+00> : vector<1024x256xf32>
    %dot_general3A_49 = tpu.matmul %convert_element_type3A_43, %convert_element_type3A_47, %dot_general3A_48 {dimension_numbers = #tpu.dot_dimension_numbers<[1], [0], [0], [1], [0, 0, 1, 1], [], []>, transpose_lhs_hint = false} : vector<1024x256xbf16>, vector<256x256xbf16>, vector<1024x256xf32> -> vector<1024x256xf32>
    %get3A_50 = arith.constant 0 : index
    %get3A_51 = arith.constant 0 : index
    %get3A_52 = vector.load %arg17[%get3A_50, %get3A_51] : memref<1x256xf32, #tpu.memory_space<vmem>>, vector<1x256xf32>
    %add3A_53 = vector.broadcast %get3A_52 : vector<1x256xf32> to vector<1024x256xf32>
    %add3A_54 = arith.addf %dot_general3A_49, %add3A_53 : vector<1024x256xf32>
    %swap3A = arith.constant 0 : index
    %swap3A_55 = arith.constant 0 : index
    %swap3A_56 = arith.constant 0 : index
    %swap3A_57 = vector.load %arg18[%swap3A, %swap3A_55, %swap3A_56] : memref<1x1024x256xf32, #tpu.memory_space<vmem>>, vector<1x1024x256xf32>
    %swap3A_58 = vector.shape_cast %swap3A_57 : vector<1x1024x256xf32> to vector<1024x256xf32>
    %swap3A_59 = vector.shape_cast %add3A_54 : vector<1024x256xf32> to vector<1x1024x256xf32>
    tpu.vector_store %arg18[%swap3A, %swap3A_55, %swap3A_56], %swap3A_59 {strides = array<i32>} : memref<1x1024x256xf32, #tpu.memory_space<vmem>>, vector<1x1024x256xf32>,
    return
  }
  func.func @transform_0(%arg0: i32, %arg1: i32) -> (i32, i32, i32) {
    %c0_i32 = arith.constant 0 : i32
    %c0_i32_0 = arith.constant 0 : i32
    return %arg1, %arg0, %c0_i32 : i32, i32, i32
  }
  func.func @transform_1(%arg0: i32, %arg1: i32) -> (i32, i32) {
    %c0_i32 = arith.constant 0 : i32
    %c0_i32_0 = arith.constant 0 : i32
    return %arg0, %c0_i32 : i32, i32
  }
  func.func @transform_2(%arg0: i32, %arg1: i32) -> (i32, i32) {
    %c0_i32 = arith.constant 0 : i32
    %c0_i32_0 = arith.constant 0 : i32
    return %arg0, %c0_i32 : i32, i32
  }
  func.func @transform_3(%arg0: i32, %arg1: i32) -> (i32, i32) {
    %c0_i32 = arith.constant 0 : i32
    %c0_i32_0 = arith.constant 0 : i32
    return %arg0, %c0_i32 : i32, i32
  }
  func.func @transform_4(%arg0: i32, %arg1: i32) -> (i32, i32) {
    %c0_i32 = arith.constant 0 : i32
    %c0_i32_0 = arith.constant 0 : i32
    return %arg0, %c0_i32 : i32, i32
  }
  func.func @transform_5(%arg0: i32, %arg1: i32) -> (i32, i32) {
    %c0_i32 = arith.constant 0 : i32
    %c0_i32_0 = arith.constant 0 : i32
    return %arg0, %c0_i32 : i32, i32
  }
  func.func @transform_6(%arg0: i32, %arg1: i32) -> (i32, i32) {
    %c0_i32 = arith.constant 0 : i32
    %c0_i32_0 = arith.constant 0 : i32
    %c0_i32_1 = arith.constant 0 : i32
    return %c0_i32, %c0_i32_0 : i32, i32
  }
  func.func @transform_7(%arg0: i32, %arg1: i32) -> (i32, i32) {
    %c0_i32 = arith.constant 0 : i32
    %c0_i32_0 = arith.constant 0 : i32
    %c0_i32_1 = arith.constant 0 : i32
    return %c0_i32, %c0_i32_0 : i32, i32
  }
  func.func @transform_8(%arg0: i32, %arg1: i32) -> (i32, i32) {
    %c0_i32 = arith.constant 0 : i32
    %c0_i32_0 = arith.constant 0 : i32
    %c0_i32_1 = arith.constant 0 : i32
    return %c0_i32, %c0_i32_0 : i32, i32
  }
  func.func @transform_9(%arg0: i32, %arg1: i32) -> (i32, i32) {
    %c0_i32 = arith.constant 0 : i32
    %c0_i32_0 = arith.constant 0 : i32
    %c0_i32_1 = arith.constant 0 : i32
    return %c0_i32, %c0_i32_0 : i32, i32
  }
  func.func @transform_10(%arg0: i32, %arg1: i32) -> (i32, i32) {
    %c0_i32 = arith.constant 0 : i32
    %c0_i32_0 = arith.constant 0 : i32
    %c0_i32_1 = arith.constant 0 : i32
    return %c0_i32, %c0_i32_0 : i32, i32
  }
  func.func @transform_11(%arg0: i32, %arg1: i32) -> (i32, i32) {
    %c0_i32 = arith.constant 0 : i32
    %c0_i32_0 = arith.constant 0 : i32
    %c0_i32_1 = arith.constant 0 : i32
    return %c0_i32, %c0_i32_0 : i32, i32
  }
  func.func @transform_12(%arg0: i32, %arg1: i32) -> (i32, i32) {
    %c0_i32 = arith.constant 0 : i32
    %c0_i32_0 = arith.constant 0 : i32
    %c0_i32_1 = arith.constant 0 : i32
    return %c0_i32, %c0_i32_0 : i32, i32
  }
  func.func @transform_13(%arg0: i32, %arg1: i32) -> (i32, i32) {
    %c0_i32 = arith.constant 0 : i32
    %c0_i32_0 = arith.constant 0 : i32
    %c0_i32_1 = arith.constant 0 : i32
    return %c0_i32, %c0_i32_0 : i32, i32
  }
  func.func @transform_14(%arg0: i32, %arg1: i32) -> (i32, i32) {
    %c0_i32 = arith.constant 0 : i32
    %c0_i32_0 = arith.constant 0 : i32
    %c0_i32_1 = arith.constant 0 : i32
    return %c0_i32, %c0_i32_0 : i32, i32
  }
  func.func @transform_15(%arg0: i32, %arg1: i32) -> (i32, i32) {
    %c0_i32 = arith.constant 0 : i32
    %c0_i32_0 = arith.constant 0 : i32
    %c0_i32_1 = arith.constant 0 : i32
    return %c0_i32, %c0_i32_0 : i32, i32
  }
  func.func @transform_16(%arg0: i32, %arg1: i32) -> (i32, i32, i32) {
    %c0_i32 = arith.constant 0 : i32
    %c0_i32_0 = arith.constant 0 : i32
    return %arg1, %arg0, %c0_i32 : i32, i32, i32
  }
  func.func @transform_17(%arg0: i32, %arg1: i32) -> (i32, i32) {
    %c0_i32 = arith.constant 0 : i32
    %c0_i32_0 = arith.constant 0 : i32
    return %arg0, %c0_i32 : i32, i32
  }
}

</mosaic_0001>

<sc_bundles>
// kernel: kernel.5.cloned.1.call-start
scs
__scs_entry_jumppad:
0x0: {  	(pc) =	sbr.rel $0x88, $3  }
0x1: {  	(tag) =	ssettag $0x0;
	lr =	simm.s32 $0x1  }
0x2: {  	[smem:$0x3F91] =	sst lr;
	_ =	strace $0xD0000000  }
0x3: {  	_ = 	snop  }
0x4: {  	_ = 	snop  }
0x5: {  	_ = 	snop  }
0x6: {  	_ = 	snop  }
0x7: {  	_ = 	snop  }
__scs_overlays_trampoline_lowered:
0x8: {  	[smem:$0x3FA0] =	sst s0  }
0x9: {  	[smem:$0x3FA1] =	sst s1  }
0xa: {  	[smem:$0x3FA2] =	sst s2  }
0xb: {  	[smem:$0x3FA3] =	sst s3  }
0xc: {  	[smem:$0x3FA4] =	sst s4  }
0xd: {  	[smem:$0x3FA5] =	sst s5  }
0xe: {  	[smem:$0x3FA6] =	sst s6  }
0xf: {  	[smem:$0x3FA7] =	sst s7  }
0x10: {  	[smem:$0x3FA8] =	sst s8  }
0x11: {  	[smem:$0x3FA9] =	sst s9;
	s0 =	simm.s32 @!p0 $0x0  }
0x12: {  	s1 =	sld [smem:$0x3F8F];
	s0 =	simm.s32 @p0 $0x1  }
0x13: {  	[smem:$0x3FAA] =	sst s0;
	s0 =	simm.s32 @!p1 $0x0  }
0x14: {  	s2 =	sld [smem:$0x3F8E];
	s0 =	simm.s32 @p1 $0x1  }
0x15: {  	[smem:$0x3FAB] =	sst s0;
	s0 =	simm.s32 @!p2 $0x0  }
0x16: {  	s3 =	sld [smem:$0x3FDB];
	s0 =	simm.s32 @p2 $0x1  }
0x17: {  	s4 =	simm.s32 $0x1BF5;
	[smem:$0x3FAD] =	sst s0  }
0x18: {  	s0 =	sld [smem:$0x3F90];
	_ =	swait.ge [sflag:s4], $0x0  }
0x19: {  	s7 =	sld [smem:$0x3F91]  }
0x1a: {  	s8 =	sadd.s32 $0xFFFFE003, lr  }
0x1b: {  	s9 =	sadd.s32 $0xFFFFFEF7, lr;
	s5 =	simm.s32 $0xFFFFFFFF;
	p2 =	slt.u32 s8, $0xFFFFF086  }
0x1c: {  	p1 =	slt.u32 s9, $0xF7A;
	s5 =	simm.s32 @!p2 $0x0  }
0x1d: {  	s5 =	simm.s32 @p1 $0x1;
	p0 =	seq.s32 s7, s2  }
0x1e: {  	s7 =	smul.u32 @!p0 $0xF7A, s2;
	p2 =	seq.s32 @!p0 s5, $0x0  }
0x1f: {  	s9 =	smul.u32 $0xF7A, s1;
	s8 =	simm.s32 @!p0 $0x1BF5;
	p2 =	por !p2, p0  }
0x20: {  	[sflag:s8] =	ssyncset.s32 @!p0 $0xFFFFF086;
	s6 =	sadd.s32 @!p0 s3, s7;
	s7 =	simm.s32 @!p0 $0x108  }
0x21: {  	s3 =	sadd.s32 s3, s9;
	s6 =	sadd.s32 @!p0 $0x88, s6;
	s7 =	simm.s32 @p2 $0x1082  }
0x22: {  	[simem:s7], [sflag:s8] =	dma.local @!p0 [hbm:s6], $0xF7A  }
0x23: {  	s9 =	sor.u32 $0xD0000000, s2;
	s6 =	simm.s32 $0x108;
	_ =	swait.ge @!p0 [sflag:s8], $0x0  }
0x24: {  	s3 =	sadd.s32 $0x88, s3;
	s6 =	simm.s32 @!p1 $0x1082;
	[sflag:s4] =	ssyncset.s32 $0xFFFFF086  }
0x25: {  	[simem:s6], [sflag:s4] =	dma.local [hbm:s3], $0xF7A  }
0x26: {  	[smem:$0x3F91] =	sst s1;
	(tag) =	ssettag s2;
	_ =	strace s9  }
0x27: {  	s1 =	sld [smem:$0x3FA1]  }
0x28: {  	s2 =	sld [smem:$0x3FA2]  }
0x29: {  	s4 =	sld [smem:$0x3FA4]  }
0x2a: {  	p0 =	seq.s32 s5, $0x0;
	s5 =	sld [smem:$0x3FA5]  }
0x2b: {  	s6 =	sld [smem:$0x3FA6]  }
0x2c: {  	s7 =	sld [smem:$0x3FA7]  }
0x2d: {  	s3 =	simm.s32 $0x108;
	s8 =	sld [smem:$0x3FA8]  }
0x2e: {  	s3 =	simm.s32 @!p0 $0x1082;
	s9 =	sld [smem:$0x3FA9]  }
0x2f: {  	lr =	sadd.s32 s0, s3;
	s0 =	sld [smem:$0x3FA0]  }
0x30: {  	s3 =	sld [smem:$0x3FA3]  }
0x31: {  	[smem:$0x3FAC] =	sst s10  }
0x32: {  	s10 =	sld [smem:$0x3FAA];
	_ =	sdelay $0x3  }
0x33: {  	p0 =	seq.s32 s10, $0x1;
	s10 =	sld [smem:$0x3FAC];
	_ =	sdelay $0x3  }
0x34: {  	[smem:$0x3FAC] =	sst s10  }
0x35: {  	s10 =	sld [smem:$0x3FAB];
	_ =	sdelay $0x3  }
0x36: {  	p1 =	seq.s32 s10, $0x1;
	s10 =	sld [smem:$0x3FAC];
	_ =	sdelay $0x3  }
0x37: {  	[smem:$0x3FAC] =	sst s10  }
0x38: {  	s10 =	sld [smem:$0x3FAD]  }
0x39: {  	_ = 	snop;
	(pc) =	sbr.ind lr, $3  }
0x3a: {  	_ = 	snop  }
0x3b: {  	_ = 	snop  }
0x3c: {  	p2 =	seq.s32 s10, $0x1;
	s10 =	sld [smem:$0x3FAC]  }
0x3d: {  	_ =	shalt  }
0x3e: {  	_ =	shalt  }
0x3f: {  	_ =	shalt  }
0x40: {  	_ =	shalt  }
0x41: {  	_ =	shalt  }
0x42: {  	_ =	shalt  }
0x43: {  	_ =	shalt  }
0x44: {  	_ =	shalt  }
0x45: {  	_ =	shalt  }
0x46: {  	_ =	shalt  }
0x47: {  	_ =	shalt  }
0x48: {  	_ =	shalt  }
0x49: {  	_ =	shalt  }
0x4a: {  	_ =	shalt  }
0x4b: {  	_ =	shalt  }
0x4c: {  	_ =	shalt  }
0x4d: {  	_ =	shalt  }
0x4e: {  	_ =	shalt  }
0x4f: {  	_ =	shalt  }
0x50: {  	_ =	shalt  }
0x51: {  	_ =	shalt  }
0x52: {  	_ =	shalt  }
0x53: {  	_ =	shalt  }
0x54: {  	_ =	shalt  }
0x55: {  	_ =	shalt  }
0x56: {  	_ =	shalt  }
0x57: {  	_ =	shalt  }
0x58: {  	_ =	shalt  }
0x59: {  	_ =	shalt  }
0x5a: {  	_ =	shalt  }
0x5b: {  	_ =	shalt  }
0x5c: {  	_ =	shalt  }
0x5d: {  	_ =	shalt  }
0x5e: {  	_ =	shalt  }
0x5f: {  	_ =	shalt  }
0x60: {  	_ =	shalt  }
0x61: {  	_ =	shalt  }
0x62: {  	_ =	shalt  }
0x63: {  	_ =	shalt  }
0x64: {  	_ =	shalt  }
0x65: {  	_ =	shalt  }
0x66: {  	_ =	shalt  }
0x67: {  	_ =	shalt  }
0x68: {  	_ =	shalt  }
0x69: {  	_ =	shalt  }
0x6a: {  	_ =	shalt  }
0x6b: {  	_ =	shalt  }
0x6c: {  	_ =	shalt  }
0x6d: {  	_ =	shalt  }
0x6e: {  	_ =	shalt  }
0x6f: {  	_ =	shalt  }
0x70: {  	_ =	shalt  }
0x71: {  	_ =	shalt  }
0x72: {  	_ =	shalt  }
0x73: {  	_ =	shalt  }
0x74: {  	_ =	shalt  }
0x75: {  	_ =	shalt  }
0x76: {  	_ =	shalt  }
0x77: {  	_ =	shalt  }
0x78: {  	_ =	shalt  }
0x79: {  	_ =	shalt  }
0x7a: {  	_ =	shalt  }
0x7b: {  	_ =	shalt  }
0x7c: {  	_ =	shalt  }
0x7d: {  	_ =	shalt  }
0x7e: {  	_ =	shalt  }
0x7f: {  	_ =	shalt  }
0x80: {  	_ =	shalt  }
0x81: {  	_ =	shalt  }
0x82: {  	_ =	shalt  }
0x83: {  	_ =	shalt  }
0x84: {  	_ =	shalt  }
0x85: {  	_ =	shalt  }
0x86: {  	_ =	shalt  }
0x87: {  	_ =	shalt  }
.Lfunc_end0:
.L_simem_size_0:
called_computation_lowered:
.L_overlay_start_0:
0x88: {  	s2 =	sld [smem:$0x3FD9]  }
0x89: {  	s3 =	sld [smem:$0x3FFE];
	_ =	sdelay $0x1  }
0x8a: {  	s1 =	srdreg.scid  }
0x8b: {  	s0 =	sand.u32 $0x1, s1  }
0x8c: {  	s14 =	sshll.u32 s0, $0xA;
	s2 =	sadd.s32 s3, s2  }
0x8d: {  	s2 =	sadd.s32 s2, s14  }
0x8e: {  	[smem:$0x3FB8] =	sst s2  }
0x8f: {  	_ = 	snop  }
0x90: {  	s2 =	sld [smem:$0x3FD0]  }
0x91: {  	s15 =	sld [smem:$0x3FC7]  }
0x92: {  	s4 =	sld [smem:$0x3FC5]  }
0x93: {  	s6 =	simm.s32 $0xA;
	s7 =	simm.s32 $0x10;
	s5 =	sld [smem:$0x3FC0]  }
0x94: {  	[smem:s7], [sflag:s6] =	dma.local [hbm:s2], $0x1  }
0x95: {  	_ =	swait.eq [sflag:s6], $0x1  }
0x96: {  	[sflag:s6] =	ssyncset.done $0x0  }
0x97: {  	s16 =	sld [smem:$0x10];
	[sflag:s6] =	ssyncadd.s32 $0xFFFFFFFF  }
0x98: {  	s17 =	sld [smem:$0x12];
	(tm) =	ssettm $0x1  }
0x99: {  	s18 =	sld [smem:$0x3FFB];
	_ =	sdelay $0x3  }
0x9a: {  	_ =	strace s18  }
0x9b: {  	s7 =	sld [smem:$0x3FFC];
	_ =	sdelay $0x3  }
0x9c: {  	_ =	strace s7  }
0x9d: {  	s7 =	sld [smem:$0x3FFD];
	_ =	sdelay $0x3  }
0x9e: {  	_ =	strace s7  }
0x9f: {  	_ =	strace $0x8FFFFFFF  }
0xa0: {  	s19 =	sld [smem:$0x3FDB];
	_ =	sdelay $0x1  }
0xa1: {  	s8 =	simm.s32 $_scs_section_size  }
0xa2: {  	s9 =	simm.s32 $_size__tile_overlayer_lowered;
	s10 =	simm.s32 $_tile_overlayer_lowered  }
0xa3: {  	s22 =	simm.s32 $0x1BFF;
	s21 =	sshll.u32 s10, $0x1;
	s7 =	sadd.s32 s8, s19  }
0xa4: {  	s11 =	simm.s32 $0x0;
	s20 =	sshll.u32 s9, $0x1;
	s9 =	sadd.s32 s21, s7  }
0xa5: {  	[timem:s11], [sflag:s22] =	dma.local [hbm:s9], s20  }
0xa6: {  	_ =	swait.ge [sflag:s22], s20  }
0xa7: {  	s8 =	ssub.s32 $0x0, s20;
	[sflag:s22] =	ssyncset.done $0x0  }
0xa8: {  	[sflag:s22] =	ssyncadd.s32 s8;
	_ =	sdelay $0x1  }
0xa9: {  	s23 =	simm.s32 $0x1B8B  }
0xaa: {  	_ =	swait.ge [sflag:s23], $0x1  }
0xab: {  	[sflag:s23] =	ssyncset.done $0x0  }
0xac: {  	s25 =	simm.s32 $0x1B8E;
	s24 =	sld [smem:$0x3FFE];
	[sflag:s23] =	ssyncadd.s32 $0xFFFFFFFF  }
0xad: {  	s26 =	simm.s32 $execute0_lowered;
	[smem:$0x3FD2] =	sst s25  }
0xae: {  	s9 =	sshll.u32 s26, $0x1;
	_ =	strace $0x80000046;
	[dreg:$0x1] =	wrdreg $0xFFFFFFFF  }
0xaf: {  	s28 =	simm.s32 $_size_execute0_lowered;
	s7 =	sadd.s32 s7, s9;
	[dreg:$0x0] =	wrdreg $0x0  }
0xb0: {  	s9 =	sshll.u32 s28, $0x1;
	[dreg:$0x2] =	wrdreg s7  }
0xb1: {  	[dreg:$0x3] =	wrdreg s9  }
0xb2: {  	[dreg:$0x4] =	wrdreg $0xC0  }
0xb3: {  	_ =	task [dreg:s11], $0x5FFFF  }
0xb4: {  	[dreg:$0x1] =	wrdreg $0xFFFFFFFF  }
0xb5: {  	[dreg:$0x0] =	wrdreg $0x60  }
0xb6: {  	[dreg:$0x2] =	wrdreg s16  }
0xb7: {  	[dreg:$0x3] =	wrdreg s15  }
0xb8: {  	[dreg:$0x4] =	wrdreg s17  }
0xb9: {  	[dreg:$0x5] =	wrdreg s24  }
0xba: {  	[dreg:$0x6] =	wrdreg s5  }
0xbb: {  	[dreg:$0x7] =	wrdreg s4  }
0xbc: {  	[dreg:$0x8] =	wrdreg $0x9  }
0xbd: {  	_ =	task.clear_ibuf [dreg:s11], $0x9FFFF;
	_ =	strace $0x90000046  }
0xbe: {  	s29 =	simm.s32 $0x9;
	_ =	strace $0x80000048  }
0xbf: {  	_ =	swait.ge [sflag:s29], $0x1  }
0xc0: {  	[sflag:s29] =	ssyncadd.s32 $0xFFFFFFFF  }
0xc1: {  	_ =	strace $0x90000048  }
0xc2: {  	_ =	sfence  }
0xc3: {  	s30 =	sld [smem:$0x0];
	_ =	sdelay $0x2  }
0xc4: {  	s31 =	sshll.u32 s1, $0xD;
	s1 =	sshrl.u32 s1, $0x2  }
0xc5: {  	s3 =	sand.u32 $0x4000, s31;
	s1 =	sadd.s32 s1, s30  }
0xc6: {  	s0 =	sor.u32 s3, s0;
	s1 =	sshll.u32 s1, $0x11  }
0xc7: {  	s0 =	sor.u32 s1, s0  }
0xc8: {  	s0 =	sadd.s32 $0x8F2B, s0  }
0xc9: {  	[sflag:s0] =	ssyncadd.remote.s32 $0x1  }
0xca: {  	_ =	sfence.sel $0xFFFF  }
0xcb: {  	[dreg:$0x0] =	wrdreg $0xFFFFFFFF;
	(pc) =	sbr.abs _section_cstart, $3  }
0xcc: {  	[dreg:$0x1] =	wrdreg $0xFFFFFFFF  }
0xcd: {  	_ =	task.clear_ibuf [dreg:s11], $0x2FFFF;
	_ =	strace $0x9FFFFFFF  }
0xce: {  	(tm) =	ssettm $0x7FFFFFFF  }
0xcf: {  	_ =	shalt  }
tec
execute0_lowered:
.L_overlay_start_1:
0x0: {  	(tag) =	ssettag $0x1  }
0x1: {  	s0 =	rddreg [dreg:$0x0]  }
0x2: {  	s6 =	rddreg [dreg:$0x1]  }
0x3: {  	s2 =	rddreg [dreg:$0x2]  }
0x4: {  	s7 =	rddreg [dreg:$0x3]  }
0x5: {  	s4 =	rddreg [dreg:$0x4]  }
0x6: {  	s8 =	rddreg [dreg:$0x5]  }
0x7: {  	s5 =	srdreg.scid;
	s1 =	stileid.u32  }
0x8: {  	s18 =	simm.s32 $0x0;
	s9 =	sand.u32 $0x1, s5;
	s5 =	simm.s32 $0x0  }
0x9: {  	s10 =	sshll.u32 s1, $0x8;
	s11 =	sshll.u32 s9, $0x7;
	[smem:$0x7FF] =	sst s5  }
0xa: {  	s9 =	ssub.s32 $0x2, s9;
	s10 =	sor.u32 s11, s10;
	_ =	strace $0x80000047  }
0xb: {  	s13 =	sshrl.u32 s9, $0x1;
	s11 =	sshrl.u32 s10, $0x3;
	s10 =	sshll.u32 s10, $0x4  }
0xc: {  	s13 =	ssub.s32 s9, s13;
	s12 =	sadd.s32 s11, s7;
	s29 =	sadd.s32 s6, s11  }
0xd: {  	s14 =	sadd.s32 s10, s7;
	s31 =	sadd.s32 s8, s11;
	[dreg:$0x7] =	wrdreg s29  }
0xe: {  	s30 =	sadd.s32 $0x2C00, s12;
	[dreg:$0x9] =	wrdreg s31;
	s9 =	sadd.s32 $0x2E00, s14  }
0xf: {  	s10 =	sadd.s32 $0x12E00, s14;
	s11 =	sadd.s32 $0x22E00, s14;
	s12 =	smax.u32 s13, $0x1  }
0x10: {  	s13 =	simm.s32 $0x2;
	s14 =	simm.s32 $0x1;
	[dreg:$0x8] =	wrdreg s30  }
.LBB2_1:
0x11: {  	s1 =	rddreg [dreg:$0x7]  }
0x12: {  	[tilespmem:s5], [sflag:$0x2] =	stream.linear.gather [hbm4b:s1+s5], $0x80, $0x38;
	[tilespmem:$0xC080] =	vst v63  }
0x13: {  	_ =	swait.ge [sflag:s13], $0x80  }
0x14: {  	[sflag:s13] =	ssyncset.done $0x0  }
0x15: {  	[sflag:s13] =	ssyncadd.s32 $0xFFFFFF80  }
0x16: {  	v0 =	vld [tilespmem:s5+$0x0];
	_ =	sdelay $0x4  }
0x17: {  	v0 =	vshll.u32 v0, $0x4  }
0x18: {  	(v2sf) =	vpush v0, $0x0  }
0x19: {  	(v2sf) =	vpush v0, $0x1  }
0x1a: {  	(v2sf) =	vpush v0, $0x2;
	_ =	sdelay $0x1  }
0x1b: {  	(v2sf) =	vpush v0, $0x4;
	_ =	sdelay $0x1  }
0x1c: {  	(v2sf) =	vpush v0, $0x3  }
0x1d: {  	(v2sf) =	vpush v0, $0x5  }
0x1e: {  	s20 =	simm.s32 $0x2000;
	s19 =	simm.s32 $0x0;
	s21 =	simm.s32 $0x0;
	(v2sf) =	vpush v0, $0x6  }
.LBB2_2:
0x1f: {  	p0 =	sne.s32 s20, $0xE000  }
0x20: {  	s1 =	sadd.s32 $0x100, s19;
	s25 =	sadd.s32 $0x600, s19;
	s22 =	smov.u32 s20  }
0x21: {  	s20 =	sadd.s32 $0x2000, s20;
	s29 =	sadd.s32 $0x400, s19;
	s23 =	sadd.s32 $0x680, s19;
	(v2sf) =	vpush v0, $0x7  }
0x22: {  	s31 =	sadd.s32 $0x300, s19;
	s28 =	sadd.s32 $0x480, s19;
	s24 =	sadd.s32 $0x700, s19  }
0x23: {  	s3 =	sadd.s32 $0x80, s19;
	s15 =	sadd.s32 $0x280, s19;
	(v2sf) =	vpush v0, $0x8  }
0x24: {  	s16 =	sadd.s32 $0x380, s19;
	s21 =	sadd.s32 $0x10, s21  }
0x25: {  	s17 =	sadd.s32 $0x180, s19;
	s26 =	sadd.s32 $0x580, s19;
	s30 =	spop (v2sf);
	(v2sf) =	vpush v0, $0x9  }
0x26: {  	s6 =	sand.u32 $0x1FFFFFF0, s30;
	s30 =	sadd.s32 $0x500, s19;
	s7 =	spop (v2sf)  }
0x27: {  	s6 =	sadd.s32 s0, s6;
	s7 =	sand.u32 $0x1FFFFFF0, s7;
	s8 =	spop (v2sf);
	(v2sf) =	vpush v0, $0xA  }
0x28: {  	[tilespmem:s3], [sflag:$0x1] =	stream.linear.gather [hbm4b:s6+s5], $0x80, $0x38;
	[tilespmem:$0xC080] =	vst v63  }
0x29: {  	s3 =	sadd.s32 s0, s7;
	s6 =	sadd.s32 $0x200, s19;
	s7 =	spop (v2sf);
	(v2sf) =	vpush v0, $0xB  }
0x2a: {  	[tilespmem:s1], [sflag:$0x1] =	stream.linear.gather [hbm4b:s3+s5], $0x80, $0x38;
	[tilespmem:$0xC080] =	vst v63  }
0x2b: {  	s1 =	sand.u32 $0x1FFFFFF0, s8;
	s3 =	sand.u32 $0x1FFFFFF0, s7;
	s7 =	spop (v2sf);
	(v2sf) =	vpush v0, $0xC  }
0x2c: {  	s1 =	sadd.s32 s0, s1;
	s7 =	sand.u32 $0x1FFFFFF0, s7;
	s8 =	spop (v2sf)  }
0x2d: {  	[tilespmem:s17], [sflag:$0x1] =	stream.linear.gather [hbm4b:s1+s5], $0x80, $0x38;
	(v2sf) =	vpush v0, $0xD;
	[tilespmem:$0xC080] =	vst v63  }
0x2e: {  	s1 =	sadd.s32 s0, s7;
	s7 =	sand.u32 $0x1FFFFFF0, s8;
	s8 =	spop (v2sf)  }
0x2f: {  	[tilespmem:s6], [sflag:$0x1] =	stream.linear.gather [hbm4b:s1+s5], $0x80, $0x38;
	(v2sf) =	vpush v0, $0xE;
	[tilespmem:$0xC080] =	vst v63  }
0x30: {  	s1 =	sadd.s32 s0, s3;
	s3 =	sand.u32 $0x1FFFFFF0, s8;
	s6 =	spop (v2sf)  }
0x31: {  	[tilespmem:s15], [sflag:$0x1] =	stream.linear.gather [hbm4b:s1+s5], $0x80, $0x38;
	(v2sf) =	vpush v0, $0xF;
	[tilespmem:$0xC080] =	vst v63  }
0x32: {  	s1 =	sadd.s32 s0, s7;
	s6 =	sand.u32 $0x1FFFFFF0, s6;
	s7 =	spop (v2sf)  }
0x33: {  	[tilespmem:s31], [sflag:$0x1] =	stream.linear.gather [hbm4b:s1+s5], $0x80, $0x38;
	[tilespmem:$0xC080] =	vst v63  }
0x34: {  	s1 =	sadd.s32 s0, s3;
	s3 =	sand.u32 $0x1FFFFFF0, s7;
	s7 =	spop (v2sf)  }
0x35: {  	[tilespmem:s16], [sflag:$0x1] =	stream.linear.gather [hbm4b:s1+s5], $0x80, $0x38;
	[tilespmem:$0xC080] =	vst v63  }
0x36: {  	s1 =	sadd.s32 s0, s6;
	s6 =	sand.u32 $0x1FFFFFF0, s7;
	s7 =	spop (v2sf)  }
0x37: {  	[tilespmem:s29], [sflag:$0x1] =	stream.linear.gather [hbm4b:s1+s5], $0x80, $0x38;
	[tilespmem:$0xC080] =	vst v63  }
0x38: {  	s1 =	sadd.s32 s0, s3;
	s3 =	sand.u32 $0x1FFFFFF0, s7;
	s7 =	spop (v2sf)  }
0x39: {  	[tilespmem:s28], [sflag:$0x1] =	stream.linear.gather [hbm4b:s1+s5], $0x80, $0x38;
	[tilespmem:$0xC080] =	vst v63  }
0x3a: {  	s1 =	sadd.s32 s0, s6;
	s6 =	sand.u32 $0x1FFFFFF0, s7;
	s7 =	spop (v2sf)  }
0x3b: {  	[tilespmem:s30], [sflag:$0x1] =	stream.linear.gather [hbm4b:s1+s5], $0x80, $0x38;
	[tilespmem:$0xC080] =	vst v63  }
0x3c: {  	s1 =	sadd.s32 s0, s3;
	s3 =	sand.u32 $0x1FFFFFF0, s7;
	s7 =	spop (v2sf)  }
0x3d: {  	[tilespmem:s26], [sflag:$0x1] =	stream.linear.gather [hbm4b:s1+s5], $0x80, $0x38;
	[tilespmem:$0xC080] =	vst v63  }
0x3e: {  	s1 =	sadd.s32 s0, s6;
	s6 =	sand.u32 $0x1FFFFFF0, s7;
	s7 =	spop (v2sf)  }
0x3f: {  	[tilespmem:s25], [sflag:$0x1] =	stream.linear.gather [hbm4b:s1+s5], $0x80, $0x38;
	[tilespmem:$0xC080] =	vst v63  }
0x40: {  	s1 =	sadd.s32 s0, s3;
	s3 =	sand.u32 $0x1FFFFFF0, s7;
	s7 =	spop (v2sf)  }
0x41: {  	[tilespmem:s23], [sflag:$0x1] =	stream.linear.gather [hbm4b:s1+s5], $0x80, $0x38;
	[tilespmem:$0xC080] =	vst v63  }
0x42: {  	s1 =	sadd.s32 s0, s6;
	s6 =	sand.u32 $0x1FFFFFF0, s7  }
0x43: {  	[tilespmem:s24], [sflag:$0x1] =	stream.linear.gather [hbm4b:s1+s5], $0x80, $0x38;
	[tilespmem:$0xC080] =	vst v63  }
0x44: {  	s3 =	sadd.s32 s0, s3;
	s1 =	sadd.s32 $0x780, s19  }
0x45: {  	[tilespmem:s1], [sflag:$0x1] =	stream.linear.gather [hbm4b:s3+s5], $0x80, $0x38;
	[tilespmem:$0xC080] =	vst v63  }
0x46: {  	s1 =	sadd.s32 $0x800, s19;
	s3 =	sadd.s32 s0, s6  }
0x47: {  	[tilespmem:s1], [sflag:$0x1] =	stream.linear.gather [hbm4b:s3+s5], $0x80, $0x38;
	[tilespmem:$0xC080] =	vst v63  }
0x48: {  	v0 =	vld [tilespmem:s21+$0x0];
	_ =	sdelay $0x4  }
0x49: {  	v0 =	vshll.u32 v0, $0x4  }
0x4a: {  	(v2sf) =	vpush v0, $0x0  }
0x4b: {  	(v2sf) =	vpush v0, $0x1  }
0x4c: {  	(v2sf) =	vpush v0, $0x2;
	_ =	sdelay $0x1  }
0x4d: {  	(v2sf) =	vpush v0, $0x4  }
.Ltmp0:
0x4e: {  	(pc) =	sbr.rel @p0 .LBB2_2-.Ltmp0, $3  }
0x4f: {  	(v2sf) =	vpush v0, $0x3  }
0x50: {  	(v2sf) =	vpush v0, $0x5;
	_ =	sdelay $0x1  }
0x51: {  	s19 =	sshra.s32 s22, $0x2;
	(v2sf) =	vpush v0, $0x6  }
0x52: {  	_ =	sdelay $0x1  }
0x53: {  	s1 =	sadd.s32 $0x100, s19;
	s22 =	sadd.s32 $0x600, s19  }
0x54: {  	s3 =	sadd.s32 $0x400, s19;
	s20 =	sadd.s32 $0x680, s19;
	(v2sf) =	vpush v0, $0x7;
	s6 =	sadd.s32 $0x300, s19  }
0x55: {  	s7 =	sadd.s32 $0x480, s19;
	s21 =	sadd.s32 $0x700, s19;
	s8 =	sadd.s32 $0x80, s19  }
0x56: {  	s15 =	sadd.s32 $0x280, s19;
	s16 =	sadd.s32 $0x380, s19;
	(v2sf) =	vpush v0, $0x8;
	s17 =	spop (v2sf)  }
0x57: {  	s23 =	sadd.s32 $0x180, s19;
	s17 =	sand.u32 $0x1FFFFFF0, s17;
	s24 =	spop (v2sf)  }
0x58: {  	(v2sf) =	vpush v0, $0x9;
	s17 =	sadd.s32 s0, s17;
	s24 =	sand.u32 $0x1FFFFFF0, s24;
	s25 =	spop (v2sf)  }
0x59: {  	[tilespmem:s8], [sflag:$0x1] =	stream.linear.gather [hbm4b:s17+s5], $0x80, $0x38;
	[tilespmem:$0xC080] =	vst v63  }
0x5a: {  	s26 =	sadd.s32 $0x200, s19;
	(v2sf) =	vpush v0, $0xA;
	s30 =	sadd.s32 s0, s24;
	s31 =	spop (v2sf)  }
0x5b: {  	[tilespmem:s1], [sflag:$0x1] =	stream.linear.gather [hbm4b:s30+s5], $0x80, $0x38;
	[tilespmem:$0xC080] =	vst v63  }
0x5c: {  	s8 =	sadd.s32 $0x580, s19;
	s28 =	sand.u32 $0x1FFFFFF0, s25;
	(v2sf) =	vpush v0, $0xB;
	s29 =	spop (v2sf)  }
0x5d: {  	s17 =	sadd.s32 s0, s28;
	s1 =	sadd.s32 $0x500, s19;
	s25 =	sand.u32 $0x1FFFFFF0, s29  }
0x5e: {  	(v2sf) =	vpush v0, $0xC;
	[tilespmem:s23], [sflag:$0x1] =	stream.linear.gather [hbm4b:s17+s5], $0x80, $0x38;
	[tilespmem:$0xC080] =	vst v63  }
0x5f: {  	s30 =	sand.u32 $0x1FFFFFF0, s31;
	s31 =	spop (v2sf);
	s28 =	sadd.s32 s0, s25  }
0x60: {  	(v2sf) =	vpush v0, $0xD;
	[tilespmem:s26], [sflag:$0x1] =	stream.linear.gather [hbm4b:s28+s5], $0x80, $0x38;
	[tilespmem:$0xC080] =	vst v63  }
0x61: {  	s17 =	sadd.s32 s0, s30;
	s23 =	sand.u32 $0x1FFFFFF0, s31;
	s29 =	spop (v2sf)  }
0x62: {  	(v2sf) =	vpush v0, $0xE;
	[tilespmem:s15], [sflag:$0x1] =	stream.linear.gather [hbm4b:s17+s5], $0x80, $0x38;
	[tilespmem:$0xC080] =	vst v63  }
0x63: {  	s23 =	sadd.s32 s0, s23;
	s30 =	sand.u32 $0x1FFFFFF0, s29;
	s31 =	spop (v2sf)  }
0x64: {  	(v2sf) =	vpush v0, $0xF;
	[tilespmem:s6], [sflag:$0x1] =	stream.linear.gather [hbm4b:s23+s5], $0x80, $0x38;
	[tilespmem:$0xC080] =	vst v63  }
0x65: {  	s24 =	sand.u32 $0x1FFFFFF0, s31;
	s25 =	spop (v2sf);
	s15 =	sadd.s32 s0, s30  }
0x66: {  	[tilespmem:s16], [sflag:$0x1] =	stream.linear.gather [hbm4b:s15+s5], $0x80, $0x38;
	[tilespmem:$0xC080] =	vst v63  }
0x67: {  	s26 =	sand.u32 $0x1FFFFFF0, s25;
	s6 =	sadd.s32 s0, s24;
	s28 =	spop (v2sf)  }
0x68: {  	[tilespmem:s3], [sflag:$0x1] =	stream.linear.gather [hbm4b:s6+s5], $0x80, $0x38;
	[tilespmem:$0xC080] =	vst v63  }
0x69: {  	s15 =	sadd.s32 s0, s26;
	s29 =	sand.u32 $0x1FFFFFF0, s28;
	s30 =	spop (v2sf)  }
0x6a: {  	[tilespmem:s7], [sflag:$0x1] =	stream.linear.gather [hbm4b:s15+s5], $0x80, $0x38;
	[tilespmem:$0xC080] =	vst v63  }
0x6b: {  	s6 =	sand.u32 $0x1FFFFFF0, s30;
	s3 =	sadd.s32 s0, s29;
	s31 =	spop (v2sf)  }
0x6c: {  	[tilespmem:s1], [sflag:$0x1] =	stream.linear.gather [hbm4b:s3+s5], $0x80, $0x38;
	[tilespmem:$0xC080] =	vst v63  }
0x6d: {  	s6 =	sadd.s32 s0, s6;
	s15 =	sand.u32 $0x1FFFFFF0, s31;
	s16 =	spop (v2sf)  }
0x6e: {  	[tilespmem:s8], [sflag:$0x1] =	stream.linear.gather [hbm4b:s6+s5], $0x80, $0x38;
	[tilespmem:$0xC080] =	vst v63  }
0x6f: {  	s1 =	sadd.s32 s0, s15;
	s3 =	sand.u32 $0x1FFFFFF0, s16;
	s17 =	spop (v2sf)  }
0x70: {  	[tilespmem:s22], [sflag:$0x1] =	stream.linear.gather [hbm4b:s1+s5], $0x80, $0x38;
	[tilespmem:$0xC080] =	vst v63  }
0x71: {  	s23 =	sand.u32 $0x1FFFFFF0, s17;
	s3 =	sadd.s32 s0, s3;
	s24 =	spop (v2sf)  }
0x72: {  	[tilespmem:s20], [sflag:$0x1] =	stream.linear.gather [hbm4b:s3+s5], $0x80, $0x38;
	[tilespmem:$0xC080] =	vst v63  }
0x73: {  	s25 =	sand.u32 $0x1FFFFFF0, s24;
	s26 =	spop (v2sf);
	s1 =	sadd.s32 s0, s23  }
0x74: {  	[tilespmem:s21], [sflag:$0x1] =	stream.linear.gather [hbm4b:s1+s5], $0x80, $0x38;
	[tilespmem:$0xC080] =	vst v63  }
0x75: {  	s29 =	sadd.s32 $0x780, s19;
	s28 =	sand.u32 $0x1FFFFFF0, s26;
	s3 =	sadd.s32 s0, s25  }
0x76: {  	[tilespmem:s29], [sflag:$0x1] =	stream.linear.gather [hbm4b:s3+s5], $0x80, $0x38;
	[tilespmem:$0xC080] =	vst v63  }
0x77: {  	s30 =	sadd.s32 $0x800, s19;
	s1 =	sadd.s32 s0, s28  }
0x78: {  	[tilespmem:s30], [sflag:$0x1] =	stream.linear.gather [hbm4b:s1+s5], $0x80, $0x38;
	[tilespmem:$0xC080] =	vst v63  }
0x79: {  	s31 =	rddreg [dreg:$0x8];
	s20 =	simm.s32 $0x0  }
0x7a: {  	[tilespmem:s20], [sflag:$0x2] =	stream.linear.gather [hbm4b:s31+s20], $0x80, $0x38;
	[tilespmem:$0xC080] =	vst v63  }
0x7b: {  	_ =	swait.ge [sflag:s13], $0x80  }
0x7c: {  	[sflag:s13] =	ssyncset.done $0x0  }
0x7d: {  	[sflag:s13] =	ssyncadd.s32 $0xFFFFFF80  }
0x7e: {  	v0 =	vld [tilespmem:s20+$0x0];
	_ =	sdelay $0x4  }
0x7f: {  	v0 =	vshll.u32 v0, $0x4  }
0x80: {  	(v2sf) =	vpush v0, $0x0  }
0x81: {  	(v2sf) =	vpush v0, $0x1  }
0x82: {  	(v2sf) =	vpush v0, $0x2;
	_ =	sdelay $0x1  }
0x83: {  	(v2sf) =	vpush v0, $0x4;
	_ =	sdelay $0x1  }
0x84: {  	(v2sf) =	vpush v0, $0x3  }
0x85: {  	(v2sf) =	vpush v0, $0x5  }
0x86: {  	s19 =	simm.s32 $0x0;
	s21 =	simm.s32 $0x2000;
	(v2sf) =	vpush v0, $0x6  }
.LBB2_4:
0x87: {  	p0 =	sne.s32 s21, $0xE000  }
0x88: {  	s1 =	sadd.s32 $0x4100, s19;
	s25 =	sadd.s32 $0x4600, s19;
	s22 =	smov.u32 s21  }
0x89: {  	s21 =	sadd.s32 $0x2000, s21;
	s29 =	sadd.s32 $0x4400, s19;
	s23 =	sadd.s32 $0x4680, s19;
	(v2sf) =	vpush v0, $0x7  }
0x8a: {  	s31 =	sadd.s32 $0x4300, s19;
	s28 =	sadd.s32 $0x4480, s19;
	s24 =	sadd.s32 $0x4700, s19  }
0x8b: {  	s3 =	sadd.s32 $0x4080, s19;
	s6 =	sadd.s32 $0x4280, s19;
	(v2sf) =	vpush v0, $0x8  }
0x8c: {  	s7 =	sadd.s32 $0x4380, s19;
	s20 =	sadd.s32 $0x10, s20  }
0x8d: {  	s8 =	sadd.s32 $0x4180, s19;
	s26 =	sadd.s32 $0x4580, s19;
	s15 =	spop (v2sf);
	(v2sf) =	vpush v0, $0x9  }
0x8e: {  	s30 =	sadd.s32 $0x4500, s19;
	s15 =	sand.u32 $0x1FFFFFF0, s15;
	s16 =	spop (v2sf)  }
0x8f: {  	s15 =	sadd.s32 s2, s15;
	s16 =	sand.u32 $0x1FFFFFF0, s16;
	s17 =	spop (v2sf);
	(v2sf) =	vpush v0, $0xA  }
0x90: {  	[tilespmem:s3], [sflag:$0x1] =	stream.linear.gather [hbm4b:s15+s5], $0x80, $0x38;
	[tilespmem:$0xC080] =	vst v63  }
0x91: {  	s3 =	sadd.s32 s2, s16;
	s15 =	sadd.s32 $0x4200, s19;
	s16 =	spop (v2sf);
	(v2sf) =	vpush v0, $0xB  }
0x92: {  	[tilespmem:s1], [sflag:$0x1] =	stream.linear.gather [hbm4b:s3+s5], $0x80, $0x38;
	[tilespmem:$0xC080] =	vst v63  }
0x93: {  	s1 =	sand.u32 $0x1FFFFFF0, s17;
	s3 =	sand.u32 $0x1FFFFFF0, s16;
	s16 =	spop (v2sf);
	(v2sf) =	vpush v0, $0xC  }
0x94: {  	s1 =	sadd.s32 s2, s1;
	s16 =	sand.u32 $0x1FFFFFF0, s16;
	s17 =	spop (v2sf)  }
0x95: {  	[tilespmem:s8], [sflag:$0x1] =	stream.linear.gather [hbm4b:s1+s5], $0x80, $0x38;
	(v2sf) =	vpush v0, $0xD;
	[tilespmem:$0xC080] =	vst v63  }
0x96: {  	s1 =	sadd.s32 s2, s16;
	s8 =	sand.u32 $0x1FFFFFF0, s17;
	s16 =	spop (v2sf)  }
0x97: {  	[tilespmem:s15], [sflag:$0x1] =	stream.linear.gather [hbm4b:s1+s5], $0x80, $0x38;
	(v2sf) =	vpush v0, $0xE;
	[tilespmem:$0xC080] =	vst v63  }
0x98: {  	s1 =	sadd.s32 s2, s3;
	s3 =	sand.u32 $0x1FFFFFF0, s16;
	s15 =	spop (v2sf)  }
0x99: {  	[tilespmem:s6], [sflag:$0x1] =	stream.linear.gather [hbm4b:s1+s5], $0x80, $0x38;
	(v2sf) =	vpush v0, $0xF;
	[tilespmem:$0xC080] =	vst v63  }
0x9a: {  	s1 =	sadd.s32 s2, s8;
	s6 =	sand.u32 $0x1FFFFFF0, s15;
	s8 =	spop (v2sf)  }
0x9b: {  	[tilespmem:s31], [sflag:$0x1] =	stream.linear.gather [hbm4b:s1+s5], $0x80, $0x38;
	[tilespmem:$0xC080] =	vst v63  }
0x9c: {  	s1 =	sadd.s32 s2, s3;
	s3 =	sand.u32 $0x1FFFFFF0, s8;
	s8 =	spop (v2sf)  }
0x9d: {  	[tilespmem:s7], [sflag:$0x1] =	stream.linear.gather [hbm4b:s1+s5], $0x80, $0x38;
	[tilespmem:$0xC080] =	vst v63  }
0x9e: {  	s1 =	sadd.s32 s2, s6;
	s6 =	sand.u32 $0x1FFFFFF0, s8;
	s7 =	spop (v2sf)  }
0x9f: {  	[tilespmem:s29], [sflag:$0x1] =	stream.linear.gather [hbm4b:s1+s5], $0x80, $0x38;
	[tilespmem:$0xC080] =	vst v63  }
0xa0: {  	s1 =	sadd.s32 s2, s3;
	s3 =	sand.u32 $0x1FFFFFF0, s7;
	s7 =	spop (v2sf)  }
0xa1: {  	[tilespmem:s28], [sflag:$0x1] =	stream.linear.gather [hbm4b:s1+s5], $0x80, $0x38;
	[tilespmem:$0xC080] =	vst v63  }
0xa2: {  	s1 =	sadd.s32 s2, s6;
	s6 =	sand.u32 $0x1FFFFFF0, s7;
	s7 =	spop (v2sf)  }
0xa3: {  	[tilespmem:s30], [sflag:$0x1] =	stream.linear.gather [hbm4b:s1+s5], $0x80, $0x38;
	[tilespmem:$0xC080] =	vst v63  }
0xa4: {  	s1 =	sadd.s32 s2, s3;
	s3 =	sand.u32 $0x1FFFFFF0, s7;
	s7 =	spop (v2sf)  }
0xa5: {  	[tilespmem:s26], [sflag:$0x1] =	stream.linear.gather [hbm4b:s1+s5], $0x80, $0x38;
	[tilespmem:$0xC080] =	vst v63  }
0xa6: {  	s1 =	sadd.s32 s2, s6;
	s6 =	sand.u32 $0x1FFFFFF0, s7;
	s7 =	spop (v2sf)  }
0xa7: {  	[tilespmem:s25], [sflag:$0x1] =	stream.linear.gather [hbm4b:s1+s5], $0x80, $0x38;
	[tilespmem:$0xC080] =	vst v63  }
0xa8: {  	s1 =	sadd.s32 s2, s3;
	s3 =	sand.u32 $0x1FFFFFF0, s7;
	s7 =	spop (v2sf)  }
0xa9: {  	[tilespmem:s23], [sflag:$0x1] =	stream.linear.gather [hbm4b:s1+s5], $0x80, $0x38;
	[tilespmem:$0xC080] =	vst v63  }
0xaa: {  	s1 =	sadd.s32 s2, s6;
	s6 =	sand.u32 $0x1FFFFFF0, s7  }
0xab: {  	[tilespmem:s24], [sflag:$0x1] =	stream.linear.gather [hbm4b:s1+s5], $0x80, $0x38;
	[tilespmem:$0xC080] =	vst v63  }
0xac: {  	s3 =	sadd.s32 s2, s3;
	s1 =	sadd.s32 $0x4780, s19  }
0xad: {  	[tilespmem:s1], [sflag:$0x1] =	stream.linear.gather [hbm4b:s3+s5], $0x80, $0x38;
	[tilespmem:$0xC080] =	vst v63  }
0xae: {  	s1 =	sadd.s32 $0x4800, s19;
	s3 =	sadd.s32 s2, s6  }
0xaf: {  	[tilespmem:s1], [sflag:$0x1] =	stream.linear.gather [hbm4b:s3+s5], $0x80, $0x38;
	[tilespmem:$0xC080] =	vst v63  }
0xb0: {  	v0 =	vld [tilespmem:s20+$0x0];
	_ =	sdelay $0x4  }
0xb1: {  	v0 =	vshll.u32 v0, $0x4  }
0xb2: {  	(v2sf) =	vpush v0, $0x0  }
0xb3: {  	(v2sf) =	vpush v0, $0x1  }
0xb4: {  	(v2sf) =	vpush v0, $0x2;
	_ =	sdelay $0x1  }
0xb5: {  	(v2sf) =	vpush v0, $0x4  }
.Ltmp1:
0xb6: {  	(pc) =	sbr.rel @p0 .LBB2_4-.Ltmp1, $3  }
0xb7: {  	(v2sf) =	vpush v0, $0x3  }
0xb8: {  	(v2sf) =	vpush v0, $0x5;
	_ =	sdelay $0x1  }
0xb9: {  	s19 =	sshra.s32 s22, $0x2;
	(v2sf) =	vpush v0, $0x6  }
0xba: {  	_ =	sdelay $0x1  }
0xbb: {  	s1 =	sadd.s32 $0x4100, s19;
	s22 =	sadd.s32 $0x4600, s19  }
0xbc: {  	s3 =	sadd.s32 $0x4400, s19;
	s20 =	sadd.s32 $0x4680, s19;
	(v2sf) =	vpush v0, $0x7;
	s6 =	sadd.s32 $0x4300, s19  }
0xbd: {  	s7 =	sadd.s32 $0x4480, s19;
	s21 =	sadd.s32 $0x4700, s19;
	s8 =	sadd.s32 $0x4080, s19  }
0xbe: {  	s15 =	sadd.s32 $0x4280, s19;
	s16 =	sadd.s32 $0x4380, s19;
	(v2sf) =	vpush v0, $0x8;
	s17 =	spop (v2sf)  }
0xbf: {  	s23 =	sadd.s32 $0x4180, s19;
	s17 =	sand.u32 $0x1FFFFFF0, s17;
	s24 =	spop (v2sf)  }
0xc0: {  	(v2sf) =	vpush v0, $0x9;
	s17 =	sadd.s32 s2, s17;
	s24 =	sand.u32 $0x1FFFFFF0, s24;
	s25 =	spop (v2sf)  }
0xc1: {  	[tilespmem:s8], [sflag:$0x1] =	stream.linear.gather [hbm4b:s17+s5], $0x80, $0x38;
	[tilespmem:$0xC080] =	vst v63  }
0xc2: {  	s26 =	sadd.s32 $0x4200, s19;
	(v2sf) =	vpush v0, $0xA;
	s30 =	sadd.s32 s2, s24;
	s31 =	spop (v2sf)  }
0xc3: {  	[tilespmem:s1], [sflag:$0x1] =	stream.linear.gather [hbm4b:s30+s5], $0x80, $0x38;
	[tilespmem:$0xC080] =	vst v63  }
0xc4: {  	s8 =	sadd.s32 $0x4580, s19;
	s28 =	sand.u32 $0x1FFFFFF0, s25;
	(v2sf) =	vpush v0, $0xB;
	s29 =	spop (v2sf)  }
0xc5: {  	s17 =	sadd.s32 s2, s28;
	s1 =	sadd.s32 $0x4500, s19;
	s25 =	sand.u32 $0x1FFFFFF0, s29  }
0xc6: {  	(v2sf) =	vpush v0, $0xC;
	[tilespmem:s23], [sflag:$0x1] =	stream.linear.gather [hbm4b:s17+s5], $0x80, $0x38;
	[tilespmem:$0xC080] =	vst v63  }
0xc7: {  	s30 =	sand.u32 $0x1FFFFFF0, s31;
	s31 =	spop (v2sf);
	s28 =	sadd.s32 s2, s25  }
0xc8: {  	(v2sf) =	vpush v0, $0xD;
	[tilespmem:s26], [sflag:$0x1] =	stream.linear.gather [hbm4b:s28+s5], $0x80, $0x38;
	[tilespmem:$0xC080] =	vst v63  }
0xc9: {  	s17 =	sadd.s32 s2, s30;
	s23 =	sand.u32 $0x1FFFFFF0, s31;
	s29 =	spop (v2sf)  }
0xca: {  	(v2sf) =	vpush v0, $0xE;
	[tilespmem:s15], [sflag:$0x1] =	stream.linear.gather [hbm4b:s17+s5], $0x80, $0x38;
	[tilespmem:$0xC080] =	vst v63  }
0xcb: {  	s23 =	sadd.s32 s2, s23;
	s30 =	sand.u32 $0x1FFFFFF0, s29;
	s31 =	spop (v2sf)  }
0xcc: {  	(v2sf) =	vpush v0, $0xF;
	[tilespmem:s6], [sflag:$0x1] =	stream.linear.gather [hbm4b:s23+s5], $0x80, $0x38;
	[tilespmem:$0xC080] =	vst v63  }
0xcd: {  	s24 =	sand.u32 $0x1FFFFFF0, s31;
	s25 =	spop (v2sf);
	s15 =	sadd.s32 s2, s30  }
0xce: {  	[tilespmem:s16], [sflag:$0x1] =	stream.linear.gather [hbm4b:s15+s5], $0x80, $0x38;
	[tilespmem:$0xC080] =	vst v63  }
0xcf: {  	s26 =	sand.u32 $0x1FFFFFF0, s25;
	s6 =	sadd.s32 s2, s24;
	s28 =	spop (v2sf)  }
0xd0: {  	[tilespmem:s3], [sflag:$0x1] =	stream.linear.gather [hbm4b:s6+s5], $0x80, $0x38;
	[tilespmem:$0xC080] =	vst v63  }
0xd1: {  	s15 =	sadd.s32 s2, s26;
	s29 =	sand.u32 $0x1FFFFFF0, s28;
	s30 =	spop (v2sf)  }
0xd2: {  	[tilespmem:s7], [sflag:$0x1] =	stream.linear.gather [hbm4b:s15+s5], $0x80, $0x38;
	[tilespmem:$0xC080] =	vst v63  }
0xd3: {  	s6 =	sand.u32 $0x1FFFFFF0, s30;
	s3 =	sadd.s32 s2, s29;
	s31 =	spop (v2sf)  }
0xd4: {  	[tilespmem:s1], [sflag:$0x1] =	stream.linear.gather [hbm4b:s3+s5], $0x80, $0x38;
	[tilespmem:$0xC080] =	vst v63  }
0xd5: {  	s6 =	sadd.s32 s2, s6;
	s15 =	sand.u32 $0x1FFFFFF0, s31;
	s16 =	spop (v2sf)  }
0xd6: {  	[tilespmem:s8], [sflag:$0x1] =	stream.linear.gather [hbm4b:s6+s5], $0x80, $0x38;
	[tilespmem:$0xC080] =	vst v63  }
0xd7: {  	s1 =	sadd.s32 s2, s15;
	s3 =	sand.u32 $0x1FFFFFF0, s16;
	s17 =	spop (v2sf)  }
0xd8: {  	[tilespmem:s22], [sflag:$0x1] =	stream.linear.gather [hbm4b:s1+s5], $0x80, $0x38;
	[tilespmem:$0xC080] =	vst v63  }
0xd9: {  	s23 =	sand.u32 $0x1FFFFFF0, s17;
	s3 =	sadd.s32 s2, s3;
	s24 =	spop (v2sf)  }
0xda: {  	[tilespmem:s20], [sflag:$0x1] =	stream.linear.gather [hbm4b:s3+s5], $0x80, $0x38;
	[tilespmem:$0xC080] =	vst v63  }
0xdb: {  	s25 =	sand.u32 $0x1FFFFFF0, s24;
	s26 =	spop (v2sf);
	s1 =	sadd.s32 s2, s23  }
0xdc: {  	[tilespmem:s21], [sflag:$0x1] =	stream.linear.gather [hbm4b:s1+s5], $0x80, $0x38;
	[tilespmem:$0xC080] =	vst v63  }
0xdd: {  	s29 =	sadd.s32 $0x4780, s19;
	s28 =	sand.u32 $0x1FFFFFF0, s26;
	s3 =	sadd.s32 s2, s25  }
0xde: {  	[tilespmem:s29], [sflag:$0x1] =	stream.linear.gather [hbm4b:s3+s5], $0x80, $0x38;
	[tilespmem:$0xC080] =	vst v63  }
0xdf: {  	s30 =	sadd.s32 $0x4800, s19;
	s1 =	sadd.s32 s2, s28  }
0xe0: {  	[tilespmem:s30], [sflag:$0x1] =	stream.linear.gather [hbm4b:s1+s5], $0x80, $0x38;
	[tilespmem:$0xC080] =	vst v63  }
0xe1: {  	s31 =	rddreg [dreg:$0x9];
	s20 =	simm.s32 $0x0  }
0xe2: {  	[tilespmem:s20], [sflag:$0x2] =	stream.linear.gather [hbm4b:s31+s20], $0x80, $0x38;
	[tilespmem:$0xC080] =	vst v63  }
0xe3: {  	_ =	swait.ge [sflag:s13], $0x80  }
0xe4: {  	[sflag:s13] =	ssyncset.done $0x0  }
0xe5: {  	[sflag:s13] =	ssyncadd.s32 $0xFFFFFF80  }
0xe6: {  	v0 =	vld [tilespmem:s20+$0x0];
	_ =	sdelay $0x4  }
0xe7: {  	v0 =	vshll.u32 v0, $0x4  }
0xe8: {  	(v2sf) =	vpush v0, $0x0  }
0xe9: {  	(v2sf) =	vpush v0, $0x1  }
0xea: {  	(v2sf) =	vpush v0, $0x2;
	_ =	sdelay $0x1  }
0xeb: {  	(v2sf) =	vpush v0, $0x4;
	_ =	sdelay $0x1  }
0xec: {  	(v2sf) =	vpush v0, $0x3  }
0xed: {  	(v2sf) =	vpush v0, $0x5  }
0xee: {  	s19 =	simm.s32 $0x0;
	s21 =	simm.s32 $0x2000;
	(v2sf) =	vpush v0, $0x6  }
.LBB2_6:
0xef: {  	p0 =	sne.s32 s21, $0xE000  }
0xf0: {  	s1 =	sadd.s32 $0x8100, s19;
	s25 =	sadd.s32 $0x8600, s19;
	s22 =	smov.u32 s21  }
0xf1: {  	s21 =	sadd.s32 $0x2000, s21;
	s29 =	sadd.s32 $0x8400, s19;
	s23 =	sadd.s32 $0x8680, s19;
	(v2sf) =	vpush v0, $0x7  }
0xf2: {  	s31 =	sadd.s32 $0x8300, s19;
	s28 =	sadd.s32 $0x8480, s19;
	s24 =	sadd.s32 $0x8700, s19  }
0xf3: {  	s3 =	sadd.s32 $0x8080, s19;
	s6 =	sadd.s32 $0x8280, s19;
	(v2sf) =	vpush v0, $0x8  }
0xf4: {  	s7 =	sadd.s32 $0x8380, s19;
	s20 =	sadd.s32 $0x10, s20  }
0xf5: {  	s8 =	sadd.s32 $0x8180, s19;
	s26 =	sadd.s32 $0x8580, s19;
	s15 =	spop (v2sf);
	(v2sf) =	vpush v0, $0x9  }
0xf6: {  	s30 =	sadd.s32 $0x8500, s19;
	s15 =	sand.u32 $0x1FFFFFF0, s15;
	s16 =	spop (v2sf)  }
0xf7: {  	s15 =	sadd.s32 s4, s15;
	s16 =	sand.u32 $0x1FFFFFF0, s16;
	s17 =	spop (v2sf);
	(v2sf) =	vpush v0, $0xA  }
0xf8: {  	[tilespmem:s3], [sflag:$0x1] =	stream.linear.gather [hbm4b:s15+s5], $0x80, $0x38;
	[tilespmem:$0xC080] =	vst v63  }
0xf9: {  	s3 =	sadd.s32 s4, s16;
	s15 =	sadd.s32 $0x8200, s19;
	s16 =	spop (v2sf);
	(v2sf) =	vpush v0, $0xB  }
0xfa: {  	[tilespmem:s1], [sflag:$0x1] =	stream.linear.gather [hbm4b:s3+s5], $0x80, $0x38;
	[tilespmem:$0xC080] =	vst v63  }
0xfb: {  	s1 =	sand.u32 $0x1FFFFFF0, s17;
	s3 =	sand.u32 $0x1FFFFFF0, s16;
	s16 =	spop (v2sf);
	(v2sf) =	vpush v0, $0xC  }
0xfc: {  	s1 =	sadd.s32 s4, s1;
	s16 =	sand.u32 $0x1FFFFFF0, s16;
	s17 =	spop (v2sf)  }
0xfd: {  	[tilespmem:s8], [sflag:$0x1] =	stream.linear.gather [hbm4b:s1+s5], $0x80, $0x38;
	(v2sf) =	vpush v0, $0xD;
	[tilespmem:$0xC080] =	vst v63  }
0xfe: {  	s1 =	sadd.s32 s4, s16;
	s8 =	sand.u32 $0x1FFFFFF0, s17;
	s16 =	spop (v2sf)  }
0xff: {  	[tilespmem:s15], [sflag:$0x1] =	stream.linear.gather [hbm4b:s1+s5], $0x80, $0x38;
	(v2sf) =	vpush v0, $0xE;
	[tilespmem:$0xC080] =	vst v63  }
0x100: {  	s1 =	sadd.s32 s4, s3;
	s3 =	sand.u32 $0x1FFFFFF0, s16;
	s15 =	spop (v2sf)  }
0x101: {  	[tilespmem:s6], [sflag:$0x1] =	stream.linear.gather [hbm4b:s1+s5], $0x80, $0x38;
	(v2sf) =	vpush v0, $0xF;
	[tilespmem:$0xC080] =	vst v63  }
0x102: {  	s1 =	sadd.s32 s4, s8;
	s6 =	sand.u32 $0x1FFFFFF0, s15;
	s8 =	spop (v2sf)  }
0x103: {  	[tilespmem:s31], [sflag:$0x1] =	stream.linear.gather [hbm4b:s1+s5], $0x80, $0x38;
	[tilespmem:$0xC080] =	vst v63  }
0x104: {  	s1 =	sadd.s32 s4, s3;
	s3 =	sand.u32 $0x1FFFFFF0, s8;
	s8 =	spop (v2sf)  }
0x105: {  	[tilespmem:s7], [sflag:$0x1] =	stream.linear.gather [hbm4b:s1+s5], $0x80, $0x38;
	[tilespmem:$0xC080] =	vst v63  }
0x106: {  	s1 =	sadd.s32 s4, s6;
	s6 =	sand.u32 $0x1FFFFFF0, s8;
	s7 =	spop (v2sf)  }
0x107: {  	[tilespmem:s29], [sflag:$0x1] =	stream.linear.gather [hbm4b:s1+s5], $0x80, $0x38;
	[tilespmem:$0xC080] =	vst v63  }
0x108: {  	s1 =	sadd.s32 s4, s3;
	s3 =	sand.u32 $0x1FFFFFF0, s7;
	s7 =	spop (v2sf)  }
0x109: {  	[tilespmem:s28], [sflag:$0x1] =	stream.linear.gather [hbm4b:s1+s5], $0x80, $0x38;
	[tilespmem:$0xC080] =	vst v63  }
0x10a: {  	s1 =	sadd.s32 s4, s6;
	s6 =	sand.u32 $0x1FFFFFF0, s7;
	s7 =	spop (v2sf)  }
0x10b: {  	[tilespmem:s30], [sflag:$0x1] =	stream.linear.gather [hbm4b:s1+s5], $0x80, $0x38;
	[tilespmem:$0xC080] =	vst v63  }
0x10c: {  	s1 =	sadd.s32 s4, s3;
	s3 =	sand.u32 $0x1FFFFFF0, s7;
	s7 =	spop (v2sf)  }
0x10d: {  	[tilespmem:s26], [sflag:$0x1] =	stream.linear.gather [hbm4b:s1+s5], $0x80, $0x38;
	[tilespmem:$0xC080] =	vst v63  }
0x10e: {  	s1 =	sadd.s32 s4, s6;
	s6 =	sand.u32 $0x1FFFFFF0, s7;
	s7 =	spop (v2sf)  }
0x10f: {  	[tilespmem:s25], [sflag:$0x1] =	stream.linear.gather [hbm4b:s1+s5], $0x80, $0x38;
	[tilespmem:$0xC080] =	vst v63  }
0x110: {  	s1 =	sadd.s32 s4, s3;
	s3 =	sand.u32 $0x1FFFFFF0, s7;
	s7 =	spop (v2sf)  }
0x111: {  	[tilespmem:s23], [sflag:$0x1] =	stream.linear.gather [hbm4b:s1+s5], $0x80, $0x38;
	[tilespmem:$0xC080] =	vst v63  }
0x112: {  	s1 =	sadd.s32 s4, s6;
	s6 =	sand.u32 $0x1FFFFFF0, s7  }
0x113: {  	[tilespmem:s24], [sflag:$0x1] =	stream.linear.gather [hbm4b:s1+s5], $0x80, $0x38;
	[tilespmem:$0xC080] =	vst v63  }
0x114: {  	s3 =	sadd.s32 s4, s3;
	s1 =	sadd.s32 $0x8780, s19  }
0x115: {  	[tilespmem:s1], [sflag:$0x1] =	stream.linear.gather [hbm4b:s3+s5], $0x80, $0x38;
	[tilespmem:$0xC080] =	vst v63  }
0x116: {  	s1 =	sadd.s32 $0x8800, s19;
	s3 =	sadd.s32 s4, s6  }
0x117: {  	[tilespmem:s1], [sflag:$0x1] =	stream.linear.gather [hbm4b:s3+s5], $0x80, $0x38;
	[tilespmem:$0xC080] =	vst v63  }
0x118: {  	v0 =	vld [tilespmem:s20+$0x0];
	_ =	sdelay $0x4  }
0x119: {  	v0 =	vshll.u32 v0, $0x4  }
0x11a: {  	(v2sf) =	vpush v0, $0x0  }
0x11b: {  	(v2sf) =	vpush v0, $0x1  }
0x11c: {  	(v2sf) =	vpush v0, $0x2;
	_ =	sdelay $0x1  }
0x11d: {  	(v2sf) =	vpush v0, $0x4  }
.Ltmp2:
0x11e: {  	(pc) =	sbr.rel @p0 .LBB2_6-.Ltmp2, $3  }
0x11f: {  	(v2sf) =	vpush v0, $0x3  }
0x120: {  	(v2sf) =	vpush v0, $0x5;
	_ =	sdelay $0x1  }
0x121: {  	s19 =	sshra.s32 s22, $0x2;
	(v2sf) =	vpush v0, $0x6  }
0x122: {  	_ =	sdelay $0x5  }
0x123: {  	s1 =	spop (v2sf)  }
0x124: {  	s3 =	spop (v2sf)  }
0x125: {  	s7 =	spop (v2sf)  }
0x126: {  	s16 =	spop (v2sf);
	(v2sf) =	vpush v0, $0x7  }
0x127: {  	s1 =	sand.u32 $0x1FFFFFF0, s1  }
0x128: {  	s6 =	sadd.s32 $0x8080, s19;
	s1 =	sadd.s32 s4, s1  }
0x129: {  	[tilespmem:s6], [sflag:$0x1] =	stream.linear.gather [hbm4b:s1+s5], $0x80, $0x38;
	[tilespmem:$0xC080] =	vst v63  }
0x12a: {  	s3 =	sand.u32 $0x1FFFFFF0, s3;
	s17 =	spop (v2sf);
	(v2sf) =	vpush v0, $0x8  }
0x12b: {  	s6 =	sadd.s32 $0x8100, s19;
	s3 =	sadd.s32 s4, s3  }
0x12c: {  	[tilespmem:s6], [sflag:$0x1] =	stream.linear.gather [hbm4b:s3+s5], $0x80, $0x38;
	[tilespmem:$0xC080] =	vst v63  }
0x12d: {  	s8 =	sand.u32 $0x1FFFFFF0, s7;
	s23 =	spop (v2sf);
	(v2sf) =	vpush v0, $0x9  }
0x12e: {  	s15 =	sadd.s32 $0x8180, s19;
	s1 =	sadd.s32 s4, s8  }
0x12f: {  	[tilespmem:s15], [sflag:$0x1] =	stream.linear.gather [hbm4b:s1+s5], $0x80, $0x38;
	[tilespmem:$0xC080] =	vst v63  }
0x130: {  	s1 =	sand.u32 $0x1FFFFFF0, s17;
	s25 =	spop (v2sf);
	(v2sf) =	vpush v0, $0xA  }
0x131: {  	s20 =	sadd.s32 $0x8200, s19;
	s21 =	sand.u32 $0x1FFFFFF0, s16;
	s1 =	sadd.s32 s4, s1  }
0x132: {  	[tilespmem:s20], [sflag:$0x1] =	stream.linear.gather [hbm4b:s1+s5], $0x80, $0x38;
	[tilespmem:$0xC080] =	vst v63  }
0x133: {  	s22 =	sadd.s32 $0x8280, s19;
	s1 =	sadd.s32 s4, s21  }
0x134: {  	[tilespmem:s22], [sflag:$0x1] =	stream.linear.gather [hbm4b:s1+s5], $0x80, $0x38;
	[tilespmem:$0xC080] =	vst v63  }
0x135: {  	s1 =	sand.u32 $0x1FFFFFF0, s23;
	s28 =	spop (v2sf);
	(v2sf) =	vpush v0, $0xB  }
0x136: {  	s24 =	sadd.s32 $0x8300, s19;
	s1 =	sadd.s32 s4, s1  }
0x137: {  	[tilespmem:s24], [sflag:$0x1] =	stream.linear.gather [hbm4b:s1+s5], $0x80, $0x38;
	[tilespmem:$0xC080] =	vst v63  }
0x138: {  	s1 =	sand.u32 $0x1FFFFFF0, s25  }
0x139: {  	s26 =	sadd.s32 $0x8380, s19;
	s1 =	sadd.s32 s4, s1;
	s30 =	spop (v2sf);
	(v2sf) =	vpush v0, $0xC  }
0x13a: {  	[tilespmem:s26], [sflag:$0x1] =	stream.linear.gather [hbm4b:s1+s5], $0x80, $0x38;
	[tilespmem:$0xC080] =	vst v63  }
0x13b: {  	s1 =	sand.u32 $0x1FFFFFF0, s28  }
0x13c: {  	s29 =	sadd.s32 $0x8400, s19;
	s1 =	sadd.s32 s4, s1;
	s6 =	spop (v2sf);
	(v2sf) =	vpush v0, $0xD  }
0x13d: {  	[tilespmem:s29], [sflag:$0x1] =	stream.linear.gather [hbm4b:s1+s5], $0x80, $0x38;
	[tilespmem:$0xC080] =	vst v63  }
0x13e: {  	s1 =	sand.u32 $0x1FFFFFF0, s30  }
0x13f: {  	s31 =	sadd.s32 $0x8480, s19;
	s1 =	sadd.s32 s4, s1;
	s8 =	spop (v2sf);
	(v2sf) =	vpush v0, $0xE  }
0x140: {  	[tilespmem:s31], [sflag:$0x1] =	stream.linear.gather [hbm4b:s1+s5], $0x80, $0x38;
	[tilespmem:$0xC080] =	vst v63  }
0x141: {  	s1 =	sand.u32 $0x1FFFFFF0, s6  }
0x142: {  	s7 =	sadd.s32 $0x8500, s19;
	s1 =	sadd.s32 s4, s1  }
0x143: {  	[tilespmem:s7], [sflag:$0x1] =	stream.linear.gather [hbm4b:s1+s5], $0x80, $0x38;
	[tilespmem:$0xC080] =	vst v63  }
0x144: {  	s1 =	sand.u32 $0x1FFFFFF0, s8;
	s16 =	spop (v2sf);
	(v2sf) =	vpush v0, $0xF  }
0x145: {  	s15 =	sadd.s32 $0x8580, s19;
	s1 =	sadd.s32 s4, s1  }
0x146: {  	[tilespmem:s15], [sflag:$0x1] =	stream.linear.gather [hbm4b:s1+s5], $0x80, $0x38;
	[tilespmem:$0xC080] =	vst v63  }
0x147: {  	s1 =	sand.u32 $0x1FFFFFF0, s16  }
0x148: {  	s17 =	sadd.s32 $0x8600, s19;
	s1 =	sadd.s32 s4, s1;
	s20 =	spop (v2sf)  }
0x149: {  	[tilespmem:s17], [sflag:$0x1] =	stream.linear.gather [hbm4b:s1+s5], $0x80, $0x38;
	[tilespmem:$0xC080] =	vst v63  }
0x14a: {  	s1 =	sand.u32 $0x1FFFFFF0, s20  }
0x14b: {  	s21 =	sadd.s32 $0x8680, s19;
	s22 =	spop (v2sf);
	s1 =	sadd.s32 s4, s1  }
0x14c: {  	[tilespmem:s21], [sflag:$0x1] =	stream.linear.gather [hbm4b:s1+s5], $0x80, $0x38;
	[tilespmem:$0xC080] =	vst v63  }
0x14d: {  	s1 =	sand.u32 $0x1FFFFFF0, s22  }
0x14e: {  	s23 =	sadd.s32 $0x8700, s19;
	s24 =	spop (v2sf);
	s1 =	sadd.s32 s4, s1  }
0x14f: {  	[tilespmem:s23], [sflag:$0x1] =	stream.linear.gather [hbm4b:s1+s5], $0x80, $0x38;
	[tilespmem:$0xC080] =	vst v63  }
0x150: {  	s1 =	sand.u32 $0x1FFFFFF0, s24  }
0x151: {  	s25 =	sadd.s32 $0x8780, s19;
	s1 =	sadd.s32 s4, s1  }
0x152: {  	[tilespmem:s25], [sflag:$0x1] =	stream.linear.gather [hbm4b:s1+s5], $0x80, $0x38;
	[tilespmem:$0xC080] =	vst v63  }
0x153: {  	s26 =	spop (v2sf)  }
0x154: {  	s1 =	sand.u32 $0x1FFFFFF0, s26  }
0x155: {  	s28 =	sadd.s32 $0x8800, s19;
	s1 =	sadd.s32 s4, s1  }
0x156: {  	[tilespmem:s28], [sflag:$0x1] =	stream.linear.gather [hbm4b:s1+s5], $0x80, $0x38;
	[tilespmem:$0xC080] =	vst v63  }
0x157: {  	_ =	swait.ge [sflag:s14], $0x4000  }
0x158: {  	[sflag:s14] =	ssyncset.done $0x0  }
0x159: {  	[sflag:s14] =	ssyncadd.s32 $0xFFFFC000  }
0x15a: {  	_ =	swait.ge [sflag:s14], $0x4000  }
0x15b: {  	[sflag:s14] =	ssyncset.done $0x0  }
0x15c: {  	[sflag:s14] =	ssyncadd.s32 $0xFFFFC000  }
0x15d: {  	_ =	swait.ge [sflag:s14], $0x4000  }
0x15e: {  	[sflag:s14] =	ssyncset.done $0x0  }
0x15f: {  	s29 =	simm.s32 $0x80;
	[sflag:s14] =	ssyncadd.s32 $0xFFFFC000  }
0x160: {  	[hbm4b:s9+s5] =	stream.linear.scatter [tilespmem:s29], [sflag:$0x2], $0x4000, $0x38;
	[tilespmem:$0xC080] =	vst v63  }
0x161: {  	_ =	swait.ge [sflag:s13], $0x4000  }
0x162: {  	[sflag:s13] =	ssyncset.done $0x0  }
0x163: {  	s30 =	simm.s32 $0x4080;
	[sflag:s13] =	ssyncadd.s32 $0xFFFFC000  }
0x164: {  	[hbm4b:s10+s5] =	stream.linear.scatter [tilespmem:s30], [sflag:$0x2], $0x4000, $0x38;
	[tilespmem:$0xC080] =	vst v63  }
0x165: {  	s18 =	sadd.s32 $0x1, s18;
	_ =	swait.ge [sflag:s13], $0x4000  }
0x166: {  	p0 =	sne.s32 s18, s12;
	[sflag:s13] =	ssyncset.done $0x0  }
.Ltmp3:
0x167: {  	s31 =	simm.s32 $0x8080;
	[sflag:s13] =	ssyncadd.s32 $0xFFFFC000;
	(pc) =	sbr.rel @p0 .LBB2_1-.Ltmp3, $4  }
0x168: {  	[hbm4b:s11+s5] =	stream.linear.scatter [tilespmem:s31], [sflag:$0x2], $0x4000, $0x38;
	[tilespmem:$0xC080] =	vst v63  }
0x169: {  	_ =	swait.ge [sflag:s13], $0x4000  }
0x16a: {  	[sflag:s13] =	ssyncset.done $0x0  }
0x16b: {  	[sflag:s13] =	ssyncadd.s32 $0xFFFFC000  }
0x16c: {  	_ =	sfence.sel $0x180000  }
0x16d: {  	[bflag:$0x0] =	sbarrier.arrive $0xFFFF  }
0x16e: {  	_ =	strace $0x90000047  }
0x16f: {  	s0 =	stileid.u32;
	[bflag:$0x2] =	sbarrier.arrive $0xFFFF  }
0x170: {  	p0 =	sne.s32 s0, $0x0;
	s0 =	rddreg [dreg:$0x6]  }
0x171: {  	s0 =	sadd.s32 @!p0 $0x100000, s0  }
0x172: {  	[sflag:s0] =	ssyncadd.tile.s32 @!p0 $0x1;
	_ =	shalt  }
.Lfunc_end2:
_tile_overlayer_lowered:
.L_overlay_start_2:
0x173: {  	(tag) =	ssettag $0x2  }
0x174: {  	s0 =	rddreg [dreg:$0x0];
	s2 =	stileid.u32  }
0x175: {  	s1 =	rddreg [dreg:$0x1];
	p0 =	sne.s32 s2, $0x0  }
0x176: {  	s3 =	rddreg [dreg:$0x2];
	[bflag:$0x3] =	sbarrier.arrive $0xFFFF;
	s2 =	simm.s32 @!p0 $0x1C02  }
0x177: {  	[timem:s3], [sflag:s2] =	dma.local @!p0 [hbm:s0], s1  }
0x178: {  	s0 =	simm.s32 @!p0 $0x2  }
0x179: {  	_ =	swait.ge @!p0 [sflag:s0], s1  }
0x17a: {  	s1 =	ssub.s32 @!p0 $0x0, s1;
	[sflag:s0] =	ssyncset.done @!p0 $0x0  }
0x17b: {  	[sflag:s0] =	ssyncadd.s32 @!p0 s1  }
0x17c: {  	[bflag:$0x3] =	sbarrier.arrive $0xFFFF  }
0x17d: {  	_ =	shalt  }

</sc_bundles>
